<compile_context>
chip_gen: v7x
topology: tpu7x:2x2x1
jax: 0.10.2.dev20260603
libtpu: 0.0.44.dev20260713+nightly
codegen_flags: <defaults>
</compile_context>

<pallas_src>
import functools

import jax
import jax.numpy as jnp
from jax import lax
from jax.experimental import pallas as pl
from jax.experimental.pallas import tpu as pltpu
from jax.experimental.pallas import tpu_sc as plsc

NUM_ROWS = 1000000
DIM = 64
PDIM = 128
BATCH = 4096
SEQ = 200
TOTAL = BATCH * SEQ

NC, NS = 2, 16
NW = NC * NS

NCOL = NUM_ROWS // PDIM
TAIL = NUM_ROWS - NCOL * PDIM
PROWS = (NCOL + 1) * PDIM
COLS_PER_W = (NCOL + NW - 1) // NW

PER_W = TOTAL // NW
CHUNK = 128
NCHUNK = PER_W // CHUNK
NBUF = 5
K = 3


NFULL = 244
NEXTRA = NCOL - NFULL * NW


def _sc_relayout(wt, tail_p):
    mesh = plsc.VectorSubcoreMesh(core_axis_name="c", subcore_axis_name="s")

    @functools.partial(
        pl.kernel,
        out_type=jax.ShapeDtypeStruct((PROWS, PDIM), jnp.float32),
        mesh=mesh,
        scratch_types=[
            [pltpu.VMEM((DIM, PDIM), jnp.float32)] * 4,
            [pltpu.VMEM((PDIM, PDIM), jnp.float32)] * 4,
            [pltpu.SemaphoreType.DMA] * 4,
            [pltpu.SemaphoreType.DMA] * 4,
        ],
        compiler_params=pltpu.CompilerParams(needs_layout_passes=False),
    )
    def ka(wt_hbm, tail_hbm, wp_hbm, cbufs, tbufs, rsem, wsem):
        wid = lax.axis_index("s") * NC + lax.axis_index("c")

        lanes = lax.iota(jnp.int32, 16)

        def read_start(i, par):
            c = wid + i * NW
            pltpu.async_copy(
                wt_hbm.at[:, pl.ds(c * PDIM, PDIM)], cbufs[par], rsem[par]
            )

        def read_wait(par):
            pltpu.make_async_copy(
                wt_hbm.at[:, pl.ds(0, PDIM)], cbufs[par], rsem[par]
            ).wait()

        def write_start(i, par):
            c = wid + i * NW
            pltpu.async_copy(
                tbufs[par], wp_hbm.at[pl.ds(c * PDIM, PDIM)], wsem[par]
            )

        def write_wait(par):
            pltpu.make_async_copy(
                tbufs[par], wp_hbm.at[pl.ds(0, PDIM)], wsem[par]
            ).wait()

        def transpose(cb, tb):
            def tp(p, carry):
                rot = (lanes + p) & 15
                for d0 in range(0, DIM, 16):
                    dsel = d0 + rot
                    for g in range(PDIM // 16):
                        tsel = g * 16 + lanes
                        v = plsc.load_gather(cb, [dsel, tsel])
                        plsc.store_scatter(tb, [tsel, dsel], v)
                return carry

            lax.fori_loop(0, 16, tp, 0)

        for b in range(4):
            read_start(b, b)

        def outer(g, carry):
            for par in range(4):
                i = g * 4 + par
                pw = (par + 3) % 4
                read_wait(par)

                @pl.when(i >= 4)
                def _():
                    write_wait(par)

                transpose(cbufs[par], tbufs[par])

                @pl.when(i >= 1)
                def _():
                    write_start(i - 1, pw)

                @pl.when(i + 4 < NFULL)
                def _():
                    read_start(i + 4, par)

            return carry

        lax.fori_loop(0, NFULL // 4, outer, 0)
        write_start(NFULL - 1, (NFULL - 1) % 4)
        for b in range(4):
            write_wait(b)

        @pl.when(wid < NEXTRA)
        def _():
            c = NFULL * NW + wid
            pltpu.sync_copy(wt_hbm.at[:, pl.ds(c * PDIM, PDIM)], cbufs[0])
            transpose(cbufs[0], tbufs[0])
            pltpu.sync_copy(tbufs[0], wp_hbm.at[pl.ds(c * PDIM, PDIM)])

        @pl.when(wid == 0)
        def _():
            pltpu.sync_copy(tail_hbm, tbufs[1].at[pl.ds(0, TAIL)])
            pltpu.sync_copy(
                tbufs[1].at[pl.ds(0, TAIL)], wp_hbm.at[pl.ds(NCOL * PDIM, TAIL)]
            )

    return ka(wt, tail_p)


def _sc_gather(idx_flat, w_pad):
    mesh = plsc.VectorSubcoreMesh(core_axis_name="c", subcore_axis_name="s")

    @functools.partial(
        pl.kernel,
        out_type=jax.ShapeDtypeStruct((TOTAL, PDIM), jnp.float32),
        mesh=mesh,
        scratch_types=[
            pltpu.VMEM((NCHUNK, CHUNK), jnp.int32),
            pltpu.VMEM((NBUF, CHUNK, PDIM), jnp.float32),
            [pltpu.SemaphoreType.DMA] * NBUF,
            [pltpu.SemaphoreType.DMA] * NBUF,
        ],
        compiler_params=pltpu.CompilerParams(use_tc_tiling_on_sc=False),
    )
    def kb(idx_hbm, w_hbm, out_hbm, idx_v, buf, gsem, wsem):
        wid = lax.axis_index("s") * NC + lax.axis_index("c")
        base = wid * PER_W
        pltpu.sync_copy(idx_hbm.at[wid], idx_v)

        def gather_start(j, b):
            pltpu.async_copy(w_hbm.at[idx_v.at[j]], buf.at[b], gsem[b])

        def gather_wait(b):
            pltpu.make_async_copy(
                w_hbm.at[pl.ds(0, CHUNK)], buf.at[b], gsem[b]
            ).wait()

        def write_start(j, b):
            pltpu.async_copy(
                buf.at[b], out_hbm.at[pl.ds(base + j * CHUNK, CHUNK)], wsem[b]
            )

        def write_wait(b):
            pltpu.make_async_copy(
                buf.at[b], out_hbm.at[pl.ds(base, CHUNK)], wsem[b]
            ).wait()

        for b in range(K):
            gather_start(b, b)
        for b in range(K, NBUF):
            gather_start(b, b)
            gather_wait(b - K)
            write_start(b - K, b - K)

        def outer(g, carry):
            for bb in range(NBUF):
                j = g * NBUF + bb
                bw = (bb + NBUF - K) % NBUF
                write_wait(bb)
                gather_start(j, bb)
                gather_wait(bw)
                write_start(j - K, bw)
            return carry

        lax.fori_loop(1, NCHUNK // NBUF, outer, 0)

        for jw in range(NCHUNK - K, NCHUNK):
            b = jw % NBUF
            gather_wait(b)
            write_start(jw, b)
        for b in range(NBUF):
            write_wait(b)

    return kb(idx_flat, w_pad)


def kernel(token_ids, W):
    tail_p = jnp.pad(W[NCOL * PDIM :, :], ((0, 0), (0, PDIM - DIM)))
    wp = _sc_relayout(W.T, tail_p)
    idx = token_ids.astype(jnp.int32).reshape(NW, NCHUNK, CHUNK)
    out = _sc_gather(idx, wp)
    return out[:, :DIM].reshape(BATCH, SEQ, DIM)

# --- scband reference (transcript-rebuilt; emitter-appended) ---
"""Pipeline reference for scband-embedding-4672924418281 (READ-ONLY COPY).

The authoritative reference and input builder live on the scoring server;
editing this copy changes nothing except your own understanding.
"""

import jax, jax.numpy as jnp
import numpy as np

NUM_EMBEDDINGS = 1000000
EMBEDDING_DIM = 64

def setup_inputs(seed: int = 0) -> dict:
    key = jax.random.key(seed)
    k1, k2 = jax.random.split(key)
    token_ids = jax.random.randint(k1, (4096, 200), 0, NUM_EMBEDDINGS, dtype=jnp.int64 if jax.config.jax_enable_x64 else jnp.int32)
    # trunc_normal init, std=1, truncated to [-3, 3]
    W = jax.random.truncated_normal(k2, -3.0, 3.0, (NUM_EMBEDDINGS, EMBEDDING_DIM), dtype=jnp.float32)
    return {"token_ids": token_ids, "W": W}

def reference(token_ids, W):
    # Embedding lookup: W[token_ids] -> (batch, seq_len, embedding_dim)
    return jnp.take(W, token_ids, axis=0)

if __name__ == "__main__":
    import jax
    _d = setup_inputs()
    print(jax.jit(kernel)(*tuple(_d.values())))

</pallas_src>

<mosaic_0001>
#map = affine_map<(d0, d1) -> (0, 0)>
module attributes {stable_mosaic.version = 14 : i64} {
  func.func @ka(%arg0: i32, %arg1: i32, %arg2: memref<64x1000000xf32, #tpu.memory_space<hbm>>, %arg3: memref<64x128xf32, #tpu.memory_space<hbm>>, %arg4: memref<1000064x128xf32, #tpu.memory_space<hbm>>, %arg5: memref<64x128xf32, #tpu.memory_space<vmem>>, %arg6: memref<64x128xf32, #tpu.memory_space<vmem>>, %arg7: memref<64x128xf32, #tpu.memory_space<vmem>>, %arg8: memref<64x128xf32, #tpu.memory_space<vmem>>, %arg9: memref<128x128xf32, #tpu.memory_space<vmem>>, %arg10: memref<128x128xf32, #tpu.memory_space<vmem>>, %arg11: memref<128x128xf32, #tpu.memory_space<vmem>>, %arg12: memref<128x128xf32, #tpu.memory_space<vmem>>, %arg13: memref<!tpu.dma_semaphore, #tpu.memory_space<semaphore_mem>>, %arg14: memref<!tpu.dma_semaphore, #tpu.memory_space<semaphore_mem>>, %arg15: memref<!tpu.dma_semaphore, #tpu.memory_space<semaphore_mem>>, %arg16: memref<!tpu.dma_semaphore, #tpu.memory_space<semaphore_mem>>, %arg17: memref<!tpu.dma_semaphore, #tpu.memory_space<semaphore_mem>>, %arg18: memref<!tpu.dma_semaphore, #tpu.memory_space<semaphore_mem>>, %arg19: memref<!tpu.dma_semaphore, #tpu.memory_space<semaphore_mem>>, %arg20: memref<!tpu.dma_semaphore, #tpu.memory_space<semaphore_mem>>) attributes {dimension_semantics = [#tpu.dimension_semantics<core_parallel>, #tpu.dimension_semantics<subcore_parallel>], iteration_bounds = array<i64: 2, 16>, scalar_prefetch = 0 : i64, scratch_operands = 16 : i64, tpu.core_type = #tpu.core_type<sc_vector_subcore>, window_params = [{transform_indices = #map}, {transform_indices = #map}, {transform_indices = #map}]} {
    %mul3A = arith.constant 2 : i32
    %mul3A_0 = arith.muli %arg1, %mul3A : i32
    %add3A = arith.addi %mul3A_0, %arg0 : i32
    %iota3A = tpu.iota {dimensions = array<i32: 0>} : vector<16xi32>
    %add3A_1 = arith.constant 0 : i32
    %add3A_2 = arith.addi %add3A, %add3A_1 : i32
    %mul3A_3 = arith.constant 128 : i32
    %mul3A_4 = arith.muli %add3A_2, %mul3A_3 : i32
    %dma_start3A = arith.constant 0 : i32
    %dma_start3A_5 = tpu.memref_slice %arg2[%dma_start3A, %mul3A_4] : memref<64x1000000xf32, #tpu.memory_space<hbm>> -> memref<64x128xf32, #tpu.memory_space<hbm>>
    %dma_start3A_6 = arith.constant 0 : i32
    %dma_start3A_7 = tpu.memref_slice %arg2[%dma_start3A_6, %mul3A_4] : memref<64x1000000xf32, #tpu.memory_space<hbm>> -> memref<64x128xf32, #tpu.memory_space<hbm>>
    tpu.enqueue_dma source(%dma_start3A_7 : memref<64x128xf32, #tpu.memory_space<hbm>>) target(%arg5 : memref<64x128xf32, #tpu.memory_space<vmem>>) target_semaphore(%arg13 : memref<!tpu.dma_semaphore, #tpu.memory_space<semaphore_mem>>)
    %add3A_8 = arith.constant 32 : i32
    %add3A_9 = arith.addi %add3A, %add3A_8 : i32
    %mul3A_10 = arith.constant 128 : i32
    %mul3A_11 = arith.muli %add3A_9, %mul3A_10 : i32
    %dma_start3A_12 = arith.constant 0 : i32
    %dma_start3A_13 = tpu.memref_slice %arg2[%dma_start3A_12, %mul3A_11] : memref<64x1000000xf32, #tpu.memory_space<hbm>> -> memref<64x128xf32, #tpu.memory_space<hbm>>
    %dma_start3A_14 = arith.constant 0 : i32
    %dma_start3A_15 = tpu.memref_slice %arg2[%dma_start3A_14, %mul3A_11] : memref<64x1000000xf32, #tpu.memory_space<hbm>> -> memref<64x128xf32, #tpu.memory_space<hbm>>
    tpu.enqueue_dma source(%dma_start3A_15 : memref<64x128xf32, #tpu.memory_space<hbm>>) target(%arg6 : memref<64x128xf32, #tpu.memory_space<vmem>>) target_semaphore(%arg14 : memref<!tpu.dma_semaphore, #tpu.memory_space<semaphore_mem>>)
    %add3A_16 = arith.constant 64 : i32
    %add3A_17 = arith.addi %add3A, %add3A_16 : i32
    %mul3A_18 = arith.constant 128 : i32
    %mul3A_19 = arith.muli %add3A_17, %mul3A_18 : i32
    %dma_start3A_20 = arith.constant 0 : i32
    %dma_start3A_21 = tpu.memref_slice %arg2[%dma_start3A_20, %mul3A_19] : memref<64x1000000xf32, #tpu.memory_space<hbm>> -> memref<64x128xf32, #tpu.memory_space<hbm>>
    %dma_start3A_22 = arith.constant 0 : i32
    %dma_start3A_23 = tpu.memref_slice %arg2[%dma_start3A_22, %mul3A_19] : memref<64x1000000xf32, #tpu.memory_space<hbm>> -> memref<64x128xf32, #tpu.memory_space<hbm>>
    tpu.enqueue_dma source(%dma_start3A_23 : memref<64x128xf32, #tpu.memory_space<hbm>>) target(%arg7 : memref<64x128xf32, #tpu.memory_space<vmem>>) target_semaphore(%arg15 : memref<!tpu.dma_semaphore, #tpu.memory_space<semaphore_mem>>)
    %add3A_24 = arith.constant 96 : i32
    %add3A_25 = arith.addi %add3A, %add3A_24 : i32
    %mul3A_26 = arith.constant 128 : i32
    %mul3A_27 = arith.muli %add3A_25, %mul3A_26 : i32
    %dma_start3A_28 = arith.constant 0 : i32
    %dma_start3A_29 = tpu.memref_slice %arg2[%dma_start3A_28, %mul3A_27] : memref<64x1000000xf32, #tpu.memory_space<hbm>> -> memref<64x128xf32, #tpu.memory_space<hbm>>
    %dma_start3A_30 = arith.constant 0 : i32
    %dma_start3A_31 = tpu.memref_slice %arg2[%dma_start3A_30, %mul3A_27] : memref<64x1000000xf32, #tpu.memory_space<hbm>> -> memref<64x128xf32, #tpu.memory_space<hbm>>
    tpu.enqueue_dma source(%dma_start3A_31 : memref<64x128xf32, #tpu.memory_space<hbm>>) target(%arg8 : memref<64x128xf32, #tpu.memory_space<vmem>>) target_semaphore(%arg16 : memref<!tpu.dma_semaphore, #tpu.memory_space<semaphore_mem>>)
    %scan3A = arith.constant 0 : i32
    %scan3A_32 = arith.constant 0 : i32
    %scan3A_33 = arith.constant 61 : i32
    %scan3A_34 = arith.addi %scan3A_32, %scan3A_33 : i32
    %scan3A_35 = arith.constant 1 : i32
    scf.for %scan3A_74 = %scan3A_32 to %scan3A_34 step %scan3A_35  : i32 {
      %mul3A_75 = arith.constant 4 : i32
      %mul3A_76 = arith.muli %scan3A_74, %mul3A_75 : i32
      %add3A_77 = arith.constant 0 : i32
      %add3A_78 = arith.addi %mul3A_76, %add3A_77 : i32
      %dma_wait3A_79 = arith.constant 0 : i32
      %dma_wait3A_80 = arith.constant 0 : i32
      %dma_wait3A_81 = tpu.memref_slice %arg2[%dma_wait3A_79, %dma_wait3A_80] : memref<64x1000000xf32, #tpu.memory_space<hbm>> -> memref<64x128xf32, #tpu.memory_space<hbm>>
      %dma_wait3A_82 = arith.constant 0 : i32
      %dma_wait3A_83 = arith.constant 0 : i32
      %dma_wait3A_84 = tpu.memref_slice %arg2[%dma_wait3A_82, %dma_wait3A_83] : memref<64x1000000xf32, #tpu.memory_space<hbm>> -> memref<64x128xf32, #tpu.memory_space<hbm>>
      tpu.wait_dma2 semaphore(%arg13 : memref<!tpu.dma_semaphore, #tpu.memory_space<semaphore_mem>>) src(%dma_wait3A_84 : memref<64x128xf32, #tpu.memory_space<hbm>>) dst(%arg5 : memref<64x128xf32, #tpu.memory_space<vmem>>)
      %ge3A = arith.constant 4 : i32
      %ge3A_85 = arith.cmpi sge, %add3A_78, %ge3A : i32
      %convert_element_type3A_86 = arith.extui %ge3A_85 : i1 to i32
      %cond3A_87 = arith.constant 0 : i32
      %cond3A_88 = arith.cmpi ne, %convert_element_type3A_86, %cond3A_87 : i32
      scf.if %cond3A_88 {
        %dma_wait3A_206 = arith.constant 0 : i32
        %dma_wait3A_207 = arith.constant 0 : i32
        %dma_wait3A_208 = tpu.memref_slice %arg4[%dma_wait3A_206, %dma_wait3A_207] : memref<1000064x128xf32, #tpu.memory_space<hbm>> -> memref<128x128xf32, #tpu.memory_space<hbm>>
        %dma_wait3A_209 = arith.constant 0 : i32
        %dma_wait3A_210 = arith.constant 0 : i32
        %dma_wait3A_211 = tpu.memref_slice %arg4[%dma_wait3A_209, %dma_wait3A_210] : memref<1000064x128xf32, #tpu.memory_space<hbm>> -> memref<128x128xf32, #tpu.memory_space<hbm>>
        tpu.wait_dma2 semaphore(%arg17 : memref<!tpu.dma_semaphore, #tpu.memory_space<semaphore_mem>>) src(%arg9 : memref<128x128xf32, #tpu.memory_space<vmem>>) dst(%dma_wait3A_211 : memref<128x128xf32, #tpu.memory_space<hbm>>)
      } else {
      }
      %scan3A_89 = arith.constant 0 : i32
      %scan3A_90 = arith.constant 0 : i32
      %scan3A_91 = arith.constant 16 : i32
      %scan3A_92 = arith.addi %scan3A_90, %scan3A_91 : i32
      %scan3A_93 = arith.constant 1 : i32
      scf.for %scan3A_206 = %scan3A_90 to %scan3A_92 step %scan3A_93  : i32 {
        %add3A_207 = vector.broadcast %scan3A_206 : i32 to vector<16xi32>
        %add3A_208 = arith.addi %iota3A, %add3A_207 : vector<16xi32>
        %and3A = arith.constant 15 : i32
        %and3A_209 = vector.broadcast %and3A : i32 to vector<16xi32>
        %and3A_210 = arith.andi %add3A_208, %and3A_209 : vector<16xi32>
        %add3A_211 = arith.constant 0 : i32
        %add3A_212 = vector.broadcast %add3A_211 : i32 to vector<16xi32>
        %add3A_213 = arith.addi %add3A_212, %and3A_210 : vector<16xi32>
        %add3A_214 = arith.constant 0 : i32
        %add3A_215 = vector.broadcast %add3A_214 : i32 to vector<16xi32>
        %add3A_216 = arith.addi %add3A_215, %iota3A : vector<16xi32>
        %gather3A = tpu.vector_load_idx %arg5[%add3A_213, %add3A_216] : memref<64x128xf32, #tpu.memory_space<vmem>>[vector<16xi32>, vector<16xi32>], vector<16xf32>,
        tpu.vector_store_idx %arg9[%add3A_216, %add3A_213], %gather3A : memref<128x128xf32, #tpu.memory_space<vmem>>[vector<16xi32>, vector<16xi32>], vector<16xf32>,
        %add3A_217 = arith.constant 16 : i32
        %add3A_218 = vector.broadcast %add3A_217 : i32 to vector<16xi32>
        %add3A_219 = arith.addi %add3A_218, %iota3A : vector<16xi32>
        %gather3A_220 = tpu.vector_load_idx %arg5[%add3A_213, %add3A_219] : memref<64x128xf32, #tpu.memory_space<vmem>>[vector<16xi32>, vector<16xi32>], vector<16xf32>,
        tpu.vector_store_idx %arg9[%add3A_219, %add3A_213], %gather3A_220 : memref<128x128xf32, #tpu.memory_space<vmem>>[vector<16xi32>, vector<16xi32>], vector<16xf32>,
        %add3A_221 = arith.constant 32 : i32
        %add3A_222 = vector.broadcast %add3A_221 : i32 to vector<16xi32>
        %add3A_223 = arith.addi %add3A_222, %iota3A : vector<16xi32>
        %gather3A_224 = tpu.vector_load_idx %arg5[%add3A_213, %add3A_223] : memref<64x128xf32, #tpu.memory_space<vmem>>[vector<16xi32>, vector<16xi32>], vector<16xf32>,
        tpu.vector_store_idx %arg9[%add3A_223, %add3A_213], %gather3A_224 : memref<128x128xf32, #tpu.memory_space<vmem>>[vector<16xi32>, vector<16xi32>], vector<16xf32>,
        %add3A_225 = arith.constant 48 : i32
        %add3A_226 = vector.broadcast %add3A_225 : i32 to vector<16xi32>
        %add3A_227 = arith.addi %add3A_226, %iota3A : vector<16xi32>
        %gather3A_228 = tpu.vector_load_idx %arg5[%add3A_213, %add3A_227] : memref<64x128xf32, #tpu.memory_space<vmem>>[vector<16xi32>, vector<16xi32>], vector<16xf32>,
        tpu.vector_store_idx %arg9[%add3A_227, %add3A_213], %gather3A_228 : memref<128x128xf32, #tpu.memory_space<vmem>>[vector<16xi32>, vector<16xi32>], vector<16xf32>,
        %add3A_229 = arith.constant 64 : i32
        %add3A_230 = vector.broadcast %add3A_229 : i32 to vector<16xi32>
        %add3A_231 = arith.addi %add3A_230, %iota3A : vector<16xi32>
        %gather3A_232 = tpu.vector_load_idx %arg5[%add3A_213, %add3A_231] : memref<64x128xf32, #tpu.memory_space<vmem>>[vector<16xi32>, vector<16xi32>], vector<16xf32>,
        tpu.vector_store_idx %arg9[%add3A_231, %add3A_213], %gather3A_232 : memref<128x128xf32, #tpu.memory_space<vmem>>[vector<16xi32>, vector<16xi32>], vector<16xf32>,
        %add3A_233 = arith.constant 80 : i32
        %add3A_234 = vector.broadcast %add3A_233 : i32 to vector<16xi32>
        %add3A_235 = arith.addi %add3A_234, %iota3A : vector<16xi32>
        %gather3A_236 = tpu.vector_load_idx %arg5[%add3A_213, %add3A_235] : memref<64x128xf32, #tpu.memory_space<vmem>>[vector<16xi32>, vector<16xi32>], vector<16xf32>,
        tpu.vector_store_idx %arg9[%add3A_235, %add3A_213], %gather3A_236 : memref<128x128xf32, #tpu.memory_space<vmem>>[vector<16xi32>, vector<16xi32>], vector<16xf32>,
        %add3A_237 = arith.constant 96 : i32
        %add3A_238 = vector.broadcast %add3A_237 : i32 to vector<16xi32>
        %add3A_239 = arith.addi %add3A_238, %iota3A : vector<16xi32>
        %gather3A_240 = tpu.vector_load_idx %arg5[%add3A_213, %add3A_239] : memref<64x128xf32, #tpu.memory_space<vmem>>[vector<16xi32>, vector<16xi32>], vector<16xf32>,
        tpu.vector_store_idx %arg9[%add3A_239, %add3A_213], %gather3A_240 : memref<128x128xf32, #tpu.memory_space<vmem>>[vector<16xi32>, vector<16xi32>], vector<16xf32>,
        %add3A_241 = arith.constant 112 : i32
        %add3A_242 = vector.broadcast %add3A_241 : i32 to vector<16xi32>
        %add3A_243 = arith.addi %add3A_242, %iota3A : vector<16xi32>
        %gather3A_244 = tpu.vector_load_idx %arg5[%add3A_213, %add3A_243] : memref<64x128xf32, #tpu.memory_space<vmem>>[vector<16xi32>, vector<16xi32>], vector<16xf32>,
        tpu.vector_store_idx %arg9[%add3A_243, %add3A_213], %gather3A_244 : memref<128x128xf32, #tpu.memory_space<vmem>>[vector<16xi32>, vector<16xi32>], vector<16xf32>,
        %add3A_245 = arith.constant 16 : i32
        %add3A_246 = vector.broadcast %add3A_245 : i32 to vector<16xi32>
        %add3A_247 = arith.addi %add3A_246, %and3A_210 : vector<16xi32>
        %add3A_248 = arith.constant 0 : i32
        %add3A_249 = vector.broadcast %add3A_248 : i32 to vector<16xi32>
        %add3A_250 = arith.addi %add3A_249, %iota3A : vector<16xi32>
        %gather3A_251 = tpu.vector_load_idx %arg5[%add3A_247, %add3A_250] : memref<64x128xf32, #tpu.memory_space<vmem>>[vector<16xi32>, vector<16xi32>], vector<16xf32>,
        tpu.vector_store_idx %arg9[%add3A_250, %add3A_247], %gather3A_251 : memref<128x128xf32, #tpu.memory_space<vmem>>[vector<16xi32>, vector<16xi32>], vector<16xf32>,
        %add3A_252 = arith.constant 16 : i32
        %add3A_253 = vector.broadcast %add3A_252 : i32 to vector<16xi32>
        %add3A_254 = arith.addi %add3A_253, %iota3A : vector<16xi32>
        %gather3A_255 = tpu.vector_load_idx %arg5[%add3A_247, %add3A_254] : memref<64x128xf32, #tpu.memory_space<vmem>>[vector<16xi32>, vector<16xi32>], vector<16xf32>,
        tpu.vector_store_idx %arg9[%add3A_254, %add3A_247], %gather3A_255 : memref<128x128xf32, #tpu.memory_space<vmem>>[vector<16xi32>, vector<16xi32>], vector<16xf32>,
        %add3A_256 = arith.constant 32 : i32
        %add3A_257 = vector.broadcast %add3A_256 : i32 to vector<16xi32>
        %add3A_258 = arith.addi %add3A_257, %iota3A : vector<16xi32>
        %gather3A_259 = tpu.vector_load_idx %arg5[%add3A_247, %add3A_258] : memref<64x128xf32, #tpu.memory_space<vmem>>[vector<16xi32>, vector<16xi32>], vector<16xf32>,
        tpu.vector_store_idx %arg9[%add3A_258, %add3A_247], %gather3A_259 : memref<128x128xf32, #tpu.memory_space<vmem>>[vector<16xi32>, vector<16xi32>], vector<16xf32>,
        %add3A_260 = arith.constant 48 : i32
        %add3A_261 = vector.broadcast %add3A_260 : i32 to vector<16xi32>
        %add3A_262 = arith.addi %add3A_261, %iota3A : vector<16xi32>
        %gather3A_263 = tpu.vector_load_idx %arg5[%add3A_247, %add3A_262] : memref<64x128xf32, #tpu.memory_space<vmem>>[vector<16xi32>, vector<16xi32>], vector<16xf32>,
        tpu.vector_store_idx %arg9[%add3A_262, %add3A_247], %gather3A_263 : memref<128x128xf32, #tpu.memory_space<vmem>>[vector<16xi32>, vector<16xi32>], vector<16xf32>,
        %add3A_264 = arith.constant 64 : i32
        %add3A_265 = vector.broadcast %add3A_264 : i32 to vector<16xi32>
        %add3A_266 = arith.addi %add3A_265, %iota3A : vector<16xi32>
        %gather3A_267 = tpu.vector_load_idx %arg5[%add3A_247, %add3A_266] : memref<64x128xf32, #tpu.memory_space<vmem>>[vector<16xi32>, vector<16xi32>], vector<16xf32>,
        tpu.vector_store_idx %arg9[%add3A_266, %add3A_247], %gather3A_267 : memref<128x128xf32, #tpu.memory_space<vmem>>[vector<16xi32>, vector<16xi32>], vector<16xf32>,
        %add3A_268 = arith.constant 80 : i32
        %add3A_269 = vector.broadcast %add3A_268 : i32 to vector<16xi32>
        %add3A_270 = arith.addi %add3A_269, %iota3A : vector<16xi32>
        %gather3A_271 = tpu.vector_load_idx %arg5[%add3A_247, %add3A_270] : memref<64x128xf32, #tpu.memory_space<vmem>>[vector<16xi32>, vector<16xi32>], vector<16xf32>,
        tpu.vector_store_idx %arg9[%add3A_270, %add3A_247], %gather3A_271 : memref<128x128xf32, #tpu.memory_space<vmem>>[vector<16xi32>, vector<16xi32>], vector<16xf32>,
        %add3A_272 = arith.constant 96 : i32
        %add3A_273 = vector.broadcast %add3A_272 : i32 to vector<16xi32>
        %add3A_274 = arith.addi %add3A_273, %iota3A : vector<16xi32>
        %gather3A_275 = tpu.vector_load_idx %arg5[%add3A_247, %add3A_274] : memref<64x128xf32, #tpu.memory_space<vmem>>[vector<16xi32>, vector<16xi32>], vector<16xf32>,
        tpu.vector_store_idx %arg9[%add3A_274, %add3A_247], %gather3A_275 : memref<128x128xf32, #tpu.memory_space<vmem>>[vector<16xi32>, vector<16xi32>], vector<16xf32>,
        %add3A_276 = arith.constant 112 : i32
        %add3A_277 = vector.broadcast %add3A_276 : i32 to vector<16xi32>
        %add3A_278 = arith.addi %add3A_277, %iota3A : vector<16xi32>
        %gather3A_279 = tpu.vector_load_idx %arg5[%add3A_247, %add3A_278] : memref<64x128xf32, #tpu.memory_space<vmem>>[vector<16xi32>, vector<16xi32>], vector<16xf32>,
        tpu.vector_store_idx %arg9[%add3A_278, %add3A_247], %gather3A_279 : memref<128x128xf32, #tpu.memory_space<vmem>>[vector<16xi32>, vector<16xi32>], vector<16xf32>,
        %add3A_280 = arith.constant 32 : i32
        %add3A_281 = vector.broadcast %add3A_280 : i32 to vector<16xi32>
        %add3A_282 = arith.addi %add3A_281, %and3A_210 : vector<16xi32>
        %add3A_283 = arith.constant 0 : i32
        %add3A_284 = vector.broadcast %add3A_283 : i32 to vector<16xi32>
        %add3A_285 = arith.addi %add3A_284, %iota3A : vector<16xi32>
        %gather3A_286 = tpu.vector_load_idx %arg5[%add3A_282, %add3A_285] : memref<64x128xf32, #tpu.memory_space<vmem>>[vector<16xi32>, vector<16xi32>], vector<16xf32>,
        tpu.vector_store_idx %arg9[%add3A_285, %add3A_282], %gather3A_286 : memref<128x128xf32, #tpu.memory_space<vmem>>[vector<16xi32>, vector<16xi32>], vector<16xf32>,
        %add3A_287 = arith.constant 16 : i32
        %add3A_288 = vector.broadcast %add3A_287 : i32 to vector<16xi32>
        %add3A_289 = arith.addi %add3A_288, %iota3A : vector<16xi32>
        %gather3A_290 = tpu.vector_load_idx %arg5[%add3A_282, %add3A_289] : memref<64x128xf32, #tpu.memory_space<vmem>>[vector<16xi32>, vector<16xi32>], vector<16xf32>,
        tpu.vector_store_idx %arg9[%add3A_289, %add3A_282], %gather3A_290 : memref<128x128xf32, #tpu.memory_space<vmem>>[vector<16xi32>, vector<16xi32>], vector<16xf32>,
        %add3A_291 = arith.constant 32 : i32
        %add3A_292 = vector.broadcast %add3A_291 : i32 to vector<16xi32>
        %add3A_293 = arith.addi %add3A_292, %iota3A : vector<16xi32>
        %gather3A_294 = tpu.vector_load_idx %arg5[%add3A_282, %add3A_293] : memref<64x128xf32, #tpu.memory_space<vmem>>[vector<16xi32>, vector<16xi32>], vector<16xf32>,
        tpu.vector_store_idx %arg9[%add3A_293, %add3A_282], %gather3A_294 : memref<128x128xf32, #tpu.memory_space<vmem>>[vector<16xi32>, vector<16xi32>], vector<16xf32>,
        %add3A_295 = arith.constant 48 : i32
        %add3A_296 = vector.broadcast %add3A_295 : i32 to vector<16xi32>
        %add3A_297 = arith.addi %add3A_296, %iota3A : vector<16xi32>
        %gather3A_298 = tpu.vector_load_idx %arg5[%add3A_282, %add3A_297] : memref<64x128xf32, #tpu.memory_space<vmem>>[vector<16xi32>, vector<16xi32>], vector<16xf32>,
        tpu.vector_store_idx %arg9[%add3A_297, %add3A_282], %gather3A_298 : memref<128x128xf32, #tpu.memory_space<vmem>>[vector<16xi32>, vector<16xi32>], vector<16xf32>,
        %add3A_299 = arith.constant 64 : i32
        %add3A_300 = vector.broadcast %add3A_299 : i32 to vector<16xi32>
        %add3A_301 = arith.addi %add3A_300, %iota3A : vector<16xi32>
        %gather3A_302 = tpu.vector_load_idx %arg5[%add3A_282, %add3A_301] : memref<64x128xf32, #tpu.memory_space<vmem>>[vector<16xi32>, vector<16xi32>], vector<16xf32>,
        tpu.vector_store_idx %arg9[%add3A_301, %add3A_282], %gather3A_302 : memref<128x128xf32, #tpu.memory_space<vmem>>[vector<16xi32>, vector<16xi32>], vector<16xf32>,
        %add3A_303 = arith.constant 80 : i32
        %add3A_304 = vector.broadcast %add3A_303 : i32 to vector<16xi32>
        %add3A_305 = arith.addi %add3A_304, %iota3A : vector<16xi32>
        %gather3A_306 = tpu.vector_load_idx %arg5[%add3A_282, %add3A_305] : memref<64x128xf32, #tpu.memory_space<vmem>>[vector<16xi32>, vector<16xi32>], vector<16xf32>,
        tpu.vector_store_idx %arg9[%add3A_305, %add3A_282], %gather3A_306 : memref<128x128xf32, #tpu.memory_space<vmem>>[vector<16xi32>, vector<16xi32>], vector<16xf32>,
        %add3A_307 = arith.constant 96 : i32
        %add3A_308 = vector.broadcast %add3A_307 : i32 to vector<16xi32>
        %add3A_309 = arith.addi %add3A_308, %iota3A : vector<16xi32>
        %gather3A_310 = tpu.vector_load_idx %arg5[%add3A_282, %add3A_309] : memref<64x128xf32, #tpu.memory_space<vmem>>[vector<16xi32>, vector<16xi32>], vector<16xf32>,
        tpu.vector_store_idx %arg9[%add3A_309, %add3A_282], %gather3A_310 : memref<128x128xf32, #tpu.memory_space<vmem>>[vector<16xi32>, vector<16xi32>], vector<16xf32>,
        %add3A_311 = arith.constant 112 : i32
        %add3A_312 = vector.broadcast %add3A_311 : i32 to vector<16xi32>
        %add3A_313 = arith.addi %add3A_312, %iota3A : vector<16xi32>
        %gather3A_314 = tpu.vector_load_idx %arg5[%add3A_282, %add3A_313] : memref<64x128xf32, #tpu.memory_space<vmem>>[vector<16xi32>, vector<16xi32>], vector<16xf32>,
        tpu.vector_store_idx %arg9[%add3A_313, %add3A_282], %gather3A_314 : memref<128x128xf32, #tpu.memory_space<vmem>>[vector<16xi32>, vector<16xi32>], vector<16xf32>,
        %add3A_315 = arith.constant 48 : i32
        %add3A_316 = vector.broadcast %add3A_315 : i32 to vector<16xi32>
        %add3A_317 = arith.addi %add3A_316, %and3A_210 : vector<16xi32>
        %add3A_318 = arith.constant 0 : i32
        %add3A_319 = vector.broadcast %add3A_318 : i32 to vector<16xi32>
        %add3A_320 = arith.addi %add3A_319, %iota3A : vector<16xi32>
        %gather3A_321 = tpu.vector_load_idx %arg5[%add3A_317, %add3A_320] : memref<64x128xf32, #tpu.memory_space<vmem>>[vector<16xi32>, vector<16xi32>], vector<16xf32>,
        tpu.vector_store_idx %arg9[%add3A_320, %add3A_317], %gather3A_321 : memref<128x128xf32, #tpu.memory_space<vmem>>[vector<16xi32>, vector<16xi32>], vector<16xf32>,
        %add3A_322 = arith.constant 16 : i32
        %add3A_323 = vector.broadcast %add3A_322 : i32 to vector<16xi32>
        %add3A_324 = arith.addi %add3A_323, %iota3A : vector<16xi32>
        %gather3A_325 = tpu.vector_load_idx %arg5[%add3A_317, %add3A_324] : memref<64x128xf32, #tpu.memory_space<vmem>>[vector<16xi32>, vector<16xi32>], vector<16xf32>,
        tpu.vector_store_idx %arg9[%add3A_324, %add3A_317], %gather3A_325 : memref<128x128xf32, #tpu.memory_space<vmem>>[vector<16xi32>, vector<16xi32>], vector<16xf32>,
        %add3A_326 = arith.constant 32 : i32
        %add3A_327 = vector.broadcast %add3A_326 : i32 to vector<16xi32>
        %add3A_328 = arith.addi %add3A_327, %iota3A : vector<16xi32>
        %gather3A_329 = tpu.vector_load_idx %arg5[%add3A_317, %add3A_328] : memref<64x128xf32, #tpu.memory_space<vmem>>[vector<16xi32>, vector<16xi32>], vector<16xf32>,
        tpu.vector_store_idx %arg9[%add3A_328, %add3A_317], %gather3A_329 : memref<128x128xf32, #tpu.memory_space<vmem>>[vector<16xi32>, vector<16xi32>], vector<16xf32>,
        %add3A_330 = arith.constant 48 : i32
        %add3A_331 = vector.broadcast %add3A_330 : i32 to vector<16xi32>
        %add3A_332 = arith.addi %add3A_331, %iota3A : vector<16xi32>
        %gather3A_333 = tpu.vector_load_idx %arg5[%add3A_317, %add3A_332] : memref<64x128xf32, #tpu.memory_space<vmem>>[vector<16xi32>, vector<16xi32>], vector<16xf32>,
        tpu.vector_store_idx %arg9[%add3A_332, %add3A_317], %gather3A_333 : memref<128x128xf32, #tpu.memory_space<vmem>>[vector<16xi32>, vector<16xi32>], vector<16xf32>,
        %add3A_334 = arith.constant 64 : i32
        %add3A_335 = vector.broadcast %add3A_334 : i32 to vector<16xi32>
        %add3A_336 = arith.addi %add3A_335, %iota3A : vector<16xi32>
        %gather3A_337 = tpu.vector_load_idx %arg5[%add3A_317, %add3A_336] : memref<64x128xf32, #tpu.memory_space<vmem>>[vector<16xi32>, vector<16xi32>], vector<16xf32>,
        tpu.vector_store_idx %arg9[%add3A_336, %add3A_317], %gather3A_337 : memref<128x128xf32, #tpu.memory_space<vmem>>[vector<16xi32>, vector<16xi32>], vector<16xf32>,
        %add3A_338 = arith.constant 80 : i32
        %add3A_339 = vector.broadcast %add3A_338 : i32 to vector<16xi32>
        %add3A_340 = arith.addi %add3A_339, %iota3A : vector<16xi32>
        %gather3A_341 = tpu.vector_load_idx %arg5[%add3A_317, %add3A_340] : memref<64x128xf32, #tpu.memory_space<vmem>>[vector<16xi32>, vector<16xi32>], vector<16xf32>,
        tpu.vector_store_idx %arg9[%add3A_340, %add3A_317], %gather3A_341 : memref<128x128xf32, #tpu.memory_space<vmem>>[vector<16xi32>, vector<16xi32>], vector<16xf32>,
        %add3A_342 = arith.constant 96 : i32
        %add3A_343 = vector.broadcast %add3A_342 : i32 to vector<16xi32>
        %add3A_344 = arith.addi %add3A_343, %iota3A : vector<16xi32>
        %gather3A_345 = tpu.vector_load_idx %arg5[%add3A_317, %add3A_344] : memref<64x128xf32, #tpu.memory_space<vmem>>[vector<16xi32>, vector<16xi32>], vector<16xf32>,
        tpu.vector_store_idx %arg9[%add3A_344, %add3A_317], %gather3A_345 : memref<128x128xf32, #tpu.memory_space<vmem>>[vector<16xi32>, vector<16xi32>], vector<16xf32>,
        %add3A_346 = arith.constant 112 : i32
        %add3A_347 = vector.broadcast %add3A_346 : i32 to vector<16xi32>
        %add3A_348 = arith.addi %add3A_347, %iota3A : vector<16xi32>
        %gather3A_349 = tpu.vector_load_idx %arg5[%add3A_317, %add3A_348] : memref<64x128xf32, #tpu.memory_space<vmem>>[vector<16xi32>, vector<16xi32>], vector<16xf32>,
        tpu.vector_store_idx %arg9[%add3A_348, %add3A_317], %gather3A_349 : memref<128x128xf32, #tpu.memory_space<vmem>>[vector<16xi32>, vector<16xi32>], vector<16xf32>,
      }
      %scan3A_94 = arith.constant 16 : i32
      %ge3A_95 = arith.constant 1 : i32
      %ge3A_96 = arith.cmpi sge, %add3A_78, %ge3A_95 : i32
      %convert_element_type3A_97 = arith.extui %ge3A_96 : i1 to i32
      %cond3A_98 = arith.constant 0 : i32
      %cond3A_99 = arith.cmpi ne, %convert_element_type3A_97, %cond3A_98 : i32
      scf.if %cond3A_99 {
        %sub3A = arith.constant 1 : i32
        %sub3A_206 = arith.subi %add3A_78, %sub3A : i32
        %mul3A_207 = arith.constant 32 : i32
        %mul3A_208 = arith.muli %sub3A_206, %mul3A_207 : i32
        %add3A_209 = arith.addi %add3A, %mul3A_208 : i32
        %mul3A_210 = arith.constant 128 : i32
        %mul3A_211 = arith.muli %add3A_209, %mul3A_210 : i32
        %dma_start3A_212 = arith.constant 0 : i32
        %dma_start3A_213 = tpu.memref_slice %arg4[%mul3A_211, %dma_start3A_212] : memref<1000064x128xf32, #tpu.memory_space<hbm>> -> memref<128x128xf32, #tpu.memory_space<hbm>>
        %dma_start3A_214 = arith.constant 0 : i32
        %dma_start3A_215 = tpu.memref_slice %arg4[%mul3A_211, %dma_start3A_214] : memref<1000064x128xf32, #tpu.memory_space<hbm>> -> memref<128x128xf32, #tpu.memory_space<hbm>>
        tpu.enqueue_dma source(%arg12 : memref<128x128xf32, #tpu.memory_space<vmem>>) target(%dma_start3A_215 : memref<128x128xf32, #tpu.memory_space<hbm>>) target_semaphore(%arg20 : memref<!tpu.dma_semaphore, #tpu.memory_space<semaphore_mem>>)
      } else {
      }
      %add3A_100 = arith.constant 4 : i32
      %add3A_101 = arith.addi %add3A_78, %add3A_100 : i32
      %lt3A_102 = arith.constant 244 : i32
      %lt3A_103 = arith.cmpi slt, %add3A_101, %lt3A_102 : i32
      %convert_element_type3A_104 = arith.extui %lt3A_103 : i1 to i32
      %cond3A_105 = arith.constant 0 : i32
      %cond3A_106 = arith.cmpi ne, %convert_element_type3A_104, %cond3A_105 : i32
      scf.if %cond3A_106 {
        %add3A_206 = arith.constant 4 : i32
        %add3A_207 = arith.addi %add3A_78, %add3A_206 : i32
        %mul3A_208 = arith.constant 32 : i32
        %mul3A_209 = arith.muli %add3A_207, %mul3A_208 : i32
        %add3A_210 = arith.addi %add3A, %mul3A_209 : i32
        %mul3A_211 = arith.constant 128 : i32
        %mul3A_212 = arith.muli %add3A_210, %mul3A_211 : i32
        %dma_start3A_213 = arith.constant 0 : i32
        %dma_start3A_214 = tpu.memref_slice %arg2[%dma_start3A_213, %mul3A_212] : memref<64x1000000xf32, #tpu.memory_space<hbm>> -> memref<64x128xf32, #tpu.memory_space<hbm>>
        %dma_start3A_215 = arith.constant 0 : i32
        %dma_start3A_216 = tpu.memref_slice %arg2[%dma_start3A_215, %mul3A_212] : memref<64x1000000xf32, #tpu.memory_space<hbm>> -> memref<64x128xf32, #tpu.memory_space<hbm>>
        tpu.enqueue_dma source(%dma_start3A_216 : memref<64x128xf32, #tpu.memory_space<hbm>>) target(%arg5 : memref<64x128xf32, #tpu.memory_space<vmem>>) target_semaphore(%arg13 : memref<!tpu.dma_semaphore, #tpu.memory_space<semaphore_mem>>)
      } else {
      }
      %mul3A_107 = arith.constant 4 : i32
      %mul3A_108 = arith.muli %scan3A_74, %mul3A_107 : i32
      %add3A_109 = arith.constant 1 : i32
      %add3A_110 = arith.addi %mul3A_108, %add3A_109 : i32
      %dma_wait3A_111 = arith.constant 0 : i32
      %dma_wait3A_112 = arith.constant 0 : i32
      %dma_wait3A_113 = tpu.memref_slice %arg2[%dma_wait3A_111, %dma_wait3A_112] : memref<64x1000000xf32, #tpu.memory_space<hbm>> -> memref<64x128xf32, #tpu.memory_space<hbm>>
      %dma_wait3A_114 = arith.constant 0 : i32
      %dma_wait3A_115 = arith.constant 0 : i32
      %dma_wait3A_116 = tpu.memref_slice %arg2[%dma_wait3A_114, %dma_wait3A_115] : memref<64x1000000xf32, #tpu.memory_space<hbm>> -> memref<64x128xf32, #tpu.memory_space<hbm>>
      tpu.wait_dma2 semaphore(%arg14 : memref<!tpu.dma_semaphore, #tpu.memory_space<semaphore_mem>>) src(%dma_wait3A_116 : memref<64x128xf32, #tpu.memory_space<hbm>>) dst(%arg6 : memref<64x128xf32, #tpu.memory_space<vmem>>)
      %ge3A_117 = arith.constant 4 : i32
      %ge3A_118 = arith.cmpi sge, %add3A_110, %ge3A_117 : i32
      %convert_element_type3A_119 = arith.extui %ge3A_118 : i1 to i32
      %cond3A_120 = arith.constant 0 : i32
      %cond3A_121 = arith.cmpi ne, %convert_element_type3A_119, %cond3A_120 : i32
      scf.if %cond3A_121 {
        %dma_wait3A_206 = arith.constant 0 : i32
        %dma_wait3A_207 = arith.constant 0 : i32
        %dma_wait3A_208 = tpu.memref_slice %arg4[%dma_wait3A_206, %dma_wait3A_207] : memref<1000064x128xf32, #tpu.memory_space<hbm>> -> memref<128x128xf32, #tpu.memory_space<hbm>>
        %dma_wait3A_209 = arith.constant 0 : i32
        %dma_wait3A_210 = arith.constant 0 : i32
        %dma_wait3A_211 = tpu.memref_slice %arg4[%dma_wait3A_209, %dma_wait3A_210] : memref<1000064x128xf32, #tpu.memory_space<hbm>> -> memref<128x128xf32, #tpu.memory_space<hbm>>
        tpu.wait_dma2 semaphore(%arg18 : memref<!tpu.dma_semaphore, #tpu.memory_space<semaphore_mem>>) src(%arg10 : memref<128x128xf32, #tpu.memory_space<vmem>>) dst(%dma_wait3A_211 : memref<128x128xf32, #tpu.memory_space<hbm>>)
      } else {
      }
      %scan3A_122 = arith.constant 0 : i32
      %scan3A_123 = arith.constant 0 : i32
      %scan3A_124 = arith.constant 16 : i32
      %scan3A_125 = arith.addi %scan3A_123, %scan3A_124 : i32
      %scan3A_126 = arith.constant 1 : i32
      scf.for %scan3A_206 = %scan3A_123 to %scan3A_125 step %scan3A_126  : i32 {
        %add3A_207 = vector.broadcast %scan3A_206 : i32 to vector<16xi32>
        %add3A_208 = arith.addi %iota3A, %add3A_207 : vector<16xi32>
        %and3A = arith.constant 15 : i32
        %and3A_209 = vector.broadcast %and3A : i32 to vector<16xi32>
        %and3A_210 = arith.andi %add3A_208, %and3A_209 : vector<16xi32>
        %add3A_211 = arith.constant 0 : i32
        %add3A_212 = vector.broadcast %add3A_211 : i32 to vector<16xi32>
        %add3A_213 = arith.addi %add3A_212, %and3A_210 : vector<16xi32>
        %add3A_214 = arith.constant 0 : i32
        %add3A_215 = vector.broadcast %add3A_214 : i32 to vector<16xi32>
        %add3A_216 = arith.addi %add3A_215, %iota3A : vector<16xi32>
        %gather3A = tpu.vector_load_idx %arg6[%add3A_213, %add3A_216] : memref<64x128xf32, #tpu.memory_space<vmem>>[vector<16xi32>, vector<16xi32>], vector<16xf32>,
        tpu.vector_store_idx %arg10[%add3A_216, %add3A_213], %gather3A : memref<128x128xf32, #tpu.memory_space<vmem>>[vector<16xi32>, vector<16xi32>], vector<16xf32>,
        %add3A_217 = arith.constant 16 : i32
        %add3A_218 = vector.broadcast %add3A_217 : i32 to vector<16xi32>
        %add3A_219 = arith.addi %add3A_218, %iota3A : vector<16xi32>
        %gather3A_220 = tpu.vector_load_idx %arg6[%add3A_213, %add3A_219] : memref<64x128xf32, #tpu.memory_space<vmem>>[vector<16xi32>, vector<16xi32>], vector<16xf32>,
        tpu.vector_store_idx %arg10[%add3A_219, %add3A_213], %gather3A_220 : memref<128x128xf32, #tpu.memory_space<vmem>>[vector<16xi32>, vector<16xi32>], vector<16xf32>,
        %add3A_221 = arith.constant 32 : i32
        %add3A_222 = vector.broadcast %add3A_221 : i32 to vector<16xi32>
        %add3A_223 = arith.addi %add3A_222, %iota3A : vector<16xi32>
        %gather3A_224 = tpu.vector_load_idx %arg6[%add3A_213, %add3A_223] : memref<64x128xf32, #tpu.memory_space<vmem>>[vector<16xi32>, vector<16xi32>], vector<16xf32>,
        tpu.vector_store_idx %arg10[%add3A_223, %add3A_213], %gather3A_224 : memref<128x128xf32, #tpu.memory_space<vmem>>[vector<16xi32>, vector<16xi32>], vector<16xf32>,
        %add3A_225 = arith.constant 48 : i32
        %add3A_226 = vector.broadcast %add3A_225 : i32 to vector<16xi32>
        %add3A_227 = arith.addi %add3A_226, %iota3A : vector<16xi32>
        %gather3A_228 = tpu.vector_load_idx %arg6[%add3A_213, %add3A_227] : memref<64x128xf32, #tpu.memory_space<vmem>>[vector<16xi32>, vector<16xi32>], vector<16xf32>,
        tpu.vector_store_idx %arg10[%add3A_227, %add3A_213], %gather3A_228 : memref<128x128xf32, #tpu.memory_space<vmem>>[vector<16xi32>, vector<16xi32>], vector<16xf32>,
        %add3A_229 = arith.constant 64 : i32
        %add3A_230 = vector.broadcast %add3A_229 : i32 to vector<16xi32>
        %add3A_231 = arith.addi %add3A_230, %iota3A : vector<16xi32>
        %gather3A_232 = tpu.vector_load_idx %arg6[%add3A_213, %add3A_231] : memref<64x128xf32, #tpu.memory_space<vmem>>[vector<16xi32>, vector<16xi32>], vector<16xf32>,
        tpu.vector_store_idx %arg10[%add3A_231, %add3A_213], %gather3A_232 : memref<128x128xf32, #tpu.memory_space<vmem>>[vector<16xi32>, vector<16xi32>], vector<16xf32>,
        %add3A_233 = arith.constant 80 : i32
        %add3A_234 = vector.broadcast %add3A_233 : i32 to vector<16xi32>
        %add3A_235 = arith.addi %add3A_234, %iota3A : vector<16xi32>
        %gather3A_236 = tpu.vector_load_idx %arg6[%add3A_213, %add3A_235] : memref<64x128xf32, #tpu.memory_space<vmem>>[vector<16xi32>, vector<16xi32>], vector<16xf32>,
        tpu.vector_store_idx %arg10[%add3A_235, %add3A_213], %gather3A_236 : memref<128x128xf32, #tpu.memory_space<vmem>>[vector<16xi32>, vector<16xi32>], vector<16xf32>,
        %add3A_237 = arith.constant 96 : i32
        %add3A_238 = vector.broadcast %add3A_237 : i32 to vector<16xi32>
        %add3A_239 = arith.addi %add3A_238, %iota3A : vector<16xi32>
        %gather3A_240 = tpu.vector_load_idx %arg6[%add3A_213, %add3A_239] : memref<64x128xf32, #tpu.memory_space<vmem>>[vector<16xi32>, vector<16xi32>], vector<16xf32>,
        tpu.vector_store_idx %arg10[%add3A_239, %add3A_213], %gather3A_240 : memref<128x128xf32, #tpu.memory_space<vmem>>[vector<16xi32>, vector<16xi32>], vector<16xf32>,
        %add3A_241 = arith.constant 112 : i32
        %add3A_242 = vector.broadcast %add3A_241 : i32 to vector<16xi32>
        %add3A_243 = arith.addi %add3A_242, %iota3A : vector<16xi32>
        %gather3A_244 = tpu.vector_load_idx %arg6[%add3A_213, %add3A_243] : memref<64x128xf32, #tpu.memory_space<vmem>>[vector<16xi32>, vector<16xi32>], vector<16xf32>,
        tpu.vector_store_idx %arg10[%add3A_243, %add3A_213], %gather3A_244 : memref<128x128xf32, #tpu.memory_space<vmem>>[vector<16xi32>, vector<16xi32>], vector<16xf32>,
        %add3A_245 = arith.constant 16 : i32
        %add3A_246 = vector.broadcast %add3A_245 : i32 to vector<16xi32>
        %add3A_247 = arith.addi %add3A_246, %and3A_210 : vector<16xi32>
        %add3A_248 = arith.constant 0 : i32
        %add3A_249 = vector.broadcast %add3A_248 : i32 to vector<16xi32>
        %add3A_250 = arith.addi %add3A_249, %iota3A : vector<16xi32>
        %gather3A_251 = tpu.vector_load_idx %arg6[%add3A_247, %add3A_250] : memref<64x128xf32, #tpu.memory_space<vmem>>[vector<16xi32>, vector<16xi32>], vector<16xf32>,
        tpu.vector_store_idx %arg10[%add3A_250, %add3A_247], %gather3A_251 : memref<128x128xf32, #tpu.memory_space<vmem>>[vector<16xi32>, vector<16xi32>], vector<16xf32>,
        %add3A_252 = arith.constant 16 : i32
        %add3A_253 = vector.broadcast %add3A_252 : i32 to vector<16xi32>
        %add3A_254 = arith.addi %add3A_253, %iota3A : vector<16xi32>
        %gather3A_255 = tpu.vector_load_idx %arg6[%add3A_247, %add3A_254] : memref<64x128xf32, #tpu.memory_space<vmem>>[vector<16xi32>, vector<16xi32>], vector<16xf32>,
        tpu.vector_store_idx %arg10[%add3A_254, %add3A_247], %gather3A_255 : memref<128x128xf32, #tpu.memory_space<vmem>>[vector<16xi32>, vector<16xi32>], vector<16xf32>,
        %add3A_256 = arith.constant 32 : i32
        %add3A_257 = vector.broadcast %add3A_256 : i32 to vector<16xi32>
        %add3A_258 = arith.addi %add3A_257, %iota3A : vector<16xi32>
        %gather3A_259 = tpu.vector_load_idx %arg6[%add3A_247, %add3A_258] : memref<64x128xf32, #tpu.memory_space<vmem>>[vector<16xi32>, vector<16xi32>], vector<16xf32>,
        tpu.vector_store_idx %arg10[%add3A_258, %add3A_247], %gather3A_259 : memref<128x128xf32, #tpu.memory_space<vmem>>[vector<16xi32>, vector<16xi32>], vector<16xf32>,
        %add3A_260 = arith.constant 48 : i32
        %add3A_261 = vector.broadcast %add3A_260 : i32 to vector<16xi32>
        %add3A_262 = arith.addi %add3A_261, %iota3A : vector<16xi32>
        %gather3A_263 = tpu.vector_load_idx %arg6[%add3A_247, %add3A_262] : memref<64x128xf32, #tpu.memory_space<vmem>>[vector<16xi32>, vector<16xi32>], vector<16xf32>,
        tpu.vector_store_idx %arg10[%add3A_262, %add3A_247], %gather3A_263 : memref<128x128xf32, #tpu.memory_space<vmem>>[vector<16xi32>, vector<16xi32>], vector<16xf32>,
        %add3A_264 = arith.constant 64 : i32
        %add3A_265 = vector.broadcast %add3A_264 : i32 to vector<16xi32>
        %add3A_266 = arith.addi %add3A_265, %iota3A : vector<16xi32>
        %gather3A_267 = tpu.vector_load_idx %arg6[%add3A_247, %add3A_266] : memref<64x128xf32, #tpu.memory_space<vmem>>[vector<16xi32>, vector<16xi32>], vector<16xf32>,
        tpu.vector_store_idx %arg10[%add3A_266, %add3A_247], %gather3A_267 : memref<128x128xf32, #tpu.memory_space<vmem>>[vector<16xi32>, vector<16xi32>], vector<16xf32>,
        %add3A_268 = arith.constant 80 : i32
        %add3A_269 = vector.broadcast %add3A_268 : i32 to vector<16xi32>
        %add3A_270 = arith.addi %add3A_269, %iota3A : vector<16xi32>
        %gather3A_271 = tpu.vector_load_idx %arg6[%add3A_247, %add3A_270] : memref<64x128xf32, #tpu.memory_space<vmem>>[vector<16xi32>, vector<16xi32>], vector<16xf32>,
        tpu.vector_store_idx %arg10[%add3A_270, %add3A_247], %gather3A_271 : memref<128x128xf32, #tpu.memory_space<vmem>>[vector<16xi32>, vector<16xi32>], vector<16xf32>,
        %add3A_272 = arith.constant 96 : i32
        %add3A_273 = vector.broadcast %add3A_272 : i32 to vector<16xi32>
        %add3A_274 = arith.addi %add3A_273, %iota3A : vector<16xi32>
        %gather3A_275 = tpu.vector_load_idx %arg6[%add3A_247, %add3A_274] : memref<64x128xf32, #tpu.memory_space<vmem>>[vector<16xi32>, vector<16xi32>], vector<16xf32>,
        tpu.vector_store_idx %arg10[%add3A_274, %add3A_247], %gather3A_275 : memref<128x128xf32, #tpu.memory_space<vmem>>[vector<16xi32>, vector<16xi32>], vector<16xf32>,
        %add3A_276 = arith.constant 112 : i32
        %add3A_277 = vector.broadcast %add3A_276 : i32 to vector<16xi32>
        %add3A_278 = arith.addi %add3A_277, %iota3A : vector<16xi32>
        %gather3A_279 = tpu.vector_load_idx %arg6[%add3A_247, %add3A_278] : memref<64x128xf32, #tpu.memory_space<vmem>>[vector<16xi32>, vector<16xi32>], vector<16xf32>,
        tpu.vector_store_idx %arg10[%add3A_278, %add3A_247], %gather3A_279 : memref<128x128xf32, #tpu.memory_space<vmem>>[vector<16xi32>, vector<16xi32>], vector<16xf32>,
        %add3A_280 = arith.constant 32 : i32
        %add3A_281 = vector.broadcast %add3A_280 : i32 to vector<16xi32>
        %add3A_282 = arith.addi %add3A_281, %and3A_210 : vector<16xi32>
        %add3A_283 = arith.constant 0 : i32
        %add3A_284 = vector.broadcast %add3A_283 : i32 to vector<16xi32>
        %add3A_285 = arith.addi %add3A_284, %iota3A : vector<16xi32>
        %gather3A_286 = tpu.vector_load_idx %arg6[%add3A_282, %add3A_285] : memref<64x128xf32, #tpu.memory_space<vmem>>[vector<16xi32>, vector<16xi32>], vector<16xf32>,
        tpu.vector_store_idx %arg10[%add3A_285, %add3A_282], %gather3A_286 : memref<128x128xf32, #tpu.memory_space<vmem>>[vector<16xi32>, vector<16xi32>], vector<16xf32>,
        %add3A_287 = arith.constant 16 : i32
        %add3A_288 = vector.broadcast %add3A_287 : i32 to vector<16xi32>
        %add3A_289 = arith.addi %add3A_288, %iota3A : vector<16xi32>
        %gather3A_290 = tpu.vector_load_idx %arg6[%add3A_282, %add3A_289] : memref<64x128xf32, #tpu.memory_space<vmem>>[vector<16xi32>, vector<16xi32>], vector<16xf32>,
        tpu.vector_store_idx %arg10[%add3A_289, %add3A_282], %gather3A_290 : memref<128x128xf32, #tpu.memory_space<vmem>>[vector<16xi32>, vector<16xi32>], vector<16xf32>,
        %add3A_291 = arith.constant 32 : i32
        %add3A_292 = vector.broadcast %add3A_291 : i32 to vector<16xi32>
        %add3A_293 = arith.addi %add3A_292, %iota3A : vector<16xi32>
        %gather3A_294 = tpu.vector_load_idx %arg6[%add3A_282, %add3A_293] : memref<64x128xf32, #tpu.memory_space<vmem>>[vector<16xi32>, vector<16xi32>], vector<16xf32>,
        tpu.vector_store_idx %arg10[%add3A_293, %add3A_282], %gather3A_294 : memref<128x128xf32, #tpu.memory_space<vmem>>[vector<16xi32>, vector<16xi32>], vector<16xf32>,
        %add3A_295 = arith.constant 48 : i32
        %add3A_296 = vector.broadcast %add3A_295 : i32 to vector<16xi32>
        %add3A_297 = arith.addi %add3A_296, %iota3A : vector<16xi32>
        %gather3A_298 = tpu.vector_load_idx %arg6[%add3A_282, %add3A_297] : memref<64x128xf32, #tpu.memory_space<vmem>>[vector<16xi32>, vector<16xi32>], vector<16xf32>,
        tpu.vector_store_idx %arg10[%add3A_297, %add3A_282], %gather3A_298 : memref<128x128xf32, #tpu.memory_space<vmem>>[vector<16xi32>, vector<16xi32>], vector<16xf32>,
        %add3A_299 = arith.constant 64 : i32
        %add3A_300 = vector.broadcast %add3A_299 : i32 to vector<16xi32>
        %add3A_301 = arith.addi %add3A_300, %iota3A : vector<16xi32>
        %gather3A_302 = tpu.vector_load_idx %arg6[%add3A_282, %add3A_301] : memref<64x128xf32, #tpu.memory_space<vmem>>[vector<16xi32>, vector<16xi32>], vector<16xf32>,
        tpu.vector_store_idx %arg10[%add3A_301, %add3A_282], %gather3A_302 : memref<128x128xf32, #tpu.memory_space<vmem>>[vector<16xi32>, vector<16xi32>], vector<16xf32>,
        %add3A_303 = arith.constant 80 : i32
        %add3A_304 = vector.broadcast %add3A_303 : i32 to vector<16xi32>
        %add3A_305 = arith.addi %add3A_304, %iota3A : vector<16xi32>
        %gather3A_306 = tpu.vector_load_idx %arg6[%add3A_282, %add3A_305] : memref<64x128xf32, #tpu.memory_space<vmem>>[vector<16xi32>, vector<16xi32>], vector<16xf32>,
        tpu.vector_store_idx %arg10[%add3A_305, %add3A_282], %gather3A_306 : memref<128x128xf32, #tpu.memory_space<vmem>>[vector<16xi32>, vector<16xi32>], vector<16xf32>,
        %add3A_307 = arith.constant 96 : i32
        %add3A_308 = vector.broadcast %add3A_307 : i32 to vector<16xi32>
        %add3A_309 = arith.addi %add3A_308, %iota3A : vector<16xi32>
        %gather3A_310 = tpu.vector_load_idx %arg6[%add3A_282, %add3A_309] : memref<64x128xf32, #tpu.memory_space<vmem>>[vector<16xi32>, vector<16xi32>], vector<16xf32>,
        tpu.vector_store_idx %arg10[%add3A_309, %add3A_282], %gather3A_310 : memref<128x128xf32, #tpu.memory_space<vmem>>[vector<16xi32>, vector<16xi32>], vector<16xf32>,
        %add3A_311 = arith.constant 112 : i32
        %add3A_312 = vector.broadcast %add3A_311 : i32 to vector<16xi32>
        %add3A_313 = arith.addi %add3A_312, %iota3A : vector<16xi32>
        %gather3A_314 = tpu.vector_load_idx %arg6[%add3A_282, %add3A_313] : memref<64x128xf32, #tpu.memory_space<vmem>>[vector<16xi32>, vector<16xi32>], vector<16xf32>,
        tpu.vector_store_idx %arg10[%add3A_313, %add3A_282], %gather3A_314 : memref<128x128xf32, #tpu.memory_space<vmem>>[vector<16xi32>, vector<16xi32>], vector<16xf32>,
        %add3A_315 = arith.constant 48 : i32
        %add3A_316 = vector.broadcast %add3A_315 : i32 to vector<16xi32>
        %add3A_317 = arith.addi %add3A_316, %and3A_210 : vector<16xi32>
        %add3A_318 = arith.constant 0 : i32
        %add3A_319 = vector.broadcast %add3A_318 : i32 to vector<16xi32>
        %add3A_320 = arith.addi %add3A_319, %iota3A : vector<16xi32>
        %gather3A_321 = tpu.vector_load_idx %arg6[%add3A_317, %add3A_320] : memref<64x128xf32, #tpu.memory_space<vmem>>[vector<16xi32>, vector<16xi32>], vector<16xf32>,
        tpu.vector_store_idx %arg10[%add3A_320, %add3A_317], %gather3A_321 : memref<128x128xf32, #tpu.memory_space<vmem>>[vector<16xi32>, vector<16xi32>], vector<16xf32>,
        %add3A_322 = arith.constant 16 : i32
        %add3A_323 = vector.broadcast %add3A_322 : i32 to vector<16xi32>
        %add3A_324 = arith.addi %add3A_323, %iota3A : vector<16xi32>
        %gather3A_325 = tpu.vector_load_idx %arg6[%add3A_317, %add3A_324] : memref<64x128xf32, #tpu.memory_space<vmem>>[vector<16xi32>, vector<16xi32>], vector<16xf32>,
        tpu.vector_store_idx %arg10[%add3A_324, %add3A_317], %gather3A_325 : memref<128x128xf32, #tpu.memory_space<vmem>>[vector<16xi32>, vector<16xi32>], vector<16xf32>,
        %add3A_326 = arith.constant 32 : i32
        %add3A_327 = vector.broadcast %add3A_326 : i32 to vector<16xi32>
        %add3A_328 = arith.addi %add3A_327, %iota3A : vector<16xi32>
        %gather3A_329 = tpu.vector_load_idx %arg6[%add3A_317, %add3A_328] : memref<64x128xf32, #tpu.memory_space<vmem>>[vector<16xi32>, vector<16xi32>], vector<16xf32>,
        tpu.vector_store_idx %arg10[%add3A_328, %add3A_317], %gather3A_329 : memref<128x128xf32, #tpu.memory_space<vmem>>[vector<16xi32>, vector<16xi32>], vector<16xf32>,
        %add3A_330 = arith.constant 48 : i32
        %add3A_331 = vector.broadcast %add3A_330 : i32 to vector<16xi32>
        %add3A_332 = arith.addi %add3A_331, %iota3A : vector<16xi32>
        %gather3A_333 = tpu.vector_load_idx %arg6[%add3A_317, %add3A_332] : memref<64x128xf32, #tpu.memory_space<vmem>>[vector<16xi32>, vector<16xi32>], vector<16xf32>,
        tpu.vector_store_idx %arg10[%add3A_332, %add3A_317], %gather3A_333 : memref<128x128xf32, #tpu.memory_space<vmem>>[vector<16xi32>, vector<16xi32>], vector<16xf32>,
        %add3A_334 = arith.constant 64 : i32
        %add3A_335 = vector.broadcast %add3A_334 : i32 to vector<16xi32>
        %add3A_336 = arith.addi %add3A_335, %iota3A : vector<16xi32>
        %gather3A_337 = tpu.vector_load_idx %arg6[%add3A_317, %add3A_336] : memref<64x128xf32, #tpu.memory_space<vmem>>[vector<16xi32>, vector<16xi32>], vector<16xf32>,
        tpu.vector_store_idx %arg10[%add3A_336, %add3A_317], %gather3A_337 : memref<128x128xf32, #tpu.memory_space<vmem>>[vector<16xi32>, vector<16xi32>], vector<16xf32>,
        %add3A_338 = arith.constant 80 : i32
        %add3A_339 = vector.broadcast %add3A_338 : i32 to vector<16xi32>
        %add3A_340 = arith.addi %add3A_339, %iota3A : vector<16xi32>
        %gather3A_341 = tpu.vector_load_idx %arg6[%add3A_317, %add3A_340] : memref<64x128xf32, #tpu.memory_space<vmem>>[vector<16xi32>, vector<16xi32>], vector<16xf32>,
        tpu.vector_store_idx %arg10[%add3A_340, %add3A_317], %gather3A_341 : memref<128x128xf32, #tpu.memory_space<vmem>>[vector<16xi32>, vector<16xi32>], vector<16xf32>,
        %add3A_342 = arith.constant 96 : i32
        %add3A_343 = vector.broadcast %add3A_342 : i32 to vector<16xi32>
        %add3A_344 = arith.addi %add3A_343, %iota3A : vector<16xi32>
        %gather3A_345 = tpu.vector_load_idx %arg6[%add3A_317, %add3A_344] : memref<64x128xf32, #tpu.memory_space<vmem>>[vector<16xi32>, vector<16xi32>], vector<16xf32>,
        tpu.vector_store_idx %arg10[%add3A_344, %add3A_317], %gather3A_345 : memref<128x128xf32, #tpu.memory_space<vmem>>[vector<16xi32>, vector<16xi32>], vector<16xf32>,
        %add3A_346 = arith.constant 112 : i32
        %add3A_347 = vector.broadcast %add3A_346 : i32 to vector<16xi32>
        %add3A_348 = arith.addi %add3A_347, %iota3A : vector<16xi32>
        %gather3A_349 = tpu.vector_load_idx %arg6[%add3A_317, %add3A_348] : memref<64x128xf32, #tpu.memory_space<vmem>>[vector<16xi32>, vector<16xi32>], vector<16xf32>,
        tpu.vector_store_idx %arg10[%add3A_348, %add3A_317], %gather3A_349 : memref<128x128xf32, #tpu.memory_space<vmem>>[vector<16xi32>, vector<16xi32>], vector<16xf32>,
      }
      %scan3A_127 = arith.constant 16 : i32
      %ge3A_128 = arith.constant 1 : i32
      %ge3A_129 = arith.cmpi sge, %add3A_110, %ge3A_128 : i32
      %convert_element_type3A_130 = arith.extui %ge3A_129 : i1 to i32
      %cond3A_131 = arith.constant 0 : i32
      %cond3A_132 = arith.cmpi ne, %convert_element_type3A_130, %cond3A_131 : i32
      scf.if %cond3A_132 {
        %sub3A = arith.constant 1 : i32
        %sub3A_206 = arith.subi %add3A_110, %sub3A : i32
        %mul3A_207 = arith.constant 32 : i32
        %mul3A_208 = arith.muli %sub3A_206, %mul3A_207 : i32
        %add3A_209 = arith.addi %add3A, %mul3A_208 : i32
        %mul3A_210 = arith.constant 128 : i32
        %mul3A_211 = arith.muli %add3A_209, %mul3A_210 : i32
        %dma_start3A_212 = arith.constant 0 : i32
        %dma_start3A_213 = tpu.memref_slice %arg4[%mul3A_211, %dma_start3A_212] : memref<1000064x128xf32, #tpu.memory_space<hbm>> -> memref<128x128xf32, #tpu.memory_space<hbm>>
        %dma_start3A_214 = arith.constant 0 : i32
        %dma_start3A_215 = tpu.memref_slice %arg4[%mul3A_211, %dma_start3A_214] : memref<1000064x128xf32, #tpu.memory_space<hbm>> -> memref<128x128xf32, #tpu.memory_space<hbm>>
        tpu.enqueue_dma source(%arg9 : memref<128x128xf32, #tpu.memory_space<vmem>>) target(%dma_start3A_215 : memref<128x128xf32, #tpu.memory_space<hbm>>) target_semaphore(%arg17 : memref<!tpu.dma_semaphore, #tpu.memory_space<semaphore_mem>>)
      } else {
      }
      %add3A_133 = arith.constant 4 : i32
      %add3A_134 = arith.addi %add3A_110, %add3A_133 : i32
      %lt3A_135 = arith.constant 244 : i32
      %lt3A_136 = arith.cmpi slt, %add3A_134, %lt3A_135 : i32
      %convert_element_type3A_137 = arith.extui %lt3A_136 : i1 to i32
      %cond3A_138 = arith.constant 0 : i32
      %cond3A_139 = arith.cmpi ne, %convert_element_type3A_137, %cond3A_138 : i32
      scf.if %cond3A_139 {
        %add3A_206 = arith.constant 4 : i32
        %add3A_207 = arith.addi %add3A_110, %add3A_206 : i32
        %mul3A_208 = arith.constant 32 : i32
        %mul3A_209 = arith.muli %add3A_207, %mul3A_208 : i32
        %add3A_210 = arith.addi %add3A, %mul3A_209 : i32
        %mul3A_211 = arith.constant 128 : i32
        %mul3A_212 = arith.muli %add3A_210, %mul3A_211 : i32
        %dma_start3A_213 = arith.constant 0 : i32
        %dma_start3A_214 = tpu.memref_slice %arg2[%dma_start3A_213, %mul3A_212] : memref<64x1000000xf32, #tpu.memory_space<hbm>> -> memref<64x128xf32, #tpu.memory_space<hbm>>
        %dma_start3A_215 = arith.constant 0 : i32
        %dma_start3A_216 = tpu.memref_slice %arg2[%dma_start3A_215, %mul3A_212] : memref<64x1000000xf32, #tpu.memory_space<hbm>> -> memref<64x128xf32, #tpu.memory_space<hbm>>
        tpu.enqueue_dma source(%dma_start3A_216 : memref<64x128xf32, #tpu.memory_space<hbm>>) target(%arg6 : memref<64x128xf32, #tpu.memory_space<vmem>>) target_semaphore(%arg14 : memref<!tpu.dma_semaphore, #tpu.memory_space<semaphore_mem>>)
      } else {
      }
      %mul3A_140 = arith.constant 4 : i32
      %mul3A_141 = arith.muli %scan3A_74, %mul3A_140 : i32
      %add3A_142 = arith.constant 2 : i32
      %add3A_143 = arith.addi %mul3A_141, %add3A_142 : i32
      %dma_wait3A_144 = arith.constant 0 : i32
      %dma_wait3A_145 = arith.constant 0 : i32
      %dma_wait3A_146 = tpu.memref_slice %arg2[%dma_wait3A_144, %dma_wait3A_145] : memref<64x1000000xf32, #tpu.memory_space<hbm>> -> memref<64x128xf32, #tpu.memory_space<hbm>>
      %dma_wait3A_147 = arith.constant 0 : i32
      %dma_wait3A_148 = arith.constant 0 : i32
      %dma_wait3A_149 = tpu.memref_slice %arg2[%dma_wait3A_147, %dma_wait3A_148] : memref<64x1000000xf32, #tpu.memory_space<hbm>> -> memref<64x128xf32, #tpu.memory_space<hbm>>
      tpu.wait_dma2 semaphore(%arg15 : memref<!tpu.dma_semaphore, #tpu.memory_space<semaphore_mem>>) src(%dma_wait3A_149 : memref<64x128xf32, #tpu.memory_space<hbm>>) dst(%arg7 : memref<64x128xf32, #tpu.memory_space<vmem>>)
      %ge3A_150 = arith.constant 4 : i32
      %ge3A_151 = arith.cmpi sge, %add3A_143, %ge3A_150 : i32
      %convert_element_type3A_152 = arith.extui %ge3A_151 : i1 to i32
      %cond3A_153 = arith.constant 0 : i32
      %cond3A_154 = arith.cmpi ne, %convert_element_type3A_152, %cond3A_153 : i32
      scf.if %cond3A_154 {
        %dma_wait3A_206 = arith.constant 0 : i32
        %dma_wait3A_207 = arith.constant 0 : i32
        %dma_wait3A_208 = tpu.memref_slice %arg4[%dma_wait3A_206, %dma_wait3A_207] : memref<1000064x128xf32, #tpu.memory_space<hbm>> -> memref<128x128xf32, #tpu.memory_space<hbm>>
        %dma_wait3A_209 = arith.constant 0 : i32
        %dma_wait3A_210 = arith.constant 0 : i32
        %dma_wait3A_211 = tpu.memref_slice %arg4[%dma_wait3A_209, %dma_wait3A_210] : memref<1000064x128xf32, #tpu.memory_space<hbm>> -> memref<128x128xf32, #tpu.memory_space<hbm>>
        tpu.wait_dma2 semaphore(%arg19 : memref<!tpu.dma_semaphore, #tpu.memory_space<semaphore_mem>>) src(%arg11 : memref<128x128xf32, #tpu.memory_space<vmem>>) dst(%dma_wait3A_211 : memref<128x128xf32, #tpu.memory_space<hbm>>)
      } else {
      }
      %scan3A_155 = arith.constant 0 : i32
      %scan3A_156 = arith.constant 0 : i32
      %scan3A_157 = arith.constant 16 : i32
      %scan3A_158 = arith.addi %scan3A_156, %scan3A_157 : i32
      %scan3A_159 = arith.constant 1 : i32
      scf.for %scan3A_206 = %scan3A_156 to %scan3A_158 step %scan3A_159  : i32 {
        %add3A_207 = vector.broadcast %scan3A_206 : i32 to vector<16xi32>
        %add3A_208 = arith.addi %iota3A, %add3A_207 : vector<16xi32>
        %and3A = arith.constant 15 : i32
        %and3A_209 = vector.broadcast %and3A : i32 to vector<16xi32>
        %and3A_210 = arith.andi %add3A_208, %and3A_209 : vector<16xi32>
        %add3A_211 = arith.constant 0 : i32
        %add3A_212 = vector.broadcast %add3A_211 : i32 to vector<16xi32>
        %add3A_213 = arith.addi %add3A_212, %and3A_210 : vector<16xi32>
        %add3A_214 = arith.constant 0 : i32
        %add3A_215 = vector.broadcast %add3A_214 : i32 to vector<16xi32>
        %add3A_216 = arith.addi %add3A_215, %iota3A : vector<16xi32>
        %gather3A = tpu.vector_load_idx %arg7[%add3A_213, %add3A_216] : memref<64x128xf32, #tpu.memory_space<vmem>>[vector<16xi32>, vector<16xi32>], vector<16xf32>,
        tpu.vector_store_idx %arg11[%add3A_216, %add3A_213], %gather3A : memref<128x128xf32, #tpu.memory_space<vmem>>[vector<16xi32>, vector<16xi32>], vector<16xf32>,
        %add3A_217 = arith.constant 16 : i32
        %add3A_218 = vector.broadcast %add3A_217 : i32 to vector<16xi32>
        %add3A_219 = arith.addi %add3A_218, %iota3A : vector<16xi32>
        %gather3A_220 = tpu.vector_load_idx %arg7[%add3A_213, %add3A_219] : memref<64x128xf32, #tpu.memory_space<vmem>>[vector<16xi32>, vector<16xi32>], vector<16xf32>,
        tpu.vector_store_idx %arg11[%add3A_219, %add3A_213], %gather3A_220 : memref<128x128xf32, #tpu.memory_space<vmem>>[vector<16xi32>, vector<16xi32>], vector<16xf32>,
        %add3A_221 = arith.constant 32 : i32
        %add3A_222 = vector.broadcast %add3A_221 : i32 to vector<16xi32>
        %add3A_223 = arith.addi %add3A_222, %iota3A : vector<16xi32>
        %gather3A_224 = tpu.vector_load_idx %arg7[%add3A_213, %add3A_223] : memref<64x128xf32, #tpu.memory_space<vmem>>[vector<16xi32>, vector<16xi32>], vector<16xf32>,
        tpu.vector_store_idx %arg11[%add3A_223, %add3A_213], %gather3A_224 : memref<128x128xf32, #tpu.memory_space<vmem>>[vector<16xi32>, vector<16xi32>], vector<16xf32>,
        %add3A_225 = arith.constant 48 : i32
        %add3A_226 = vector.broadcast %add3A_225 : i32 to vector<16xi32>
        %add3A_227 = arith.addi %add3A_226, %iota3A : vector<16xi32>
        %gather3A_228 = tpu.vector_load_idx %arg7[%add3A_213, %add3A_227] : memref<64x128xf32, #tpu.memory_space<vmem>>[vector<16xi32>, vector<16xi32>], vector<16xf32>,
        tpu.vector_store_idx %arg11[%add3A_227, %add3A_213], %gather3A_228 : memref<128x128xf32, #tpu.memory_space<vmem>>[vector<16xi32>, vector<16xi32>], vector<16xf32>,
        %add3A_229 = arith.constant 64 : i32
        %add3A_230 = vector.broadcast %add3A_229 : i32 to vector<16xi32>
        %add3A_231 = arith.addi %add3A_230, %iota3A : vector<16xi32>
        %gather3A_232 = tpu.vector_load_idx %arg7[%add3A_213, %add3A_231] : memref<64x128xf32, #tpu.memory_space<vmem>>[vector<16xi32>, vector<16xi32>], vector<16xf32>,
        tpu.vector_store_idx %arg11[%add3A_231, %add3A_213], %gather3A_232 : memref<128x128xf32, #tpu.memory_space<vmem>>[vector<16xi32>, vector<16xi32>], vector<16xf32>,
        %add3A_233 = arith.constant 80 : i32
        %add3A_234 = vector.broadcast %add3A_233 : i32 to vector<16xi32>
        %add3A_235 = arith.addi %add3A_234, %iota3A : vector<16xi32>
        %gather3A_236 = tpu.vector_load_idx %arg7[%add3A_213, %add3A_235] : memref<64x128xf32, #tpu.memory_space<vmem>>[vector<16xi32>, vector<16xi32>], vector<16xf32>,
        tpu.vector_store_idx %arg11[%add3A_235, %add3A_213], %gather3A_236 : memref<128x128xf32, #tpu.memory_space<vmem>>[vector<16xi32>, vector<16xi32>], vector<16xf32>,
        %add3A_237 = arith.constant 96 : i32
        %add3A_238 = vector.broadcast %add3A_237 : i32 to vector<16xi32>
        %add3A_239 = arith.addi %add3A_238, %iota3A : vector<16xi32>
        %gather3A_240 = tpu.vector_load_idx %arg7[%add3A_213, %add3A_239] : memref<64x128xf32, #tpu.memory_space<vmem>>[vector<16xi32>, vector<16xi32>], vector<16xf32>,
        tpu.vector_store_idx %arg11[%add3A_239, %add3A_213], %gather3A_240 : memref<128x128xf32, #tpu.memory_space<vmem>>[vector<16xi32>, vector<16xi32>], vector<16xf32>,
        %add3A_241 = arith.constant 112 : i32
        %add3A_242 = vector.broadcast %add3A_241 : i32 to vector<16xi32>
        %add3A_243 = arith.addi %add3A_242, %iota3A : vector<16xi32>
        %gather3A_244 = tpu.vector_load_idx %arg7[%add3A_213, %add3A_243] : memref<64x128xf32, #tpu.memory_space<vmem>>[vector<16xi32>, vector<16xi32>], vector<16xf32>,
        tpu.vector_store_idx %arg11[%add3A_243, %add3A_213], %gather3A_244 : memref<128x128xf32, #tpu.memory_space<vmem>>[vector<16xi32>, vector<16xi32>], vector<16xf32>,
        %add3A_245 = arith.constant 16 : i32
        %add3A_246 = vector.broadcast %add3A_245 : i32 to vector<16xi32>
        %add3A_247 = arith.addi %add3A_246, %and3A_210 : vector<16xi32>
        %add3A_248 = arith.constant 0 : i32
        %add3A_249 = vector.broadcast %add3A_248 : i32 to vector<16xi32>
        %add3A_250 = arith.addi %add3A_249, %iota3A : vector<16xi32>
        %gather3A_251 = tpu.vector_load_idx %arg7[%add3A_247, %add3A_250] : memref<64x128xf32, #tpu.memory_space<vmem>>[vector<16xi32>, vector<16xi32>], vector<16xf32>,
        tpu.vector_store_idx %arg11[%add3A_250, %add3A_247], %gather3A_251 : memref<128x128xf32, #tpu.memory_space<vmem>>[vector<16xi32>, vector<16xi32>], vector<16xf32>,
        %add3A_252 = arith.constant 16 : i32
        %add3A_253 = vector.broadcast %add3A_252 : i32 to vector<16xi32>
        %add3A_254 = arith.addi %add3A_253, %iota3A : vector<16xi32>
        %gather3A_255 = tpu.vector_load_idx %arg7[%add3A_247, %add3A_254] : memref<64x128xf32, #tpu.memory_space<vmem>>[vector<16xi32>, vector<16xi32>], vector<16xf32>,
        tpu.vector_store_idx %arg11[%add3A_254, %add3A_247], %gather3A_255 : memref<128x128xf32, #tpu.memory_space<vmem>>[vector<16xi32>, vector<16xi32>], vector<16xf32>,
        %add3A_256 = arith.constant 32 : i32
        %add3A_257 = vector.broadcast %add3A_256 : i32 to vector<16xi32>
        %add3A_258 = arith.addi %add3A_257, %iota3A : vector<16xi32>
        %gather3A_259 = tpu.vector_load_idx %arg7[%add3A_247, %add3A_258] : memref<64x128xf32, #tpu.memory_space<vmem>>[vector<16xi32>, vector<16xi32>], vector<16xf32>,
        tpu.vector_store_idx %arg11[%add3A_258, %add3A_247], %gather3A_259 : memref<128x128xf32, #tpu.memory_space<vmem>>[vector<16xi32>, vector<16xi32>], vector<16xf32>,
        %add3A_260 = arith.constant 48 : i32
        %add3A_261 = vector.broadcast %add3A_260 : i32 to vector<16xi32>
        %add3A_262 = arith.addi %add3A_261, %iota3A : vector<16xi32>
        %gather3A_263 = tpu.vector_load_idx %arg7[%add3A_247, %add3A_262] : memref<64x128xf32, #tpu.memory_space<vmem>>[vector<16xi32>, vector<16xi32>], vector<16xf32>,
        tpu.vector_store_idx %arg11[%add3A_262, %add3A_247], %gather3A_263 : memref<128x128xf32, #tpu.memory_space<vmem>>[vector<16xi32>, vector<16xi32>], vector<16xf32>,
        %add3A_264 = arith.constant 64 : i32
        %add3A_265 = vector.broadcast %add3A_264 : i32 to vector<16xi32>
        %add3A_266 = arith.addi %add3A_265, %iota3A : vector<16xi32>
        %gather3A_267 = tpu.vector_load_idx %arg7[%add3A_247, %add3A_266] : memref<64x128xf32, #tpu.memory_space<vmem>>[vector<16xi32>, vector<16xi32>], vector<16xf32>,
        tpu.vector_store_idx %arg11[%add3A_266, %add3A_247], %gather3A_267 : memref<128x128xf32, #tpu.memory_space<vmem>>[vector<16xi32>, vector<16xi32>], vector<16xf32>,
        %add3A_268 = arith.constant 80 : i32
        %add3A_269 = vector.broadcast %add3A_268 : i32 to vector<16xi32>
        %add3A_270 = arith.addi %add3A_269, %iota3A : vector<16xi32>
        %gather3A_271 = tpu.vector_load_idx %arg7[%add3A_247, %add3A_270] : memref<64x128xf32, #tpu.memory_space<vmem>>[vector<16xi32>, vector<16xi32>], vector<16xf32>,
        tpu.vector_store_idx %arg11[%add3A_270, %add3A_247], %gather3A_271 : memref<128x128xf32, #tpu.memory_space<vmem>>[vector<16xi32>, vector<16xi32>], vector<16xf32>,
        %add3A_272 = arith.constant 96 : i32
        %add3A_273 = vector.broadcast %add3A_272 : i32 to vector<16xi32>
        %add3A_274 = arith.addi %add3A_273, %iota3A : vector<16xi32>
        %gather3A_275 = tpu.vector_load_idx %arg7[%add3A_247, %add3A_274] : memref<64x128xf32, #tpu.memory_space<vmem>>[vector<16xi32>, vector<16xi32>], vector<16xf32>,
        tpu.vector_store_idx %arg11[%add3A_274, %add3A_247], %gather3A_275 : memref<128x128xf32, #tpu.memory_space<vmem>>[vector<16xi32>, vector<16xi32>], vector<16xf32>,
        %add3A_276 = arith.constant 112 : i32
        %add3A_277 = vector.broadcast %add3A_276 : i32 to vector<16xi32>
        %add3A_278 = arith.addi %add3A_277, %iota3A : vector<16xi32>
        %gather3A_279 = tpu.vector_load_idx %arg7[%add3A_247, %add3A_278] : memref<64x128xf32, #tpu.memory_space<vmem>>[vector<16xi32>, vector<16xi32>], vector<16xf32>,
        tpu.vector_store_idx %arg11[%add3A_278, %add3A_247], %gather3A_279 : memref<128x128xf32, #tpu.memory_space<vmem>>[vector<16xi32>, vector<16xi32>], vector<16xf32>,
        %add3A_280 = arith.constant 32 : i32
        %add3A_281 = vector.broadcast %add3A_280 : i32 to vector<16xi32>
        %add3A_282 = arith.addi %add3A_281, %and3A_210 : vector<16xi32>
        %add3A_283 = arith.constant 0 : i32
        %add3A_284 = vector.broadcast %add3A_283 : i32 to vector<16xi32>
        %add3A_285 = arith.addi %add3A_284, %iota3A : vector<16xi32>
        %gather3A_286 = tpu.vector_load_idx %arg7[%add3A_282, %add3A_285] : memref<64x128xf32, #tpu.memory_space<vmem>>[vector<16xi32>, vector<16xi32>], vector<16xf32>,
        tpu.vector_store_idx %arg11[%add3A_285, %add3A_282], %gather3A_286 : memref<128x128xf32, #tpu.memory_space<vmem>>[vector<16xi32>, vector<16xi32>], vector<16xf32>,
        %add3A_287 = arith.constant 16 : i32
        %add3A_288 = vector.broadcast %add3A_287 : i32 to vector<16xi32>
        %add3A_289 = arith.addi %add3A_288, %iota3A : vector<16xi32>
        %gather3A_290 = tpu.vector_load_idx %arg7[%add3A_282, %add3A_289] : memref<64x128xf32, #tpu.memory_space<vmem>>[vector<16xi32>, vector<16xi32>], vector<16xf32>,
        tpu.vector_store_idx %arg11[%add3A_289, %add3A_282], %gather3A_290 : memref<128x128xf32, #tpu.memory_space<vmem>>[vector<16xi32>, vector<16xi32>], vector<16xf32>,
        %add3A_291 = arith.constant 32 : i32
        %add3A_292 = vector.broadcast %add3A_291 : i32 to vector<16xi32>
        %add3A_293 = arith.addi %add3A_292, %iota3A : vector<16xi32>
        %gather3A_294 = tpu.vector_load_idx %arg7[%add3A_282, %add3A_293] : memref<64x128xf32, #tpu.memory_space<vmem>>[vector<16xi32>, vector<16xi32>], vector<16xf32>,
        tpu.vector_store_idx %arg11[%add3A_293, %add3A_282], %gather3A_294 : memref<128x128xf32, #tpu.memory_space<vmem>>[vector<16xi32>, vector<16xi32>], vector<16xf32>,
        %add3A_295 = arith.constant 48 : i32
        %add3A_296 = vector.broadcast %add3A_295 : i32 to vector<16xi32>
        %add3A_297 = arith.addi %add3A_296, %iota3A : vector<16xi32>
        %gather3A_298 = tpu.vector_load_idx %arg7[%add3A_282, %add3A_297] : memref<64x128xf32, #tpu.memory_space<vmem>>[vector<16xi32>, vector<16xi32>], vector<16xf32>,
        tpu.vector_store_idx %arg11[%add3A_297, %add3A_282], %gather3A_298 : memref<128x128xf32, #tpu.memory_space<vmem>>[vector<16xi32>, vector<16xi32>], vector<16xf32>,
        %add3A_299 = arith.constant 64 : i32
        %add3A_300 = vector.broadcast %add3A_299 : i32 to vector<16xi32>
        %add3A_301 = arith.addi %add3A_300, %iota3A : vector<16xi32>
        %gather3A_302 = tpu.vector_load_idx %arg7[%add3A_282, %add3A_301] : memref<64x128xf32, #tpu.memory_space<vmem>>[vector<16xi32>, vector<16xi32>], vector<16xf32>,
        tpu.vector_store_idx %arg11[%add3A_301, %add3A_282], %gather3A_302 : memref<128x128xf32, #tpu.memory_space<vmem>>[vector<16xi32>, vector<16xi32>], vector<16xf32>,
        %add3A_303 = arith.constant 80 : i32
        %add3A_304 = vector.broadcast %add3A_303 : i32 to vector<16xi32>
        %add3A_305 = arith.addi %add3A_304, %iota3A : vector<16xi32>
        %gather3A_306 = tpu.vector_load_idx %arg7[%add3A_282, %add3A_305] : memref<64x128xf32, #tpu.memory_space<vmem>>[vector<16xi32>, vector<16xi32>], vector<16xf32>,
        tpu.vector_store_idx %arg11[%add3A_305, %add3A_282], %gather3A_306 : memref<128x128xf32, #tpu.memory_space<vmem>>[vector<16xi32>, vector<16xi32>], vector<16xf32>,
        %add3A_307 = arith.constant 96 : i32
        %add3A_308 = vector.broadcast %add3A_307 : i32 to vector<16xi32>
        %add3A_309 = arith.addi %add3A_308, %iota3A : vector<16xi32>
        %gather3A_310 = tpu.vector_load_idx %arg7[%add3A_282, %add3A_309] : memref<64x128xf32, #tpu.memory_space<vmem>>[vector<16xi32>, vector<16xi32>], vector<16xf32>,
        tpu.vector_store_idx %arg11[%add3A_309, %add3A_282], %gather3A_310 : memref<128x128xf32, #tpu.memory_space<vmem>>[vector<16xi32>, vector<16xi32>], vector<16xf32>,
        %add3A_311 = arith.constant 112 : i32
        %add3A_312 = vector.broadcast %add3A_311 : i32 to vector<16xi32>
        %add3A_313 = arith.addi %add3A_312, %iota3A : vector<16xi32>
        %gather3A_314 = tpu.vector_load_idx %arg7[%add3A_282, %add3A_313] : memref<64x128xf32, #tpu.memory_space<vmem>>[vector<16xi32>, vector<16xi32>], vector<16xf32>,
        tpu.vector_store_idx %arg11[%add3A_313, %add3A_282], %gather3A_314 : memref<128x128xf32, #tpu.memory_space<vmem>>[vector<16xi32>, vector<16xi32>], vector<16xf32>,
        %add3A_315 = arith.constant 48 : i32
        %add3A_316 = vector.broadcast %add3A_315 : i32 to vector<16xi32>
        %add3A_317 = arith.addi %add3A_316, %and3A_210 : vector<16xi32>
        %add3A_318 = arith.constant 0 : i32
        %add3A_319 = vector.broadcast %add3A_318 : i32 to vector<16xi32>
        %add3A_320 = arith.addi %add3A_319, %iota3A : vector<16xi32>
        %gather3A_321 = tpu.vector_load_idx %arg7[%add3A_317, %add3A_320] : memref<64x128xf32, #tpu.memory_space<vmem>>[vector<16xi32>, vector<16xi32>], vector<16xf32>,
        tpu.vector_store_idx %arg11[%add3A_320, %add3A_317], %gather3A_321 : memref<128x128xf32, #tpu.memory_space<vmem>>[vector<16xi32>, vector<16xi32>], vector<16xf32>,
        %add3A_322 = arith.constant 16 : i32
        %add3A_323 = vector.broadcast %add3A_322 : i32 to vector<16xi32>
        %add3A_324 = arith.addi %add3A_323, %iota3A : vector<16xi32>
        %gather3A_325 = tpu.vector_load_idx %arg7[%add3A_317, %add3A_324] : memref<64x128xf32, #tpu.memory_space<vmem>>[vector<16xi32>, vector<16xi32>], vector<16xf32>,
        tpu.vector_store_idx %arg11[%add3A_324, %add3A_317], %gather3A_325 : memref<128x128xf32, #tpu.memory_space<vmem>>[vector<16xi32>, vector<16xi32>], vector<16xf32>,
        %add3A_326 = arith.constant 32 : i32
        %add3A_327 = vector.broadcast %add3A_326 : i32 to vector<16xi32>
        %add3A_328 = arith.addi %add3A_327, %iota3A : vector<16xi32>
        %gather3A_329 = tpu.vector_load_idx %arg7[%add3A_317, %add3A_328] : memref<64x128xf32, #tpu.memory_space<vmem>>[vector<16xi32>, vector<16xi32>], vector<16xf32>,
        tpu.vector_store_idx %arg11[%add3A_328, %add3A_317], %gather3A_329 : memref<128x128xf32, #tpu.memory_space<vmem>>[vector<16xi32>, vector<16xi32>], vector<16xf32>,
        %add3A_330 = arith.constant 48 : i32
        %add3A_331 = vector.broadcast %add3A_330 : i32 to vector<16xi32>
        %add3A_332 = arith.addi %add3A_331, %iota3A : vector<16xi32>
        %gather3A_333 = tpu.vector_load_idx %arg7[%add3A_317, %add3A_332] : memref<64x128xf32, #tpu.memory_space<vmem>>[vector<16xi32>, vector<16xi32>], vector<16xf32>,
        tpu.vector_store_idx %arg11[%add3A_332, %add3A_317], %gather3A_333 : memref<128x128xf32, #tpu.memory_space<vmem>>[vector<16xi32>, vector<16xi32>], vector<16xf32>,
        %add3A_334 = arith.constant 64 : i32
        %add3A_335 = vector.broadcast %add3A_334 : i32 to vector<16xi32>
        %add3A_336 = arith.addi %add3A_335, %iota3A : vector<16xi32>
        %gather3A_337 = tpu.vector_load_idx %arg7[%add3A_317, %add3A_336] : memref<64x128xf32, #tpu.memory_space<vmem>>[vector<16xi32>, vector<16xi32>], vector<16xf32>,
        tpu.vector_store_idx %arg11[%add3A_336, %add3A_317], %gather3A_337 : memref<128x128xf32, #tpu.memory_space<vmem>>[vector<16xi32>, vector<16xi32>], vector<16xf32>,
        %add3A_338 = arith.constant 80 : i32
        %add3A_339 = vector.broadcast %add3A_338 : i32 to vector<16xi32>
        %add3A_340 = arith.addi %add3A_339, %iota3A : vector<16xi32>
        %gather3A_341 = tpu.vector_load_idx %arg7[%add3A_317, %add3A_340] : memref<64x128xf32, #tpu.memory_space<vmem>>[vector<16xi32>, vector<16xi32>], vector<16xf32>,
        tpu.vector_store_idx %arg11[%add3A_340, %add3A_317], %gather3A_341 : memref<128x128xf32, #tpu.memory_space<vmem>>[vector<16xi32>, vector<16xi32>], vector<16xf32>,
        %add3A_342 = arith.constant 96 : i32
        %add3A_343 = vector.broadcast %add3A_342 : i32 to vector<16xi32>
        %add3A_344 = arith.addi %add3A_343, %iota3A : vector<16xi32>
        %gather3A_345 = tpu.vector_load_idx %arg7[%add3A_317, %add3A_344] : memref<64x128xf32, #tpu.memory_space<vmem>>[vector<16xi32>, vector<16xi32>], vector<16xf32>,
        tpu.vector_store_idx %arg11[%add3A_344, %add3A_317], %gather3A_345 : memref<128x128xf32, #tpu.memory_space<vmem>>[vector<16xi32>, vector<16xi32>], vector<16xf32>,
        %add3A_346 = arith.constant 112 : i32
        %add3A_347 = vector.broadcast %add3A_346 : i32 to vector<16xi32>
        %add3A_348 = arith.addi %add3A_347, %iota3A : vector<16xi32>
        %gather3A_349 = tpu.vector_load_idx %arg7[%add3A_317, %add3A_348] : memref<64x128xf32, #tpu.memory_space<vmem>>[vector<16xi32>, vector<16xi32>], vector<16xf32>,
        tpu.vector_store_idx %arg11[%add3A_348, %add3A_317], %gather3A_349 : memref<128x128xf32, #tpu.memory_space<vmem>>[vector<16xi32>, vector<16xi32>], vector<16xf32>,
      }
      %scan3A_160 = arith.constant 16 : i32
      %ge3A_161 = arith.constant 1 : i32
      %ge3A_162 = arith.cmpi sge, %add3A_143, %ge3A_161 : i32
      %convert_element_type3A_163 = arith.extui %ge3A_162 : i1 to i32
      %cond3A_164 = arith.constant 0 : i32
      %cond3A_165 = arith.cmpi ne, %convert_element_type3A_163, %cond3A_164 : i32
      scf.if %cond3A_165 {
        %sub3A = arith.constant 1 : i32
        %sub3A_206 = arith.subi %add3A_143, %sub3A : i32
        %mul3A_207 = arith.constant 32 : i32
        %mul3A_208 = arith.muli %sub3A_206, %mul3A_207 : i32
        %add3A_209 = arith.addi %add3A, %mul3A_208 : i32
        %mul3A_210 = arith.constant 128 : i32
        %mul3A_211 = arith.muli %add3A_209, %mul3A_210 : i32
        %dma_start3A_212 = arith.constant 0 : i32
        %dma_start3A_213 = tpu.memref_slice %arg4[%mul3A_211, %dma_start3A_212] : memref<1000064x128xf32, #tpu.memory_space<hbm>> -> memref<128x128xf32, #tpu.memory_space<hbm>>
        %dma_start3A_214 = arith.constant 0 : i32
        %dma_start3A_215 = tpu.memref_slice %arg4[%mul3A_211, %dma_start3A_214] : memref<1000064x128xf32, #tpu.memory_space<hbm>> -> memref<128x128xf32, #tpu.memory_space<hbm>>
        tpu.enqueue_dma source(%arg10 : memref<128x128xf32, #tpu.memory_space<vmem>>) target(%dma_start3A_215 : memref<128x128xf32, #tpu.memory_space<hbm>>) target_semaphore(%arg18 : memref<!tpu.dma_semaphore, #tpu.memory_space<semaphore_mem>>)
      } else {
      }
      %add3A_166 = arith.constant 4 : i32
      %add3A_167 = arith.addi %add3A_143, %add3A_166 : i32
      %lt3A_168 = arith.constant 244 : i32
      %lt3A_169 = arith.cmpi slt, %add3A_167, %lt3A_168 : i32
      %convert_element_type3A_170 = arith.extui %lt3A_169 : i1 to i32
      %cond3A_171 = arith.constant 0 : i32
      %cond3A_172 = arith.cmpi ne, %convert_element_type3A_170, %cond3A_171 : i32
      scf.if %cond3A_172 {
        %add3A_206 = arith.constant 4 : i32
        %add3A_207 = arith.addi %add3A_143, %add3A_206 : i32
        %mul3A_208 = arith.constant 32 : i32
        %mul3A_209 = arith.muli %add3A_207, %mul3A_208 : i32
        %add3A_210 = arith.addi %add3A, %mul3A_209 : i32
        %mul3A_211 = arith.constant 128 : i32
        %mul3A_212 = arith.muli %add3A_210, %mul3A_211 : i32
        %dma_start3A_213 = arith.constant 0 : i32
        %dma_start3A_214 = tpu.memref_slice %arg2[%dma_start3A_213, %mul3A_212] : memref<64x1000000xf32, #tpu.memory_space<hbm>> -> memref<64x128xf32, #tpu.memory_space<hbm>>
        %dma_start3A_215 = arith.constant 0 : i32
        %dma_start3A_216 = tpu.memref_slice %arg2[%dma_start3A_215, %mul3A_212] : memref<64x1000000xf32, #tpu.memory_space<hbm>> -> memref<64x128xf32, #tpu.memory_space<hbm>>
        tpu.enqueue_dma source(%dma_start3A_216 : memref<64x128xf32, #tpu.memory_space<hbm>>) target(%arg7 : memref<64x128xf32, #tpu.memory_space<vmem>>) target_semaphore(%arg15 : memref<!tpu.dma_semaphore, #tpu.memory_space<semaphore_mem>>)
      } else {
      }
      %mul3A_173 = arith.constant 4 : i32
      %mul3A_174 = arith.muli %scan3A_74, %mul3A_173 : i32
      %add3A_175 = arith.constant 3 : i32
      %add3A_176 = arith.addi %mul3A_174, %add3A_175 : i32
      %dma_wait3A_177 = arith.constant 0 : i32
      %dma_wait3A_178 = arith.constant 0 : i32
      %dma_wait3A_179 = tpu.memref_slice %arg2[%dma_wait3A_177, %dma_wait3A_178] : memref<64x1000000xf32, #tpu.memory_space<hbm>> -> memref<64x128xf32, #tpu.memory_space<hbm>>
      %dma_wait3A_180 = arith.constant 0 : i32
      %dma_wait3A_181 = arith.constant 0 : i32
      %dma_wait3A_182 = tpu.memref_slice %arg2[%dma_wait3A_180, %dma_wait3A_181] : memref<64x1000000xf32, #tpu.memory_space<hbm>> -> memref<64x128xf32, #tpu.memory_space<hbm>>
      tpu.wait_dma2 semaphore(%arg16 : memref<!tpu.dma_semaphore, #tpu.memory_space<semaphore_mem>>) src(%dma_wait3A_182 : memref<64x128xf32, #tpu.memory_space<hbm>>) dst(%arg8 : memref<64x128xf32, #tpu.memory_space<vmem>>)
      %ge3A_183 = arith.constant 4 : i32
      %ge3A_184 = arith.cmpi sge, %add3A_176, %ge3A_183 : i32
      %convert_element_type3A_185 = arith.extui %ge3A_184 : i1 to i32
      %cond3A_186 = arith.constant 0 : i32
      %cond3A_187 = arith.cmpi ne, %convert_element_type3A_185, %cond3A_186 : i32
      scf.if %cond3A_187 {
        %dma_wait3A_206 = arith.constant 0 : i32
        %dma_wait3A_207 = arith.constant 0 : i32
        %dma_wait3A_208 = tpu.memref_slice %arg4[%dma_wait3A_206, %dma_wait3A_207] : memref<1000064x128xf32, #tpu.memory_space<hbm>> -> memref<128x128xf32, #tpu.memory_space<hbm>>
        %dma_wait3A_209 = arith.constant 0 : i32
        %dma_wait3A_210 = arith.constant 0 : i32
        %dma_wait3A_211 = tpu.memref_slice %arg4[%dma_wait3A_209, %dma_wait3A_210] : memref<1000064x128xf32, #tpu.memory_space<hbm>> -> memref<128x128xf32, #tpu.memory_space<hbm>>
        tpu.wait_dma2 semaphore(%arg20 : memref<!tpu.dma_semaphore, #tpu.memory_space<semaphore_mem>>) src(%arg12 : memref<128x128xf32, #tpu.memory_space<vmem>>) dst(%dma_wait3A_211 : memref<128x128xf32, #tpu.memory_space<hbm>>)
      } else {
      }
      %scan3A_188 = arith.constant 0 : i32
      %scan3A_189 = arith.constant 0 : i32
      %scan3A_190 = arith.constant 16 : i32
      %scan3A_191 = arith.addi %scan3A_189, %scan3A_190 : i32
      %scan3A_192 = arith.constant 1 : i32
      scf.for %scan3A_206 = %scan3A_189 to %scan3A_191 step %scan3A_192  : i32 {
        %add3A_207 = vector.broadcast %scan3A_206 : i32 to vector<16xi32>
        %add3A_208 = arith.addi %iota3A, %add3A_207 : vector<16xi32>
        %and3A = arith.constant 15 : i32
        %and3A_209 = vector.broadcast %and3A : i32 to vector<16xi32>
        %and3A_210 = arith.andi %add3A_208, %and3A_209 : vector<16xi32>
        %add3A_211 = arith.constant 0 : i32
        %add3A_212 = vector.broadcast %add3A_211 : i32 to vector<16xi32>
        %add3A_213 = arith.addi %add3A_212, %and3A_210 : vector<16xi32>
        %add3A_214 = arith.constant 0 : i32
        %add3A_215 = vector.broadcast %add3A_214 : i32 to vector<16xi32>
        %add3A_216 = arith.addi %add3A_215, %iota3A : vector<16xi32>
        %gather3A = tpu.vector_load_idx %arg8[%add3A_213, %add3A_216] : memref<64x128xf32, #tpu.memory_space<vmem>>[vector<16xi32>, vector<16xi32>], vector<16xf32>,
        tpu.vector_store_idx %arg12[%add3A_216, %add3A_213], %gather3A : memref<128x128xf32, #tpu.memory_space<vmem>>[vector<16xi32>, vector<16xi32>], vector<16xf32>,
        %add3A_217 = arith.constant 16 : i32
        %add3A_218 = vector.broadcast %add3A_217 : i32 to vector<16xi32>
        %add3A_219 = arith.addi %add3A_218, %iota3A : vector<16xi32>
        %gather3A_220 = tpu.vector_load_idx %arg8[%add3A_213, %add3A_219] : memref<64x128xf32, #tpu.memory_space<vmem>>[vector<16xi32>, vector<16xi32>], vector<16xf32>,
        tpu.vector_store_idx %arg12[%add3A_219, %add3A_213], %gather3A_220 : memref<128x128xf32, #tpu.memory_space<vmem>>[vector<16xi32>, vector<16xi32>], vector<16xf32>,
        %add3A_221 = arith.constant 32 : i32
        %add3A_222 = vector.broadcast %add3A_221 : i32 to vector<16xi32>
        %add3A_223 = arith.addi %add3A_222, %iota3A : vector<16xi32>
        %gather3A_224 = tpu.vector_load_idx %arg8[%add3A_213, %add3A_223] : memref<64x128xf32, #tpu.memory_space<vmem>>[vector<16xi32>, vector<16xi32>], vector<16xf32>,
        tpu.vector_store_idx %arg12[%add3A_223, %add3A_213], %gather3A_224 : memref<128x128xf32, #tpu.memory_space<vmem>>[vector<16xi32>, vector<16xi32>], vector<16xf32>,
        %add3A_225 = arith.constant 48 : i32
        %add3A_226 = vector.broadcast %add3A_225 : i32 to vector<16xi32>
        %add3A_227 = arith.addi %add3A_226, %iota3A : vector<16xi32>
        %gather3A_228 = tpu.vector_load_idx %arg8[%add3A_213, %add3A_227] : memref<64x128xf32, #tpu.memory_space<vmem>>[vector<16xi32>, vector<16xi32>], vector<16xf32>,
        tpu.vector_store_idx %arg12[%add3A_227, %add3A_213], %gather3A_228 : memref<128x128xf32, #tpu.memory_space<vmem>>[vector<16xi32>, vector<16xi32>], vector<16xf32>,
        %add3A_229 = arith.constant 64 : i32
        %add3A_230 = vector.broadcast %add3A_229 : i32 to vector<16xi32>
        %add3A_231 = arith.addi %add3A_230, %iota3A : vector<16xi32>
        %gather3A_232 = tpu.vector_load_idx %arg8[%add3A_213, %add3A_231] : memref<64x128xf32, #tpu.memory_space<vmem>>[vector<16xi32>, vector<16xi32>], vector<16xf32>,
        tpu.vector_store_idx %arg12[%add3A_231, %add3A_213], %gather3A_232 : memref<128x128xf32, #tpu.memory_space<vmem>>[vector<16xi32>, vector<16xi32>], vector<16xf32>,
        %add3A_233 = arith.constant 80 : i32
        %add3A_234 = vector.broadcast %add3A_233 : i32 to vector<16xi32>
        %add3A_235 = arith.addi %add3A_234, %iota3A : vector<16xi32>
        %gather3A_236 = tpu.vector_load_idx %arg8[%add3A_213, %add3A_235] : memref<64x128xf32, #tpu.memory_space<vmem>>[vector<16xi32>, vector<16xi32>], vector<16xf32>,
        tpu.vector_store_idx %arg12[%add3A_235, %add3A_213], %gather3A_236 : memref<128x128xf32, #tpu.memory_space<vmem>>[vector<16xi32>, vector<16xi32>], vector<16xf32>,
        %add3A_237 = arith.constant 96 : i32
        %add3A_238 = vector.broadcast %add3A_237 : i32 to vector<16xi32>
        %add3A_239 = arith.addi %add3A_238, %iota3A : vector<16xi32>
        %gather3A_240 = tpu.vector_load_idx %arg8[%add3A_213, %add3A_239] : memref<64x128xf32, #tpu.memory_space<vmem>>[vector<16xi32>, vector<16xi32>], vector<16xf32>,
        tpu.vector_store_idx %arg12[%add3A_239, %add3A_213], %gather3A_240 : memref<128x128xf32, #tpu.memory_space<vmem>>[vector<16xi32>, vector<16xi32>], vector<16xf32>,
        %add3A_241 = arith.constant 112 : i32
        %add3A_242 = vector.broadcast %add3A_241 : i32 to vector<16xi32>
        %add3A_243 = arith.addi %add3A_242, %iota3A : vector<16xi32>
        %gather3A_244 = tpu.vector_load_idx %arg8[%add3A_213, %add3A_243] : memref<64x128xf32, #tpu.memory_space<vmem>>[vector<16xi32>, vector<16xi32>], vector<16xf32>,
        tpu.vector_store_idx %arg12[%add3A_243, %add3A_213], %gather3A_244 : memref<128x128xf32, #tpu.memory_space<vmem>>[vector<16xi32>, vector<16xi32>], vector<16xf32>,
        %add3A_245 = arith.constant 16 : i32
        %add3A_246 = vector.broadcast %add3A_245 : i32 to vector<16xi32>
        %add3A_247 = arith.addi %add3A_246, %and3A_210 : vector<16xi32>
        %add3A_248 = arith.constant 0 : i32
        %add3A_249 = vector.broadcast %add3A_248 : i32 to vector<16xi32>
        %add3A_250 = arith.addi %add3A_249, %iota3A : vector<16xi32>
        %gather3A_251 = tpu.vector_load_idx %arg8[%add3A_247, %add3A_250] : memref<64x128xf32, #tpu.memory_space<vmem>>[vector<16xi32>, vector<16xi32>], vector<16xf32>,
        tpu.vector_store_idx %arg12[%add3A_250, %add3A_247], %gather3A_251 : memref<128x128xf32, #tpu.memory_space<vmem>>[vector<16xi32>, vector<16xi32>], vector<16xf32>,
        %add3A_252 = arith.constant 16 : i32
        %add3A_253 = vector.broadcast %add3A_252 : i32 to vector<16xi32>
        %add3A_254 = arith.addi %add3A_253, %iota3A : vector<16xi32>
        %gather3A_255 = tpu.vector_load_idx %arg8[%add3A_247, %add3A_254] : memref<64x128xf32, #tpu.memory_space<vmem>>[vector<16xi32>, vector<16xi32>], vector<16xf32>,
        tpu.vector_store_idx %arg12[%add3A_254, %add3A_247], %gather3A_255 : memref<128x128xf32, #tpu.memory_space<vmem>>[vector<16xi32>, vector<16xi32>], vector<16xf32>,
        %add3A_256 = arith.constant 32 : i32
        %add3A_257 = vector.broadcast %add3A_256 : i32 to vector<16xi32>
        %add3A_258 = arith.addi %add3A_257, %iota3A : vector<16xi32>
        %gather3A_259 = tpu.vector_load_idx %arg8[%add3A_247, %add3A_258] : memref<64x128xf32, #tpu.memory_space<vmem>>[vector<16xi32>, vector<16xi32>], vector<16xf32>,
        tpu.vector_store_idx %arg12[%add3A_258, %add3A_247], %gather3A_259 : memref<128x128xf32, #tpu.memory_space<vmem>>[vector<16xi32>, vector<16xi32>], vector<16xf32>,
        %add3A_260 = arith.constant 48 : i32
        %add3A_261 = vector.broadcast %add3A_260 : i32 to vector<16xi32>
        %add3A_262 = arith.addi %add3A_261, %iota3A : vector<16xi32>
        %gather3A_263 = tpu.vector_load_idx %arg8[%add3A_247, %add3A_262] : memref<64x128xf32, #tpu.memory_space<vmem>>[vector<16xi32>, vector<16xi32>], vector<16xf32>,
        tpu.vector_store_idx %arg12[%add3A_262, %add3A_247], %gather3A_263 : memref<128x128xf32, #tpu.memory_space<vmem>>[vector<16xi32>, vector<16xi32>], vector<16xf32>,
        %add3A_264 = arith.constant 64 : i32
        %add3A_265 = vector.broadcast %add3A_264 : i32 to vector<16xi32>
        %add3A_266 = arith.addi %add3A_265, %iota3A : vector<16xi32>
        %gather3A_267 = tpu.vector_load_idx %arg8[%add3A_247, %add3A_266] : memref<64x128xf32, #tpu.memory_space<vmem>>[vector<16xi32>, vector<16xi32>], vector<16xf32>,
        tpu.vector_store_idx %arg12[%add3A_266, %add3A_247], %gather3A_267 : memref<128x128xf32, #tpu.memory_space<vmem>>[vector<16xi32>, vector<16xi32>], vector<16xf32>,
        %add3A_268 = arith.constant 80 : i32
        %add3A_269 = vector.broadcast %add3A_268 : i32 to vector<16xi32>
        %add3A_270 = arith.addi %add3A_269, %iota3A : vector<16xi32>
        %gather3A_271 = tpu.vector_load_idx %arg8[%add3A_247, %add3A_270] : memref<64x128xf32, #tpu.memory_space<vmem>>[vector<16xi32>, vector<16xi32>], vector<16xf32>,
        tpu.vector_store_idx %arg12[%add3A_270, %add3A_247], %gather3A_271 : memref<128x128xf32, #tpu.memory_space<vmem>>[vector<16xi32>, vector<16xi32>], vector<16xf32>,
        %add3A_272 = arith.constant 96 : i32
        %add3A_273 = vector.broadcast %add3A_272 : i32 to vector<16xi32>
        %add3A_274 = arith.addi %add3A_273, %iota3A : vector<16xi32>
        %gather3A_275 = tpu.vector_load_idx %arg8[%add3A_247, %add3A_274] : memref<64x128xf32, #tpu.memory_space<vmem>>[vector<16xi32>, vector<16xi32>], vector<16xf32>,
        tpu.vector_store_idx %arg12[%add3A_274, %add3A_247], %gather3A_275 : memref<128x128xf32, #tpu.memory_space<vmem>>[vector<16xi32>, vector<16xi32>], vector<16xf32>,
        %add3A_276 = arith.constant 112 : i32
        %add3A_277 = vector.broadcast %add3A_276 : i32 to vector<16xi32>
        %add3A_278 = arith.addi %add3A_277, %iota3A : vector<16xi32>
        %gather3A_279 = tpu.vector_load_idx %arg8[%add3A_247, %add3A_278] : memref<64x128xf32, #tpu.memory_space<vmem>>[vector<16xi32>, vector<16xi32>], vector<16xf32>,
        tpu.vector_store_idx %arg12[%add3A_278, %add3A_247], %gather3A_279 : memref<128x128xf32, #tpu.memory_space<vmem>>[vector<16xi32>, vector<16xi32>], vector<16xf32>,
        %add3A_280 = arith.constant 32 : i32
        %add3A_281 = vector.broadcast %add3A_280 : i32 to vector<16xi32>
        %add3A_282 = arith.addi %add3A_281, %and3A_210 : vector<16xi32>
        %add3A_283 = arith.constant 0 : i32
        %add3A_284 = vector.broadcast %add3A_283 : i32 to vector<16xi32>
        %add3A_285 = arith.addi %add3A_284, %iota3A : vector<16xi32>
        %gather3A_286 = tpu.vector_load_idx %arg8[%add3A_282, %add3A_285] : memref<64x128xf32, #tpu.memory_space<vmem>>[vector<16xi32>, vector<16xi32>], vector<16xf32>,
        tpu.vector_store_idx %arg12[%add3A_285, %add3A_282], %gather3A_286 : memref<128x128xf32, #tpu.memory_space<vmem>>[vector<16xi32>, vector<16xi32>], vector<16xf32>,
        %add3A_287 = arith.constant 16 : i32
        %add3A_288 = vector.broadcast %add3A_287 : i32 to vector<16xi32>
        %add3A_289 = arith.addi %add3A_288, %iota3A : vector<16xi32>
        %gather3A_290 = tpu.vector_load_idx %arg8[%add3A_282, %add3A_289] : memref<64x128xf32, #tpu.memory_space<vmem>>[vector<16xi32>, vector<16xi32>], vector<16xf32>,
        tpu.vector_store_idx %arg12[%add3A_289, %add3A_282], %gather3A_290 : memref<128x128xf32, #tpu.memory_space<vmem>>[vector<16xi32>, vector<16xi32>], vector<16xf32>,
        %add3A_291 = arith.constant 32 : i32
        %add3A_292 = vector.broadcast %add3A_291 : i32 to vector<16xi32>
        %add3A_293 = arith.addi %add3A_292, %iota3A : vector<16xi32>
        %gather3A_294 = tpu.vector_load_idx %arg8[%add3A_282, %add3A_293] : memref<64x128xf32, #tpu.memory_space<vmem>>[vector<16xi32>, vector<16xi32>], vector<16xf32>,
        tpu.vector_store_idx %arg12[%add3A_293, %add3A_282], %gather3A_294 : memref<128x128xf32, #tpu.memory_space<vmem>>[vector<16xi32>, vector<16xi32>], vector<16xf32>,
        %add3A_295 = arith.constant 48 : i32
        %add3A_296 = vector.broadcast %add3A_295 : i32 to vector<16xi32>
        %add3A_297 = arith.addi %add3A_296, %iota3A : vector<16xi32>
        %gather3A_298 = tpu.vector_load_idx %arg8[%add3A_282, %add3A_297] : memref<64x128xf32, #tpu.memory_space<vmem>>[vector<16xi32>, vector<16xi32>], vector<16xf32>,
        tpu.vector_store_idx %arg12[%add3A_297, %add3A_282], %gather3A_298 : memref<128x128xf32, #tpu.memory_space<vmem>>[vector<16xi32>, vector<16xi32>], vector<16xf32>,
        %add3A_299 = arith.constant 64 : i32
        %add3A_300 = vector.broadcast %add3A_299 : i32 to vector<16xi32>
        %add3A_301 = arith.addi %add3A_300, %iota3A : vector<16xi32>
        %gather3A_302 = tpu.vector_load_idx %arg8[%add3A_282, %add3A_301] : memref<64x128xf32, #tpu.memory_space<vmem>>[vector<16xi32>, vector<16xi32>], vector<16xf32>,
        tpu.vector_store_idx %arg12[%add3A_301, %add3A_282], %gather3A_302 : memref<128x128xf32, #tpu.memory_space<vmem>>[vector<16xi32>, vector<16xi32>], vector<16xf32>,
        %add3A_303 = arith.constant 80 : i32
        %add3A_304 = vector.broadcast %add3A_303 : i32 to vector<16xi32>
        %add3A_305 = arith.addi %add3A_304, %iota3A : vector<16xi32>
        %gather3A_306 = tpu.vector_load_idx %arg8[%add3A_282, %add3A_305] : memref<64x128xf32, #tpu.memory_space<vmem>>[vector<16xi32>, vector<16xi32>], vector<16xf32>,
        tpu.vector_store_idx %arg12[%add3A_305, %add3A_282], %gather3A_306 : memref<128x128xf32, #tpu.memory_space<vmem>>[vector<16xi32>, vector<16xi32>], vector<16xf32>,
        %add3A_307 = arith.constant 96 : i32
        %add3A_308 = vector.broadcast %add3A_307 : i32 to vector<16xi32>
        %add3A_309 = arith.addi %add3A_308, %iota3A : vector<16xi32>
        %gather3A_310 = tpu.vector_load_idx %arg8[%add3A_282, %add3A_309] : memref<64x128xf32, #tpu.memory_space<vmem>>[vector<16xi32>, vector<16xi32>], vector<16xf32>,
        tpu.vector_store_idx %arg12[%add3A_309, %add3A_282], %gather3A_310 : memref<128x128xf32, #tpu.memory_space<vmem>>[vector<16xi32>, vector<16xi32>], vector<16xf32>,
        %add3A_311 = arith.constant 112 : i32
        %add3A_312 = vector.broadcast %add3A_311 : i32 to vector<16xi32>
        %add3A_313 = arith.addi %add3A_312, %iota3A : vector<16xi32>
        %gather3A_314 = tpu.vector_load_idx %arg8[%add3A_282, %add3A_313] : memref<64x128xf32, #tpu.memory_space<vmem>>[vector<16xi32>, vector<16xi32>], vector<16xf32>,
        tpu.vector_store_idx %arg12[%add3A_313, %add3A_282], %gather3A_314 : memref<128x128xf32, #tpu.memory_space<vmem>>[vector<16xi32>, vector<16xi32>], vector<16xf32>,
        %add3A_315 = arith.constant 48 : i32
        %add3A_316 = vector.broadcast %add3A_315 : i32 to vector<16xi32>
        %add3A_317 = arith.addi %add3A_316, %and3A_210 : vector<16xi32>
        %add3A_318 = arith.constant 0 : i32
        %add3A_319 = vector.broadcast %add3A_318 : i32 to vector<16xi32>
        %add3A_320 = arith.addi %add3A_319, %iota3A : vector<16xi32>
        %gather3A_321 = tpu.vector_load_idx %arg8[%add3A_317, %add3A_320] : memref<64x128xf32, #tpu.memory_space<vmem>>[vector<16xi32>, vector<16xi32>], vector<16xf32>,
        tpu.vector_store_idx %arg12[%add3A_320, %add3A_317], %gather3A_321 : memref<128x128xf32, #tpu.memory_space<vmem>>[vector<16xi32>, vector<16xi32>], vector<16xf32>,
        %add3A_322 = arith.constant 16 : i32
        %add3A_323 = vector.broadcast %add3A_322 : i32 to vector<16xi32>
        %add3A_324 = arith.addi %add3A_323, %iota3A : vector<16xi32>
        %gather3A_325 = tpu.vector_load_idx %arg8[%add3A_317, %add3A_324] : memref<64x128xf32, #tpu.memory_space<vmem>>[vector<16xi32>, vector<16xi32>], vector<16xf32>,
        tpu.vector_store_idx %arg12[%add3A_324, %add3A_317], %gather3A_325 : memref<128x128xf32, #tpu.memory_space<vmem>>[vector<16xi32>, vector<16xi32>], vector<16xf32>,
        %add3A_326 = arith.constant 32 : i32
        %add3A_327 = vector.broadcast %add3A_326 : i32 to vector<16xi32>
        %add3A_328 = arith.addi %add3A_327, %iota3A : vector<16xi32>
        %gather3A_329 = tpu.vector_load_idx %arg8[%add3A_317, %add3A_328] : memref<64x128xf32, #tpu.memory_space<vmem>>[vector<16xi32>, vector<16xi32>], vector<16xf32>,
        tpu.vector_store_idx %arg12[%add3A_328, %add3A_317], %gather3A_329 : memref<128x128xf32, #tpu.memory_space<vmem>>[vector<16xi32>, vector<16xi32>], vector<16xf32>,
        %add3A_330 = arith.constant 48 : i32
        %add3A_331 = vector.broadcast %add3A_330 : i32 to vector<16xi32>
        %add3A_332 = arith.addi %add3A_331, %iota3A : vector<16xi32>
        %gather3A_333 = tpu.vector_load_idx %arg8[%add3A_317, %add3A_332] : memref<64x128xf32, #tpu.memory_space<vmem>>[vector<16xi32>, vector<16xi32>], vector<16xf32>,
        tpu.vector_store_idx %arg12[%add3A_332, %add3A_317], %gather3A_333 : memref<128x128xf32, #tpu.memory_space<vmem>>[vector<16xi32>, vector<16xi32>], vector<16xf32>,
        %add3A_334 = arith.constant 64 : i32
        %add3A_335 = vector.broadcast %add3A_334 : i32 to vector<16xi32>
        %add3A_336 = arith.addi %add3A_335, %iota3A : vector<16xi32>
        %gather3A_337 = tpu.vector_load_idx %arg8[%add3A_317, %add3A_336] : memref<64x128xf32, #tpu.memory_space<vmem>>[vector<16xi32>, vector<16xi32>], vector<16xf32>,
        tpu.vector_store_idx %arg12[%add3A_336, %add3A_317], %gather3A_337 : memref<128x128xf32, #tpu.memory_space<vmem>>[vector<16xi32>, vector<16xi32>], vector<16xf32>,
        %add3A_338 = arith.constant 80 : i32
        %add3A_339 = vector.broadcast %add3A_338 : i32 to vector<16xi32>
        %add3A_340 = arith.addi %add3A_339, %iota3A : vector<16xi32>
        %gather3A_341 = tpu.vector_load_idx %arg8[%add3A_317, %add3A_340] : memref<64x128xf32, #tpu.memory_space<vmem>>[vector<16xi32>, vector<16xi32>], vector<16xf32>,
        tpu.vector_store_idx %arg12[%add3A_340, %add3A_317], %gather3A_341 : memref<128x128xf32, #tpu.memory_space<vmem>>[vector<16xi32>, vector<16xi32>], vector<16xf32>,
        %add3A_342 = arith.constant 96 : i32
        %add3A_343 = vector.broadcast %add3A_342 : i32 to vector<16xi32>
        %add3A_344 = arith.addi %add3A_343, %iota3A : vector<16xi32>
        %gather3A_345 = tpu.vector_load_idx %arg8[%add3A_317, %add3A_344] : memref<64x128xf32, #tpu.memory_space<vmem>>[vector<16xi32>, vector<16xi32>], vector<16xf32>,
        tpu.vector_store_idx %arg12[%add3A_344, %add3A_317], %gather3A_345 : memref<128x128xf32, #tpu.memory_space<vmem>>[vector<16xi32>, vector<16xi32>], vector<16xf32>,
        %add3A_346 = arith.constant 112 : i32
        %add3A_347 = vector.broadcast %add3A_346 : i32 to vector<16xi32>
        %add3A_348 = arith.addi %add3A_347, %iota3A : vector<16xi32>
        %gather3A_349 = tpu.vector_load_idx %arg8[%add3A_317, %add3A_348] : memref<64x128xf32, #tpu.memory_space<vmem>>[vector<16xi32>, vector<16xi32>], vector<16xf32>,
        tpu.vector_store_idx %arg12[%add3A_348, %add3A_317], %gather3A_349 : memref<128x128xf32, #tpu.memory_space<vmem>>[vector<16xi32>, vector<16xi32>], vector<16xf32>,
      }
      %scan3A_193 = arith.constant 16 : i32
      %ge3A_194 = arith.constant 1 : i32
      %ge3A_195 = arith.cmpi sge, %add3A_176, %ge3A_194 : i32
      %convert_element_type3A_196 = arith.extui %ge3A_195 : i1 to i32
      %cond3A_197 = arith.constant 0 : i32
      %cond3A_198 = arith.cmpi ne, %convert_element_type3A_196, %cond3A_197 : i32
      scf.if %cond3A_198 {
        %sub3A = arith.constant 1 : i32
        %sub3A_206 = arith.subi %add3A_176, %sub3A : i32
        %mul3A_207 = arith.constant 32 : i32
        %mul3A_208 = arith.muli %sub3A_206, %mul3A_207 : i32
        %add3A_209 = arith.addi %add3A, %mul3A_208 : i32
        %mul3A_210 = arith.constant 128 : i32
        %mul3A_211 = arith.muli %add3A_209, %mul3A_210 : i32
        %dma_start3A_212 = arith.constant 0 : i32
        %dma_start3A_213 = tpu.memref_slice %arg4[%mul3A_211, %dma_start3A_212] : memref<1000064x128xf32, #tpu.memory_space<hbm>> -> memref<128x128xf32, #tpu.memory_space<hbm>>
        %dma_start3A_214 = arith.constant 0 : i32
        %dma_start3A_215 = tpu.memref_slice %arg4[%mul3A_211, %dma_start3A_214] : memref<1000064x128xf32, #tpu.memory_space<hbm>> -> memref<128x128xf32, #tpu.memory_space<hbm>>
        tpu.enqueue_dma source(%arg11 : memref<128x128xf32, #tpu.memory_space<vmem>>) target(%dma_start3A_215 : memref<128x128xf32, #tpu.memory_space<hbm>>) target_semaphore(%arg19 : memref<!tpu.dma_semaphore, #tpu.memory_space<semaphore_mem>>)
      } else {
      }
      %add3A_199 = arith.constant 4 : i32
      %add3A_200 = arith.addi %add3A_176, %add3A_199 : i32
      %lt3A_201 = arith.constant 244 : i32
      %lt3A_202 = arith.cmpi slt, %add3A_200, %lt3A_201 : i32
      %convert_element_type3A_203 = arith.extui %lt3A_202 : i1 to i32
      %cond3A_204 = arith.constant 0 : i32
      %cond3A_205 = arith.cmpi ne, %convert_element_type3A_203, %cond3A_204 : i32
      scf.if %cond3A_205 {
        %add3A_206 = arith.constant 4 : i32
        %add3A_207 = arith.addi %add3A_176, %add3A_206 : i32
        %mul3A_208 = arith.constant 32 : i32
        %mul3A_209 = arith.muli %add3A_207, %mul3A_208 : i32
        %add3A_210 = arith.addi %add3A, %mul3A_209 : i32
        %mul3A_211 = arith.constant 128 : i32
        %mul3A_212 = arith.muli %add3A_210, %mul3A_211 : i32
        %dma_start3A_213 = arith.constant 0 : i32
        %dma_start3A_214 = tpu.memref_slice %arg2[%dma_start3A_213, %mul3A_212] : memref<64x1000000xf32, #tpu.memory_space<hbm>> -> memref<64x128xf32, #tpu.memory_space<hbm>>
        %dma_start3A_215 = arith.constant 0 : i32
        %dma_start3A_216 = tpu.memref_slice %arg2[%dma_start3A_215, %mul3A_212] : memref<64x1000000xf32, #tpu.memory_space<hbm>> -> memref<64x128xf32, #tpu.memory_space<hbm>>
        tpu.enqueue_dma source(%dma_start3A_216 : memref<64x128xf32, #tpu.memory_space<hbm>>) target(%arg8 : memref<64x128xf32, #tpu.memory_space<vmem>>) target_semaphore(%arg16 : memref<!tpu.dma_semaphore, #tpu.memory_space<semaphore_mem>>)
      } else {
      }
    }
    %scan3A_36 = arith.constant 61 : i32
    %add3A_37 = arith.constant 7776 : i32
    %add3A_38 = arith.addi %add3A, %add3A_37 : i32
    %mul3A_39 = arith.constant 128 : i32
    %mul3A_40 = arith.muli %add3A_38, %mul3A_39 : i32
    %dma_start3A_41 = arith.constant 0 : i32
    %dma_start3A_42 = tpu.memref_slice %arg4[%mul3A_40, %dma_start3A_41] : memref<1000064x128xf32, #tpu.memory_space<hbm>> -> memref<128x128xf32, #tpu.memory_space<hbm>>
    %dma_start3A_43 = arith.constant 0 : i32
    %dma_start3A_44 = tpu.memref_slice %arg4[%mul3A_40, %dma_start3A_43] : memref<1000064x128xf32, #tpu.memory_space<hbm>> -> memref<128x128xf32, #tpu.memory_space<hbm>>
    tpu.enqueue_dma source(%arg12 : memref<128x128xf32, #tpu.memory_space<vmem>>) target(%dma_start3A_44 : memref<128x128xf32, #tpu.memory_space<hbm>>) target_semaphore(%arg20 : memref<!tpu.dma_semaphore, #tpu.memory_space<semaphore_mem>>)
    %dma_wait3A = arith.constant 0 : i32
    %dma_wait3A_45 = arith.constant 0 : i32
    %dma_wait3A_46 = tpu.memref_slice %arg4[%dma_wait3A, %dma_wait3A_45] : memref<1000064x128xf32, #tpu.memory_space<hbm>> -> memref<128x128xf32, #tpu.memory_space<hbm>>
    %dma_wait3A_47 = arith.constant 0 : i32
    %dma_wait3A_48 = arith.constant 0 : i32
    %dma_wait3A_49 = tpu.memref_slice %arg4[%dma_wait3A_47, %dma_wait3A_48] : memref<1000064x128xf32, #tpu.memory_space<hbm>> -> memref<128x128xf32, #tpu.memory_space<hbm>>
    tpu.wait_dma2 semaphore(%arg17 : memref<!tpu.dma_semaphore, #tpu.memory_space<semaphore_mem>>) src(%arg9 : memref<128x128xf32, #tpu.memory_space<vmem>>) dst(%dma_wait3A_49 : memref<128x128xf32, #tpu.memory_space<hbm>>)
    %dma_wait3A_50 = arith.constant 0 : i32
    %dma_wait3A_51 = arith.constant 0 : i32
    %dma_wait3A_52 = tpu.memref_slice %arg4[%dma_wait3A_50, %dma_wait3A_51] : memref<1000064x128xf32, #tpu.memory_space<hbm>> -> memref<128x128xf32, #tpu.memory_space<hbm>>
    %dma_wait3A_53 = arith.constant 0 : i32
    %dma_wait3A_54 = arith.constant 0 : i32
    %dma_wait3A_55 = tpu.memref_slice %arg4[%dma_wait3A_53, %dma_wait3A_54] : memref<1000064x128xf32, #tpu.memory_space<hbm>> -> memref<128x128xf32, #tpu.memory_space<hbm>>
    tpu.wait_dma2 semaphore(%arg18 : memref<!tpu.dma_semaphore, #tpu.memory_space<semaphore_mem>>) src(%arg10 : memref<128x128xf32, #tpu.memory_space<vmem>>) dst(%dma_wait3A_55 : memref<128x128xf32, #tpu.memory_space<hbm>>)
    %dma_wait3A_56 = arith.constant 0 : i32
    %dma_wait3A_57 = arith.constant 0 : i32
    %dma_wait3A_58 = tpu.memref_slice %arg4[%dma_wait3A_56, %dma_wait3A_57] : memref<1000064x128xf32, #tpu.memory_space<hbm>> -> memref<128x128xf32, #tpu.memory_space<hbm>>
    %dma_wait3A_59 = arith.constant 0 : i32
    %dma_wait3A_60 = arith.constant 0 : i32
    %dma_wait3A_61 = tpu.memref_slice %arg4[%dma_wait3A_59, %dma_wait3A_60] : memref<1000064x128xf32, #tpu.memory_space<hbm>> -> memref<128x128xf32, #tpu.memory_space<hbm>>
    tpu.wait_dma2 semaphore(%arg19 : memref<!tpu.dma_semaphore, #tpu.memory_space<semaphore_mem>>) src(%arg11 : memref<128x128xf32, #tpu.memory_space<vmem>>) dst(%dma_wait3A_61 : memref<128x128xf32, #tpu.memory_space<hbm>>)
    %dma_wait3A_62 = arith.constant 0 : i32
    %dma_wait3A_63 = arith.constant 0 : i32
    %dma_wait3A_64 = tpu.memref_slice %arg4[%dma_wait3A_62, %dma_wait3A_63] : memref<1000064x128xf32, #tpu.memory_space<hbm>> -> memref<128x128xf32, #tpu.memory_space<hbm>>
    %dma_wait3A_65 = arith.constant 0 : i32
    %dma_wait3A_66 = arith.constant 0 : i32
    %dma_wait3A_67 = tpu.memref_slice %arg4[%dma_wait3A_65, %dma_wait3A_66] : memref<1000064x128xf32, #tpu.memory_space<hbm>> -> memref<128x128xf32, #tpu.memory_space<hbm>>
    tpu.wait_dma2 semaphore(%arg20 : memref<!tpu.dma_semaphore, #tpu.memory_space<semaphore_mem>>) src(%arg12 : memref<128x128xf32, #tpu.memory_space<vmem>>) dst(%dma_wait3A_67 : memref<128x128xf32, #tpu.memory_space<hbm>>)
    %lt3A = arith.constant 4 : i32
    %lt3A_68 = arith.cmpi slt, %add3A, %lt3A : i32
    %convert_element_type3A = arith.extui %lt3A_68 : i1 to i32
    %cond3A = arith.constant 0 : i32
    %cond3A_69 = arith.cmpi ne, %convert_element_type3A, %cond3A : i32
    scf.if %cond3A_69 {
      %add3A_74 = arith.constant 7808 : i32
      %add3A_75 = arith.addi %add3A_74, %add3A : i32
      %mul3A_76 = arith.constant 128 : i32
      %mul3A_77 = arith.muli %add3A_75, %mul3A_76 : i32
      "tpu.region"() ({
        %run_scoped3A = tpu.sem_alloc : memref<!tpu.dma_semaphore, #tpu.memory_space<semaphore_mem>>
        %dma_start3A_86 = arith.constant 0 : i32
        %dma_start3A_87 = tpu.memref_slice %arg2[%dma_start3A_86, %mul3A_77] : memref<64x1000000xf32, #tpu.memory_space<hbm>> -> memref<64x128xf32, #tpu.memory_space<hbm>>
        %dma_start3A_88 = arith.constant 0 : i32
        %dma_start3A_89 = tpu.memref_slice %arg2[%dma_start3A_88, %mul3A_77] : memref<64x1000000xf32, #tpu.memory_space<hbm>> -> memref<64x128xf32, #tpu.memory_space<hbm>>
        tpu.enqueue_dma source(%dma_start3A_89 : memref<64x128xf32, #tpu.memory_space<hbm>>) target(%arg5 : memref<64x128xf32, #tpu.memory_space<vmem>>) target_semaphore(%run_scoped3A : memref<!tpu.dma_semaphore, #tpu.memory_space<semaphore_mem>>)
        %dma_wait3A_90 = arith.constant 0 : i32
        %dma_wait3A_91 = tpu.memref_slice %arg2[%dma_wait3A_90, %mul3A_77] : memref<64x1000000xf32, #tpu.memory_space<hbm>> -> memref<64x128xf32, #tpu.memory_space<hbm>>
        %dma_wait3A_92 = arith.constant 0 : i32
        %dma_wait3A_93 = tpu.memref_slice %arg2[%dma_wait3A_92, %mul3A_77] : memref<64x1000000xf32, #tpu.memory_space<hbm>> -> memref<64x128xf32, #tpu.memory_space<hbm>>
        tpu.wait_dma2 semaphore(%run_scoped3A : memref<!tpu.dma_semaphore, #tpu.memory_space<semaphore_mem>>) src(%dma_wait3A_93 : memref<64x128xf32, #tpu.memory_space<hbm>>) dst(%arg5 : memref<64x128xf32, #tpu.memory_space<vmem>>)
        tpu.yield
      }) : () -> ()
      %scan3A_78 = arith.constant 0 : i32
      %scan3A_79 = arith.constant 0 : i32
      %scan3A_80 = arith.constant 16 : i32
      %scan3A_81 = arith.addi %scan3A_79, %scan3A_80 : i32
      %scan3A_82 = arith.constant 1 : i32
      scf.for %scan3A_86 = %scan3A_79 to %scan3A_81 step %scan3A_82  : i32 {
        %add3A_87 = vector.broadcast %scan3A_86 : i32 to vector<16xi32>
        %add3A_88 = arith.addi %iota3A, %add3A_87 : vector<16xi32>
        %and3A = arith.constant 15 : i32
        %and3A_89 = vector.broadcast %and3A : i32 to vector<16xi32>
        %and3A_90 = arith.andi %add3A_88, %and3A_89 : vector<16xi32>
        %add3A_91 = arith.constant 0 : i32
        %add3A_92 = vector.broadcast %add3A_91 : i32 to vector<16xi32>
        %add3A_93 = arith.addi %add3A_92, %and3A_90 : vector<16xi32>
        %add3A_94 = arith.constant 0 : i32
        %add3A_95 = vector.broadcast %add3A_94 : i32 to vector<16xi32>
        %add3A_96 = arith.addi %add3A_95, %iota3A : vector<16xi32>
        %gather3A = tpu.vector_load_idx %arg5[%add3A_93, %add3A_96] : memref<64x128xf32, #tpu.memory_space<vmem>>[vector<16xi32>, vector<16xi32>], vector<16xf32>,
        tpu.vector_store_idx %arg9[%add3A_96, %add3A_93], %gather3A : memref<128x128xf32, #tpu.memory_space<vmem>>[vector<16xi32>, vector<16xi32>], vector<16xf32>,
        %add3A_97 = arith.constant 16 : i32
        %add3A_98 = vector.broadcast %add3A_97 : i32 to vector<16xi32>
        %add3A_99 = arith.addi %add3A_98, %iota3A : vector<16xi32>
        %gather3A_100 = tpu.vector_load_idx %arg5[%add3A_93, %add3A_99] : memref<64x128xf32, #tpu.memory_space<vmem>>[vector<16xi32>, vector<16xi32>], vector<16xf32>,
        tpu.vector_store_idx %arg9[%add3A_99, %add3A_93], %gather3A_100 : memref<128x128xf32, #tpu.memory_space<vmem>>[vector<16xi32>, vector<16xi32>], vector<16xf32>,
        %add3A_101 = arith.constant 32 : i32
        %add3A_102 = vector.broadcast %add3A_101 : i32 to vector<16xi32>
        %add3A_103 = arith.addi %add3A_102, %iota3A : vector<16xi32>
        %gather3A_104 = tpu.vector_load_idx %arg5[%add3A_93, %add3A_103] : memref<64x128xf32, #tpu.memory_space<vmem>>[vector<16xi32>, vector<16xi32>], vector<16xf32>,
        tpu.vector_store_idx %arg9[%add3A_103, %add3A_93], %gather3A_104 : memref<128x128xf32, #tpu.memory_space<vmem>>[vector<16xi32>, vector<16xi32>], vector<16xf32>,
        %add3A_105 = arith.constant 48 : i32
        %add3A_106 = vector.broadcast %add3A_105 : i32 to vector<16xi32>
        %add3A_107 = arith.addi %add3A_106, %iota3A : vector<16xi32>
        %gather3A_108 = tpu.vector_load_idx %arg5[%add3A_93, %add3A_107] : memref<64x128xf32, #tpu.memory_space<vmem>>[vector<16xi32>, vector<16xi32>], vector<16xf32>,
        tpu.vector_store_idx %arg9[%add3A_107, %add3A_93], %gather3A_108 : memref<128x128xf32, #tpu.memory_space<vmem>>[vector<16xi32>, vector<16xi32>], vector<16xf32>,
        %add3A_109 = arith.constant 64 : i32
        %add3A_110 = vector.broadcast %add3A_109 : i32 to vector<16xi32>
        %add3A_111 = arith.addi %add3A_110, %iota3A : vector<16xi32>
        %gather3A_112 = tpu.vector_load_idx %arg5[%add3A_93, %add3A_111] : memref<64x128xf32, #tpu.memory_space<vmem>>[vector<16xi32>, vector<16xi32>], vector<16xf32>,
        tpu.vector_store_idx %arg9[%add3A_111, %add3A_93], %gather3A_112 : memref<128x128xf32, #tpu.memory_space<vmem>>[vector<16xi32>, vector<16xi32>], vector<16xf32>,
        %add3A_113 = arith.constant 80 : i32
        %add3A_114 = vector.broadcast %add3A_113 : i32 to vector<16xi32>
        %add3A_115 = arith.addi %add3A_114, %iota3A : vector<16xi32>
        %gather3A_116 = tpu.vector_load_idx %arg5[%add3A_93, %add3A_115] : memref<64x128xf32, #tpu.memory_space<vmem>>[vector<16xi32>, vector<16xi32>], vector<16xf32>,
        tpu.vector_store_idx %arg9[%add3A_115, %add3A_93], %gather3A_116 : memref<128x128xf32, #tpu.memory_space<vmem>>[vector<16xi32>, vector<16xi32>], vector<16xf32>,
        %add3A_117 = arith.constant 96 : i32
        %add3A_118 = vector.broadcast %add3A_117 : i32 to vector<16xi32>
        %add3A_119 = arith.addi %add3A_118, %iota3A : vector<16xi32>
        %gather3A_120 = tpu.vector_load_idx %arg5[%add3A_93, %add3A_119] : memref<64x128xf32, #tpu.memory_space<vmem>>[vector<16xi32>, vector<16xi32>], vector<16xf32>,
        tpu.vector_store_idx %arg9[%add3A_119, %add3A_93], %gather3A_120 : memref<128x128xf32, #tpu.memory_space<vmem>>[vector<16xi32>, vector<16xi32>], vector<16xf32>,
        %add3A_121 = arith.constant 112 : i32
        %add3A_122 = vector.broadcast %add3A_121 : i32 to vector<16xi32>
        %add3A_123 = arith.addi %add3A_122, %iota3A : vector<16xi32>
        %gather3A_124 = tpu.vector_load_idx %arg5[%add3A_93, %add3A_123] : memref<64x128xf32, #tpu.memory_space<vmem>>[vector<16xi32>, vector<16xi32>], vector<16xf32>,
        tpu.vector_store_idx %arg9[%add3A_123, %add3A_93], %gather3A_124 : memref<128x128xf32, #tpu.memory_space<vmem>>[vector<16xi32>, vector<16xi32>], vector<16xf32>,
        %add3A_125 = arith.constant 16 : i32
        %add3A_126 = vector.broadcast %add3A_125 : i32 to vector<16xi32>
        %add3A_127 = arith.addi %add3A_126, %and3A_90 : vector<16xi32>
        %add3A_128 = arith.constant 0 : i32
        %add3A_129 = vector.broadcast %add3A_128 : i32 to vector<16xi32>
        %add3A_130 = arith.addi %add3A_129, %iota3A : vector<16xi32>
        %gather3A_131 = tpu.vector_load_idx %arg5[%add3A_127, %add3A_130] : memref<64x128xf32, #tpu.memory_space<vmem>>[vector<16xi32>, vector<16xi32>], vector<16xf32>,
        tpu.vector_store_idx %arg9[%add3A_130, %add3A_127], %gather3A_131 : memref<128x128xf32, #tpu.memory_space<vmem>>[vector<16xi32>, vector<16xi32>], vector<16xf32>,
        %add3A_132 = arith.constant 16 : i32
        %add3A_133 = vector.broadcast %add3A_132 : i32 to vector<16xi32>
        %add3A_134 = arith.addi %add3A_133, %iota3A : vector<16xi32>
        %gather3A_135 = tpu.vector_load_idx %arg5[%add3A_127, %add3A_134] : memref<64x128xf32, #tpu.memory_space<vmem>>[vector<16xi32>, vector<16xi32>], vector<16xf32>,
        tpu.vector_store_idx %arg9[%add3A_134, %add3A_127], %gather3A_135 : memref<128x128xf32, #tpu.memory_space<vmem>>[vector<16xi32>, vector<16xi32>], vector<16xf32>,
        %add3A_136 = arith.constant 32 : i32
        %add3A_137 = vector.broadcast %add3A_136 : i32 to vector<16xi32>
        %add3A_138 = arith.addi %add3A_137, %iota3A : vector<16xi32>
        %gather3A_139 = tpu.vector_load_idx %arg5[%add3A_127, %add3A_138] : memref<64x128xf32, #tpu.memory_space<vmem>>[vector<16xi32>, vector<16xi32>], vector<16xf32>,
        tpu.vector_store_idx %arg9[%add3A_138, %add3A_127], %gather3A_139 : memref<128x128xf32, #tpu.memory_space<vmem>>[vector<16xi32>, vector<16xi32>], vector<16xf32>,
        %add3A_140 = arith.constant 48 : i32
        %add3A_141 = vector.broadcast %add3A_140 : i32 to vector<16xi32>
        %add3A_142 = arith.addi %add3A_141, %iota3A : vector<16xi32>
        %gather3A_143 = tpu.vector_load_idx %arg5[%add3A_127, %add3A_142] : memref<64x128xf32, #tpu.memory_space<vmem>>[vector<16xi32>, vector<16xi32>], vector<16xf32>,
        tpu.vector_store_idx %arg9[%add3A_142, %add3A_127], %gather3A_143 : memref<128x128xf32, #tpu.memory_space<vmem>>[vector<16xi32>, vector<16xi32>], vector<16xf32>,
        %add3A_144 = arith.constant 64 : i32
        %add3A_145 = vector.broadcast %add3A_144 : i32 to vector<16xi32>
        %add3A_146 = arith.addi %add3A_145, %iota3A : vector<16xi32>
        %gather3A_147 = tpu.vector_load_idx %arg5[%add3A_127, %add3A_146] : memref<64x128xf32, #tpu.memory_space<vmem>>[vector<16xi32>, vector<16xi32>], vector<16xf32>,
        tpu.vector_store_idx %arg9[%add3A_146, %add3A_127], %gather3A_147 : memref<128x128xf32, #tpu.memory_space<vmem>>[vector<16xi32>, vector<16xi32>], vector<16xf32>,
        %add3A_148 = arith.constant 80 : i32
        %add3A_149 = vector.broadcast %add3A_148 : i32 to vector<16xi32>
        %add3A_150 = arith.addi %add3A_149, %iota3A : vector<16xi32>
        %gather3A_151 = tpu.vector_load_idx %arg5[%add3A_127, %add3A_150] : memref<64x128xf32, #tpu.memory_space<vmem>>[vector<16xi32>, vector<16xi32>], vector<16xf32>,
        tpu.vector_store_idx %arg9[%add3A_150, %add3A_127], %gather3A_151 : memref<128x128xf32, #tpu.memory_space<vmem>>[vector<16xi32>, vector<16xi32>], vector<16xf32>,
        %add3A_152 = arith.constant 96 : i32
        %add3A_153 = vector.broadcast %add3A_152 : i32 to vector<16xi32>
        %add3A_154 = arith.addi %add3A_153, %iota3A : vector<16xi32>
        %gather3A_155 = tpu.vector_load_idx %arg5[%add3A_127, %add3A_154] : memref<64x128xf32, #tpu.memory_space<vmem>>[vector<16xi32>, vector<16xi32>], vector<16xf32>,
        tpu.vector_store_idx %arg9[%add3A_154, %add3A_127], %gather3A_155 : memref<128x128xf32, #tpu.memory_space<vmem>>[vector<16xi32>, vector<16xi32>], vector<16xf32>,
        %add3A_156 = arith.constant 112 : i32
        %add3A_157 = vector.broadcast %add3A_156 : i32 to vector<16xi32>
        %add3A_158 = arith.addi %add3A_157, %iota3A : vector<16xi32>
        %gather3A_159 = tpu.vector_load_idx %arg5[%add3A_127, %add3A_158] : memref<64x128xf32, #tpu.memory_space<vmem>>[vector<16xi32>, vector<16xi32>], vector<16xf32>,
        tpu.vector_store_idx %arg9[%add3A_158, %add3A_127], %gather3A_159 : memref<128x128xf32, #tpu.memory_space<vmem>>[vector<16xi32>, vector<16xi32>], vector<16xf32>,
        %add3A_160 = arith.constant 32 : i32
        %add3A_161 = vector.broadcast %add3A_160 : i32 to vector<16xi32>
        %add3A_162 = arith.addi %add3A_161, %and3A_90 : vector<16xi32>
        %add3A_163 = arith.constant 0 : i32
        %add3A_164 = vector.broadcast %add3A_163 : i32 to vector<16xi32>
        %add3A_165 = arith.addi %add3A_164, %iota3A : vector<16xi32>
        %gather3A_166 = tpu.vector_load_idx %arg5[%add3A_162, %add3A_165] : memref<64x128xf32, #tpu.memory_space<vmem>>[vector<16xi32>, vector<16xi32>], vector<16xf32>,
        tpu.vector_store_idx %arg9[%add3A_165, %add3A_162], %gather3A_166 : memref<128x128xf32, #tpu.memory_space<vmem>>[vector<16xi32>, vector<16xi32>], vector<16xf32>,
        %add3A_167 = arith.constant 16 : i32
        %add3A_168 = vector.broadcast %add3A_167 : i32 to vector<16xi32>
        %add3A_169 = arith.addi %add3A_168, %iota3A : vector<16xi32>
        %gather3A_170 = tpu.vector_load_idx %arg5[%add3A_162, %add3A_169] : memref<64x128xf32, #tpu.memory_space<vmem>>[vector<16xi32>, vector<16xi32>], vector<16xf32>,
        tpu.vector_store_idx %arg9[%add3A_169, %add3A_162], %gather3A_170 : memref<128x128xf32, #tpu.memory_space<vmem>>[vector<16xi32>, vector<16xi32>], vector<16xf32>,
        %add3A_171 = arith.constant 32 : i32
        %add3A_172 = vector.broadcast %add3A_171 : i32 to vector<16xi32>
        %add3A_173 = arith.addi %add3A_172, %iota3A : vector<16xi32>
        %gather3A_174 = tpu.vector_load_idx %arg5[%add3A_162, %add3A_173] : memref<64x128xf32, #tpu.memory_space<vmem>>[vector<16xi32>, vector<16xi32>], vector<16xf32>,
        tpu.vector_store_idx %arg9[%add3A_173, %add3A_162], %gather3A_174 : memref<128x128xf32, #tpu.memory_space<vmem>>[vector<16xi32>, vector<16xi32>], vector<16xf32>,
        %add3A_175 = arith.constant 48 : i32
        %add3A_176 = vector.broadcast %add3A_175 : i32 to vector<16xi32>
        %add3A_177 = arith.addi %add3A_176, %iota3A : vector<16xi32>
        %gather3A_178 = tpu.vector_load_idx %arg5[%add3A_162, %add3A_177] : memref<64x128xf32, #tpu.memory_space<vmem>>[vector<16xi32>, vector<16xi32>], vector<16xf32>,
        tpu.vector_store_idx %arg9[%add3A_177, %add3A_162], %gather3A_178 : memref<128x128xf32, #tpu.memory_space<vmem>>[vector<16xi32>, vector<16xi32>], vector<16xf32>,
        %add3A_179 = arith.constant 64 : i32
        %add3A_180 = vector.broadcast %add3A_179 : i32 to vector<16xi32>
        %add3A_181 = arith.addi %add3A_180, %iota3A : vector<16xi32>
        %gather3A_182 = tpu.vector_load_idx %arg5[%add3A_162, %add3A_181] : memref<64x128xf32, #tpu.memory_space<vmem>>[vector<16xi32>, vector<16xi32>], vector<16xf32>,
        tpu.vector_store_idx %arg9[%add3A_181, %add3A_162], %gather3A_182 : memref<128x128xf32, #tpu.memory_space<vmem>>[vector<16xi32>, vector<16xi32>], vector<16xf32>,
        %add3A_183 = arith.constant 80 : i32
        %add3A_184 = vector.broadcast %add3A_183 : i32 to vector<16xi32>
        %add3A_185 = arith.addi %add3A_184, %iota3A : vector<16xi32>
        %gather3A_186 = tpu.vector_load_idx %arg5[%add3A_162, %add3A_185] : memref<64x128xf32, #tpu.memory_space<vmem>>[vector<16xi32>, vector<16xi32>], vector<16xf32>,
        tpu.vector_store_idx %arg9[%add3A_185, %add3A_162], %gather3A_186 : memref<128x128xf32, #tpu.memory_space<vmem>>[vector<16xi32>, vector<16xi32>], vector<16xf32>,
        %add3A_187 = arith.constant 96 : i32
        %add3A_188 = vector.broadcast %add3A_187 : i32 to vector<16xi32>
        %add3A_189 = arith.addi %add3A_188, %iota3A : vector<16xi32>
        %gather3A_190 = tpu.vector_load_idx %arg5[%add3A_162, %add3A_189] : memref<64x128xf32, #tpu.memory_space<vmem>>[vector<16xi32>, vector<16xi32>], vector<16xf32>,
        tpu.vector_store_idx %arg9[%add3A_189, %add3A_162], %gather3A_190 : memref<128x128xf32, #tpu.memory_space<vmem>>[vector<16xi32>, vector<16xi32>], vector<16xf32>,
        %add3A_191 = arith.constant 112 : i32
        %add3A_192 = vector.broadcast %add3A_191 : i32 to vector<16xi32>
        %add3A_193 = arith.addi %add3A_192, %iota3A : vector<16xi32>
        %gather3A_194 = tpu.vector_load_idx %arg5[%add3A_162, %add3A_193] : memref<64x128xf32, #tpu.memory_space<vmem>>[vector<16xi32>, vector<16xi32>], vector<16xf32>,
        tpu.vector_store_idx %arg9[%add3A_193, %add3A_162], %gather3A_194 : memref<128x128xf32, #tpu.memory_space<vmem>>[vector<16xi32>, vector<16xi32>], vector<16xf32>,
        %add3A_195 = arith.constant 48 : i32
        %add3A_196 = vector.broadcast %add3A_195 : i32 to vector<16xi32>
        %add3A_197 = arith.addi %add3A_196, %and3A_90 : vector<16xi32>
        %add3A_198 = arith.constant 0 : i32
        %add3A_199 = vector.broadcast %add3A_198 : i32 to vector<16xi32>
        %add3A_200 = arith.addi %add3A_199, %iota3A : vector<16xi32>
        %gather3A_201 = tpu.vector_load_idx %arg5[%add3A_197, %add3A_200] : memref<64x128xf32, #tpu.memory_space<vmem>>[vector<16xi32>, vector<16xi32>], vector<16xf32>,
        tpu.vector_store_idx %arg9[%add3A_200, %add3A_197], %gather3A_201 : memref<128x128xf32, #tpu.memory_space<vmem>>[vector<16xi32>, vector<16xi32>], vector<16xf32>,
        %add3A_202 = arith.constant 16 : i32
        %add3A_203 = vector.broadcast %add3A_202 : i32 to vector<16xi32>
        %add3A_204 = arith.addi %add3A_203, %iota3A : vector<16xi32>
        %gather3A_205 = tpu.vector_load_idx %arg5[%add3A_197, %add3A_204] : memref<64x128xf32, #tpu.memory_space<vmem>>[vector<16xi32>, vector<16xi32>], vector<16xf32>,
        tpu.vector_store_idx %arg9[%add3A_204, %add3A_197], %gather3A_205 : memref<128x128xf32, #tpu.memory_space<vmem>>[vector<16xi32>, vector<16xi32>], vector<16xf32>,
        %add3A_206 = arith.constant 32 : i32
        %add3A_207 = vector.broadcast %add3A_206 : i32 to vector<16xi32>
        %add3A_208 = arith.addi %add3A_207, %iota3A : vector<16xi32>
        %gather3A_209 = tpu.vector_load_idx %arg5[%add3A_197, %add3A_208] : memref<64x128xf32, #tpu.memory_space<vmem>>[vector<16xi32>, vector<16xi32>], vector<16xf32>,
        tpu.vector_store_idx %arg9[%add3A_208, %add3A_197], %gather3A_209 : memref<128x128xf32, #tpu.memory_space<vmem>>[vector<16xi32>, vector<16xi32>], vector<16xf32>,
        %add3A_210 = arith.constant 48 : i32
        %add3A_211 = vector.broadcast %add3A_210 : i32 to vector<16xi32>
        %add3A_212 = arith.addi %add3A_211, %iota3A : vector<16xi32>
        %gather3A_213 = tpu.vector_load_idx %arg5[%add3A_197, %add3A_212] : memref<64x128xf32, #tpu.memory_space<vmem>>[vector<16xi32>, vector<16xi32>], vector<16xf32>,
        tpu.vector_store_idx %arg9[%add3A_212, %add3A_197], %gather3A_213 : memref<128x128xf32, #tpu.memory_space<vmem>>[vector<16xi32>, vector<16xi32>], vector<16xf32>,
        %add3A_214 = arith.constant 64 : i32
        %add3A_215 = vector.broadcast %add3A_214 : i32 to vector<16xi32>
        %add3A_216 = arith.addi %add3A_215, %iota3A : vector<16xi32>
        %gather3A_217 = tpu.vector_load_idx %arg5[%add3A_197, %add3A_216] : memref<64x128xf32, #tpu.memory_space<vmem>>[vector<16xi32>, vector<16xi32>], vector<16xf32>,
        tpu.vector_store_idx %arg9[%add3A_216, %add3A_197], %gather3A_217 : memref<128x128xf32, #tpu.memory_space<vmem>>[vector<16xi32>, vector<16xi32>], vector<16xf32>,
        %add3A_218 = arith.constant 80 : i32
        %add3A_219 = vector.broadcast %add3A_218 : i32 to vector<16xi32>
        %add3A_220 = arith.addi %add3A_219, %iota3A : vector<16xi32>
        %gather3A_221 = tpu.vector_load_idx %arg5[%add3A_197, %add3A_220] : memref<64x128xf32, #tpu.memory_space<vmem>>[vector<16xi32>, vector<16xi32>], vector<16xf32>,
        tpu.vector_store_idx %arg9[%add3A_220, %add3A_197], %gather3A_221 : memref<128x128xf32, #tpu.memory_space<vmem>>[vector<16xi32>, vector<16xi32>], vector<16xf32>,
        %add3A_222 = arith.constant 96 : i32
        %add3A_223 = vector.broadcast %add3A_222 : i32 to vector<16xi32>
        %add3A_224 = arith.addi %add3A_223, %iota3A : vector<16xi32>
        %gather3A_225 = tpu.vector_load_idx %arg5[%add3A_197, %add3A_224] : memref<64x128xf32, #tpu.memory_space<vmem>>[vector<16xi32>, vector<16xi32>], vector<16xf32>,
        tpu.vector_store_idx %arg9[%add3A_224, %add3A_197], %gather3A_225 : memref<128x128xf32, #tpu.memory_space<vmem>>[vector<16xi32>, vector<16xi32>], vector<16xf32>,
        %add3A_226 = arith.constant 112 : i32
        %add3A_227 = vector.broadcast %add3A_226 : i32 to vector<16xi32>
        %add3A_228 = arith.addi %add3A_227, %iota3A : vector<16xi32>
        %gather3A_229 = tpu.vector_load_idx %arg5[%add3A_197, %add3A_228] : memref<64x128xf32, #tpu.memory_space<vmem>>[vector<16xi32>, vector<16xi32>], vector<16xf32>,
        tpu.vector_store_idx %arg9[%add3A_228, %add3A_197], %gather3A_229 : memref<128x128xf32, #tpu.memory_space<vmem>>[vector<16xi32>, vector<16xi32>], vector<16xf32>,
      }
      %scan3A_83 = arith.constant 16 : i32
      %mul3A_84 = arith.constant 128 : i32
      %mul3A_85 = arith.muli %add3A_75, %mul3A_84 : i32
      "tpu.region"() ({
        %run_scoped3A = tpu.sem_alloc : memref<!tpu.dma_semaphore, #tpu.memory_space<semaphore_mem>>
        %dma_start3A_86 = arith.constant 0 : i32
        %dma_start3A_87 = tpu.memref_slice %arg4[%mul3A_85, %dma_start3A_86] : memref<1000064x128xf32, #tpu.memory_space<hbm>> -> memref<128x128xf32, #tpu.memory_space<hbm>>
        %dma_start3A_88 = arith.constant 0 : i32
        %dma_start3A_89 = tpu.memref_slice %arg4[%mul3A_85, %dma_start3A_88] : memref<1000064x128xf32, #tpu.memory_space<hbm>> -> memref<128x128xf32, #tpu.memory_space<hbm>>
        tpu.enqueue_dma source(%arg9 : memref<128x128xf32, #tpu.memory_space<vmem>>) target(%dma_start3A_89 : memref<128x128xf32, #tpu.memory_space<hbm>>) target_semaphore(%run_scoped3A : memref<!tpu.dma_semaphore, #tpu.memory_space<semaphore_mem>>)
        %dma_wait3A_90 = arith.constant 0 : i32
        %dma_wait3A_91 = tpu.memref_slice %arg4[%mul3A_85, %dma_wait3A_90] : memref<1000064x128xf32, #tpu.memory_space<hbm>> -> memref<128x128xf32, #tpu.memory_space<hbm>>
        %dma_wait3A_92 = arith.constant 0 : i32
        %dma_wait3A_93 = tpu.memref_slice %arg4[%mul3A_85, %dma_wait3A_92] : memref<1000064x128xf32, #tpu.memory_space<hbm>> -> memref<128x128xf32, #tpu.memory_space<hbm>>
        tpu.wait_dma2 semaphore(%run_scoped3A : memref<!tpu.dma_semaphore, #tpu.memory_space<semaphore_mem>>) src(%arg9 : memref<128x128xf32, #tpu.memory_space<vmem>>) dst(%dma_wait3A_93 : memref<128x128xf32, #tpu.memory_space<hbm>>)
        tpu.yield
      }) : () -> ()
    } else {
    }
    %eq3A = arith.constant 0 : i32
    %eq3A_70 = arith.cmpi eq, %add3A, %eq3A : i32
    %convert_element_type3A_71 = arith.extui %eq3A_70 : i1 to i32
    %cond3A_72 = arith.constant 0 : i32
    %cond3A_73 = arith.cmpi ne, %convert_element_type3A_71, %cond3A_72 : i32
    scf.if %cond3A_73 {
      "tpu.region"() ({
        %run_scoped3A = tpu.sem_alloc : memref<!tpu.dma_semaphore, #tpu.memory_space<semaphore_mem>>
        %dma_start3A_74 = arith.constant 0 : i32
        %dma_start3A_75 = arith.constant 0 : i32
        %dma_start3A_76 = tpu.memref_slice %arg10[%dma_start3A_74, %dma_start3A_75] : memref<128x128xf32, #tpu.memory_space<vmem>> -> memref<64x128xf32, #tpu.memory_space<vmem>>
        %dma_start3A_77 = arith.constant 0 : i32
        %dma_start3A_78 = arith.constant 0 : i32
        %dma_start3A_79 = tpu.memref_slice %arg10[%dma_start3A_77, %dma_start3A_78] : memref<128x128xf32, #tpu.memory_space<vmem>> -> memref<64x128xf32, #tpu.memory_space<vmem>>
        tpu.enqueue_dma source(%arg3 : memref<64x128xf32, #tpu.memory_space<hbm>>) target(%dma_start3A_79 : memref<64x128xf32, #tpu.memory_space<vmem>>) target_semaphore(%run_scoped3A : memref<!tpu.dma_semaphore, #tpu.memory_space<semaphore_mem>>)
        %dma_wait3A_80 = arith.constant 0 : i32
        %dma_wait3A_81 = arith.constant 0 : i32
        %dma_wait3A_82 = tpu.memref_slice %arg10[%dma_wait3A_80, %dma_wait3A_81] : memref<128x128xf32, #tpu.memory_space<vmem>> -> memref<64x128xf32, #tpu.memory_space<vmem>>
        %dma_wait3A_83 = arith.constant 0 : i32
        %dma_wait3A_84 = arith.constant 0 : i32
        %dma_wait3A_85 = tpu.memref_slice %arg10[%dma_wait3A_83, %dma_wait3A_84] : memref<128x128xf32, #tpu.memory_space<vmem>> -> memref<64x128xf32, #tpu.memory_space<vmem>>
        tpu.wait_dma2 semaphore(%run_scoped3A : memref<!tpu.dma_semaphore, #tpu.memory_space<semaphore_mem>>) src(%arg3 : memref<64x128xf32, #tpu.memory_space<hbm>>) dst(%dma_wait3A_85 : memref<64x128xf32, #tpu.memory_space<vmem>>)
        tpu.yield
      }) : () -> ()
      "tpu.region"() ({
        %run_scoped3A = tpu.sem_alloc : memref<!tpu.dma_semaphore, #tpu.memory_space<semaphore_mem>>
        %dma_start3A_74 = arith.constant 0 : i32
        %dma_start3A_75 = arith.constant 0 : i32
        %dma_start3A_76 = tpu.memref_slice %arg10[%dma_start3A_74, %dma_start3A_75] : memref<128x128xf32, #tpu.memory_space<vmem>> -> memref<64x128xf32, #tpu.memory_space<vmem>>
        %dma_start3A_77 = arith.constant 999936 : i32
        %dma_start3A_78 = arith.constant 0 : i32
        %dma_start3A_79 = tpu.memref_slice %arg4[%dma_start3A_77, %dma_start3A_78] : memref<1000064x128xf32, #tpu.memory_space<hbm>> -> memref<64x128xf32, #tpu.memory_space<hbm>>
        %dma_start3A_80 = arith.constant 999936 : i32
        %dma_start3A_81 = arith.constant 0 : i32
        %dma_start3A_82 = tpu.memref_slice %arg4[%dma_start3A_80, %dma_start3A_81] : memref<1000064x128xf32, #tpu.memory_space<hbm>> -> memref<64x128xf32, #tpu.memory_space<hbm>>
        %dma_start3A_83 = arith.constant 0 : i32
        %dma_start3A_84 = arith.constant 0 : i32
        %dma_start3A_85 = tpu.memref_slice %arg10[%dma_start3A_83, %dma_start3A_84] : memref<128x128xf32, #tpu.memory_space<vmem>> -> memref<64x128xf32, #tpu.memory_space<vmem>>
        tpu.enqueue_dma source(%dma_start3A_85 : memref<64x128xf32, #tpu.memory_space<vmem>>) target(%dma_start3A_82 : memref<64x128xf32, #tpu.memory_space<hbm>>) target_semaphore(%run_scoped3A : memref<!tpu.dma_semaphore, #tpu.memory_space<semaphore_mem>>)
        %dma_wait3A_86 = arith.constant 0 : i32
        %dma_wait3A_87 = arith.constant 0 : i32
        %dma_wait3A_88 = tpu.memref_slice %arg10[%dma_wait3A_86, %dma_wait3A_87] : memref<128x128xf32, #tpu.memory_space<vmem>> -> memref<64x128xf32, #tpu.memory_space<vmem>>
        %dma_wait3A_89 = arith.constant 999936 : i32
        %dma_wait3A_90 = arith.constant 0 : i32
        %dma_wait3A_91 = tpu.memref_slice %arg4[%dma_wait3A_89, %dma_wait3A_90] : memref<1000064x128xf32, #tpu.memory_space<hbm>> -> memref<64x128xf32, #tpu.memory_space<hbm>>
        %dma_wait3A_92 = arith.constant 999936 : i32
        %dma_wait3A_93 = arith.constant 0 : i32
        %dma_wait3A_94 = tpu.memref_slice %arg4[%dma_wait3A_92, %dma_wait3A_93] : memref<1000064x128xf32, #tpu.memory_space<hbm>> -> memref<64x128xf32, #tpu.memory_space<hbm>>
        %dma_wait3A_95 = arith.constant 0 : i32
        %dma_wait3A_96 = arith.constant 0 : i32
        %dma_wait3A_97 = tpu.memref_slice %arg10[%dma_wait3A_95, %dma_wait3A_96] : memref<128x128xf32, #tpu.memory_space<vmem>> -> memref<64x128xf32, #tpu.memory_space<vmem>>
        tpu.wait_dma2 semaphore(%run_scoped3A : memref<!tpu.dma_semaphore, #tpu.memory_space<semaphore_mem>>) src(%dma_wait3A_97 : memref<64x128xf32, #tpu.memory_space<vmem>>) dst(%dma_wait3A_94 : memref<64x128xf32, #tpu.memory_space<hbm>>)
        tpu.yield
      }) : () -> ()
    } else {
    }
    return
  }
}

#map = affine_map<(d0, d1) -> (0, 0, 0)>
#map1 = affine_map<(d0, d1) -> (0, 0)>
module attributes {stable_mosaic.version = 14 : i64} {
  func.func @kb(%arg0: i32, %arg1: i32, %arg2: memref<32x200x128xi32, #tpu.memory_space<hbm>>, %arg3: memref<1000064x128xf32, #tpu.memory_space<hbm>>, %arg4: memref<819200x128xf32, #tpu.memory_space<hbm>>, %arg5: memref<200x128xi32, #tpu.memory_space<vmem>>, %arg6: memref<5x128x128xf32, #tpu.memory_space<vmem>>, %arg7: memref<!tpu.dma_semaphore, #tpu.memory_space<semaphore_mem>>, %arg8: memref<!tpu.dma_semaphore, #tpu.memory_space<semaphore_mem>>, %arg9: memref<!tpu.dma_semaphore, #tpu.memory_space<semaphore_mem>>, %arg10: memref<!tpu.dma_semaphore, #tpu.memory_space<semaphore_mem>>, %arg11: memref<!tpu.dma_semaphore, #tpu.memory_space<semaphore_mem>>, %arg12: memref<!tpu.dma_semaphore, #tpu.memory_space<semaphore_mem>>, %arg13: memref<!tpu.dma_semaphore, #tpu.memory_space<semaphore_mem>>, %arg14: memref<!tpu.dma_semaphore, #tpu.memory_space<semaphore_mem>>, %arg15: memref<!tpu.dma_semaphore, #tpu.memory_space<semaphore_mem>>, %arg16: memref<!tpu.dma_semaphore, #tpu.memory_space<semaphore_mem>>) attributes {dimension_semantics = [#tpu.dimension_semantics<core_parallel>, #tpu.dimension_semantics<subcore_parallel>], iteration_bounds = array<i64: 2, 16>, scalar_prefetch = 0 : i64, scratch_operands = 12 : i64, tpu.core_type = #tpu.core_type<sc_vector_subcore>, window_params = [{transform_indices = #map}, {transform_indices = #map1}, {transform_indices = #map1}]} {
    %mul3A = arith.constant 2 : i32
    %mul3A_0 = arith.muli %arg1, %mul3A : i32
    %add3A = arith.addi %mul3A_0, %arg0 : i32
    %mul3A_1 = arith.constant 25600 : i32
    %mul3A_2 = arith.muli %add3A, %mul3A_1 : i32
    "tpu.region"() ({
      %run_scoped3A = tpu.sem_alloc : memref<!tpu.dma_semaphore, #tpu.memory_space<semaphore_mem>>
      %dma_start3A_281 = arith.constant 0 : i32
      %dma_start3A_282 = arith.constant 0 : i32
      %dma_start3A_283 = tpu.memref_slice %arg2[%add3A, %dma_start3A_281, %dma_start3A_282] : memref<32x200x128xi32, #tpu.memory_space<hbm>> -> memref<1x200x128xi32, #tpu.memory_space<hbm>>
      %dma_start3A_284 = tpu.memref_squeeze %dma_start3A_283 : memref<1x200x128xi32, #tpu.memory_space<hbm>> -> memref<200x128xi32, #tpu.memory_space<hbm>>
      %dma_start3A_285 = arith.constant 0 : i32
      %dma_start3A_286 = arith.constant 0 : i32
      %dma_start3A_287 = tpu.memref_slice %arg2[%add3A, %dma_start3A_285, %dma_start3A_286] : memref<32x200x128xi32, #tpu.memory_space<hbm>> -> memref<1x200x128xi32, #tpu.memory_space<hbm>>
      %dma_start3A_288 = tpu.memref_squeeze %dma_start3A_287 : memref<1x200x128xi32, #tpu.memory_space<hbm>> -> memref<200x128xi32, #tpu.memory_space<hbm>>
      tpu.enqueue_dma source(%dma_start3A_288 : memref<200x128xi32, #tpu.memory_space<hbm>>) target(%arg5 : memref<200x128xi32, #tpu.memory_space<vmem>>) target_semaphore(%run_scoped3A : memref<!tpu.dma_semaphore, #tpu.memory_space<semaphore_mem>>)
      %dma_wait3A_289 = arith.constant 0 : i32
      %dma_wait3A_290 = arith.constant 0 : i32
      %dma_wait3A_291 = tpu.memref_slice %arg2[%add3A, %dma_wait3A_289, %dma_wait3A_290] : memref<32x200x128xi32, #tpu.memory_space<hbm>> -> memref<1x200x128xi32, #tpu.memory_space<hbm>>
      %dma_wait3A_292 = tpu.memref_squeeze %dma_wait3A_291 : memref<1x200x128xi32, #tpu.memory_space<hbm>> -> memref<200x128xi32, #tpu.memory_space<hbm>>
      %dma_wait3A_293 = arith.constant 0 : i32
      %dma_wait3A_294 = arith.constant 0 : i32
      %dma_wait3A_295 = tpu.memref_slice %arg2[%add3A, %dma_wait3A_293, %dma_wait3A_294] : memref<32x200x128xi32, #tpu.memory_space<hbm>> -> memref<1x200x128xi32, #tpu.memory_space<hbm>>
      %dma_wait3A_296 = tpu.memref_squeeze %dma_wait3A_295 : memref<1x200x128xi32, #tpu.memory_space<hbm>> -> memref<200x128xi32, #tpu.memory_space<hbm>>
      tpu.wait_dma2 semaphore(%run_scoped3A : memref<!tpu.dma_semaphore, #tpu.memory_space<semaphore_mem>>) src(%dma_wait3A_296 : memref<200x128xi32, #tpu.memory_space<hbm>>) dst(%arg5 : memref<200x128xi32, #tpu.memory_space<vmem>>)
      tpu.yield
    }) : () -> ()
    %dma_start3A = arith.constant 0 : i32
    %dma_start3A_3 = arith.constant 0 : i32
    %dma_start3A_4 = arith.constant 0 : i32
    %dma_start3A_5 = arith.constant 0 : i32
    %dma_start3A_6 = tpu.memref_slice %arg6[%dma_start3A_3, %dma_start3A_4, %dma_start3A_5] : memref<5x128x128xf32, #tpu.memory_space<vmem>> -> memref<1x128x128xf32, #tpu.memory_space<vmem>>
    %dma_start3A_7 = tpu.memref_squeeze %dma_start3A_6 : memref<1x128x128xf32, #tpu.memory_space<vmem>> -> memref<128x128xf32, #tpu.memory_space<vmem>>
    %dma_start3A_8 = arith.constant 0 : i32
    %dma_start3A_9 = tpu.memref_slice %arg5[%dma_start3A, %dma_start3A_8] : memref<200x128xi32, #tpu.memory_space<vmem>> -> memref<1x128xi32, #tpu.memory_space<vmem>>
    %dma_start3A_10 = tpu.memref_squeeze %dma_start3A_9 : memref<1x128xi32, #tpu.memory_space<vmem>> -> memref<128xi32, #tpu.memory_space<vmem>>
    %dma_start3A_11 = arith.constant 0 : i32
    %dma_start3A_12 = arith.constant 0 : i32
    %dma_start3A_13 = tpu.memref_slice %arg3[%dma_start3A_11, %dma_start3A_12] : memref<1000064x128xf32, #tpu.memory_space<hbm>> -> memref<1000064x128xf32, #tpu.memory_space<hbm>>
    tpu.enqueue_indirect_dma source(%dma_start3A_13 : memref<1000064x128xf32, #tpu.memory_space<hbm>>) target(%dma_start3A_7 : memref<128x128xf32, #tpu.memory_space<vmem>>) offsets(%dma_start3A_10 : memref<128xi32, #tpu.memory_space<vmem>>) semaphore(%arg7 : memref<!tpu.dma_semaphore, #tpu.memory_space<semaphore_mem>>)
    %dma_start3A_14 = arith.constant 1 : i32
    %dma_start3A_15 = arith.constant 1 : i32
    %dma_start3A_16 = arith.constant 0 : i32
    %dma_start3A_17 = arith.constant 0 : i32
    %dma_start3A_18 = tpu.memref_slice %arg6[%dma_start3A_15, %dma_start3A_16, %dma_start3A_17] : memref<5x128x128xf32, #tpu.memory_space<vmem>> -> memref<1x128x128xf32, #tpu.memory_space<vmem>>
    %dma_start3A_19 = tpu.memref_squeeze %dma_start3A_18 : memref<1x128x128xf32, #tpu.memory_space<vmem>> -> memref<128x128xf32, #tpu.memory_space<vmem>>
    %dma_start3A_20 = arith.constant 0 : i32
    %dma_start3A_21 = tpu.memref_slice %arg5[%dma_start3A_14, %dma_start3A_20] : memref<200x128xi32, #tpu.memory_space<vmem>> -> memref<1x128xi32, #tpu.memory_space<vmem>>
    %dma_start3A_22 = tpu.memref_squeeze %dma_start3A_21 : memref<1x128xi32, #tpu.memory_space<vmem>> -> memref<128xi32, #tpu.memory_space<vmem>>
    %dma_start3A_23 = arith.constant 0 : i32
    %dma_start3A_24 = arith.constant 0 : i32
    %dma_start3A_25 = tpu.memref_slice %arg3[%dma_start3A_23, %dma_start3A_24] : memref<1000064x128xf32, #tpu.memory_space<hbm>> -> memref<1000064x128xf32, #tpu.memory_space<hbm>>
    tpu.enqueue_indirect_dma source(%dma_start3A_25 : memref<1000064x128xf32, #tpu.memory_space<hbm>>) target(%dma_start3A_19 : memref<128x128xf32, #tpu.memory_space<vmem>>) offsets(%dma_start3A_22 : memref<128xi32, #tpu.memory_space<vmem>>) semaphore(%arg8 : memref<!tpu.dma_semaphore, #tpu.memory_space<semaphore_mem>>)
    %dma_start3A_26 = arith.constant 2 : i32
    %dma_start3A_27 = arith.constant 2 : i32
    %dma_start3A_28 = arith.constant 0 : i32
    %dma_start3A_29 = arith.constant 0 : i32
    %dma_start3A_30 = tpu.memref_slice %arg6[%dma_start3A_27, %dma_start3A_28, %dma_start3A_29] : memref<5x128x128xf32, #tpu.memory_space<vmem>> -> memref<1x128x128xf32, #tpu.memory_space<vmem>>
    %dma_start3A_31 = tpu.memref_squeeze %dma_start3A_30 : memref<1x128x128xf32, #tpu.memory_space<vmem>> -> memref<128x128xf32, #tpu.memory_space<vmem>>
    %dma_start3A_32 = arith.constant 0 : i32
    %dma_start3A_33 = tpu.memref_slice %arg5[%dma_start3A_26, %dma_start3A_32] : memref<200x128xi32, #tpu.memory_space<vmem>> -> memref<1x128xi32, #tpu.memory_space<vmem>>
    %dma_start3A_34 = tpu.memref_squeeze %dma_start3A_33 : memref<1x128xi32, #tpu.memory_space<vmem>> -> memref<128xi32, #tpu.memory_space<vmem>>
    %dma_start3A_35 = arith.constant 0 : i32
    %dma_start3A_36 = arith.constant 0 : i32
    %dma_start3A_37 = tpu.memref_slice %arg3[%dma_start3A_35, %dma_start3A_36] : memref<1000064x128xf32, #tpu.memory_space<hbm>> -> memref<1000064x128xf32, #tpu.memory_space<hbm>>
    tpu.enqueue_indirect_dma source(%dma_start3A_37 : memref<1000064x128xf32, #tpu.memory_space<hbm>>) target(%dma_start3A_31 : memref<128x128xf32, #tpu.memory_space<vmem>>) offsets(%dma_start3A_34 : memref<128xi32, #tpu.memory_space<vmem>>) semaphore(%arg9 : memref<!tpu.dma_semaphore, #tpu.memory_space<semaphore_mem>>)
    %dma_start3A_38 = arith.constant 3 : i32
    %dma_start3A_39 = arith.constant 3 : i32
    %dma_start3A_40 = arith.constant 0 : i32
    %dma_start3A_41 = arith.constant 0 : i32
    %dma_start3A_42 = tpu.memref_slice %arg6[%dma_start3A_39, %dma_start3A_40, %dma_start3A_41] : memref<5x128x128xf32, #tpu.memory_space<vmem>> -> memref<1x128x128xf32, #tpu.memory_space<vmem>>
    %dma_start3A_43 = tpu.memref_squeeze %dma_start3A_42 : memref<1x128x128xf32, #tpu.memory_space<vmem>> -> memref<128x128xf32, #tpu.memory_space<vmem>>
    %dma_start3A_44 = arith.constant 0 : i32
    %dma_start3A_45 = tpu.memref_slice %arg5[%dma_start3A_38, %dma_start3A_44] : memref<200x128xi32, #tpu.memory_space<vmem>> -> memref<1x128xi32, #tpu.memory_space<vmem>>
    %dma_start3A_46 = tpu.memref_squeeze %dma_start3A_45 : memref<1x128xi32, #tpu.memory_space<vmem>> -> memref<128xi32, #tpu.memory_space<vmem>>
    %dma_start3A_47 = arith.constant 0 : i32
    %dma_start3A_48 = arith.constant 0 : i32
    %dma_start3A_49 = tpu.memref_slice %arg3[%dma_start3A_47, %dma_start3A_48] : memref<1000064x128xf32, #tpu.memory_space<hbm>> -> memref<1000064x128xf32, #tpu.memory_space<hbm>>
    tpu.enqueue_indirect_dma source(%dma_start3A_49 : memref<1000064x128xf32, #tpu.memory_space<hbm>>) target(%dma_start3A_43 : memref<128x128xf32, #tpu.memory_space<vmem>>) offsets(%dma_start3A_46 : memref<128xi32, #tpu.memory_space<vmem>>) semaphore(%arg10 : memref<!tpu.dma_semaphore, #tpu.memory_space<semaphore_mem>>)
    %dma_wait3A = arith.constant 0 : i32
    %dma_wait3A_50 = arith.constant 0 : i32
    %dma_wait3A_51 = arith.constant 0 : i32
    %dma_wait3A_52 = tpu.memref_slice %arg6[%dma_wait3A, %dma_wait3A_50, %dma_wait3A_51] : memref<5x128x128xf32, #tpu.memory_space<vmem>> -> memref<1x128x128xf32, #tpu.memory_space<vmem>>
    %dma_wait3A_53 = tpu.memref_squeeze %dma_wait3A_52 : memref<1x128x128xf32, #tpu.memory_space<vmem>> -> memref<128x128xf32, #tpu.memory_space<vmem>>
    %dma_wait3A_54 = arith.constant 0 : i32
    %dma_wait3A_55 = arith.constant 0 : i32
    %dma_wait3A_56 = tpu.memref_slice %arg3[%dma_wait3A_54, %dma_wait3A_55] : memref<1000064x128xf32, #tpu.memory_space<hbm>> -> memref<128x128xf32, #tpu.memory_space<hbm>>
    %dma_wait3A_57 = arith.constant 0 : i32
    %dma_wait3A_58 = arith.constant 0 : i32
    %dma_wait3A_59 = tpu.memref_slice %arg6[%dma_wait3A, %dma_wait3A_57, %dma_wait3A_58] : memref<5x128x128xf32, #tpu.memory_space<vmem>> -> memref<1x128x128xf32, #tpu.memory_space<vmem>>
    %dma_wait3A_60 = tpu.memref_squeeze %dma_wait3A_59 : memref<1x128x128xf32, #tpu.memory_space<vmem>> -> memref<128x128xf32, #tpu.memory_space<vmem>>
    %dma_wait3A_61 = arith.constant 0 : i32
    %dma_wait3A_62 = arith.constant 0 : i32
    %dma_wait3A_63 = tpu.memref_slice %arg3[%dma_wait3A_61, %dma_wait3A_62] : memref<1000064x128xf32, #tpu.memory_space<hbm>> -> memref<128x128xf32, #tpu.memory_space<hbm>>
    tpu.wait_dma2 semaphore(%arg7 : memref<!tpu.dma_semaphore, #tpu.memory_space<semaphore_mem>>) src(%dma_wait3A_63 : memref<128x128xf32, #tpu.memory_space<hbm>>) dst(%dma_wait3A_60 : memref<128x128xf32, #tpu.memory_space<vmem>>)
    %add3A_64 = arith.constant 0 : i32
    %add3A_65 = arith.addi %mul3A_2, %add3A_64 : i32
    %dma_start3A_66 = arith.constant 0 : i32
    %dma_start3A_67 = arith.constant 0 : i32
    %dma_start3A_68 = arith.constant 0 : i32
    %dma_start3A_69 = tpu.memref_slice %arg6[%dma_start3A_66, %dma_start3A_67, %dma_start3A_68] : memref<5x128x128xf32, #tpu.memory_space<vmem>> -> memref<1x128x128xf32, #tpu.memory_space<vmem>>
    %dma_start3A_70 = tpu.memref_squeeze %dma_start3A_69 : memref<1x128x128xf32, #tpu.memory_space<vmem>> -> memref<128x128xf32, #tpu.memory_space<vmem>>
    %dma_start3A_71 = arith.constant 0 : i32
    %dma_start3A_72 = tpu.memref_slice %arg4[%add3A_65, %dma_start3A_71] : memref<819200x128xf32, #tpu.memory_space<hbm>> -> memref<128x128xf32, #tpu.memory_space<hbm>>
    %dma_start3A_73 = arith.constant 0 : i32
    %dma_start3A_74 = tpu.memref_slice %arg4[%add3A_65, %dma_start3A_73] : memref<819200x128xf32, #tpu.memory_space<hbm>> -> memref<128x128xf32, #tpu.memory_space<hbm>>
    %dma_start3A_75 = arith.constant 0 : i32
    %dma_start3A_76 = arith.constant 0 : i32
    %dma_start3A_77 = tpu.memref_slice %arg6[%dma_start3A_66, %dma_start3A_75, %dma_start3A_76] : memref<5x128x128xf32, #tpu.memory_space<vmem>> -> memref<1x128x128xf32, #tpu.memory_space<vmem>>
    %dma_start3A_78 = tpu.memref_squeeze %dma_start3A_77 : memref<1x128x128xf32, #tpu.memory_space<vmem>> -> memref<128x128xf32, #tpu.memory_space<vmem>>
    tpu.enqueue_dma source(%dma_start3A_78 : memref<128x128xf32, #tpu.memory_space<vmem>>) target(%dma_start3A_74 : memref<128x128xf32, #tpu.memory_space<hbm>>) target_semaphore(%arg12 : memref<!tpu.dma_semaphore, #tpu.memory_space<semaphore_mem>>)
    %dma_start3A_79 = arith.constant 4 : i32
    %dma_start3A_80 = arith.constant 4 : i32
    %dma_start3A_81 = arith.constant 0 : i32
    %dma_start3A_82 = arith.constant 0 : i32
    %dma_start3A_83 = tpu.memref_slice %arg6[%dma_start3A_80, %dma_start3A_81, %dma_start3A_82] : memref<5x128x128xf32, #tpu.memory_space<vmem>> -> memref<1x128x128xf32, #tpu.memory_space<vmem>>
    %dma_start3A_84 = tpu.memref_squeeze %dma_start3A_83 : memref<1x128x128xf32, #tpu.memory_space<vmem>> -> memref<128x128xf32, #tpu.memory_space<vmem>>
    %dma_start3A_85 = arith.constant 0 : i32
    %dma_start3A_86 = tpu.memref_slice %arg5[%dma_start3A_79, %dma_start3A_85] : memref<200x128xi32, #tpu.memory_space<vmem>> -> memref<1x128xi32, #tpu.memory_space<vmem>>
    %dma_start3A_87 = tpu.memref_squeeze %dma_start3A_86 : memref<1x128xi32, #tpu.memory_space<vmem>> -> memref<128xi32, #tpu.memory_space<vmem>>
    %dma_start3A_88 = arith.constant 0 : i32
    %dma_start3A_89 = arith.constant 0 : i32
    %dma_start3A_90 = tpu.memref_slice %arg3[%dma_start3A_88, %dma_start3A_89] : memref<1000064x128xf32, #tpu.memory_space<hbm>> -> memref<1000064x128xf32, #tpu.memory_space<hbm>>
    tpu.enqueue_indirect_dma source(%dma_start3A_90 : memref<1000064x128xf32, #tpu.memory_space<hbm>>) target(%dma_start3A_84 : memref<128x128xf32, #tpu.memory_space<vmem>>) offsets(%dma_start3A_87 : memref<128xi32, #tpu.memory_space<vmem>>) semaphore(%arg11 : memref<!tpu.dma_semaphore, #tpu.memory_space<semaphore_mem>>)
    %dma_wait3A_91 = arith.constant 1 : i32
    %dma_wait3A_92 = arith.constant 0 : i32
    %dma_wait3A_93 = arith.constant 0 : i32
    %dma_wait3A_94 = tpu.memref_slice %arg6[%dma_wait3A_91, %dma_wait3A_92, %dma_wait3A_93] : memref<5x128x128xf32, #tpu.memory_space<vmem>> -> memref<1x128x128xf32, #tpu.memory_space<vmem>>
    %dma_wait3A_95 = tpu.memref_squeeze %dma_wait3A_94 : memref<1x128x128xf32, #tpu.memory_space<vmem>> -> memref<128x128xf32, #tpu.memory_space<vmem>>
    %dma_wait3A_96 = arith.constant 0 : i32
    %dma_wait3A_97 = arith.constant 0 : i32
    %dma_wait3A_98 = tpu.memref_slice %arg3[%dma_wait3A_96, %dma_wait3A_97] : memref<1000064x128xf32, #tpu.memory_space<hbm>> -> memref<128x128xf32, #tpu.memory_space<hbm>>
    %dma_wait3A_99 = arith.constant 0 : i32
    %dma_wait3A_100 = arith.constant 0 : i32
    %dma_wait3A_101 = tpu.memref_slice %arg6[%dma_wait3A_91, %dma_wait3A_99, %dma_wait3A_100] : memref<5x128x128xf32, #tpu.memory_space<vmem>> -> memref<1x128x128xf32, #tpu.memory_space<vmem>>
    %dma_wait3A_102 = tpu.memref_squeeze %dma_wait3A_101 : memref<1x128x128xf32, #tpu.memory_space<vmem>> -> memref<128x128xf32, #tpu.memory_space<vmem>>
    %dma_wait3A_103 = arith.constant 0 : i32
    %dma_wait3A_104 = arith.constant 0 : i32
    %dma_wait3A_105 = tpu.memref_slice %arg3[%dma_wait3A_103, %dma_wait3A_104] : memref<1000064x128xf32, #tpu.memory_space<hbm>> -> memref<128x128xf32, #tpu.memory_space<hbm>>
    tpu.wait_dma2 semaphore(%arg8 : memref<!tpu.dma_semaphore, #tpu.memory_space<semaphore_mem>>) src(%dma_wait3A_105 : memref<128x128xf32, #tpu.memory_space<hbm>>) dst(%dma_wait3A_102 : memref<128x128xf32, #tpu.memory_space<vmem>>)
    %add3A_106 = arith.constant 128 : i32
    %add3A_107 = arith.addi %mul3A_2, %add3A_106 : i32
    %dma_start3A_108 = arith.constant 1 : i32
    %dma_start3A_109 = arith.constant 0 : i32
    %dma_start3A_110 = arith.constant 0 : i32
    %dma_start3A_111 = tpu.memref_slice %arg6[%dma_start3A_108, %dma_start3A_109, %dma_start3A_110] : memref<5x128x128xf32, #tpu.memory_space<vmem>> -> memref<1x128x128xf32, #tpu.memory_space<vmem>>
    %dma_start3A_112 = tpu.memref_squeeze %dma_start3A_111 : memref<1x128x128xf32, #tpu.memory_space<vmem>> -> memref<128x128xf32, #tpu.memory_space<vmem>>
    %dma_start3A_113 = arith.constant 0 : i32
    %dma_start3A_114 = tpu.memref_slice %arg4[%add3A_107, %dma_start3A_113] : memref<819200x128xf32, #tpu.memory_space<hbm>> -> memref<128x128xf32, #tpu.memory_space<hbm>>
    %dma_start3A_115 = arith.constant 0 : i32
    %dma_start3A_116 = tpu.memref_slice %arg4[%add3A_107, %dma_start3A_115] : memref<819200x128xf32, #tpu.memory_space<hbm>> -> memref<128x128xf32, #tpu.memory_space<hbm>>
    %dma_start3A_117 = arith.constant 0 : i32
    %dma_start3A_118 = arith.constant 0 : i32
    %dma_start3A_119 = tpu.memref_slice %arg6[%dma_start3A_108, %dma_start3A_117, %dma_start3A_118] : memref<5x128x128xf32, #tpu.memory_space<vmem>> -> memref<1x128x128xf32, #tpu.memory_space<vmem>>
    %dma_start3A_120 = tpu.memref_squeeze %dma_start3A_119 : memref<1x128x128xf32, #tpu.memory_space<vmem>> -> memref<128x128xf32, #tpu.memory_space<vmem>>
    tpu.enqueue_dma source(%dma_start3A_120 : memref<128x128xf32, #tpu.memory_space<vmem>>) target(%dma_start3A_116 : memref<128x128xf32, #tpu.memory_space<hbm>>) target_semaphore(%arg13 : memref<!tpu.dma_semaphore, #tpu.memory_space<semaphore_mem>>)
    %scan3A = arith.constant 0 : i32
    %scan3A_121 = arith.constant 1 : i32
    %scan3A_122 = arith.constant 39 : i32
    %scan3A_123 = arith.addi %scan3A_121, %scan3A_122 : i32
    %scan3A_124 = arith.constant 1 : i32
    scf.for %scan3A_281 = %scan3A_121 to %scan3A_123 step %scan3A_124  : i32 {
      %mul3A_282 = arith.constant 5 : i32
      %mul3A_283 = arith.muli %scan3A_281, %mul3A_282 : i32
      %add3A_284 = arith.constant 0 : i32
      %add3A_285 = arith.addi %mul3A_283, %add3A_284 : i32
      %dma_wait3A_286 = arith.constant 0 : i32
      %dma_wait3A_287 = arith.constant 0 : i32
      %dma_wait3A_288 = arith.constant 0 : i32
      %dma_wait3A_289 = tpu.memref_slice %arg6[%dma_wait3A_286, %dma_wait3A_287, %dma_wait3A_288] : memref<5x128x128xf32, #tpu.memory_space<vmem>> -> memref<1x128x128xf32, #tpu.memory_space<vmem>>
      %dma_wait3A_290 = tpu.memref_squeeze %dma_wait3A_289 : memref<1x128x128xf32, #tpu.memory_space<vmem>> -> memref<128x128xf32, #tpu.memory_space<vmem>>
      %dma_wait3A_291 = arith.constant 0 : i32
      %dma_wait3A_292 = tpu.memref_slice %arg4[%mul3A_2, %dma_wait3A_291] : memref<819200x128xf32, #tpu.memory_space<hbm>> -> memref<128x128xf32, #tpu.memory_space<hbm>>
      %dma_wait3A_293 = arith.constant 0 : i32
      %dma_wait3A_294 = tpu.memref_slice %arg4[%mul3A_2, %dma_wait3A_293] : memref<819200x128xf32, #tpu.memory_space<hbm>> -> memref<128x128xf32, #tpu.memory_space<hbm>>
      %dma_wait3A_295 = arith.constant 0 : i32
      %dma_wait3A_296 = arith.constant 0 : i32
      %dma_wait3A_297 = tpu.memref_slice %arg6[%dma_wait3A_286, %dma_wait3A_295, %dma_wait3A_296] : memref<5x128x128xf32, #tpu.memory_space<vmem>> -> memref<1x128x128xf32, #tpu.memory_space<vmem>>
      %dma_wait3A_298 = tpu.memref_squeeze %dma_wait3A_297 : memref<1x128x128xf32, #tpu.memory_space<vmem>> -> memref<128x128xf32, #tpu.memory_space<vmem>>
      tpu.wait_dma2 semaphore(%arg12 : memref<!tpu.dma_semaphore, #tpu.memory_space<semaphore_mem>>) src(%dma_wait3A_298 : memref<128x128xf32, #tpu.memory_space<vmem>>) dst(%dma_wait3A_294 : memref<128x128xf32, #tpu.memory_space<hbm>>)
      %dma_start3A_299 = arith.constant 0 : i32
      %dma_start3A_300 = arith.constant 0 : i32
      %dma_start3A_301 = arith.constant 0 : i32
      %dma_start3A_302 = tpu.memref_slice %arg6[%dma_start3A_299, %dma_start3A_300, %dma_start3A_301] : memref<5x128x128xf32, #tpu.memory_space<vmem>> -> memref<1x128x128xf32, #tpu.memory_space<vmem>>
      %dma_start3A_303 = tpu.memref_squeeze %dma_start3A_302 : memref<1x128x128xf32, #tpu.memory_space<vmem>> -> memref<128x128xf32, #tpu.memory_space<vmem>>
      %dma_start3A_304 = arith.constant 0 : i32
      %dma_start3A_305 = tpu.memref_slice %arg5[%add3A_285, %dma_start3A_304] : memref<200x128xi32, #tpu.memory_space<vmem>> -> memref<1x128xi32, #tpu.memory_space<vmem>>
      %dma_start3A_306 = tpu.memref_squeeze %dma_start3A_305 : memref<1x128xi32, #tpu.memory_space<vmem>> -> memref<128xi32, #tpu.memory_space<vmem>>
      %dma_start3A_307 = arith.constant 0 : i32
      %dma_start3A_308 = arith.constant 0 : i32
      %dma_start3A_309 = tpu.memref_slice %arg3[%dma_start3A_307, %dma_start3A_308] : memref<1000064x128xf32, #tpu.memory_space<hbm>> -> memref<1000064x128xf32, #tpu.memory_space<hbm>>
      tpu.enqueue_indirect_dma source(%dma_start3A_309 : memref<1000064x128xf32, #tpu.memory_space<hbm>>) target(%dma_start3A_303 : memref<128x128xf32, #tpu.memory_space<vmem>>) offsets(%dma_start3A_306 : memref<128xi32, #tpu.memory_space<vmem>>) semaphore(%arg7 : memref<!tpu.dma_semaphore, #tpu.memory_space<semaphore_mem>>)
      %dma_wait3A_310 = arith.constant 2 : i32
      %dma_wait3A_311 = arith.constant 0 : i32
      %dma_wait3A_312 = arith.constant 0 : i32
      %dma_wait3A_313 = tpu.memref_slice %arg6[%dma_wait3A_310, %dma_wait3A_311, %dma_wait3A_312] : memref<5x128x128xf32, #tpu.memory_space<vmem>> -> memref<1x128x128xf32, #tpu.memory_space<vmem>>
      %dma_wait3A_314 = tpu.memref_squeeze %dma_wait3A_313 : memref<1x128x128xf32, #tpu.memory_space<vmem>> -> memref<128x128xf32, #tpu.memory_space<vmem>>
      %dma_wait3A_315 = arith.constant 0 : i32
      %dma_wait3A_316 = arith.constant 0 : i32
      %dma_wait3A_317 = tpu.memref_slice %arg3[%dma_wait3A_315, %dma_wait3A_316] : memref<1000064x128xf32, #tpu.memory_space<hbm>> -> memref<128x128xf32, #tpu.memory_space<hbm>>
      %dma_wait3A_318 = arith.constant 0 : i32
      %dma_wait3A_319 = arith.constant 0 : i32
      %dma_wait3A_320 = tpu.memref_slice %arg6[%dma_wait3A_310, %dma_wait3A_318, %dma_wait3A_319] : memref<5x128x128xf32, #tpu.memory_space<vmem>> -> memref<1x128x128xf32, #tpu.memory_space<vmem>>
      %dma_wait3A_321 = tpu.memref_squeeze %dma_wait3A_320 : memref<1x128x128xf32, #tpu.memory_space<vmem>> -> memref<128x128xf32, #tpu.memory_space<vmem>>
      %dma_wait3A_322 = arith.constant 0 : i32
      %dma_wait3A_323 = arith.constant 0 : i32
      %dma_wait3A_324 = tpu.memref_slice %arg3[%dma_wait3A_322, %dma_wait3A_323] : memref<1000064x128xf32, #tpu.memory_space<hbm>> -> memref<128x128xf32, #tpu.memory_space<hbm>>
      tpu.wait_dma2 semaphore(%arg9 : memref<!tpu.dma_semaphore, #tpu.memory_space<semaphore_mem>>) src(%dma_wait3A_324 : memref<128x128xf32, #tpu.memory_space<hbm>>) dst(%dma_wait3A_321 : memref<128x128xf32, #tpu.memory_space<vmem>>)
      %sub3A = arith.constant 3 : i32
      %sub3A_325 = arith.subi %add3A_285, %sub3A : i32
      %mul3A_326 = arith.constant 128 : i32
      %mul3A_327 = arith.muli %sub3A_325, %mul3A_326 : i32
      %add3A_328 = arith.addi %mul3A_2, %mul3A_327 : i32
      %dma_start3A_329 = arith.constant 2 : i32
      %dma_start3A_330 = arith.constant 0 : i32
      %dma_start3A_331 = arith.constant 0 : i32
      %dma_start3A_332 = tpu.memref_slice %arg6[%dma_start3A_329, %dma_start3A_330, %dma_start3A_331] : memref<5x128x128xf32, #tpu.memory_space<vmem>> -> memref<1x128x128xf32, #tpu.memory_space<vmem>>
      %dma_start3A_333 = tpu.memref_squeeze %dma_start3A_332 : memref<1x128x128xf32, #tpu.memory_space<vmem>> -> memref<128x128xf32, #tpu.memory_space<vmem>>
      %dma_start3A_334 = arith.constant 0 : i32
      %dma_start3A_335 = tpu.memref_slice %arg4[%add3A_328, %dma_start3A_334] : memref<819200x128xf32, #tpu.memory_space<hbm>> -> memref<128x128xf32, #tpu.memory_space<hbm>>
      %dma_start3A_336 = arith.constant 0 : i32
      %dma_start3A_337 = tpu.memref_slice %arg4[%add3A_328, %dma_start3A_336] : memref<819200x128xf32, #tpu.memory_space<hbm>> -> memref<128x128xf32, #tpu.memory_space<hbm>>
      %dma_start3A_338 = arith.constant 0 : i32
      %dma_start3A_339 = arith.constant 0 : i32
      %dma_start3A_340 = tpu.memref_slice %arg6[%dma_start3A_329, %dma_start3A_338, %dma_start3A_339] : memref<5x128x128xf32, #tpu.memory_space<vmem>> -> memref<1x128x128xf32, #tpu.memory_space<vmem>>
      %dma_start3A_341 = tpu.memref_squeeze %dma_start3A_340 : memref<1x128x128xf32, #tpu.memory_space<vmem>> -> memref<128x128xf32, #tpu.memory_space<vmem>>
      tpu.enqueue_dma source(%dma_start3A_341 : memref<128x128xf32, #tpu.memory_space<vmem>>) target(%dma_start3A_337 : memref<128x128xf32, #tpu.memory_space<hbm>>) target_semaphore(%arg14 : memref<!tpu.dma_semaphore, #tpu.memory_space<semaphore_mem>>)
      %mul3A_342 = arith.constant 5 : i32
      %mul3A_343 = arith.muli %scan3A_281, %mul3A_342 : i32
      %add3A_344 = arith.constant 1 : i32
      %add3A_345 = arith.addi %mul3A_343, %add3A_344 : i32
      %dma_wait3A_346 = arith.constant 1 : i32
      %dma_wait3A_347 = arith.constant 0 : i32
      %dma_wait3A_348 = arith.constant 0 : i32
      %dma_wait3A_349 = tpu.memref_slice %arg6[%dma_wait3A_346, %dma_wait3A_347, %dma_wait3A_348] : memref<5x128x128xf32, #tpu.memory_space<vmem>> -> memref<1x128x128xf32, #tpu.memory_space<vmem>>
      %dma_wait3A_350 = tpu.memref_squeeze %dma_wait3A_349 : memref<1x128x128xf32, #tpu.memory_space<vmem>> -> memref<128x128xf32, #tpu.memory_space<vmem>>
      %dma_wait3A_351 = arith.constant 0 : i32
      %dma_wait3A_352 = tpu.memref_slice %arg4[%mul3A_2, %dma_wait3A_351] : memref<819200x128xf32, #tpu.memory_space<hbm>> -> memref<128x128xf32, #tpu.memory_space<hbm>>
      %dma_wait3A_353 = arith.constant 0 : i32
      %dma_wait3A_354 = tpu.memref_slice %arg4[%mul3A_2, %dma_wait3A_353] : memref<819200x128xf32, #tpu.memory_space<hbm>> -> memref<128x128xf32, #tpu.memory_space<hbm>>
      %dma_wait3A_355 = arith.constant 0 : i32
      %dma_wait3A_356 = arith.constant 0 : i32
      %dma_wait3A_357 = tpu.memref_slice %arg6[%dma_wait3A_346, %dma_wait3A_355, %dma_wait3A_356] : memref<5x128x128xf32, #tpu.memory_space<vmem>> -> memref<1x128x128xf32, #tpu.memory_space<vmem>>
      %dma_wait3A_358 = tpu.memref_squeeze %dma_wait3A_357 : memref<1x128x128xf32, #tpu.memory_space<vmem>> -> memref<128x128xf32, #tpu.memory_space<vmem>>
      tpu.wait_dma2 semaphore(%arg13 : memref<!tpu.dma_semaphore, #tpu.memory_space<semaphore_mem>>) src(%dma_wait3A_358 : memref<128x128xf32, #tpu.memory_space<vmem>>) dst(%dma_wait3A_354 : memref<128x128xf32, #tpu.memory_space<hbm>>)
      %dma_start3A_359 = arith.constant 1 : i32
      %dma_start3A_360 = arith.constant 0 : i32
      %dma_start3A_361 = arith.constant 0 : i32
      %dma_start3A_362 = tpu.memref_slice %arg6[%dma_start3A_359, %dma_start3A_360, %dma_start3A_361] : memref<5x128x128xf32, #tpu.memory_space<vmem>> -> memref<1x128x128xf32, #tpu.memory_space<vmem>>
      %dma_start3A_363 = tpu.memref_squeeze %dma_start3A_362 : memref<1x128x128xf32, #tpu.memory_space<vmem>> -> memref<128x128xf32, #tpu.memory_space<vmem>>
      %dma_start3A_364 = arith.constant 0 : i32
      %dma_start3A_365 = tpu.memref_slice %arg5[%add3A_345, %dma_start3A_364] : memref<200x128xi32, #tpu.memory_space<vmem>> -> memref<1x128xi32, #tpu.memory_space<vmem>>
      %dma_start3A_366 = tpu.memref_squeeze %dma_start3A_365 : memref<1x128xi32, #tpu.memory_space<vmem>> -> memref<128xi32, #tpu.memory_space<vmem>>
      %dma_start3A_367 = arith.constant 0 : i32
      %dma_start3A_368 = arith.constant 0 : i32
      %dma_start3A_369 = tpu.memref_slice %arg3[%dma_start3A_367, %dma_start3A_368] : memref<1000064x128xf32, #tpu.memory_space<hbm>> -> memref<1000064x128xf32, #tpu.memory_space<hbm>>
      tpu.enqueue_indirect_dma source(%dma_start3A_369 : memref<1000064x128xf32, #tpu.memory_space<hbm>>) target(%dma_start3A_363 : memref<128x128xf32, #tpu.memory_space<vmem>>) offsets(%dma_start3A_366 : memref<128xi32, #tpu.memory_space<vmem>>) semaphore(%arg8 : memref<!tpu.dma_semaphore, #tpu.memory_space<semaphore_mem>>)
      %dma_wait3A_370 = arith.constant 3 : i32
      %dma_wait3A_371 = arith.constant 0 : i32
      %dma_wait3A_372 = arith.constant 0 : i32
      %dma_wait3A_373 = tpu.memref_slice %arg6[%dma_wait3A_370, %dma_wait3A_371, %dma_wait3A_372] : memref<5x128x128xf32, #tpu.memory_space<vmem>> -> memref<1x128x128xf32, #tpu.memory_space<vmem>>
      %dma_wait3A_374 = tpu.memref_squeeze %dma_wait3A_373 : memref<1x128x128xf32, #tpu.memory_space<vmem>> -> memref<128x128xf32, #tpu.memory_space<vmem>>
      %dma_wait3A_375 = arith.constant 0 : i32
      %dma_wait3A_376 = arith.constant 0 : i32
      %dma_wait3A_377 = tpu.memref_slice %arg3[%dma_wait3A_375, %dma_wait3A_376] : memref<1000064x128xf32, #tpu.memory_space<hbm>> -> memref<128x128xf32, #tpu.memory_space<hbm>>
      %dma_wait3A_378 = arith.constant 0 : i32
      %dma_wait3A_379 = arith.constant 0 : i32
      %dma_wait3A_380 = tpu.memref_slice %arg6[%dma_wait3A_370, %dma_wait3A_378, %dma_wait3A_379] : memref<5x128x128xf32, #tpu.memory_space<vmem>> -> memref<1x128x128xf32, #tpu.memory_space<vmem>>
      %dma_wait3A_381 = tpu.memref_squeeze %dma_wait3A_380 : memref<1x128x128xf32, #tpu.memory_space<vmem>> -> memref<128x128xf32, #tpu.memory_space<vmem>>
      %dma_wait3A_382 = arith.constant 0 : i32
      %dma_wait3A_383 = arith.constant 0 : i32
      %dma_wait3A_384 = tpu.memref_slice %arg3[%dma_wait3A_382, %dma_wait3A_383] : memref<1000064x128xf32, #tpu.memory_space<hbm>> -> memref<128x128xf32, #tpu.memory_space<hbm>>
      tpu.wait_dma2 semaphore(%arg10 : memref<!tpu.dma_semaphore, #tpu.memory_space<semaphore_mem>>) src(%dma_wait3A_384 : memref<128x128xf32, #tpu.memory_space<hbm>>) dst(%dma_wait3A_381 : memref<128x128xf32, #tpu.memory_space<vmem>>)
      %sub3A_385 = arith.constant 3 : i32
      %sub3A_386 = arith.subi %add3A_345, %sub3A_385 : i32
      %mul3A_387 = arith.constant 128 : i32
      %mul3A_388 = arith.muli %sub3A_386, %mul3A_387 : i32
      %add3A_389 = arith.addi %mul3A_2, %mul3A_388 : i32
      %dma_start3A_390 = arith.constant 3 : i32
      %dma_start3A_391 = arith.constant 0 : i32
      %dma_start3A_392 = arith.constant 0 : i32
      %dma_start3A_393 = tpu.memref_slice %arg6[%dma_start3A_390, %dma_start3A_391, %dma_start3A_392] : memref<5x128x128xf32, #tpu.memory_space<vmem>> -> memref<1x128x128xf32, #tpu.memory_space<vmem>>
      %dma_start3A_394 = tpu.memref_squeeze %dma_start3A_393 : memref<1x128x128xf32, #tpu.memory_space<vmem>> -> memref<128x128xf32, #tpu.memory_space<vmem>>
      %dma_start3A_395 = arith.constant 0 : i32
      %dma_start3A_396 = tpu.memref_slice %arg4[%add3A_389, %dma_start3A_395] : memref<819200x128xf32, #tpu.memory_space<hbm>> -> memref<128x128xf32, #tpu.memory_space<hbm>>
      %dma_start3A_397 = arith.constant 0 : i32
      %dma_start3A_398 = tpu.memref_slice %arg4[%add3A_389, %dma_start3A_397] : memref<819200x128xf32, #tpu.memory_space<hbm>> -> memref<128x128xf32, #tpu.memory_space<hbm>>
      %dma_start3A_399 = arith.constant 0 : i32
      %dma_start3A_400 = arith.constant 0 : i32
      %dma_start3A_401 = tpu.memref_slice %arg6[%dma_start3A_390, %dma_start3A_399, %dma_start3A_400] : memref<5x128x128xf32, #tpu.memory_space<vmem>> -> memref<1x128x128xf32, #tpu.memory_space<vmem>>
      %dma_start3A_402 = tpu.memref_squeeze %dma_start3A_401 : memref<1x128x128xf32, #tpu.memory_space<vmem>> -> memref<128x128xf32, #tpu.memory_space<vmem>>
      tpu.enqueue_dma source(%dma_start3A_402 : memref<128x128xf32, #tpu.memory_space<vmem>>) target(%dma_start3A_398 : memref<128x128xf32, #tpu.memory_space<hbm>>) target_semaphore(%arg15 : memref<!tpu.dma_semaphore, #tpu.memory_space<semaphore_mem>>)
      %mul3A_403 = arith.constant 5 : i32
      %mul3A_404 = arith.muli %scan3A_281, %mul3A_403 : i32
      %add3A_405 = arith.constant 2 : i32
      %add3A_406 = arith.addi %mul3A_404, %add3A_405 : i32
      %dma_wait3A_407 = arith.constant 2 : i32
      %dma_wait3A_408 = arith.constant 0 : i32
      %dma_wait3A_409 = arith.constant 0 : i32
      %dma_wait3A_410 = tpu.memref_slice %arg6[%dma_wait3A_407, %dma_wait3A_408, %dma_wait3A_409] : memref<5x128x128xf32, #tpu.memory_space<vmem>> -> memref<1x128x128xf32, #tpu.memory_space<vmem>>
      %dma_wait3A_411 = tpu.memref_squeeze %dma_wait3A_410 : memref<1x128x128xf32, #tpu.memory_space<vmem>> -> memref<128x128xf32, #tpu.memory_space<vmem>>
      %dma_wait3A_412 = arith.constant 0 : i32
      %dma_wait3A_413 = tpu.memref_slice %arg4[%mul3A_2, %dma_wait3A_412] : memref<819200x128xf32, #tpu.memory_space<hbm>> -> memref<128x128xf32, #tpu.memory_space<hbm>>
      %dma_wait3A_414 = arith.constant 0 : i32
      %dma_wait3A_415 = tpu.memref_slice %arg4[%mul3A_2, %dma_wait3A_414] : memref<819200x128xf32, #tpu.memory_space<hbm>> -> memref<128x128xf32, #tpu.memory_space<hbm>>
      %dma_wait3A_416 = arith.constant 0 : i32
      %dma_wait3A_417 = arith.constant 0 : i32
      %dma_wait3A_418 = tpu.memref_slice %arg6[%dma_wait3A_407, %dma_wait3A_416, %dma_wait3A_417] : memref<5x128x128xf32, #tpu.memory_space<vmem>> -> memref<1x128x128xf32, #tpu.memory_space<vmem>>
      %dma_wait3A_419 = tpu.memref_squeeze %dma_wait3A_418 : memref<1x128x128xf32, #tpu.memory_space<vmem>> -> memref<128x128xf32, #tpu.memory_space<vmem>>
      tpu.wait_dma2 semaphore(%arg14 : memref<!tpu.dma_semaphore, #tpu.memory_space<semaphore_mem>>) src(%dma_wait3A_419 : memref<128x128xf32, #tpu.memory_space<vmem>>) dst(%dma_wait3A_415 : memref<128x128xf32, #tpu.memory_space<hbm>>)
      %dma_start3A_420 = arith.constant 2 : i32
      %dma_start3A_421 = arith.constant 0 : i32
      %dma_start3A_422 = arith.constant 0 : i32
      %dma_start3A_423 = tpu.memref_slice %arg6[%dma_start3A_420, %dma_start3A_421, %dma_start3A_422] : memref<5x128x128xf32, #tpu.memory_space<vmem>> -> memref<1x128x128xf32, #tpu.memory_space<vmem>>
      %dma_start3A_424 = tpu.memref_squeeze %dma_start3A_423 : memref<1x128x128xf32, #tpu.memory_space<vmem>> -> memref<128x128xf32, #tpu.memory_space<vmem>>
      %dma_start3A_425 = arith.constant 0 : i32
      %dma_start3A_426 = tpu.memref_slice %arg5[%add3A_406, %dma_start3A_425] : memref<200x128xi32, #tpu.memory_space<vmem>> -> memref<1x128xi32, #tpu.memory_space<vmem>>
      %dma_start3A_427 = tpu.memref_squeeze %dma_start3A_426 : memref<1x128xi32, #tpu.memory_space<vmem>> -> memref<128xi32, #tpu.memory_space<vmem>>
      %dma_start3A_428 = arith.constant 0 : i32
      %dma_start3A_429 = arith.constant 0 : i32
      %dma_start3A_430 = tpu.memref_slice %arg3[%dma_start3A_428, %dma_start3A_429] : memref<1000064x128xf32, #tpu.memory_space<hbm>> -> memref<1000064x128xf32, #tpu.memory_space<hbm>>
      tpu.enqueue_indirect_dma source(%dma_start3A_430 : memref<1000064x128xf32, #tpu.memory_space<hbm>>) target(%dma_start3A_424 : memref<128x128xf32, #tpu.memory_space<vmem>>) offsets(%dma_start3A_427 : memref<128xi32, #tpu.memory_space<vmem>>) semaphore(%arg9 : memref<!tpu.dma_semaphore, #tpu.memory_space<semaphore_mem>>)
      %dma_wait3A_431 = arith.constant 4 : i32
      %dma_wait3A_432 = arith.constant 0 : i32
      %dma_wait3A_433 = arith.constant 0 : i32
      %dma_wait3A_434 = tpu.memref_slice %arg6[%dma_wait3A_431, %dma_wait3A_432, %dma_wait3A_433] : memref<5x128x128xf32, #tpu.memory_space<vmem>> -> memref<1x128x128xf32, #tpu.memory_space<vmem>>
      %dma_wait3A_435 = tpu.memref_squeeze %dma_wait3A_434 : memref<1x128x128xf32, #tpu.memory_space<vmem>> -> memref<128x128xf32, #tpu.memory_space<vmem>>
      %dma_wait3A_436 = arith.constant 0 : i32
      %dma_wait3A_437 = arith.constant 0 : i32
      %dma_wait3A_438 = tpu.memref_slice %arg3[%dma_wait3A_436, %dma_wait3A_437] : memref<1000064x128xf32, #tpu.memory_space<hbm>> -> memref<128x128xf32, #tpu.memory_space<hbm>>
      %dma_wait3A_439 = arith.constant 0 : i32
      %dma_wait3A_440 = arith.constant 0 : i32
      %dma_wait3A_441 = tpu.memref_slice %arg6[%dma_wait3A_431, %dma_wait3A_439, %dma_wait3A_440] : memref<5x128x128xf32, #tpu.memory_space<vmem>> -> memref<1x128x128xf32, #tpu.memory_space<vmem>>
      %dma_wait3A_442 = tpu.memref_squeeze %dma_wait3A_441 : memref<1x128x128xf32, #tpu.memory_space<vmem>> -> memref<128x128xf32, #tpu.memory_space<vmem>>
      %dma_wait3A_443 = arith.constant 0 : i32
      %dma_wait3A_444 = arith.constant 0 : i32
      %dma_wait3A_445 = tpu.memref_slice %arg3[%dma_wait3A_443, %dma_wait3A_444] : memref<1000064x128xf32, #tpu.memory_space<hbm>> -> memref<128x128xf32, #tpu.memory_space<hbm>>
      tpu.wait_dma2 semaphore(%arg11 : memref<!tpu.dma_semaphore, #tpu.memory_space<semaphore_mem>>) src(%dma_wait3A_445 : memref<128x128xf32, #tpu.memory_space<hbm>>) dst(%dma_wait3A_442 : memref<128x128xf32, #tpu.memory_space<vmem>>)
      %sub3A_446 = arith.constant 3 : i32
      %sub3A_447 = arith.subi %add3A_406, %sub3A_446 : i32
      %mul3A_448 = arith.constant 128 : i32
      %mul3A_449 = arith.muli %sub3A_447, %mul3A_448 : i32
      %add3A_450 = arith.addi %mul3A_2, %mul3A_449 : i32
      %dma_start3A_451 = arith.constant 4 : i32
      %dma_start3A_452 = arith.constant 0 : i32
      %dma_start3A_453 = arith.constant 0 : i32
      %dma_start3A_454 = tpu.memref_slice %arg6[%dma_start3A_451, %dma_start3A_452, %dma_start3A_453] : memref<5x128x128xf32, #tpu.memory_space<vmem>> -> memref<1x128x128xf32, #tpu.memory_space<vmem>>
      %dma_start3A_455 = tpu.memref_squeeze %dma_start3A_454 : memref<1x128x128xf32, #tpu.memory_space<vmem>> -> memref<128x128xf32, #tpu.memory_space<vmem>>
      %dma_start3A_456 = arith.constant 0 : i32
      %dma_start3A_457 = tpu.memref_slice %arg4[%add3A_450, %dma_start3A_456] : memref<819200x128xf32, #tpu.memory_space<hbm>> -> memref<128x128xf32, #tpu.memory_space<hbm>>
      %dma_start3A_458 = arith.constant 0 : i32
      %dma_start3A_459 = tpu.memref_slice %arg4[%add3A_450, %dma_start3A_458] : memref<819200x128xf32, #tpu.memory_space<hbm>> -> memref<128x128xf32, #tpu.memory_space<hbm>>
      %dma_start3A_460 = arith.constant 0 : i32
      %dma_start3A_461 = arith.constant 0 : i32
      %dma_start3A_462 = tpu.memref_slice %arg6[%dma_start3A_451, %dma_start3A_460, %dma_start3A_461] : memref<5x128x128xf32, #tpu.memory_space<vmem>> -> memref<1x128x128xf32, #tpu.memory_space<vmem>>
      %dma_start3A_463 = tpu.memref_squeeze %dma_start3A_462 : memref<1x128x128xf32, #tpu.memory_space<vmem>> -> memref<128x128xf32, #tpu.memory_space<vmem>>
      tpu.enqueue_dma source(%dma_start3A_463 : memref<128x128xf32, #tpu.memory_space<vmem>>) target(%dma_start3A_459 : memref<128x128xf32, #tpu.memory_space<hbm>>) target_semaphore(%arg16 : memref<!tpu.dma_semaphore, #tpu.memory_space<semaphore_mem>>)
      %mul3A_464 = arith.constant 5 : i32
      %mul3A_465 = arith.muli %scan3A_281, %mul3A_464 : i32
      %add3A_466 = arith.constant 3 : i32
      %add3A_467 = arith.addi %mul3A_465, %add3A_466 : i32
      %dma_wait3A_468 = arith.constant 3 : i32
      %dma_wait3A_469 = arith.constant 0 : i32
      %dma_wait3A_470 = arith.constant 0 : i32
      %dma_wait3A_471 = tpu.memref_slice %arg6[%dma_wait3A_468, %dma_wait3A_469, %dma_wait3A_470] : memref<5x128x128xf32, #tpu.memory_space<vmem>> -> memref<1x128x128xf32, #tpu.memory_space<vmem>>
      %dma_wait3A_472 = tpu.memref_squeeze %dma_wait3A_471 : memref<1x128x128xf32, #tpu.memory_space<vmem>> -> memref<128x128xf32, #tpu.memory_space<vmem>>
      %dma_wait3A_473 = arith.constant 0 : i32
      %dma_wait3A_474 = tpu.memref_slice %arg4[%mul3A_2, %dma_wait3A_473] : memref<819200x128xf32, #tpu.memory_space<hbm>> -> memref<128x128xf32, #tpu.memory_space<hbm>>
      %dma_wait3A_475 = arith.constant 0 : i32
      %dma_wait3A_476 = tpu.memref_slice %arg4[%mul3A_2, %dma_wait3A_475] : memref<819200x128xf32, #tpu.memory_space<hbm>> -> memref<128x128xf32, #tpu.memory_space<hbm>>
      %dma_wait3A_477 = arith.constant 0 : i32
      %dma_wait3A_478 = arith.constant 0 : i32
      %dma_wait3A_479 = tpu.memref_slice %arg6[%dma_wait3A_468, %dma_wait3A_477, %dma_wait3A_478] : memref<5x128x128xf32, #tpu.memory_space<vmem>> -> memref<1x128x128xf32, #tpu.memory_space<vmem>>
      %dma_wait3A_480 = tpu.memref_squeeze %dma_wait3A_479 : memref<1x128x128xf32, #tpu.memory_space<vmem>> -> memref<128x128xf32, #tpu.memory_space<vmem>>
      tpu.wait_dma2 semaphore(%arg15 : memref<!tpu.dma_semaphore, #tpu.memory_space<semaphore_mem>>) src(%dma_wait3A_480 : memref<128x128xf32, #tpu.memory_space<vmem>>) dst(%dma_wait3A_476 : memref<128x128xf32, #tpu.memory_space<hbm>>)
      %dma_start3A_481 = arith.constant 3 : i32
      %dma_start3A_482 = arith.constant 0 : i32
      %dma_start3A_483 = arith.constant 0 : i32
      %dma_start3A_484 = tpu.memref_slice %arg6[%dma_start3A_481, %dma_start3A_482, %dma_start3A_483] : memref<5x128x128xf32, #tpu.memory_space<vmem>> -> memref<1x128x128xf32, #tpu.memory_space<vmem>>
      %dma_start3A_485 = tpu.memref_squeeze %dma_start3A_484 : memref<1x128x128xf32, #tpu.memory_space<vmem>> -> memref<128x128xf32, #tpu.memory_space<vmem>>
      %dma_start3A_486 = arith.constant 0 : i32
      %dma_start3A_487 = tpu.memref_slice %arg5[%add3A_467, %dma_start3A_486] : memref<200x128xi32, #tpu.memory_space<vmem>> -> memref<1x128xi32, #tpu.memory_space<vmem>>
      %dma_start3A_488 = tpu.memref_squeeze %dma_start3A_487 : memref<1x128xi32, #tpu.memory_space<vmem>> -> memref<128xi32, #tpu.memory_space<vmem>>
      %dma_start3A_489 = arith.constant 0 : i32
      %dma_start3A_490 = arith.constant 0 : i32
      %dma_start3A_491 = tpu.memref_slice %arg3[%dma_start3A_489, %dma_start3A_490] : memref<1000064x128xf32, #tpu.memory_space<hbm>> -> memref<1000064x128xf32, #tpu.memory_space<hbm>>
      tpu.enqueue_indirect_dma source(%dma_start3A_491 : memref<1000064x128xf32, #tpu.memory_space<hbm>>) target(%dma_start3A_485 : memref<128x128xf32, #tpu.memory_space<vmem>>) offsets(%dma_start3A_488 : memref<128xi32, #tpu.memory_space<vmem>>) semaphore(%arg10 : memref<!tpu.dma_semaphore, #tpu.memory_space<semaphore_mem>>)
      %dma_wait3A_492 = arith.constant 0 : i32
      %dma_wait3A_493 = arith.constant 0 : i32
      %dma_wait3A_494 = arith.constant 0 : i32
      %dma_wait3A_495 = tpu.memref_slice %arg6[%dma_wait3A_492, %dma_wait3A_493, %dma_wait3A_494] : memref<5x128x128xf32, #tpu.memory_space<vmem>> -> memref<1x128x128xf32, #tpu.memory_space<vmem>>
      %dma_wait3A_496 = tpu.memref_squeeze %dma_wait3A_495 : memref<1x128x128xf32, #tpu.memory_space<vmem>> -> memref<128x128xf32, #tpu.memory_space<vmem>>
      %dma_wait3A_497 = arith.constant 0 : i32
      %dma_wait3A_498 = arith.constant 0 : i32
      %dma_wait3A_499 = tpu.memref_slice %arg3[%dma_wait3A_497, %dma_wait3A_498] : memref<1000064x128xf32, #tpu.memory_space<hbm>> -> memref<128x128xf32, #tpu.memory_space<hbm>>
      %dma_wait3A_500 = arith.constant 0 : i32
      %dma_wait3A_501 = arith.constant 0 : i32
      %dma_wait3A_502 = tpu.memref_slice %arg6[%dma_wait3A_492, %dma_wait3A_500, %dma_wait3A_501] : memref<5x128x128xf32, #tpu.memory_space<vmem>> -> memref<1x128x128xf32, #tpu.memory_space<vmem>>
      %dma_wait3A_503 = tpu.memref_squeeze %dma_wait3A_502 : memref<1x128x128xf32, #tpu.memory_space<vmem>> -> memref<128x128xf32, #tpu.memory_space<vmem>>
      %dma_wait3A_504 = arith.constant 0 : i32
      %dma_wait3A_505 = arith.constant 0 : i32
      %dma_wait3A_506 = tpu.memref_slice %arg3[%dma_wait3A_504, %dma_wait3A_505] : memref<1000064x128xf32, #tpu.memory_space<hbm>> -> memref<128x128xf32, #tpu.memory_space<hbm>>
      tpu.wait_dma2 semaphore(%arg7 : memref<!tpu.dma_semaphore, #tpu.memory_space<semaphore_mem>>) src(%dma_wait3A_506 : memref<128x128xf32, #tpu.memory_space<hbm>>) dst(%dma_wait3A_503 : memref<128x128xf32, #tpu.memory_space<vmem>>)
      %sub3A_507 = arith.constant 3 : i32
      %sub3A_508 = arith.subi %add3A_467, %sub3A_507 : i32
      %mul3A_509 = arith.constant 128 : i32
      %mul3A_510 = arith.muli %sub3A_508, %mul3A_509 : i32
      %add3A_511 = arith.addi %mul3A_2, %mul3A_510 : i32
      %dma_start3A_512 = arith.constant 0 : i32
      %dma_start3A_513 = arith.constant 0 : i32
      %dma_start3A_514 = arith.constant 0 : i32
      %dma_start3A_515 = tpu.memref_slice %arg6[%dma_start3A_512, %dma_start3A_513, %dma_start3A_514] : memref<5x128x128xf32, #tpu.memory_space<vmem>> -> memref<1x128x128xf32, #tpu.memory_space<vmem>>
      %dma_start3A_516 = tpu.memref_squeeze %dma_start3A_515 : memref<1x128x128xf32, #tpu.memory_space<vmem>> -> memref<128x128xf32, #tpu.memory_space<vmem>>
      %dma_start3A_517 = arith.constant 0 : i32
      %dma_start3A_518 = tpu.memref_slice %arg4[%add3A_511, %dma_start3A_517] : memref<819200x128xf32, #tpu.memory_space<hbm>> -> memref<128x128xf32, #tpu.memory_space<hbm>>
      %dma_start3A_519 = arith.constant 0 : i32
      %dma_start3A_520 = tpu.memref_slice %arg4[%add3A_511, %dma_start3A_519] : memref<819200x128xf32, #tpu.memory_space<hbm>> -> memref<128x128xf32, #tpu.memory_space<hbm>>
      %dma_start3A_521 = arith.constant 0 : i32
      %dma_start3A_522 = arith.constant 0 : i32
      %dma_start3A_523 = tpu.memref_slice %arg6[%dma_start3A_512, %dma_start3A_521, %dma_start3A_522] : memref<5x128x128xf32, #tpu.memory_space<vmem>> -> memref<1x128x128xf32, #tpu.memory_space<vmem>>
      %dma_start3A_524 = tpu.memref_squeeze %dma_start3A_523 : memref<1x128x128xf32, #tpu.memory_space<vmem>> -> memref<128x128xf32, #tpu.memory_space<vmem>>
      tpu.enqueue_dma source(%dma_start3A_524 : memref<128x128xf32, #tpu.memory_space<vmem>>) target(%dma_start3A_520 : memref<128x128xf32, #tpu.memory_space<hbm>>) target_semaphore(%arg12 : memref<!tpu.dma_semaphore, #tpu.memory_space<semaphore_mem>>)
      %mul3A_525 = arith.constant 5 : i32
      %mul3A_526 = arith.muli %scan3A_281, %mul3A_525 : i32
      %add3A_527 = arith.constant 4 : i32
      %add3A_528 = arith.addi %mul3A_526, %add3A_527 : i32
      %dma_wait3A_529 = arith.constant 4 : i32
      %dma_wait3A_530 = arith.constant 0 : i32
      %dma_wait3A_531 = arith.constant 0 : i32
      %dma_wait3A_532 = tpu.memref_slice %arg6[%dma_wait3A_529, %dma_wait3A_530, %dma_wait3A_531] : memref<5x128x128xf32, #tpu.memory_space<vmem>> -> memref<1x128x128xf32, #tpu.memory_space<vmem>>
      %dma_wait3A_533 = tpu.memref_squeeze %dma_wait3A_532 : memref<1x128x128xf32, #tpu.memory_space<vmem>> -> memref<128x128xf32, #tpu.memory_space<vmem>>
      %dma_wait3A_534 = arith.constant 0 : i32
      %dma_wait3A_535 = tpu.memref_slice %arg4[%mul3A_2, %dma_wait3A_534] : memref<819200x128xf32, #tpu.memory_space<hbm>> -> memref<128x128xf32, #tpu.memory_space<hbm>>
      %dma_wait3A_536 = arith.constant 0 : i32
      %dma_wait3A_537 = tpu.memref_slice %arg4[%mul3A_2, %dma_wait3A_536] : memref<819200x128xf32, #tpu.memory_space<hbm>> -> memref<128x128xf32, #tpu.memory_space<hbm>>
      %dma_wait3A_538 = arith.constant 0 : i32
      %dma_wait3A_539 = arith.constant 0 : i32
      %dma_wait3A_540 = tpu.memref_slice %arg6[%dma_wait3A_529, %dma_wait3A_538, %dma_wait3A_539] : memref<5x128x128xf32, #tpu.memory_space<vmem>> -> memref<1x128x128xf32, #tpu.memory_space<vmem>>
      %dma_wait3A_541 = tpu.memref_squeeze %dma_wait3A_540 : memref<1x128x128xf32, #tpu.memory_space<vmem>> -> memref<128x128xf32, #tpu.memory_space<vmem>>
      tpu.wait_dma2 semaphore(%arg16 : memref<!tpu.dma_semaphore, #tpu.memory_space<semaphore_mem>>) src(%dma_wait3A_541 : memref<128x128xf32, #tpu.memory_space<vmem>>) dst(%dma_wait3A_537 : memref<128x128xf32, #tpu.memory_space<hbm>>)
      %dma_start3A_542 = arith.constant 4 : i32
      %dma_start3A_543 = arith.constant 0 : i32
      %dma_start3A_544 = arith.constant 0 : i32
      %dma_start3A_545 = tpu.memref_slice %arg6[%dma_start3A_542, %dma_start3A_543, %dma_start3A_544] : memref<5x128x128xf32, #tpu.memory_space<vmem>> -> memref<1x128x128xf32, #tpu.memory_space<vmem>>
      %dma_start3A_546 = tpu.memref_squeeze %dma_start3A_545 : memref<1x128x128xf32, #tpu.memory_space<vmem>> -> memref<128x128xf32, #tpu.memory_space<vmem>>
      %dma_start3A_547 = arith.constant 0 : i32
      %dma_start3A_548 = tpu.memref_slice %arg5[%add3A_528, %dma_start3A_547] : memref<200x128xi32, #tpu.memory_space<vmem>> -> memref<1x128xi32, #tpu.memory_space<vmem>>
      %dma_start3A_549 = tpu.memref_squeeze %dma_start3A_548 : memref<1x128xi32, #tpu.memory_space<vmem>> -> memref<128xi32, #tpu.memory_space<vmem>>
      %dma_start3A_550 = arith.constant 0 : i32
      %dma_start3A_551 = arith.constant 0 : i32
      %dma_start3A_552 = tpu.memref_slice %arg3[%dma_start3A_550, %dma_start3A_551] : memref<1000064x128xf32, #tpu.memory_space<hbm>> -> memref<1000064x128xf32, #tpu.memory_space<hbm>>
      tpu.enqueue_indirect_dma source(%dma_start3A_552 : memref<1000064x128xf32, #tpu.memory_space<hbm>>) target(%dma_start3A_546 : memref<128x128xf32, #tpu.memory_space<vmem>>) offsets(%dma_start3A_549 : memref<128xi32, #tpu.memory_space<vmem>>) semaphore(%arg11 : memref<!tpu.dma_semaphore, #tpu.memory_space<semaphore_mem>>)
      %dma_wait3A_553 = arith.constant 1 : i32
      %dma_wait3A_554 = arith.constant 0 : i32
      %dma_wait3A_555 = arith.constant 0 : i32
      %dma_wait3A_556 = tpu.memref_slice %arg6[%dma_wait3A_553, %dma_wait3A_554, %dma_wait3A_555] : memref<5x128x128xf32, #tpu.memory_space<vmem>> -> memref<1x128x128xf32, #tpu.memory_space<vmem>>
      %dma_wait3A_557 = tpu.memref_squeeze %dma_wait3A_556 : memref<1x128x128xf32, #tpu.memory_space<vmem>> -> memref<128x128xf32, #tpu.memory_space<vmem>>
      %dma_wait3A_558 = arith.constant 0 : i32
      %dma_wait3A_559 = arith.constant 0 : i32
      %dma_wait3A_560 = tpu.memref_slice %arg3[%dma_wait3A_558, %dma_wait3A_559] : memref<1000064x128xf32, #tpu.memory_space<hbm>> -> memref<128x128xf32, #tpu.memory_space<hbm>>
      %dma_wait3A_561 = arith.constant 0 : i32
      %dma_wait3A_562 = arith.constant 0 : i32
      %dma_wait3A_563 = tpu.memref_slice %arg6[%dma_wait3A_553, %dma_wait3A_561, %dma_wait3A_562] : memref<5x128x128xf32, #tpu.memory_space<vmem>> -> memref<1x128x128xf32, #tpu.memory_space<vmem>>
      %dma_wait3A_564 = tpu.memref_squeeze %dma_wait3A_563 : memref<1x128x128xf32, #tpu.memory_space<vmem>> -> memref<128x128xf32, #tpu.memory_space<vmem>>
      %dma_wait3A_565 = arith.constant 0 : i32
      %dma_wait3A_566 = arith.constant 0 : i32
      %dma_wait3A_567 = tpu.memref_slice %arg3[%dma_wait3A_565, %dma_wait3A_566] : memref<1000064x128xf32, #tpu.memory_space<hbm>> -> memref<128x128xf32, #tpu.memory_space<hbm>>
      tpu.wait_dma2 semaphore(%arg8 : memref<!tpu.dma_semaphore, #tpu.memory_space<semaphore_mem>>) src(%dma_wait3A_567 : memref<128x128xf32, #tpu.memory_space<hbm>>) dst(%dma_wait3A_564 : memref<128x128xf32, #tpu.memory_space<vmem>>)
      %sub3A_568 = arith.constant 3 : i32
      %sub3A_569 = arith.subi %add3A_528, %sub3A_568 : i32
      %mul3A_570 = arith.constant 128 : i32
      %mul3A_571 = arith.muli %sub3A_569, %mul3A_570 : i32
      %add3A_572 = arith.addi %mul3A_2, %mul3A_571 : i32
      %dma_start3A_573 = arith.constant 1 : i32
      %dma_start3A_574 = arith.constant 0 : i32
      %dma_start3A_575 = arith.constant 0 : i32
      %dma_start3A_576 = tpu.memref_slice %arg6[%dma_start3A_573, %dma_start3A_574, %dma_start3A_575] : memref<5x128x128xf32, #tpu.memory_space<vmem>> -> memref<1x128x128xf32, #tpu.memory_space<vmem>>
      %dma_start3A_577 = tpu.memref_squeeze %dma_start3A_576 : memref<1x128x128xf32, #tpu.memory_space<vmem>> -> memref<128x128xf32, #tpu.memory_space<vmem>>
      %dma_start3A_578 = arith.constant 0 : i32
      %dma_start3A_579 = tpu.memref_slice %arg4[%add3A_572, %dma_start3A_578] : memref<819200x128xf32, #tpu.memory_space<hbm>> -> memref<128x128xf32, #tpu.memory_space<hbm>>
      %dma_start3A_580 = arith.constant 0 : i32
      %dma_start3A_581 = tpu.memref_slice %arg4[%add3A_572, %dma_start3A_580] : memref<819200x128xf32, #tpu.memory_space<hbm>> -> memref<128x128xf32, #tpu.memory_space<hbm>>
      %dma_start3A_582 = arith.constant 0 : i32
      %dma_start3A_583 = arith.constant 0 : i32
      %dma_start3A_584 = tpu.memref_slice %arg6[%dma_start3A_573, %dma_start3A_582, %dma_start3A_583] : memref<5x128x128xf32, #tpu.memory_space<vmem>> -> memref<1x128x128xf32, #tpu.memory_space<vmem>>
      %dma_start3A_585 = tpu.memref_squeeze %dma_start3A_584 : memref<1x128x128xf32, #tpu.memory_space<vmem>> -> memref<128x128xf32, #tpu.memory_space<vmem>>
      tpu.enqueue_dma source(%dma_start3A_585 : memref<128x128xf32, #tpu.memory_space<vmem>>) target(%dma_start3A_581 : memref<128x128xf32, #tpu.memory_space<hbm>>) target_semaphore(%arg13 : memref<!tpu.dma_semaphore, #tpu.memory_space<semaphore_mem>>)
    }
    %scan3A_125 = arith.constant 39 : i32
    %dma_wait3A_126 = arith.constant 2 : i32
    %dma_wait3A_127 = arith.constant 0 : i32
    %dma_wait3A_128 = arith.constant 0 : i32
    %dma_wait3A_129 = tpu.memref_slice %arg6[%dma_wait3A_126, %dma_wait3A_127, %dma_wait3A_128] : memref<5x128x128xf32, #tpu.memory_space<vmem>> -> memref<1x128x128xf32, #tpu.memory_space<vmem>>
    %dma_wait3A_130 = tpu.memref_squeeze %dma_wait3A_129 : memref<1x128x128xf32, #tpu.memory_space<vmem>> -> memref<128x128xf32, #tpu.memory_space<vmem>>
    %dma_wait3A_131 = arith.constant 0 : i32
    %dma_wait3A_132 = arith.constant 0 : i32
    %dma_wait3A_133 = tpu.memref_slice %arg3[%dma_wait3A_131, %dma_wait3A_132] : memref<1000064x128xf32, #tpu.memory_space<hbm>> -> memref<128x128xf32, #tpu.memory_space<hbm>>
    %dma_wait3A_134 = arith.constant 0 : i32
    %dma_wait3A_135 = arith.constant 0 : i32
    %dma_wait3A_136 = tpu.memref_slice %arg6[%dma_wait3A_126, %dma_wait3A_134, %dma_wait3A_135] : memref<5x128x128xf32, #tpu.memory_space<vmem>> -> memref<1x128x128xf32, #tpu.memory_space<vmem>>
    %dma_wait3A_137 = tpu.memref_squeeze %dma_wait3A_136 : memref<1x128x128xf32, #tpu.memory_space<vmem>> -> memref<128x128xf32, #tpu.memory_space<vmem>>
    %dma_wait3A_138 = arith.constant 0 : i32
    %dma_wait3A_139 = arith.constant 0 : i32
    %dma_wait3A_140 = tpu.memref_slice %arg3[%dma_wait3A_138, %dma_wait3A_139] : memref<1000064x128xf32, #tpu.memory_space<hbm>> -> memref<128x128xf32, #tpu.memory_space<hbm>>
    tpu.wait_dma2 semaphore(%arg9 : memref<!tpu.dma_semaphore, #tpu.memory_space<semaphore_mem>>) src(%dma_wait3A_140 : memref<128x128xf32, #tpu.memory_space<hbm>>) dst(%dma_wait3A_137 : memref<128x128xf32, #tpu.memory_space<vmem>>)
    %add3A_141 = arith.constant 25216 : i32
    %add3A_142 = arith.addi %mul3A_2, %add3A_141 : i32
    %dma_start3A_143 = arith.constant 2 : i32
    %dma_start3A_144 = arith.constant 0 : i32
    %dma_start3A_145 = arith.constant 0 : i32
    %dma_start3A_146 = tpu.memref_slice %arg6[%dma_start3A_143, %dma_start3A_144, %dma_start3A_145] : memref<5x128x128xf32, #tpu.memory_space<vmem>> -> memref<1x128x128xf32, #tpu.memory_space<vmem>>
    %dma_start3A_147 = tpu.memref_squeeze %dma_start3A_146 : memref<1x128x128xf32, #tpu.memory_space<vmem>> -> memref<128x128xf32, #tpu.memory_space<vmem>>
    %dma_start3A_148 = arith.constant 0 : i32
    %dma_start3A_149 = tpu.memref_slice %arg4[%add3A_142, %dma_start3A_148] : memref<819200x128xf32, #tpu.memory_space<hbm>> -> memref<128x128xf32, #tpu.memory_space<hbm>>
    %dma_start3A_150 = arith.constant 0 : i32
    %dma_start3A_151 = tpu.memref_slice %arg4[%add3A_142, %dma_start3A_150] : memref<819200x128xf32, #tpu.memory_space<hbm>> -> memref<128x128xf32, #tpu.memory_space<hbm>>
    %dma_start3A_152 = arith.constant 0 : i32
    %dma_start3A_153 = arith.constant 0 : i32
    %dma_start3A_154 = tpu.memref_slice %arg6[%dma_start3A_143, %dma_start3A_152, %dma_start3A_153] : memref<5x128x128xf32, #tpu.memory_space<vmem>> -> memref<1x128x128xf32, #tpu.memory_space<vmem>>
    %dma_start3A_155 = tpu.memref_squeeze %dma_start3A_154 : memref<1x128x128xf32, #tpu.memory_space<vmem>> -> memref<128x128xf32, #tpu.memory_space<vmem>>
    tpu.enqueue_dma source(%dma_start3A_155 : memref<128x128xf32, #tpu.memory_space<vmem>>) target(%dma_start3A_151 : memref<128x128xf32, #tpu.memory_space<hbm>>) target_semaphore(%arg14 : memref<!tpu.dma_semaphore, #tpu.memory_space<semaphore_mem>>)
    %dma_wait3A_156 = arith.constant 3 : i32
    %dma_wait3A_157 = arith.constant 0 : i32
    %dma_wait3A_158 = arith.constant 0 : i32
    %dma_wait3A_159 = tpu.memref_slice %arg6[%dma_wait3A_156, %dma_wait3A_157, %dma_wait3A_158] : memref<5x128x128xf32, #tpu.memory_space<vmem>> -> memref<1x128x128xf32, #tpu.memory_space<vmem>>
    %dma_wait3A_160 = tpu.memref_squeeze %dma_wait3A_159 : memref<1x128x128xf32, #tpu.memory_space<vmem>> -> memref<128x128xf32, #tpu.memory_space<vmem>>
    %dma_wait3A_161 = arith.constant 0 : i32
    %dma_wait3A_162 = arith.constant 0 : i32
    %dma_wait3A_163 = tpu.memref_slice %arg3[%dma_wait3A_161, %dma_wait3A_162] : memref<1000064x128xf32, #tpu.memory_space<hbm>> -> memref<128x128xf32, #tpu.memory_space<hbm>>
    %dma_wait3A_164 = arith.constant 0 : i32
    %dma_wait3A_165 = arith.constant 0 : i32
    %dma_wait3A_166 = tpu.memref_slice %arg6[%dma_wait3A_156, %dma_wait3A_164, %dma_wait3A_165] : memref<5x128x128xf32, #tpu.memory_space<vmem>> -> memref<1x128x128xf32, #tpu.memory_space<vmem>>
    %dma_wait3A_167 = tpu.memref_squeeze %dma_wait3A_166 : memref<1x128x128xf32, #tpu.memory_space<vmem>> -> memref<128x128xf32, #tpu.memory_space<vmem>>
    %dma_wait3A_168 = arith.constant 0 : i32
    %dma_wait3A_169 = arith.constant 0 : i32
    %dma_wait3A_170 = tpu.memref_slice %arg3[%dma_wait3A_168, %dma_wait3A_169] : memref<1000064x128xf32, #tpu.memory_space<hbm>> -> memref<128x128xf32, #tpu.memory_space<hbm>>
    tpu.wait_dma2 semaphore(%arg10 : memref<!tpu.dma_semaphore, #tpu.memory_space<semaphore_mem>>) src(%dma_wait3A_170 : memref<128x128xf32, #tpu.memory_space<hbm>>) dst(%dma_wait3A_167 : memref<128x128xf32, #tpu.memory_space<vmem>>)
    %add3A_171 = arith.constant 25344 : i32
    %add3A_172 = arith.addi %mul3A_2, %add3A_171 : i32
    %dma_start3A_173 = arith.constant 3 : i32
    %dma_start3A_174 = arith.constant 0 : i32
    %dma_start3A_175 = arith.constant 0 : i32
    %dma_start3A_176 = tpu.memref_slice %arg6[%dma_start3A_173, %dma_start3A_174, %dma_start3A_175] : memref<5x128x128xf32, #tpu.memory_space<vmem>> -> memref<1x128x128xf32, #tpu.memory_space<vmem>>
    %dma_start3A_177 = tpu.memref_squeeze %dma_start3A_176 : memref<1x128x128xf32, #tpu.memory_space<vmem>> -> memref<128x128xf32, #tpu.memory_space<vmem>>
    %dma_start3A_178 = arith.constant 0 : i32
    %dma_start3A_179 = tpu.memref_slice %arg4[%add3A_172, %dma_start3A_178] : memref<819200x128xf32, #tpu.memory_space<hbm>> -> memref<128x128xf32, #tpu.memory_space<hbm>>
    %dma_start3A_180 = arith.constant 0 : i32
    %dma_start3A_181 = tpu.memref_slice %arg4[%add3A_172, %dma_start3A_180] : memref<819200x128xf32, #tpu.memory_space<hbm>> -> memref<128x128xf32, #tpu.memory_space<hbm>>
    %dma_start3A_182 = arith.constant 0 : i32
    %dma_start3A_183 = arith.constant 0 : i32
    %dma_start3A_184 = tpu.memref_slice %arg6[%dma_start3A_173, %dma_start3A_182, %dma_start3A_183] : memref<5x128x128xf32, #tpu.memory_space<vmem>> -> memref<1x128x128xf32, #tpu.memory_space<vmem>>
    %dma_start3A_185 = tpu.memref_squeeze %dma_start3A_184 : memref<1x128x128xf32, #tpu.memory_space<vmem>> -> memref<128x128xf32, #tpu.memory_space<vmem>>
    tpu.enqueue_dma source(%dma_start3A_185 : memref<128x128xf32, #tpu.memory_space<vmem>>) target(%dma_start3A_181 : memref<128x128xf32, #tpu.memory_space<hbm>>) target_semaphore(%arg15 : memref<!tpu.dma_semaphore, #tpu.memory_space<semaphore_mem>>)
    %dma_wait3A_186 = arith.constant 4 : i32
    %dma_wait3A_187 = arith.constant 0 : i32
    %dma_wait3A_188 = arith.constant 0 : i32
    %dma_wait3A_189 = tpu.memref_slice %arg6[%dma_wait3A_186, %dma_wait3A_187, %dma_wait3A_188] : memref<5x128x128xf32, #tpu.memory_space<vmem>> -> memref<1x128x128xf32, #tpu.memory_space<vmem>>
    %dma_wait3A_190 = tpu.memref_squeeze %dma_wait3A_189 : memref<1x128x128xf32, #tpu.memory_space<vmem>> -> memref<128x128xf32, #tpu.memory_space<vmem>>
    %dma_wait3A_191 = arith.constant 0 : i32
    %dma_wait3A_192 = arith.constant 0 : i32
    %dma_wait3A_193 = tpu.memref_slice %arg3[%dma_wait3A_191, %dma_wait3A_192] : memref<1000064x128xf32, #tpu.memory_space<hbm>> -> memref<128x128xf32, #tpu.memory_space<hbm>>
    %dma_wait3A_194 = arith.constant 0 : i32
    %dma_wait3A_195 = arith.constant 0 : i32
    %dma_wait3A_196 = tpu.memref_slice %arg6[%dma_wait3A_186, %dma_wait3A_194, %dma_wait3A_195] : memref<5x128x128xf32, #tpu.memory_space<vmem>> -> memref<1x128x128xf32, #tpu.memory_space<vmem>>
    %dma_wait3A_197 = tpu.memref_squeeze %dma_wait3A_196 : memref<1x128x128xf32, #tpu.memory_space<vmem>> -> memref<128x128xf32, #tpu.memory_space<vmem>>
    %dma_wait3A_198 = arith.constant 0 : i32
    %dma_wait3A_199 = arith.constant 0 : i32
    %dma_wait3A_200 = tpu.memref_slice %arg3[%dma_wait3A_198, %dma_wait3A_199] : memref<1000064x128xf32, #tpu.memory_space<hbm>> -> memref<128x128xf32, #tpu.memory_space<hbm>>
    tpu.wait_dma2 semaphore(%arg11 : memref<!tpu.dma_semaphore, #tpu.memory_space<semaphore_mem>>) src(%dma_wait3A_200 : memref<128x128xf32, #tpu.memory_space<hbm>>) dst(%dma_wait3A_197 : memref<128x128xf32, #tpu.memory_space<vmem>>)
    %add3A_201 = arith.constant 25472 : i32
    %add3A_202 = arith.addi %mul3A_2, %add3A_201 : i32
    %dma_start3A_203 = arith.constant 4 : i32
    %dma_start3A_204 = arith.constant 0 : i32
    %dma_start3A_205 = arith.constant 0 : i32
    %dma_start3A_206 = tpu.memref_slice %arg6[%dma_start3A_203, %dma_start3A_204, %dma_start3A_205] : memref<5x128x128xf32, #tpu.memory_space<vmem>> -> memref<1x128x128xf32, #tpu.memory_space<vmem>>
    %dma_start3A_207 = tpu.memref_squeeze %dma_start3A_206 : memref<1x128x128xf32, #tpu.memory_space<vmem>> -> memref<128x128xf32, #tpu.memory_space<vmem>>
    %dma_start3A_208 = arith.constant 0 : i32
    %dma_start3A_209 = tpu.memref_slice %arg4[%add3A_202, %dma_start3A_208] : memref<819200x128xf32, #tpu.memory_space<hbm>> -> memref<128x128xf32, #tpu.memory_space<hbm>>
    %dma_start3A_210 = arith.constant 0 : i32
    %dma_start3A_211 = tpu.memref_slice %arg4[%add3A_202, %dma_start3A_210] : memref<819200x128xf32, #tpu.memory_space<hbm>> -> memref<128x128xf32, #tpu.memory_space<hbm>>
    %dma_start3A_212 = arith.constant 0 : i32
    %dma_start3A_213 = arith.constant 0 : i32
    %dma_start3A_214 = tpu.memref_slice %arg6[%dma_start3A_203, %dma_start3A_212, %dma_start3A_213] : memref<5x128x128xf32, #tpu.memory_space<vmem>> -> memref<1x128x128xf32, #tpu.memory_space<vmem>>
    %dma_start3A_215 = tpu.memref_squeeze %dma_start3A_214 : memref<1x128x128xf32, #tpu.memory_space<vmem>> -> memref<128x128xf32, #tpu.memory_space<vmem>>
    tpu.enqueue_dma source(%dma_start3A_215 : memref<128x128xf32, #tpu.memory_space<vmem>>) target(%dma_start3A_211 : memref<128x128xf32, #tpu.memory_space<hbm>>) target_semaphore(%arg16 : memref<!tpu.dma_semaphore, #tpu.memory_space<semaphore_mem>>)
    %dma_wait3A_216 = arith.constant 0 : i32
    %dma_wait3A_217 = arith.constant 0 : i32
    %dma_wait3A_218 = arith.constant 0 : i32
    %dma_wait3A_219 = tpu.memref_slice %arg6[%dma_wait3A_216, %dma_wait3A_217, %dma_wait3A_218] : memref<5x128x128xf32, #tpu.memory_space<vmem>> -> memref<1x128x128xf32, #tpu.memory_space<vmem>>
    %dma_wait3A_220 = tpu.memref_squeeze %dma_wait3A_219 : memref<1x128x128xf32, #tpu.memory_space<vmem>> -> memref<128x128xf32, #tpu.memory_space<vmem>>
    %dma_wait3A_221 = arith.constant 0 : i32
    %dma_wait3A_222 = tpu.memref_slice %arg4[%mul3A_2, %dma_wait3A_221] : memref<819200x128xf32, #tpu.memory_space<hbm>> -> memref<128x128xf32, #tpu.memory_space<hbm>>
    %dma_wait3A_223 = arith.constant 0 : i32
    %dma_wait3A_224 = tpu.memref_slice %arg4[%mul3A_2, %dma_wait3A_223] : memref<819200x128xf32, #tpu.memory_space<hbm>> -> memref<128x128xf32, #tpu.memory_space<hbm>>
    %dma_wait3A_225 = arith.constant 0 : i32
    %dma_wait3A_226 = arith.constant 0 : i32
    %dma_wait3A_227 = tpu.memref_slice %arg6[%dma_wait3A_216, %dma_wait3A_225, %dma_wait3A_226] : memref<5x128x128xf32, #tpu.memory_space<vmem>> -> memref<1x128x128xf32, #tpu.memory_space<vmem>>
    %dma_wait3A_228 = tpu.memref_squeeze %dma_wait3A_227 : memref<1x128x128xf32, #tpu.memory_space<vmem>> -> memref<128x128xf32, #tpu.memory_space<vmem>>
    tpu.wait_dma2 semaphore(%arg12 : memref<!tpu.dma_semaphore, #tpu.memory_space<semaphore_mem>>) src(%dma_wait3A_228 : memref<128x128xf32, #tpu.memory_space<vmem>>) dst(%dma_wait3A_224 : memref<128x128xf32, #tpu.memory_space<hbm>>)
    %dma_wait3A_229 = arith.constant 1 : i32
    %dma_wait3A_230 = arith.constant 0 : i32
    %dma_wait3A_231 = arith.constant 0 : i32
    %dma_wait3A_232 = tpu.memref_slice %arg6[%dma_wait3A_229, %dma_wait3A_230, %dma_wait3A_231] : memref<5x128x128xf32, #tpu.memory_space<vmem>> -> memref<1x128x128xf32, #tpu.memory_space<vmem>>
    %dma_wait3A_233 = tpu.memref_squeeze %dma_wait3A_232 : memref<1x128x128xf32, #tpu.memory_space<vmem>> -> memref<128x128xf32, #tpu.memory_space<vmem>>
    %dma_wait3A_234 = arith.constant 0 : i32
    %dma_wait3A_235 = tpu.memref_slice %arg4[%mul3A_2, %dma_wait3A_234] : memref<819200x128xf32, #tpu.memory_space<hbm>> -> memref<128x128xf32, #tpu.memory_space<hbm>>
    %dma_wait3A_236 = arith.constant 0 : i32
    %dma_wait3A_237 = tpu.memref_slice %arg4[%mul3A_2, %dma_wait3A_236] : memref<819200x128xf32, #tpu.memory_space<hbm>> -> memref<128x128xf32, #tpu.memory_space<hbm>>
    %dma_wait3A_238 = arith.constant 0 : i32
    %dma_wait3A_239 = arith.constant 0 : i32
    %dma_wait3A_240 = tpu.memref_slice %arg6[%dma_wait3A_229, %dma_wait3A_238, %dma_wait3A_239] : memref<5x128x128xf32, #tpu.memory_space<vmem>> -> memref<1x128x128xf32, #tpu.memory_space<vmem>>
    %dma_wait3A_241 = tpu.memref_squeeze %dma_wait3A_240 : memref<1x128x128xf32, #tpu.memory_space<vmem>> -> memref<128x128xf32, #tpu.memory_space<vmem>>
    tpu.wait_dma2 semaphore(%arg13 : memref<!tpu.dma_semaphore, #tpu.memory_space<semaphore_mem>>) src(%dma_wait3A_241 : memref<128x128xf32, #tpu.memory_space<vmem>>) dst(%dma_wait3A_237 : memref<128x128xf32, #tpu.memory_space<hbm>>)
    %dma_wait3A_242 = arith.constant 2 : i32
    %dma_wait3A_243 = arith.constant 0 : i32
    %dma_wait3A_244 = arith.constant 0 : i32
    %dma_wait3A_245 = tpu.memref_slice %arg6[%dma_wait3A_242, %dma_wait3A_243, %dma_wait3A_244] : memref<5x128x128xf32, #tpu.memory_space<vmem>> -> memref<1x128x128xf32, #tpu.memory_space<vmem>>
    %dma_wait3A_246 = tpu.memref_squeeze %dma_wait3A_245 : memref<1x128x128xf32, #tpu.memory_space<vmem>> -> memref<128x128xf32, #tpu.memory_space<vmem>>
    %dma_wait3A_247 = arith.constant 0 : i32
    %dma_wait3A_248 = tpu.memref_slice %arg4[%mul3A_2, %dma_wait3A_247] : memref<819200x128xf32, #tpu.memory_space<hbm>> -> memref<128x128xf32, #tpu.memory_space<hbm>>
    %dma_wait3A_249 = arith.constant 0 : i32
    %dma_wait3A_250 = tpu.memref_slice %arg4[%mul3A_2, %dma_wait3A_249] : memref<819200x128xf32, #tpu.memory_space<hbm>> -> memref<128x128xf32, #tpu.memory_space<hbm>>
    %dma_wait3A_251 = arith.constant 0 : i32
    %dma_wait3A_252 = arith.constant 0 : i32
    %dma_wait3A_253 = tpu.memref_slice %arg6[%dma_wait3A_242, %dma_wait3A_251, %dma_wait3A_252] : memref<5x128x128xf32, #tpu.memory_space<vmem>> -> memref<1x128x128xf32, #tpu.memory_space<vmem>>
    %dma_wait3A_254 = tpu.memref_squeeze %dma_wait3A_253 : memref<1x128x128xf32, #tpu.memory_space<vmem>> -> memref<128x128xf32, #tpu.memory_space<vmem>>
    tpu.wait_dma2 semaphore(%arg14 : memref<!tpu.dma_semaphore, #tpu.memory_space<semaphore_mem>>) src(%dma_wait3A_254 : memref<128x128xf32, #tpu.memory_space<vmem>>) dst(%dma_wait3A_250 : memref<128x128xf32, #tpu.memory_space<hbm>>)
    %dma_wait3A_255 = arith.constant 3 : i32
    %dma_wait3A_256 = arith.constant 0 : i32
    %dma_wait3A_257 = arith.constant 0 : i32
    %dma_wait3A_258 = tpu.memref_slice %arg6[%dma_wait3A_255, %dma_wait3A_256, %dma_wait3A_257] : memref<5x128x128xf32, #tpu.memory_space<vmem>> -> memref<1x128x128xf32, #tpu.memory_space<vmem>>
    %dma_wait3A_259 = tpu.memref_squeeze %dma_wait3A_258 : memref<1x128x128xf32, #tpu.memory_space<vmem>> -> memref<128x128xf32, #tpu.memory_space<vmem>>
    %dma_wait3A_260 = arith.constant 0 : i32
    %dma_wait3A_261 = tpu.memref_slice %arg4[%mul3A_2, %dma_wait3A_260] : memref<819200x128xf32, #tpu.memory_space<hbm>> -> memref<128x128xf32, #tpu.memory_space<hbm>>
    %dma_wait3A_262 = arith.constant 0 : i32
    %dma_wait3A_263 = tpu.memref_slice %arg4[%mul3A_2, %dma_wait3A_262] : memref<819200x128xf32, #tpu.memory_space<hbm>> -> memref<128x128xf32, #tpu.memory_space<hbm>>
    %dma_wait3A_264 = arith.constant 0 : i32
    %dma_wait3A_265 = arith.constant 0 : i32
    %dma_wait3A_266 = tpu.memref_slice %arg6[%dma_wait3A_255, %dma_wait3A_264, %dma_wait3A_265] : memref<5x128x128xf32, #tpu.memory_space<vmem>> -> memref<1x128x128xf32, #tpu.memory_space<vmem>>
    %dma_wait3A_267 = tpu.memref_squeeze %dma_wait3A_266 : memref<1x128x128xf32, #tpu.memory_space<vmem>> -> memref<128x128xf32, #tpu.memory_space<vmem>>
    tpu.wait_dma2 semaphore(%arg15 : memref<!tpu.dma_semaphore, #tpu.memory_space<semaphore_mem>>) src(%dma_wait3A_267 : memref<128x128xf32, #tpu.memory_space<vmem>>) dst(%dma_wait3A_263 : memref<128x128xf32, #tpu.memory_space<hbm>>)
    %dma_wait3A_268 = arith.constant 4 : i32
    %dma_wait3A_269 = arith.constant 0 : i32
    %dma_wait3A_270 = arith.constant 0 : i32
    %dma_wait3A_271 = tpu.memref_slice %arg6[%dma_wait3A_268, %dma_wait3A_269, %dma_wait3A_270] : memref<5x128x128xf32, #tpu.memory_space<vmem>> -> memref<1x128x128xf32, #tpu.memory_space<vmem>>
    %dma_wait3A_272 = tpu.memref_squeeze %dma_wait3A_271 : memref<1x128x128xf32, #tpu.memory_space<vmem>> -> memref<128x128xf32, #tpu.memory_space<vmem>>
    %dma_wait3A_273 = arith.constant 0 : i32
    %dma_wait3A_274 = tpu.memref_slice %arg4[%mul3A_2, %dma_wait3A_273] : memref<819200x128xf32, #tpu.memory_space<hbm>> -> memref<128x128xf32, #tpu.memory_space<hbm>>
    %dma_wait3A_275 = arith.constant 0 : i32
    %dma_wait3A_276 = tpu.memref_slice %arg4[%mul3A_2, %dma_wait3A_275] : memref<819200x128xf32, #tpu.memory_space<hbm>> -> memref<128x128xf32, #tpu.memory_space<hbm>>
    %dma_wait3A_277 = arith.constant 0 : i32
    %dma_wait3A_278 = arith.constant 0 : i32
    %dma_wait3A_279 = tpu.memref_slice %arg6[%dma_wait3A_268, %dma_wait3A_277, %dma_wait3A_278] : memref<5x128x128xf32, #tpu.memory_space<vmem>> -> memref<1x128x128xf32, #tpu.memory_space<vmem>>
    %dma_wait3A_280 = tpu.memref_squeeze %dma_wait3A_279 : memref<1x128x128xf32, #tpu.memory_space<vmem>> -> memref<128x128xf32, #tpu.memory_space<vmem>>
    tpu.wait_dma2 semaphore(%arg16 : memref<!tpu.dma_semaphore, #tpu.memory_space<semaphore_mem>>) src(%dma_wait3A_280 : memref<128x128xf32, #tpu.memory_space<vmem>>) dst(%dma_wait3A_276 : memref<128x128xf32, #tpu.memory_space<hbm>>)
    return
  }
}

</mosaic_0001>

<sc_bundles>
// kernel: kernel.4.cloned.1.call-start
scs
__scs_entry_jumppad:
0x0: {  	(pc) =	sbr.rel $0x88, $3  }
0x1: {  	(tag) =	ssettag $0x0;
	lr =	simm.s32 $0x1  }
0x2: {  	[smem:$0x3F9F] =	sst lr;
	_ =	strace $0xD0000000  }
0x3: {  	_ = 	snop  }
0x4: {  	_ = 	snop  }
0x5: {  	_ = 	snop  }
0x6: {  	_ = 	snop  }
0x7: {  	_ = 	snop  }
__scs_overlays_trampoline_lowered:
0x8: {  	[smem:$0x3FAE] =	sst s0  }
0x9: {  	[smem:$0x3FAF] =	sst s1  }
0xa: {  	[smem:$0x3FB0] =	sst s2  }
0xb: {  	[smem:$0x3FB1] =	sst s3  }
0xc: {  	[smem:$0x3FB2] =	sst s4  }
0xd: {  	[smem:$0x3FB3] =	sst s5  }
0xe: {  	[smem:$0x3FB4] =	sst s6  }
0xf: {  	[smem:$0x3FB5] =	sst s7  }
0x10: {  	[smem:$0x3FB6] =	sst s8  }
0x11: {  	[smem:$0x3FB7] =	sst s9;
	s0 =	simm.s32 @!p0 $0x0  }
0x12: {  	s1 =	sld [smem:$0x3F9D];
	s0 =	simm.s32 @p0 $0x1  }
0x13: {  	[smem:$0x3FB8] =	sst s0;
	s0 =	simm.s32 @!p1 $0x0  }
0x14: {  	s2 =	sld [smem:$0x3F9C];
	s0 =	simm.s32 @p1 $0x1  }
0x15: {  	[smem:$0x3FB9] =	sst s0;
	s0 =	simm.s32 @!p2 $0x0  }
0x16: {  	s3 =	sld [smem:$0x3FDB];
	s0 =	simm.s32 @p2 $0x1  }
0x17: {  	s4 =	simm.s32 $0x1BF5;
	[smem:$0x3FBB] =	sst s0  }
0x18: {  	s0 =	sld [smem:$0x3F9E];
	_ =	swait.ge [sflag:s4], $0x0  }
0x19: {  	s7 =	sld [smem:$0x3F9F]  }
0x1a: {  	s8 =	sadd.s32 $0xFFFFE003, lr  }
0x1b: {  	s9 =	sadd.s32 $0xFFFFFEF7, lr;
	s5 =	simm.s32 $0xFFFFFFFF;
	p2 =	slt.u32 s8, $0xFFFFF086  }
0x1c: {  	p1 =	slt.u32 s9, $0xF7A;
	s5 =	simm.s32 @!p2 $0x0  }
0x1d: {  	s5 =	simm.s32 @p1 $0x1;
	p0 =	seq.s32 s7, s2  }
0x1e: {  	s7 =	smul.u32 @!p0 $0xF7A, s2;
	p2 =	seq.s32 @!p0 s5, $0x0  }
0x1f: {  	s9 =	smul.u32 $0xF7A, s1;
	s8 =	simm.s32 @!p0 $0x1BF5;
	p2 =	por !p2, p0  }
0x20: {  	[sflag:s8] =	ssyncset.s32 @!p0 $0xFFFFF086;
	s6 =	sadd.s32 @!p0 s3, s7;
	s7 =	simm.s32 @!p0 $0x108  }
0x21: {  	s3 =	sadd.s32 s3, s9;
	s6 =	sadd.s32 @!p0 $0x88, s6;
	s7 =	simm.s32 @p2 $0x1082  }
0x22: {  	[simem:s7], [sflag:s8] =	dma.local @!p0 [hbm:s6], $0xF7A  }
0x23: {  	s9 =	sor.u32 $0xD0000000, s2;
	s6 =	simm.s32 $0x108;
	_ =	swait.ge @!p0 [sflag:s8], $0x0  }
0x24: {  	s3 =	sadd.s32 $0x88, s3;
	s6 =	simm.s32 @!p1 $0x1082;
	[sflag:s4] =	ssyncset.s32 $0xFFFFF086  }
0x25: {  	[simem:s6], [sflag:s4] =	dma.local [hbm:s3], $0xF7A  }
0x26: {  	[smem:$0x3F9F] =	sst s1;
	(tag) =	ssettag s2;
	_ =	strace s9  }
0x27: {  	s1 =	sld [smem:$0x3FAF]  }
0x28: {  	s2 =	sld [smem:$0x3FB0]  }
0x29: {  	s4 =	sld [smem:$0x3FB2]  }
0x2a: {  	p0 =	seq.s32 s5, $0x0;
	s5 =	sld [smem:$0x3FB3]  }
0x2b: {  	s6 =	sld [smem:$0x3FB4]  }
0x2c: {  	s7 =	sld [smem:$0x3FB5]  }
0x2d: {  	s3 =	simm.s32 $0x108;
	s8 =	sld [smem:$0x3FB6]  }
0x2e: {  	s3 =	simm.s32 @!p0 $0x1082;
	s9 =	sld [smem:$0x3FB7]  }
0x2f: {  	lr =	sadd.s32 s0, s3;
	s0 =	sld [smem:$0x3FAE]  }
0x30: {  	s3 =	sld [smem:$0x3FB1]  }
0x31: {  	[smem:$0x3FBA] =	sst s10  }
0x32: {  	s10 =	sld [smem:$0x3FB8];
	_ =	sdelay $0x3  }
0x33: {  	p0 =	seq.s32 s10, $0x1;
	s10 =	sld [smem:$0x3FBA];
	_ =	sdelay $0x3  }
0x34: {  	[smem:$0x3FBA] =	sst s10  }
0x35: {  	s10 =	sld [smem:$0x3FB9];
	_ =	sdelay $0x3  }
0x36: {  	p1 =	seq.s32 s10, $0x1;
	s10 =	sld [smem:$0x3FBA];
	_ =	sdelay $0x3  }
0x37: {  	[smem:$0x3FBA] =	sst s10  }
0x38: {  	s10 =	sld [smem:$0x3FBB]  }
0x39: {  	_ = 	snop;
	(pc) =	sbr.ind lr, $3  }
0x3a: {  	_ = 	snop  }
0x3b: {  	_ = 	snop  }
0x3c: {  	p2 =	seq.s32 s10, $0x1;
	s10 =	sld [smem:$0x3FBA]  }
0x3d: {  	_ =	shalt  }
0x3e: {  	_ =	shalt  }
0x3f: {  	_ =	shalt  }
0x40: {  	_ =	shalt  }
0x41: {  	_ =	shalt  }
0x42: {  	_ =	shalt  }
0x43: {  	_ =	shalt  }
0x44: {  	_ =	shalt  }
0x45: {  	_ =	shalt  }
0x46: {  	_ =	shalt  }
0x47: {  	_ =	shalt  }
0x48: {  	_ =	shalt  }
0x49: {  	_ =	shalt  }
0x4a: {  	_ =	shalt  }
0x4b: {  	_ =	shalt  }
0x4c: {  	_ =	shalt  }
0x4d: {  	_ =	shalt  }
0x4e: {  	_ =	shalt  }
0x4f: {  	_ =	shalt  }
0x50: {  	_ =	shalt  }
0x51: {  	_ =	shalt  }
0x52: {  	_ =	shalt  }
0x53: {  	_ =	shalt  }
0x54: {  	_ =	shalt  }
0x55: {  	_ =	shalt  }
0x56: {  	_ =	shalt  }
0x57: {  	_ =	shalt  }
0x58: {  	_ =	shalt  }
0x59: {  	_ =	shalt  }
0x5a: {  	_ =	shalt  }
0x5b: {  	_ =	shalt  }
0x5c: {  	_ =	shalt  }
0x5d: {  	_ =	shalt  }
0x5e: {  	_ =	shalt  }
0x5f: {  	_ =	shalt  }
0x60: {  	_ =	shalt  }
0x61: {  	_ =	shalt  }
0x62: {  	_ =	shalt  }
0x63: {  	_ =	shalt  }
0x64: {  	_ =	shalt  }
0x65: {  	_ =	shalt  }
0x66: {  	_ =	shalt  }
0x67: {  	_ =	shalt  }
0x68: {  	_ =	shalt  }
0x69: {  	_ =	shalt  }
0x6a: {  	_ =	shalt  }
0x6b: {  	_ =	shalt  }
0x6c: {  	_ =	shalt  }
0x6d: {  	_ =	shalt  }
0x6e: {  	_ =	shalt  }
0x6f: {  	_ =	shalt  }
0x70: {  	_ =	shalt  }
0x71: {  	_ =	shalt  }
0x72: {  	_ =	shalt  }
0x73: {  	_ =	shalt  }
0x74: {  	_ =	shalt  }
0x75: {  	_ =	shalt  }
0x76: {  	_ =	shalt  }
0x77: {  	_ =	shalt  }
0x78: {  	_ =	shalt  }
0x79: {  	_ =	shalt  }
0x7a: {  	_ =	shalt  }
0x7b: {  	_ =	shalt  }
0x7c: {  	_ =	shalt  }
0x7d: {  	_ =	shalt  }
0x7e: {  	_ =	shalt  }
0x7f: {  	_ =	shalt  }
0x80: {  	_ =	shalt  }
0x81: {  	_ =	shalt  }
0x82: {  	_ =	shalt  }
0x83: {  	_ =	shalt  }
0x84: {  	_ =	shalt  }
0x85: {  	_ =	shalt  }
0x86: {  	_ =	shalt  }
0x87: {  	_ =	shalt  }
.Lfunc_end0:
.L_simem_size_0:
called_computation.1_lowered:
.L_overlay_start_0:
0x88: {  	s2 =	sld [smem:$0x3FD9]  }
0x89: {  	s3 =	sld [smem:$0x3FFE];
	_ =	sdelay $0x1  }
0x8a: {  	s1 =	srdreg.scid  }
0x8b: {  	s0 =	sand.u32 $0x1, s1  }
0x8c: {  	s17 =	sshll.u32 s0, $0xA;
	s2 =	sadd.s32 s3, s2  }
0x8d: {  	s2 =	sadd.s32 s2, s17  }
0x8e: {  	[smem:$0x3FC6] =	sst s2  }
0x8f: {  	_ = 	snop  }
0x90: {  	s2 =	sld [smem:$0x3FC8];
	(tm) =	ssettm $0x1  }
0x91: {  	s18 =	sld [smem:$0x3FFB];
	_ =	sdelay $0x3  }
0x92: {  	_ =	strace s18  }
0x93: {  	s3 =	sld [smem:$0x3FFC];
	_ =	sdelay $0x3  }
0x94: {  	_ =	strace s3  }
0x95: {  	s3 =	sld [smem:$0x3FFD];
	_ =	sdelay $0x3  }
0x96: {  	_ =	strace s3  }
0x97: {  	_ =	strace $0x8FFFFFFF  }
0x98: {  	s19 =	sld [smem:$0x3FDB];
	_ =	sdelay $0x1  }
0x99: {  	s4 =	simm.s32 $_scs_section_size  }
0x9a: {  	s5 =	simm.s32 $_size__tile_overlayer_lowered;
	s6 =	simm.s32 $_tile_overlayer_lowered  }
0x9b: {  	s22 =	simm.s32 $0x1BFF;
	s21 =	sshll.u32 s6, $0x1;
	s3 =	sadd.s32 s4, s19  }
0x9c: {  	s7 =	simm.s32 $0x0;
	s20 =	sshll.u32 s5, $0x1;
	s5 =	sadd.s32 s21, s3  }
0x9d: {  	[timem:s7], [sflag:s22] =	dma.local [hbm:s5], s20  }
0x9e: {  	_ =	swait.ge [sflag:s22], s20  }
0x9f: {  	s4 =	ssub.s32 $0x0, s20;
	[sflag:s22] =	ssyncset.done $0x0  }
0xa0: {  	[sflag:s22] =	ssyncadd.s32 s4;
	_ =	sdelay $0x1  }
0xa1: {  	s23 =	simm.s32 $0x1B8B  }
0xa2: {  	_ =	swait.ge [sflag:s23], $0x1  }
0xa3: {  	[sflag:s23] =	ssyncset.done $0x0  }
0xa4: {  	s25 =	simm.s32 $0x1B8E;
	s24 =	sld [smem:$0x3FFE];
	[sflag:s23] =	ssyncadd.s32 $0xFFFFFFFF  }
0xa5: {  	s26 =	simm.s32 $execute0_lowered;
	[smem:$0x3FD2] =	sst s25  }
0xa6: {  	s5 =	sshll.u32 s26, $0x1;
	_ =	strace $0x80000046;
	[dreg:$0x1] =	wrdreg $0xFFFFFFFF  }
0xa7: {  	s28 =	simm.s32 $_size_execute0_lowered;
	s3 =	sadd.s32 s3, s5;
	[dreg:$0x0] =	wrdreg $0x0  }
0xa8: {  	s5 =	sshll.u32 s28, $0x1;
	[dreg:$0x2] =	wrdreg s3  }
0xa9: {  	[dreg:$0x3] =	wrdreg s5  }
0xaa: {  	[dreg:$0x4] =	wrdreg $0xC0  }
0xab: {  	_ =	task [dreg:s7], $0x5FFFF  }
0xac: {  	[dreg:$0x1] =	wrdreg $0xFFFFFFFF  }
0xad: {  	[dreg:$0x0] =	wrdreg $0x60  }
0xae: {  	[dreg:$0x2] =	wrdreg s2  }
0xaf: {  	[dreg:$0x3] =	wrdreg s24  }
0xb0: {  	[dreg:$0x4] =	wrdreg $0x9  }
0xb1: {  	_ =	task.clear_ibuf [dreg:s7], $0x5FFFF;
	_ =	strace $0x90000046  }
0xb2: {  	s29 =	simm.s32 $0x9;
	_ =	strace $0x80000048  }
0xb3: {  	_ =	swait.ge [sflag:s29], $0x1  }
0xb4: {  	[sflag:s29] =	ssyncadd.s32 $0xFFFFFFFF  }
0xb5: {  	_ =	strace $0x90000048  }
0xb6: {  	_ =	sfence  }
0xb7: {  	s30 =	sld [smem:$0x0];
	_ =	sdelay $0x2  }
0xb8: {  	s31 =	sshll.u32 s1, $0xD;
	s1 =	sshrl.u32 s1, $0x2  }
0xb9: {  	s3 =	sand.u32 $0x4000, s31;
	s1 =	sadd.s32 s1, s30  }
0xba: {  	s0 =	sor.u32 s3, s0;
	s1 =	sshll.u32 s1, $0x11  }
0xbb: {  	s0 =	sor.u32 s1, s0  }
0xbc: {  	s0 =	sadd.s32 $0x8F2B, s0  }
0xbd: {  	[sflag:s0] =	ssyncadd.remote.s32 $0x1  }
0xbe: {  	_ =	sfence.sel $0xFFFF  }
0xbf: {  	[dreg:$0x0] =	wrdreg $0xFFFFFFFF;
	(pc) =	sbr.abs _section_cstart, $3  }
0xc0: {  	[dreg:$0x1] =	wrdreg $0xFFFFFFFF  }
0xc1: {  	_ =	task.clear_ibuf [dreg:s7], $0x2FFFF;
	_ =	strace $0x9FFFFFFF  }
0xc2: {  	(tm) =	ssettm $0x7FFFFFFF  }
0xc3: {  	_ =	shalt  }
tec
execute0_lowered:
.L_overlay_start_1:
0x0: {  	(tag) =	ssettag $0x1  }
0x1: {  	v0 =	vlaneseq.u32;
	s0 =	rddreg [dreg:$0x0];
	s2 =	simm.s32 $0x0  }
0x2: {  	[smem:$0x7FF] =	sst s2;
	v1 =	vor.u32 $0x1800, v0  }
0x3: {  	s1 =	rddreg [dreg:$0x1];
	v56 =	vor.u32 $0x1810, v0;
	_ =	strace $0x80000047;
	[tilespmem:$0x1FC30] =	vst v1  }
0x4: {  	v2 =	vor.u32 $0x1820, v0;
	[tilespmem:$0x1FC50] =	vst v56  }
0x5: {  	v59 =	vor.u32 $0x1830, v0;
	[tilespmem:$0x1FC70] =	vst v2  }
0x6: {  	v29 =	vor.u32 $0x1840, v0;
	[tilespmem:$0x1FC90] =	vst v59  }
0x7: {  	v60 =	vor.u32 $0x1850, v0;
	[tilespmem:$0x1FCB0] =	vst v29  }
0x8: {  	v4 =	vor.u32 $0x1870, v0;
	[tilespmem:$0x1FCD0] =	vst v60  }
0x9: {  	v8 =	vor.u32 $0x10, v0;
	[tilespmem:$0x1FD10] =	vst v4  }
0xa: {  	v10 =	vor.u32 $0x20, v0;
	[tilespmem:$0x1FD30] =	vst v8  }
0xb: {  	v12 =	vor.u32 $0x30, v0;
	[tilespmem:$0x1FD50] =	vst v10  }
0xc: {  	v14 =	vor.u32 $0x40, v0;
	[tilespmem:$0x1FD70] =	vst v12  }
0xd: {  	v16 =	vor.u32 $0x50, v0;
	[tilespmem:$0x1FD90] =	vst v14  }
0xe: {  	v18 =	vor.u32 $0x60, v0;
	[tilespmem:$0x1FDB0] =	vst v16  }
0xf: {  	v20 =	vor.u32 $0x70, v0;
	[tilespmem:$0x1FDD0] =	vst v18  }
0x10: {  	v22 =	vor.u32 $0x800, v0;
	[tilespmem:$0x1FDF0] =	vst v20  }
0x11: {  	v24 =	vor.u32 $0x810, v0;
	[tilespmem:$0x1FE10] =	vst v22  }
0x12: {  	v26 =	vor.u32 $0x820, v0;
	[tilespmem:$0x1FE30] =	vst v24  }
0x13: {  	v28 =	vor.u32 $0x830, v0;
	[tilespmem:$0x1FE50] =	vst v26  }
0x14: {  	v30 =	vor.u32 $0x840, v0;
	[tilespmem:$0x1FE70] =	vst v28  }
0x15: {  	v32 =	vor.u32 $0x850, v0;
	[tilespmem:$0x1FE90] =	vst v30  }
0x16: {  	v34 =	vor.u32 $0x860, v0;
	[tilespmem:$0x1FEB0] =	vst v32  }
0x17: {  	v36 =	vor.u32 $0x870, v0;
	[tilespmem:$0x1FED0] =	vst v34  }
0x18: {  	v38 =	vor.u32 $0x1000, v0;
	[tilespmem:$0x1FEF0] =	vst v36  }
0x19: {  	v40 =	vor.u32 $0x1010, v0;
	[tilespmem:$0x1FF10] =	vst v38  }
0x1a: {  	v42 =	vor.u32 $0x1020, v0;
	[tilespmem:$0x1FF30] =	vst v40  }
0x1b: {  	v44 =	vor.u32 $0x1030, v0;
	[tilespmem:$0x1FF50] =	vst v42  }
0x1c: {  	v46 =	vor.u32 $0x1040, v0;
	[tilespmem:$0x1FF70] =	vst v44  }
0x1d: {  	v48 =	vor.u32 $0x1050, v0;
	[tilespmem:$0x1FF90] =	vst v46  }
0x1e: {  	v50 =	vor.u32 $0x1060, v0;
	[tilespmem:$0x1FFB0] =	vst v48  }
0x1f: {  	v7 =	vmul.u32 $0x80, v0;
	v52 =	vor.u32 $0x1070, v0;
	[tilespmem:$0x1FFD0] =	vst v50  }
0x20: {  	[tilespmem:$0x1FFF0] =	vst v52  }
0x21: {  	v62 =	vor.u32 $0x3830, v7;
	[tilespmem:$0x1FD20] =	vst v7  }
0x22: {  	v55 =	vor.u32 $0x3820, v7;
	[tilespmem:$0x1FC10] =	vst v62  }
0x23: {  	v3 =	vor.u32 $0x30, v7;
	[tilespmem:$0x1FC20] =	vst v55  }
0x24: {  	v63 =	vor.u32 $0x830, v7;
	[tilespmem:$0x1FC40] =	vst v3  }
0x25: {  	v5 =	vor.u32 $0x1030, v7;
	[tilespmem:$0x1FC60] =	vst v63  }
0x26: {  	v54 =	vor.u32 $0x1830, v7;
	[tilespmem:$0x1FC80] =	vst v5  }
0x27: {  	v58 =	vor.u32 $0x1860, v0;
	v6 =	vor.u32 $0x2830, v7;
	[tilespmem:$0x1FCA0] =	vst v54  }
0x28: {  	v0 =	vmov v58;
	[tilespmem:$0x1FCE0] =	vst v6  }
0x29: {  	v9 =	vor.u32 $0x800, v7;
	[tilespmem:$0x1FCF0] =	vst v0  }
0x2a: {  	v11 =	vor.u32 $0x1000, v7;
	[tilespmem:$0x1FD40] =	vst v9  }
0x2b: {  	v13 =	vor.u32 $0x1800, v7;
	[tilespmem:$0x1FD60] =	vst v11  }
0x2c: {  	v15 =	vor.u32 $0x2000, v7;
	[tilespmem:$0x1FD80] =	vst v13  }
0x2d: {  	v17 =	vor.u32 $0x2800, v7;
	[tilespmem:$0x1FDA0] =	vst v15  }
0x2e: {  	s3 =	srdreg.scid;
	s8 =	stileid.u32;
	v19 =	vor.u32 $0x3000, v7;
	[tilespmem:$0x1FDC0] =	vst v17  }
0x2f: {  	s28 =	simm.s32 $0x1;
	s29 =	simm.s32 $0x8000;
	s30 =	simm.s32 $0xC000;
	v21 =	vor.u32 $0x3800, v7;
	[tilespmem:$0x1FDE0] =	vst v19  }
0x30: {  	s31 =	simm.s32 $0x3;
	s16 =	simm.s32 $0x4;
	s18 =	simm.s32 $0x8;
	v23 =	vor.u32 $0x10, v7;
	[tilespmem:$0x1FE00] =	vst v21  }
0x31: {  	s15 =	simm.s32 $0x0;
	s3 =	sand.u32 $0x1, s3;
	s4 =	sshll.u32 s8, $0x1;
	v25 =	vor.u32 $0x810, v7;
	[tilespmem:$0x1FE20] =	vst v23  }
0x32: {  	s19 =	sadd.s32 $0xE00, s1;
	s13 =	sadd.s32 $0x21200, s1;
	p1 =	sgt.u32 s8, $0x1;
	v27 =	vor.u32 $0x1010, v7;
	[tilespmem:$0x1FE40] =	vst v25  }
0x33: {  	s5 =	ssub.s32 $0x2, s3;
	s3 =	sor.u32 s3, s4;
	[dreg:$0x3] =	wrdreg s19;
	v57 =	vor.u32 $0x1810, v7;
	[tilespmem:$0x1FE60] =	vst v27  }
0x34: {  	s4 =	sadd.s32 $0x1200, s1;
	s1 =	sadd.s32 $0xF43200, s1;
	s6 =	sshrl.u32 s5, $0x1;
	v31 =	vor.u32 $0x2010, v7;
	[tilespmem:$0x1FE80] =	vst v57  }
0x35: {  	s7 =	sshll.u32 s3, $0x7;
	v33 =	vor.u32 $0x2810, v7;
	s10 =	sshll.u32 s3, $0xB;
	[dreg:$0xa] =	wrdreg s1;
	[tilespmem:$0x1FEA0] =	vst v31  }
0x36: {  	v35 =	vor.u32 $0x3010, v7;
	p0 =	sne.s32 s3, $0x0;
	s1 =	simm.s32 $0x10000;
	s3 =	simm.s32 $0x14000;
	[tilespmem:$0x1FEC0] =	vst v33  }
0x37: {  	v37 =	vor.u32 $0x3810, v7;
	s5 =	ssub.s32 s5, s6;
	s14 =	sadd.s32 s0, s7;
	s23 =	sadd.s32 s10, s4;
	[tilespmem:$0x1FEE0] =	vst v35  }
0x38: {  	v39 =	vor.u32 $0x20, v7;
	s24 =	sor.u32 $0xF4000, s7;
	s19 =	sor.u32 $0x1FFF0000, s10;
	[tilespmem:$0x1FF00] =	vst v37;
	s20 =	sadd.s32 $0x1000, s14  }
0x39: {  	v41 =	vor.u32 $0x820, v7;
	[tilespmem:$0x1FF20] =	vst v39;
	s21 =	sadd.s32 $0x2000, s14;
	s22 =	sadd.s32 $0x3000, s14;
	s9 =	sadd.s32 $0x4000, s14  }
0x3a: {  	v43 =	vor.u32 $0x1020, v7;
	[tilespmem:$0x1FF40] =	vst v41;
	s11 =	sadd.s32 $0x5000, s14;
	s12 =	sadd.s32 $0x6000, s14;
	[dreg:$0x4] =	wrdreg s14  }
0x3b: {  	v45 =	vor.u32 $0x1820, v7;
	[tilespmem:$0x1FF60] =	vst v43;
	s14 =	sadd.s32 $0x7000, s14;
	s6 =	sadd.s32 $0xF30000, s23;
	[dreg:$0x5] =	wrdreg s20  }
0x3c: {  	v47 =	vor.u32 $0x2020, v7;
	[tilespmem:$0x1FF80] =	vst v45;
	s0 =	sadd.s32 s0, s24;
	s25 =	sshll.u32 s24, $0x4;
	[dreg:$0x6] =	wrdreg s21  }
.Ltmp0:
0x3d: {  	v49 =	vor.u32 $0x2820, v7;
	v51 =	vor.u32 $0x3020, v7;
	[tilespmem:$0x1FFA0] =	vst v47;
	s26 =	smax.u32 s5, $0x1;
	[dreg:$0x7] =	wrdreg s22;
	(pc) =	sbr.rel .LBB2_1-.Ltmp0, $4  }
0x3e: {  	v53 =	vor.u32 $0x2030, v7;
	v61 =	vor.u32 $0x3030, v7;
	[tilespmem:$0x1FFC0] =	vst v49;
	s23 =	simm.s32 $0x7A1400;
	s24 =	simm.s32 $0x2000;
	[dreg:$0x8] =	wrdreg s6  }
0x3f: {  	v58 =	vmov v1;
	v1 =	vmov v61;
	[tilespmem:$0x1FFE0] =	vst v51;
	[dreg:$0x9] =	wrdreg s0;
	s0 =	sadd.s32 s4, s25;
	s20 =	sor.u32 $0x10000, s10  }
0x40: {  	[tilespmem:$0x1FD00] =	vst v1;
	[dreg:$0xc] =	wrdreg s26;
	s22 =	simm.s32 $0x400;
	s25 =	simm.s32 $0x4000;
	v62 =	vmov v56;
	v56 =	vmov v53  }
0x41: {  	s26 =	simm.s32 $0x6000;
	v61 =	vmov v3;
	v53 =	vmov v63;
	v54 =	vmov v57;
	[dreg:$0xb] =	wrdreg s0;
	s0 =	simm.s32 $0x7;
	[tilespmem:$0x1FCC0] =	vst v56  }
.LBB2_24:
0x42: {  	s5 =	simm.s32 @!p0 $0x0;
	s6 =	simm.s32 @!p0 $0xC000;
	s7 =	rddreg [dreg:$0x3]  }
0x43: {  	[tilespmem:s6], [sflag:$0x9] =	stream.linear.gather @!p0 [hbm4b:s7+s5], $0x2000, $0x38;
	[tilespmem:$0x18000] =	vst v63  }
0x44: {  	s7 =	simm.s32 @!p0 $0x9  }
0x45: {  	_ =	swait.ge @!p0 [sflag:s7], $0x2000  }
0x46: {  	[sflag:s7] =	ssyncset.done @!p0 $0x0  }
0x47: {  	s8 =	rddreg [dreg:$0xa];
	[sflag:s7] =	ssyncadd.s32 @!p0 $0xFFFFE000  }
0x48: {  	[hbm4b:s8+s5] =	stream.linear.scatter @!p0 [tilespmem:s6], [sflag:$0x9], $0x2000, $0x38;
	[tilespmem:$0x18000] =	vst v63  }
0x49: {  	_ =	swait.ge @!p0 [sflag:s7], $0x2000  }
0x4a: {  	v7 =	vld [tilespmem:$0x1FD20]  }
0x4b: {  	v8 =	vld [tilespmem:$0x1FD30]  }
0x4c: {  	v9 =	vld [tilespmem:$0x1FD40]  }
0x4d: {  	v10 =	vld [tilespmem:$0x1FD50]  }
0x4e: {  	v11 =	vld [tilespmem:$0x1FD60]  }
0x4f: {  	v12 =	vld [tilespmem:$0x1FD70]  }
0x50: {  	v13 =	vld [tilespmem:$0x1FD80]  }
0x51: {  	v14 =	vld [tilespmem:$0x1FD90]  }
0x52: {  	v15 =	vld [tilespmem:$0x1FDA0]  }
0x53: {  	v16 =	vld [tilespmem:$0x1FDB0]  }
0x54: {  	v17 =	vld [tilespmem:$0x1FDC0]  }
0x55: {  	v18 =	vld [tilespmem:$0x1FDD0]  }
0x56: {  	v19 =	vld [tilespmem:$0x1FDE0]  }
0x57: {  	v20 =	vld [tilespmem:$0x1FDF0]  }
0x58: {  	v21 =	vld [tilespmem:$0x1FE00]  }
0x59: {  	v22 =	vld [tilespmem:$0x1FE10]  }
0x5a: {  	v23 =	vld [tilespmem:$0x1FE20]  }
0x5b: {  	v24 =	vld [tilespmem:$0x1FE30]  }
0x5c: {  	v25 =	vld [tilespmem:$0x1FE40]  }
0x5d: {  	v26 =	vld [tilespmem:$0x1FE50]  }
0x5e: {  	v27 =	vld [tilespmem:$0x1FE60]  }
0x5f: {  	v28 =	vld [tilespmem:$0x1FE70]  }
0x60: {  	v54 =	vld [tilespmem:$0x1FE80]  }
0x61: {  	v30 =	vld [tilespmem:$0x1FE90]  }
0x62: {  	v31 =	vld [tilespmem:$0x1FEA0]  }
0x63: {  	v32 =	vld [tilespmem:$0x1FEB0]  }
0x64: {  	v33 =	vld [tilespmem:$0x1FEC0]  }
0x65: {  	v34 =	vld [tilespmem:$0x1FED0]  }
0x66: {  	v35 =	vld [tilespmem:$0x1FEE0]  }
0x67: {  	v36 =	vld [tilespmem:$0x1FEF0]  }
0x68: {  	v37 =	vld [tilespmem:$0x1FF00]  }
0x69: {  	v38 =	vld [tilespmem:$0x1FF10]  }
0x6a: {  	v39 =	vld [tilespmem:$0x1FF20]  }
0x6b: {  	v40 =	vld [tilespmem:$0x1FF30]  }
0x6c: {  	v41 =	vld [tilespmem:$0x1FF40]  }
0x6d: {  	v42 =	vld [tilespmem:$0x1FF50]  }
0x6e: {  	v43 =	vld [tilespmem:$0x1FF60]  }
0x6f: {  	v44 =	vld [tilespmem:$0x1FF70]  }
0x70: {  	v45 =	vld [tilespmem:$0x1FF80]  }
0x71: {  	s15 =	sadd.s32 $0x1, s15;
	s21 =	rddreg [dreg:$0xc];
	v46 =	vld [tilespmem:$0x1FF90]  }
0x72: {  	v47 =	vld [tilespmem:$0x1FFA0];
	p2 =	sne.s32 s15, s21  }
.Ltmp1:
0x73: {  	v48 =	vld [tilespmem:$0x1FFB0];
	(pc) =	sbr.rel @!p2 .LBB2_25-.Ltmp1, $4  }
0x74: {  	v49 =	vld [tilespmem:$0x1FFC0]  }
0x75: {  	v50 =	vld [tilespmem:$0x1FFD0]  }
0x76: {  	[sflag:s7] =	ssyncset.done @!p0 $0x0;
	v51 =	vld [tilespmem:$0x1FFE0]  }
0x77: {  	v52 =	vld [tilespmem:$0x1FFF0];
	[sflag:s7] =	ssyncadd.s32 @!p0 $0xFFFFE000  }
.LBB2_1:
0x78: {  	[dreg:$0xd] =	wrdreg s15  }
0x79: {  	s5 =	rddreg [dreg:$0x4]  }
0x7a: {  	[tilespmem:s2], [sflag:$0x1] =	stream.strided.gather [hbm4b:s5+s22], $0x2000, s23, s22, $0x38;
	[tilespmem:$0x18000] =	vst v63  }
0x7b: {  	s15 =	rddreg [dreg:$0x5]  }
0x7c: {  	[tilespmem:s24], [sflag:$0x2] =	stream.strided.gather [hbm4b:s15+s22], $0x2000, s23, s22, $0x38;
	[tilespmem:$0x18000] =	vst v63  }
0x7d: {  	s17 =	rddreg [dreg:$0x6]  }
0x7e: {  	[tilespmem:s25], [sflag:$0x3] =	stream.strided.gather [hbm4b:s17+s22], $0x2000, s23, s22, $0x38;
	[tilespmem:$0x18000] =	vst v63  }
0x7f: {  	s21 =	rddreg [dreg:$0x7];
	s17 =	simm.s32 $0x0  }
0x80: {  	v60 =	vmov v59;
	v63 =	vmov v5;
	v59 =	vmov v55;
	[tilespmem:s26], [sflag:$0x4] =	stream.strided.gather [hbm4b:s21+s22], $0x2000, s23, s22, $0x38;
	[tilespmem:$0x18000] =	vst v63  }
.LBB2_2:
0x81: {  	s5 =	simm.s32 $0x0;
	v3 =	vlaneseq.u32  }
0x82: {  	v0 =	vadd.s32 s5, v3  }
0x83: {  	v2 =	vand.u32 $0xF, v0  }
0x84: {  	_ =	swait.ge [sflag:s28], $0x2000;
	v1 =	vshll.u32 v2, $0x7  }
0x85: {  	p2 =	seq.s32 s17, $0x0;
	[sflag:s28] =	ssyncset.done $0x0;
	v3 =	vor.u32 v3, v1  }
0x86: {  	s5 =	simm.s32 @!p2 $0x5;
	[sflag:s28] =	ssyncadd.s32 $0xFFFFE000  }
0x87: {  	_ =	swait.ge @!p2 [sflag:s5], $0x4000  }
0x88: {  	[sflag:s5] =	ssyncset.done @!p2 $0x0  }
0x89: {  	[sflag:s5] =	ssyncadd.s32 @!p2 $0xFFFFC000  }
0x8a: {  	v29 =	vld.idx.msk [tilespmem:v3+s2+$0x0], $0xffff;
	v3 =	vor.u32 v7, v2  }
0x8b: {  	v5 =	vor.u32 v8, v1;
	_ =	sdelay $0x3  }
0x8c: {  	[tilespmem:v3+s29+$0x0] =	vst.idx.msk $0xffff, v29  }
0x8d: {  	v3 =	vor.u32 v9, v2;
	v29 =	vld.idx.msk [tilespmem:v5+s2+$0x0], $0xffff  }
0x8e: {  	v5 =	vor.u32 v10, v1;
	_ =	sdelay $0x3  }
0x8f: {  	[tilespmem:v3+s29+$0x0] =	vst.idx.msk $0xffff, v29  }
0x90: {  	v3 =	vor.u32 v11, v2;
	v29 =	vld.idx.msk [tilespmem:v5+s2+$0x0], $0xffff  }
0x91: {  	v5 =	vor.u32 v12, v1;
	_ =	sdelay $0x3  }
0x92: {  	[tilespmem:v3+s29+$0x0] =	vst.idx.msk $0xffff, v29  }
0x93: {  	v3 =	vor.u32 v13, v2;
	v29 =	vld.idx.msk [tilespmem:v5+s2+$0x0], $0xffff  }
0x94: {  	v5 =	vor.u32 v14, v1;
	_ =	sdelay $0x3  }
0x95: {  	[tilespmem:v3+s29+$0x0] =	vst.idx.msk $0xffff, v29  }
0x96: {  	v3 =	vor.u32 v15, v2;
	v29 =	vld.idx.msk [tilespmem:v5+s2+$0x0], $0xffff  }
0x97: {  	v5 =	vor.u32 v16, v1;
	_ =	sdelay $0x3  }
0x98: {  	[tilespmem:v3+s29+$0x0] =	vst.idx.msk $0xffff, v29  }
0x99: {  	v3 =	vor.u32 v17, v2;
	v29 =	vld.idx.msk [tilespmem:v5+s2+$0x0], $0xffff  }
0x9a: {  	v5 =	vor.u32 v18, v1;
	_ =	sdelay $0x3  }
0x9b: {  	[tilespmem:v3+s29+$0x0] =	vst.idx.msk $0xffff, v29  }
0x9c: {  	v3 =	vor.u32 v19, v2;
	v29 =	vld.idx.msk [tilespmem:v5+s2+$0x0], $0xffff  }
0x9d: {  	v5 =	vor.u32 v20, v1;
	_ =	sdelay $0x3  }
0x9e: {  	[tilespmem:v3+s29+$0x0] =	vst.idx.msk $0xffff, v29  }
0x9f: {  	v3 =	vor.u32 v21, v2;
	v29 =	vld.idx.msk [tilespmem:v5+s2+$0x0], $0xffff  }
0xa0: {  	v5 =	vor.u32 v22, v1;
	_ =	sdelay $0x3  }
0xa1: {  	[tilespmem:v3+s29+$0x0] =	vst.idx.msk $0xffff, v29  }
0xa2: {  	v3 =	vor.u32 v23, v0;
	v29 =	vld.idx.msk [tilespmem:v5+s2+$0x0], $0xffff  }
0xa3: {  	v5 =	vor.u32 v24, v1;
	_ =	sdelay $0x3  }
0xa4: {  	[tilespmem:v3+s29+$0x0] =	vst.idx.msk $0xffff, v29  }
0xa5: {  	v3 =	vor.u32 v25, v0;
	v29 =	vld.idx.msk [tilespmem:v5+s2+$0x0], $0xffff  }
0xa6: {  	v5 =	vor.u32 v26, v1;
	_ =	sdelay $0x3  }
0xa7: {  	[tilespmem:v3+s29+$0x0] =	vst.idx.msk $0xffff, v29  }
0xa8: {  	v3 =	vor.u32 v27, v0;
	v29 =	vld.idx.msk [tilespmem:v5+s2+$0x0], $0xffff  }
0xa9: {  	v5 =	vor.u32 v28, v1;
	_ =	sdelay $0x3  }
0xaa: {  	[tilespmem:v3+s29+$0x0] =	vst.idx.msk $0xffff, v29  }
0xab: {  	v3 =	vor.u32 v54, v0;
	v29 =	vld.idx.msk [tilespmem:v5+s2+$0x0], $0xffff  }
0xac: {  	v5 =	vor.u32 v30, v1;
	_ =	sdelay $0x3  }
0xad: {  	[tilespmem:v3+s29+$0x0] =	vst.idx.msk $0xffff, v29  }
0xae: {  	v3 =	vor.u32 v31, v0;
	v29 =	vld.idx.msk [tilespmem:v5+s2+$0x0], $0xffff  }
0xaf: {  	v5 =	vor.u32 v32, v1;
	_ =	sdelay $0x3  }
0xb0: {  	[tilespmem:v3+s29+$0x0] =	vst.idx.msk $0xffff, v29  }
0xb1: {  	v3 =	vor.u32 v33, v0;
	v29 =	vld.idx.msk [tilespmem:v5+s2+$0x0], $0xffff  }
0xb2: {  	v5 =	vor.u32 v34, v1;
	_ =	sdelay $0x3  }
0xb3: {  	[tilespmem:v3+s29+$0x0] =	vst.idx.msk $0xffff, v29  }
0xb4: {  	v3 =	vor.u32 v35, v0;
	v29 =	vld.idx.msk [tilespmem:v5+s2+$0x0], $0xffff  }
0xb5: {  	v5 =	vor.u32 v36, v1;
	_ =	sdelay $0x3  }
0xb6: {  	[tilespmem:v3+s29+$0x0] =	vst.idx.msk $0xffff, v29  }
0xb7: {  	v3 =	vor.u32 v37, v0;
	v29 =	vld.idx.msk [tilespmem:v5+s2+$0x0], $0xffff  }
0xb8: {  	v5 =	vor.u32 v38, v1;
	_ =	sdelay $0x3  }
0xb9: {  	[tilespmem:v3+s29+$0x0] =	vst.idx.msk $0xffff, v29  }
0xba: {  	v3 =	vor.u32 v39, v2;
	v29 =	vld.idx.msk [tilespmem:v5+s2+$0x0], $0xffff  }
0xbb: {  	v5 =	vor.u32 v40, v1;
	_ =	sdelay $0x3  }
0xbc: {  	[tilespmem:v3+s29+$0x0] =	vst.idx.msk $0xffff, v29  }
0xbd: {  	v3 =	vor.u32 v41, v2;
	v29 =	vld.idx.msk [tilespmem:v5+s2+$0x0], $0xffff  }
0xbe: {  	v5 =	vor.u32 v42, v1;
	_ =	sdelay $0x3  }
0xbf: {  	[tilespmem:v3+s29+$0x0] =	vst.idx.msk $0xffff, v29  }
0xc0: {  	v3 =	vor.u32 v43, v2;
	v29 =	vld.idx.msk [tilespmem:v5+s2+$0x0], $0xffff  }
0xc1: {  	v5 =	vor.u32 v44, v1;
	_ =	sdelay $0x3  }
0xc2: {  	[tilespmem:v3+s29+$0x0] =	vst.idx.msk $0xffff, v29  }
0xc3: {  	v3 =	vor.u32 v45, v2;
	v29 =	vld.idx.msk [tilespmem:v5+s2+$0x0], $0xffff  }
0xc4: {  	v5 =	vor.u32 v46, v1;
	_ =	sdelay $0x3  }
0xc5: {  	[tilespmem:v3+s29+$0x0] =	vst.idx.msk $0xffff, v29  }
0xc6: {  	v3 =	vor.u32 v47, v2;
	v29 =	vld.idx.msk [tilespmem:v5+s2+$0x0], $0xffff  }
0xc7: {  	v5 =	vor.u32 v48, v1;
	_ =	sdelay $0x3  }
0xc8: {  	[tilespmem:v3+s29+$0x0] =	vst.idx.msk $0xffff, v29  }
0xc9: {  	v3 =	vor.u32 v49, v2;
	v29 =	vld.idx.msk [tilespmem:v5+s2+$0x0], $0xffff  }
0xca: {  	v5 =	vor.u32 v50, v1;
	_ =	sdelay $0x3  }
0xcb: {  	[tilespmem:v3+s29+$0x0] =	vst.idx.msk $0xffff, v29  }
0xcc: {  	v3 =	vor.u32 v51, v2;
	v29 =	vld.idx.msk [tilespmem:v5+s2+$0x0], $0xffff  }
0xcd: {  	v5 =	vor.u32 v52, v1;
	_ =	sdelay $0x3  }
0xce: {  	[tilespmem:v3+s29+$0x0] =	vst.idx.msk $0xffff, v29  }
0xcf: {  	v2 =	vor.u32 v59, v2;
	v55 =	vld.idx.msk [tilespmem:v5+s2+$0x0], $0xffff  }
0xd0: {  	v3 =	vor.u32 v58, v1;
	_ =	sdelay $0x3  }
0xd1: {  	[tilespmem:v2+s29+$0x0] =	vst.idx.msk $0xffff, v55  }
0xd2: {  	v29 =	vmov v54;
	v54 =	vmov v58;
	v58 =	vld.idx.msk [tilespmem:v3+s2+$0x0], $0xffff;
	v3 =	vor.u32 v61, v0;
	_ =	sdelay $0x3  }
0xd3: {  	v2 =	vor.u32 v62, v1  }
0xd4: {  	[tilespmem:v3+s29+$0x0] =	vst.idx.msk $0xffff, v58;
	v58 =	vld [tilespmem:$0x1FC70];
	_ =	sdelay $0x3  }
0xd5: {  	v55 =	vmov v61;
	v3 =	vor.u32 v53, v0;
	v61 =	vld.idx.msk [tilespmem:v2+s2+$0x0], $0xffff  }
0xd6: {  	v2 =	vor.u32 v58, v1;
	_ =	sdelay $0x3  }
0xd7: {  	[tilespmem:v3+s29+$0x0] =	vst.idx.msk $0xffff, v61  }
0xd8: {  	v3 =	vor.u32 v63, v0;
	v61 =	vld.idx.msk [tilespmem:v2+s2+$0x0], $0xffff  }
0xd9: {  	v2 =	vor.u32 v60, v1;
	_ =	sdelay $0x3  }
0xda: {  	[tilespmem:v3+s29+$0x0] =	vst.idx.msk $0xffff, v61  }
0xdb: {  	v2 =	vld.idx.msk [tilespmem:v2+s2+$0x0], $0xffff  }
0xdc: {  	v61 =	vld [tilespmem:$0x1FCA0]  }
0xdd: {  	v5 =	vmov v62;
	v62 =	vld [tilespmem:$0x1FCB0];
	_ =	sdelay $0x2  }
0xde: {  	[tilespmem:$0x1FC00] =	vst v2  }
0xdf: {  	v57 =	vmov v53;
	v3 =	vor.u32 v61, v0;
	v53 =	vld [tilespmem:$0x1FC00]  }
0xe0: {  	v2 =	vor.u32 v62, v1;
	_ =	sdelay $0x3  }
0xe1: {  	[tilespmem:v3+s29+$0x0] =	vst.idx.msk $0xffff, v53  }
0xe2: {  	v53 =	vld.idx.msk [tilespmem:v2+s2+$0x0], $0xffff  }
0xe3: {  	v2 =	vld [tilespmem:$0x1FCD0];
	_ =	sdelay $0x3  }
0xe4: {  	v3 =	vor.u32 v56, v0  }
0xe5: {  	v2 =	vor.u32 v2, v1;
	_ =	sdelay $0x3  }
0xe6: {  	[tilespmem:v3+s29+$0x0] =	vst.idx.msk $0xffff, v53  }
0xe7: {  	v53 =	vld.idx.msk [tilespmem:v2+s2+$0x0], $0xffff  }
0xe8: {  	v3 =	vor.u32 v6, v0;
	v2 =	vld [tilespmem:$0x1FCF0];
	_ =	sdelay $0x4  }
0xe9: {  	v2 =	vor.u32 v2, v1;
	[tilespmem:v3+s29+$0x0] =	vst.idx.msk $0xffff, v53;
	v3 =	vld [tilespmem:$0x1FD00];
	_ =	sdelay $0x4  }
0xea: {  	v2 =	vld.idx.msk [tilespmem:v2+s2+$0x0], $0xffff;
	v3 =	vor.u32 v3, v0;
	_ =	sdelay $0x4  }
0xeb: {  	s15 =	simm.s32 $0x1;
	[tilespmem:v3+s29+$0x0] =	vst.idx.msk $0xffff, v2;
	v2 =	vlaneseq.u32  }
0xec: {  	s21 =	sshll.u32 s17, $0xE;
	s5 =	simm.s32 $0x2;
	v56 =	vmovc v5;
	v1 =	vor.u32 v4, v1;
	v53 =	vmov v59;
	v59 =	vld [tilespmem:$0x1FC10];
	v3 =	vadd.s32 s15, v2  }
.LBB2_3:
0xed: {  	_ =	sdelay $0x2  }
0xee: {  	v2 =	vand.u32 $0xF, v3  }
0xef: {  	v4 =	vld.idx.msk [tilespmem:v1+s2+$0x0], $0xffff;
	v5 =	vor.u32 v59, v0;
	v6 =	vlaneseq.u32;
	v1 =	vshll.u32 v2, $0x7  }
0xf0: {  	v0 =	vmov v3;
	v3 =	vor.u32 v6, v1;
	_ =	sdelay $0x3  }
0xf1: {  	[tilespmem:v5+s29+$0x0] =	vst.idx.msk $0xffff, v4  }
0xf2: {  	v4 =	vor.u32 v7, v2;
	v3 =	vld.idx.msk [tilespmem:v3+s2+$0x0], $0xffff  }
0xf3: {  	v5 =	vor.u32 v8, v1;
	_ =	sdelay $0x3  }
0xf4: {  	[tilespmem:v4+s29+$0x0] =	vst.idx.msk $0xffff, v3  }
0xf5: {  	v4 =	vor.u32 v9, v2;
	v3 =	vld.idx.msk [tilespmem:v5+s2+$0x0], $0xffff  }
0xf6: {  	v5 =	vor.u32 v10, v1;
	_ =	sdelay $0x3  }
0xf7: {  	[tilespmem:v4+s29+$0x0] =	vst.idx.msk $0xffff, v3  }
0xf8: {  	v4 =	vor.u32 v11, v2;
	v3 =	vld.idx.msk [tilespmem:v5+s2+$0x0], $0xffff  }
0xf9: {  	v5 =	vor.u32 v12, v1;
	_ =	sdelay $0x3  }
0xfa: {  	[tilespmem:v4+s29+$0x0] =	vst.idx.msk $0xffff, v3  }
0xfb: {  	v4 =	vor.u32 v13, v2;
	v3 =	vld.idx.msk [tilespmem:v5+s2+$0x0], $0xffff  }
0xfc: {  	v5 =	vor.u32 v14, v1;
	_ =	sdelay $0x3  }
0xfd: {  	[tilespmem:v4+s29+$0x0] =	vst.idx.msk $0xffff, v3  }
0xfe: {  	v4 =	vor.u32 v15, v2;
	v3 =	vld.idx.msk [tilespmem:v5+s2+$0x0], $0xffff  }
0xff: {  	v5 =	vor.u32 v16, v1;
	_ =	sdelay $0x3  }
0x100: {  	[tilespmem:v4+s29+$0x0] =	vst.idx.msk $0xffff, v3  }
0x101: {  	v4 =	vor.u32 v17, v2;
	v3 =	vld.idx.msk [tilespmem:v5+s2+$0x0], $0xffff  }
0x102: {  	v5 =	vor.u32 v18, v1;
	_ =	sdelay $0x3  }
0x103: {  	[tilespmem:v4+s29+$0x0] =	vst.idx.msk $0xffff, v3  }
0x104: {  	v4 =	vor.u32 v19, v2;
	v3 =	vld.idx.msk [tilespmem:v5+s2+$0x0], $0xffff  }
0x105: {  	v5 =	vor.u32 v20, v1;
	_ =	sdelay $0x3  }
0x106: {  	[tilespmem:v4+s29+$0x0] =	vst.idx.msk $0xffff, v3  }
0x107: {  	v4 =	vor.u32 v21, v2;
	v3 =	vld.idx.msk [tilespmem:v5+s2+$0x0], $0xffff  }
0x108: {  	v5 =	vor.u32 v22, v1;
	_ =	sdelay $0x3  }
0x109: {  	[tilespmem:v4+s29+$0x0] =	vst.idx.msk $0xffff, v3  }
0x10a: {  	v4 =	vor.u32 v23, v0;
	v3 =	vld.idx.msk [tilespmem:v5+s2+$0x0], $0xffff  }
0x10b: {  	v5 =	vor.u32 v24, v1;
	_ =	sdelay $0x3  }
0x10c: {  	[tilespmem:v4+s29+$0x0] =	vst.idx.msk $0xffff, v3  }
0x10d: {  	v4 =	vor.u32 v25, v0;
	v3 =	vld.idx.msk [tilespmem:v5+s2+$0x0], $0xffff  }
0x10e: {  	v5 =	vor.u32 v26, v1;
	_ =	sdelay $0x3  }
0x10f: {  	[tilespmem:v4+s29+$0x0] =	vst.idx.msk $0xffff, v3  }
0x110: {  	v4 =	vor.u32 v27, v0;
	v3 =	vld.idx.msk [tilespmem:v5+s2+$0x0], $0xffff  }
0x111: {  	v5 =	vor.u32 v28, v1;
	_ =	sdelay $0x3  }
0x112: {  	[tilespmem:v4+s29+$0x0] =	vst.idx.msk $0xffff, v3  }
0x113: {  	v4 =	vor.u32 v29, v0;
	v3 =	vld.idx.msk [tilespmem:v5+s2+$0x0], $0xffff  }
0x114: {  	v5 =	vor.u32 v30, v1;
	_ =	sdelay $0x3  }
0x115: {  	[tilespmem:v4+s29+$0x0] =	vst.idx.msk $0xffff, v3  }
0x116: {  	v4 =	vor.u32 v31, v0;
	v3 =	vld.idx.msk [tilespmem:v5+s2+$0x0], $0xffff  }
0x117: {  	v5 =	vor.u32 v32, v1;
	_ =	sdelay $0x3  }
0x118: {  	[tilespmem:v4+s29+$0x0] =	vst.idx.msk $0xffff, v3  }
0x119: {  	v4 =	vor.u32 v33, v0;
	v3 =	vld.idx.msk [tilespmem:v5+s2+$0x0], $0xffff  }
0x11a: {  	v5 =	vor.u32 v34, v1;
	_ =	sdelay $0x3  }
0x11b: {  	[tilespmem:v4+s29+$0x0] =	vst.idx.msk $0xffff, v3  }
0x11c: {  	v4 =	vor.u32 v35, v0;
	v3 =	vld.idx.msk [tilespmem:v5+s2+$0x0], $0xffff  }
0x11d: {  	v5 =	vor.u32 v36, v1;
	_ =	sdelay $0x3  }
0x11e: {  	[tilespmem:v4+s29+$0x0] =	vst.idx.msk $0xffff, v3  }
0x11f: {  	v4 =	vor.u32 v37, v0;
	v3 =	vld.idx.msk [tilespmem:v5+s2+$0x0], $0xffff  }
0x120: {  	v5 =	vor.u32 v38, v1;
	_ =	sdelay $0x3  }
0x121: {  	[tilespmem:v4+s29+$0x0] =	vst.idx.msk $0xffff, v3  }
0x122: {  	v4 =	vor.u32 v39, v2;
	v3 =	vld.idx.msk [tilespmem:v5+s2+$0x0], $0xffff  }
0x123: {  	v5 =	vor.u32 v40, v1;
	_ =	sdelay $0x3  }
0x124: {  	[tilespmem:v4+s29+$0x0] =	vst.idx.msk $0xffff, v3  }
0x125: {  	v4 =	vor.u32 v41, v2;
	v3 =	vld.idx.msk [tilespmem:v5+s2+$0x0], $0xffff  }
0x126: {  	v5 =	vor.u32 v42, v1;
	_ =	sdelay $0x3  }
0x127: {  	[tilespmem:v4+s29+$0x0] =	vst.idx.msk $0xffff, v3  }
0x128: {  	v4 =	vor.u32 v43, v2;
	v3 =	vld.idx.msk [tilespmem:v5+s2+$0x0], $0xffff  }
0x129: {  	v5 =	vor.u32 v44, v1;
	_ =	sdelay $0x3  }
0x12a: {  	[tilespmem:v4+s29+$0x0] =	vst.idx.msk $0xffff, v3  }
0x12b: {  	v4 =	vor.u32 v45, v2;
	v3 =	vld.idx.msk [tilespmem:v5+s2+$0x0], $0xffff  }
0x12c: {  	v5 =	vor.u32 v46, v1;
	_ =	sdelay $0x3  }
0x12d: {  	[tilespmem:v4+s29+$0x0] =	vst.idx.msk $0xffff, v3  }
0x12e: {  	v4 =	vor.u32 v47, v2;
	v3 =	vld.idx.msk [tilespmem:v5+s2+$0x0], $0xffff  }
0x12f: {  	v5 =	vor.u32 v48, v1;
	_ =	sdelay $0x3  }
0x130: {  	[tilespmem:v4+s29+$0x0] =	vst.idx.msk $0xffff, v3  }
0x131: {  	v4 =	vor.u32 v49, v2;
	v3 =	vld.idx.msk [tilespmem:v5+s2+$0x0], $0xffff  }
0x132: {  	v5 =	vor.u32 v50, v1;
	_ =	sdelay $0x3  }
0x133: {  	[tilespmem:v4+s29+$0x0] =	vst.idx.msk $0xffff, v3  }
0x134: {  	v4 =	vor.u32 v51, v2;
	v3 =	vld.idx.msk [tilespmem:v5+s2+$0x0], $0xffff  }
0x135: {  	v5 =	vor.u32 v52, v1;
	_ =	sdelay $0x3  }
0x136: {  	[tilespmem:v4+s29+$0x0] =	vst.idx.msk $0xffff, v3  }
0x137: {  	v2 =	vor.u32 v53, v2;
	v3 =	vld.idx.msk [tilespmem:v5+s2+$0x0], $0xffff  }
0x138: {  	v4 =	vor.u32 v54, v1;
	_ =	sdelay $0x3  }
0x139: {  	[tilespmem:v2+s29+$0x0] =	vst.idx.msk $0xffff, v3  }
0x13a: {  	v3 =	vor.u32 v55, v0;
	v2 =	vld.idx.msk [tilespmem:v4+s2+$0x0], $0xffff  }
0x13b: {  	v4 =	vor.u32 v56, v1;
	_ =	sdelay $0x3  }
0x13c: {  	[tilespmem:v3+s29+$0x0] =	vst.idx.msk $0xffff, v2  }
0x13d: {  	v3 =	vor.u32 v57, v0;
	v2 =	vld.idx.msk [tilespmem:v4+s2+$0x0], $0xffff  }
0x13e: {  	v4 =	vor.u32 v58, v1;
	_ =	sdelay $0x3  }
0x13f: {  	[tilespmem:v3+s29+$0x0] =	vst.idx.msk $0xffff, v2  }
0x140: {  	v3 =	vor.u32 v63, v0;
	v2 =	vld.idx.msk [tilespmem:v4+s2+$0x0], $0xffff  }
0x141: {  	v4 =	vor.u32 v60, v1;
	_ =	sdelay $0x3  }
0x142: {  	[tilespmem:v3+s29+$0x0] =	vst.idx.msk $0xffff, v2  }
0x143: {  	v3 =	vor.u32 v61, v0;
	v2 =	vld.idx.msk [tilespmem:v4+s2+$0x0], $0xffff;
	_ =	sdelay $0x1  }
0x144: {  	v4 =	vor.u32 v62, v1;
	_ =	sdelay $0x2  }
0x145: {  	[tilespmem:v3+s29+$0x0] =	vst.idx.msk $0xffff, v2;
	v3 =	vld [tilespmem:$0x1FCC0];
	_ =	sdelay $0x1  }
0x146: {  	v2 =	vld.idx.msk [tilespmem:v4+s2+$0x0], $0xffff  }
0x147: {  	v4 =	vld [tilespmem:$0x1FCD0];
	_ =	sdelay $0x1  }
0x148: {  	v3 =	vor.u32 v3, v0;
	_ =	sdelay $0x2  }
0x149: {  	v4 =	vor.u32 v4, v1;
	_ =	sdelay $0x1  }
0x14a: {  	[tilespmem:v3+s29+$0x0] =	vst.idx.msk $0xffff, v2;
	v3 =	vld [tilespmem:$0x1FCE0];
	_ =	sdelay $0x2  }
0x14b: {  	v2 =	vld.idx.msk [tilespmem:v4+s2+$0x0], $0xffff  }
0x14c: {  	v4 =	vld [tilespmem:$0x1FCF0]  }
0x14d: {  	v3 =	vor.u32 v3, v0;
	_ =	sdelay $0x3  }
0x14e: {  	v4 =	vor.u32 v4, v1  }
0x14f: {  	[tilespmem:v3+s29+$0x0] =	vst.idx.msk $0xffff, v2;
	v3 =	vld [tilespmem:$0x1FD00];
	_ =	sdelay $0x3  }
0x150: {  	v2 =	vld.idx.msk [tilespmem:v4+s2+$0x0], $0xffff  }
0x151: {  	p3 =	sne.s32 s5, $0xF;
	v4 =	vor.u32 v3, v0;
	v3 =	vld [tilespmem:$0x1FD10]  }
.Ltmp2:
0x152: {  	_ = 	snop;
	(pc) =	sbr.rel @p3 .LBB2_3-.Ltmp2, $2  }
0x153: {  	_ =	sdelay $0x2  }
0x154: {  	v1 =	vor.u32 v3, v1;
	v3 =	vadd.s32 s5, v6;
	s5 =	sadd.s32 $0x1, s5;
	[tilespmem:v4+s29+$0x0] =	vst.idx.msk $0xffff, v2  }
0x155: {  	_ =	sdelay $0x2  }
0x156: {  	v2 =	vand.u32 $0xF, v3  }
0x157: {  	v1 =	vld.idx.msk [tilespmem:v1+s2+$0x0], $0xffff;
	v0 =	vor.u32 v59, v0;
	v5 =	vlaneseq.u32;
	v4 =	vshll.u32 v2, $0x7  }
0x158: {  	v5 =	vor.u32 v5, v4;
	_ =	sdelay $0x3  }
0x159: {  	[tilespmem:v0+s29+$0x0] =	vst.idx.msk $0xffff, v1  }
0x15a: {  	v1 =	vor.u32 v7, v2;
	v0 =	vld.idx.msk [tilespmem:v5+s2+$0x0], $0xffff  }
0x15b: {  	v5 =	vor.u32 v8, v4;
	_ =	sdelay $0x3  }
0x15c: {  	[tilespmem:v1+s29+$0x0] =	vst.idx.msk $0xffff, v0  }
0x15d: {  	v1 =	vor.u32 v9, v2;
	v0 =	vld.idx.msk [tilespmem:v5+s2+$0x0], $0xffff  }
0x15e: {  	v5 =	vor.u32 v10, v4;
	_ =	sdelay $0x3  }
0x15f: {  	[tilespmem:v1+s29+$0x0] =	vst.idx.msk $0xffff, v0  }
0x160: {  	v1 =	vor.u32 v11, v2;
	v0 =	vld.idx.msk [tilespmem:v5+s2+$0x0], $0xffff  }
0x161: {  	v5 =	vor.u32 v12, v4;
	_ =	sdelay $0x3  }
0x162: {  	[tilespmem:v1+s29+$0x0] =	vst.idx.msk $0xffff, v0  }
0x163: {  	v1 =	vor.u32 v13, v2;
	v0 =	vld.idx.msk [tilespmem:v5+s2+$0x0], $0xffff  }
0x164: {  	v5 =	vor.u32 v14, v4;
	_ =	sdelay $0x3  }
0x165: {  	[tilespmem:v1+s29+$0x0] =	vst.idx.msk $0xffff, v0  }
0x166: {  	v1 =	vor.u32 v15, v2;
	v0 =	vld.idx.msk [tilespmem:v5+s2+$0x0], $0xffff  }
0x167: {  	v5 =	vor.u32 v16, v4;
	_ =	sdelay $0x3  }
0x168: {  	[tilespmem:v1+s29+$0x0] =	vst.idx.msk $0xffff, v0  }
0x169: {  	v1 =	vor.u32 v17, v2;
	v0 =	vld.idx.msk [tilespmem:v5+s2+$0x0], $0xffff  }
0x16a: {  	v5 =	vor.u32 v18, v4;
	_ =	sdelay $0x3  }
0x16b: {  	[tilespmem:v1+s29+$0x0] =	vst.idx.msk $0xffff, v0  }
0x16c: {  	v1 =	vor.u32 v19, v2;
	v0 =	vld.idx.msk [tilespmem:v5+s2+$0x0], $0xffff  }
0x16d: {  	v5 =	vor.u32 v20, v4;
	_ =	sdelay $0x3  }
0x16e: {  	[tilespmem:v1+s29+$0x0] =	vst.idx.msk $0xffff, v0  }
0x16f: {  	v1 =	vor.u32 v21, v2;
	v0 =	vld.idx.msk [tilespmem:v5+s2+$0x0], $0xffff  }
0x170: {  	v5 =	vor.u32 v22, v4;
	_ =	sdelay $0x3  }
0x171: {  	[tilespmem:v1+s29+$0x0] =	vst.idx.msk $0xffff, v0  }
0x172: {  	v1 =	vor.u32 v23, v3;
	v0 =	vld.idx.msk [tilespmem:v5+s2+$0x0], $0xffff  }
0x173: {  	v5 =	vor.u32 v24, v4;
	_ =	sdelay $0x3  }
0x174: {  	[tilespmem:v1+s29+$0x0] =	vst.idx.msk $0xffff, v0  }
0x175: {  	v1 =	vor.u32 v25, v3;
	v0 =	vld.idx.msk [tilespmem:v5+s2+$0x0], $0xffff  }
0x176: {  	v5 =	vor.u32 v26, v4;
	_ =	sdelay $0x3  }
0x177: {  	[tilespmem:v1+s29+$0x0] =	vst.idx.msk $0xffff, v0  }
0x178: {  	v1 =	vor.u32 v27, v3;
	v0 =	vld.idx.msk [tilespmem:v5+s2+$0x0], $0xffff  }
0x179: {  	v5 =	vor.u32 v28, v4;
	_ =	sdelay $0x3  }
0x17a: {  	[tilespmem:v1+s29+$0x0] =	vst.idx.msk $0xffff, v0  }
0x17b: {  	v1 =	vor.u32 v29, v3;
	v0 =	vld.idx.msk [tilespmem:v5+s2+$0x0], $0xffff  }
0x17c: {  	v5 =	vor.u32 v30, v4;
	_ =	sdelay $0x3  }
0x17d: {  	[tilespmem:v1+s29+$0x0] =	vst.idx.msk $0xffff, v0  }
0x17e: {  	v1 =	vor.u32 v31, v3;
	v0 =	vld.idx.msk [tilespmem:v5+s2+$0x0], $0xffff  }
0x17f: {  	v5 =	vor.u32 v32, v4;
	_ =	sdelay $0x3  }
0x180: {  	[tilespmem:v1+s29+$0x0] =	vst.idx.msk $0xffff, v0  }
0x181: {  	v1 =	vor.u32 v33, v3;
	v0 =	vld.idx.msk [tilespmem:v5+s2+$0x0], $0xffff  }
0x182: {  	v5 =	vor.u32 v34, v4;
	_ =	sdelay $0x3  }
0x183: {  	[tilespmem:v1+s29+$0x0] =	vst.idx.msk $0xffff, v0  }
0x184: {  	v1 =	vor.u32 v35, v3;
	v0 =	vld.idx.msk [tilespmem:v5+s2+$0x0], $0xffff  }
0x185: {  	v5 =	vor.u32 v36, v4;
	_ =	sdelay $0x3  }
0x186: {  	[tilespmem:v1+s29+$0x0] =	vst.idx.msk $0xffff, v0  }
0x187: {  	v1 =	vor.u32 v37, v3;
	v0 =	vld.idx.msk [tilespmem:v5+s2+$0x0], $0xffff  }
0x188: {  	v5 =	vor.u32 v38, v4;
	_ =	sdelay $0x3  }
0x189: {  	[tilespmem:v1+s29+$0x0] =	vst.idx.msk $0xffff, v0  }
0x18a: {  	v1 =	vor.u32 v39, v2;
	v0 =	vld.idx.msk [tilespmem:v5+s2+$0x0], $0xffff  }
0x18b: {  	v5 =	vor.u32 v40, v4;
	_ =	sdelay $0x3  }
0x18c: {  	[tilespmem:v1+s29+$0x0] =	vst.idx.msk $0xffff, v0  }
0x18d: {  	v1 =	vor.u32 v41, v2;
	v0 =	vld.idx.msk [tilespmem:v5+s2+$0x0], $0xffff  }
0x18e: {  	v5 =	vor.u32 v42, v4;
	_ =	sdelay $0x3  }
0x18f: {  	[tilespmem:v1+s29+$0x0] =	vst.idx.msk $0xffff, v0  }
0x190: {  	v1 =	vor.u32 v43, v2;
	v0 =	vld.idx.msk [tilespmem:v5+s2+$0x0], $0xffff  }
0x191: {  	v5 =	vor.u32 v44, v4;
	_ =	sdelay $0x3  }
0x192: {  	[tilespmem:v1+s29+$0x0] =	vst.idx.msk $0xffff, v0  }
0x193: {  	v1 =	vor.u32 v45, v2;
	v0 =	vld.idx.msk [tilespmem:v5+s2+$0x0], $0xffff  }
0x194: {  	v5 =	vor.u32 v46, v4;
	_ =	sdelay $0x3  }
0x195: {  	[tilespmem:v1+s29+$0x0] =	vst.idx.msk $0xffff, v0  }
0x196: {  	v1 =	vor.u32 v47, v2;
	v0 =	vld.idx.msk [tilespmem:v5+s2+$0x0], $0xffff  }
0x197: {  	v5 =	vor.u32 v48, v4;
	_ =	sdelay $0x3  }
0x198: {  	[tilespmem:v1+s29+$0x0] =	vst.idx.msk $0xffff, v0  }
0x199: {  	v1 =	vor.u32 v49, v2;
	v0 =	vld.idx.msk [tilespmem:v5+s2+$0x0], $0xffff  }
0x19a: {  	v5 =	vor.u32 v50, v4;
	_ =	sdelay $0x3  }
0x19b: {  	[tilespmem:v1+s29+$0x0] =	vst.idx.msk $0xffff, v0  }
0x19c: {  	v1 =	vor.u32 v51, v2;
	v0 =	vld.idx.msk [tilespmem:v5+s2+$0x0], $0xffff  }
0x19d: {  	v5 =	vor.u32 v52, v4;
	_ =	sdelay $0x3  }
0x19e: {  	[tilespmem:v1+s29+$0x0] =	vst.idx.msk $0xffff, v0  }
0x19f: {  	v1 =	vor.u32 v53, v2;
	v0 =	vld.idx.msk [tilespmem:v5+s2+$0x0], $0xffff  }
0x1a0: {  	v2 =	vor.u32 v54, v4;
	_ =	sdelay $0x3  }
0x1a1: {  	[tilespmem:v1+s29+$0x0] =	vst.idx.msk $0xffff, v0  }
0x1a2: {  	v1 =	vor.u32 v55, v3;
	v0 =	vld.idx.msk [tilespmem:v2+s2+$0x0], $0xffff  }
0x1a3: {  	v2 =	vor.u32 v56, v4;
	_ =	sdelay $0x3  }
0x1a4: {  	[tilespmem:v1+s29+$0x0] =	vst.idx.msk $0xffff, v0  }
0x1a5: {  	v1 =	vor.u32 v57, v3;
	v0 =	vld.idx.msk [tilespmem:v2+s2+$0x0], $0xffff  }
0x1a6: {  	v2 =	vor.u32 v58, v4;
	_ =	sdelay $0x3  }
0x1a7: {  	[tilespmem:v1+s29+$0x0] =	vst.idx.msk $0xffff, v0  }
0x1a8: {  	v1 =	vor.u32 v63, v3;
	v0 =	vld.idx.msk [tilespmem:v2+s2+$0x0], $0xffff  }
0x1a9: {  	v2 =	vor.u32 v60, v4;
	_ =	sdelay $0x3  }
0x1aa: {  	[tilespmem:v1+s29+$0x0] =	vst.idx.msk $0xffff, v0  }
0x1ab: {  	v1 =	vor.u32 v61, v3;
	v0 =	vld.idx.msk [tilespmem:v2+s2+$0x0], $0xffff  }
0x1ac: {  	v2 =	vor.u32 v62, v4;
	_ =	sdelay $0x3  }
0x1ad: {  	[tilespmem:v1+s29+$0x0] =	vst.idx.msk $0xffff, v0;
	v1 =	vld [tilespmem:$0x1FCC0]  }
0x1ae: {  	v0 =	vld.idx.msk [tilespmem:v2+s2+$0x0], $0xffff  }
0x1af: {  	v2 =	vld [tilespmem:$0x1FCD0];
	_ =	sdelay $0x3  }
0x1b0: {  	v1 =	vor.u32 v1, v3  }
0x1b1: {  	v2 =	vor.u32 v2, v4;
	_ =	sdelay $0x3  }
0x1b2: {  	[tilespmem:v1+s29+$0x0] =	vst.idx.msk $0xffff, v0;
	v1 =	vld [tilespmem:$0x1FCE0]  }
0x1b3: {  	v0 =	vld.idx.msk [tilespmem:v2+s2+$0x0], $0xffff  }
0x1b4: {  	v2 =	vld [tilespmem:$0x1FCF0];
	_ =	sdelay $0x3  }
0x1b5: {  	v1 =	vor.u32 v1, v3  }
0x1b6: {  	v2 =	vor.u32 v2, v4;
	_ =	sdelay $0x3  }
0x1b7: {  	[tilespmem:v1+s29+$0x0] =	vst.idx.msk $0xffff, v0;
	v1 =	vld [tilespmem:$0x1FD00]  }
0x1b8: {  	v0 =	vld.idx.msk [tilespmem:v2+s2+$0x0], $0xffff  }
0x1b9: {  	v2 =	vld [tilespmem:$0x1FD10];
	_ =	sdelay $0x3  }
0x1ba: {  	v1 =	vor.u32 v1, v3  }
0x1bb: {  	v2 =	vor.u32 v2, v4;
	_ =	sdelay $0x3  }
0x1bc: {  	[tilespmem:v1+s29+$0x0] =	vst.idx.msk $0xffff, v0  }
0x1bd: {  	v1 =	vor.u32 v59, v3;
	v0 =	vld.idx.msk [tilespmem:v2+s2+$0x0], $0xffff;
	_ =	sdelay $0x4  }
0x1be: {  	s5 =	simm.s32 @p2 $0x400;
	s6 =	simm.s32 @p2 $0x7A1400;
	s7 =	simm.s32 @p2 $0x0;
	[tilespmem:v1+s29+$0x0] =	vst.idx.msk $0xffff, v0  }
0x1bf: {  	[tilespmem:s7], [sflag:$0x1] =	stream.strided.gather @p2 [hbm4b:s9+s5], $0x2000, s6, s5, $0x38;
	[tilespmem:$0x18000] =	vst v63  }
0x1c0: {  	p3 =	seq.s32 @!p2 s17, $0x3C;
	s5 =	simm.s32 @p2 $0x2  }
0x1c1: {  	s15 =	simm.s32 $0x0;
	s6 =	sshll.u32 @!p2 s17, $0x12;
	_ =	swait.ge @p2 [sflag:s5], $0x2000  }
0x1c2: {  	p3 =	por p3, p2;
	s6 =	sadd.s32 @!p2 s19, s6;
	[sflag:s5] =	ssyncset.done @p2 $0x0  }
0x1c3: {  	s8 =	simm.s32 @!p3 $0x0;
	[sflag:s5] =	ssyncadd.s32 @p2 $0xFFFFE000;
	s5 =	sand.u32 @!p2 $0x1FFFF800, s6  }
0x1c4: {  	s7 =	simm.s32 @!p2 $0x14000;
	s6 =	simm.s32 @!p2 $0x0;
	s5 =	sadd.s32 @!p2 s4, s5  }
0x1c5: {  	[hbm4b:s5+s6] =	stream.linear.scatter @!p2 [tilespmem:s7], [sflag:$0x8], $0x4000, $0x38;
	[tilespmem:$0x18000] =	vst v63  }
0x1c6: {  	v3 =	vlaneseq.u32;
	s5 =	sadd.s32 @!p3 s21, s9;
	s6 =	simm.s32 @!p3 $0x400;
	s7 =	simm.s32 @!p3 $0x7A1400  }
0x1c7: {  	v0 =	vadd.s32 s15, v3;
	[tilespmem:s8], [sflag:$0x1] =	stream.strided.gather @!p3 [hbm4b:s5+s6], $0x2000, s7, s6, $0x38;
	[tilespmem:$0x18000] =	vst v63  }
0x1c8: {  	v2 =	vand.u32 $0xF, v0;
	s5 =	simm.s32 @!p2 $0x2  }
0x1c9: {  	v1 =	vshll.u32 v2, $0x7;
	_ =	swait.ge @!p2 [sflag:s5], $0x2000  }
0x1ca: {  	v3 =	vor.u32 v3, v1;
	[sflag:s5] =	ssyncset.done @!p2 $0x0  }
0x1cb: {  	[sflag:s5] =	ssyncadd.s32 @!p2 $0xFFFFE000;
	s5 =	simm.s32 @!p2 $0x6  }
0x1cc: {  	_ =	swait.ge @!p2 [sflag:s5], $0x4000  }
0x1cd: {  	[sflag:s5] =	ssyncset.done @!p2 $0x0  }
0x1ce: {  	[sflag:s5] =	ssyncadd.s32 @!p2 $0xFFFFC000  }
0x1cf: {  	v4 =	vor.u32 v7, v2;
	v3 =	vld.idx.msk [tilespmem:v3+s24+$0x0], $0xffff  }
0x1d0: {  	v5 =	vor.u32 v8, v1;
	_ =	sdelay $0x3  }
0x1d1: {  	[tilespmem:v4+s30+$0x0] =	vst.idx.msk $0xffff, v3  }
0x1d2: {  	v4 =	vor.u32 v9, v2;
	v3 =	vld.idx.msk [tilespmem:v5+s24+$0x0], $0xffff  }
0x1d3: {  	v5 =	vor.u32 v10, v1;
	_ =	sdelay $0x3  }
0x1d4: {  	[tilespmem:v4+s30+$0x0] =	vst.idx.msk $0xffff, v3  }
0x1d5: {  	v4 =	vor.u32 v11, v2;
	v3 =	vld.idx.msk [tilespmem:v5+s24+$0x0], $0xffff  }
0x1d6: {  	v5 =	vor.u32 v12, v1;
	_ =	sdelay $0x3  }
0x1d7: {  	[tilespmem:v4+s30+$0x0] =	vst.idx.msk $0xffff, v3  }
0x1d8: {  	v4 =	vor.u32 v13, v2;
	v3 =	vld.idx.msk [tilespmem:v5+s24+$0x0], $0xffff  }
0x1d9: {  	v5 =	vor.u32 v14, v1;
	_ =	sdelay $0x3  }
0x1da: {  	[tilespmem:v4+s30+$0x0] =	vst.idx.msk $0xffff, v3  }
0x1db: {  	v4 =	vor.u32 v15, v2;
	v3 =	vld.idx.msk [tilespmem:v5+s24+$0x0], $0xffff  }
0x1dc: {  	v5 =	vor.u32 v16, v1;
	_ =	sdelay $0x3  }
0x1dd: {  	[tilespmem:v4+s30+$0x0] =	vst.idx.msk $0xffff, v3  }
0x1de: {  	v4 =	vor.u32 v17, v2;
	v3 =	vld.idx.msk [tilespmem:v5+s24+$0x0], $0xffff  }
0x1df: {  	v5 =	vor.u32 v18, v1;
	_ =	sdelay $0x3  }
0x1e0: {  	[tilespmem:v4+s30+$0x0] =	vst.idx.msk $0xffff, v3  }
0x1e1: {  	v4 =	vor.u32 v19, v2;
	v3 =	vld.idx.msk [tilespmem:v5+s24+$0x0], $0xffff  }
0x1e2: {  	v5 =	vor.u32 v20, v1;
	_ =	sdelay $0x3  }
0x1e3: {  	[tilespmem:v4+s30+$0x0] =	vst.idx.msk $0xffff, v3  }
0x1e4: {  	v4 =	vor.u32 v21, v2;
	v3 =	vld.idx.msk [tilespmem:v5+s24+$0x0], $0xffff  }
0x1e5: {  	v5 =	vor.u32 v22, v1;
	_ =	sdelay $0x3  }
0x1e6: {  	[tilespmem:v4+s30+$0x0] =	vst.idx.msk $0xffff, v3  }
0x1e7: {  	v4 =	vor.u32 v23, v0;
	v3 =	vld.idx.msk [tilespmem:v5+s24+$0x0], $0xffff  }
0x1e8: {  	v5 =	vor.u32 v24, v1;
	_ =	sdelay $0x3  }
0x1e9: {  	[tilespmem:v4+s30+$0x0] =	vst.idx.msk $0xffff, v3  }
0x1ea: {  	v4 =	vor.u32 v25, v0;
	v3 =	vld.idx.msk [tilespmem:v5+s24+$0x0], $0xffff  }
0x1eb: {  	v5 =	vor.u32 v26, v1;
	_ =	sdelay $0x3  }
0x1ec: {  	[tilespmem:v4+s30+$0x0] =	vst.idx.msk $0xffff, v3  }
0x1ed: {  	v4 =	vor.u32 v27, v0;
	v3 =	vld.idx.msk [tilespmem:v5+s24+$0x0], $0xffff  }
0x1ee: {  	v5 =	vor.u32 v28, v1;
	_ =	sdelay $0x3  }
0x1ef: {  	[tilespmem:v4+s30+$0x0] =	vst.idx.msk $0xffff, v3  }
0x1f0: {  	v4 =	vor.u32 v29, v0;
	v3 =	vld.idx.msk [tilespmem:v5+s24+$0x0], $0xffff  }
0x1f1: {  	v5 =	vor.u32 v30, v1;
	_ =	sdelay $0x3  }
0x1f2: {  	[tilespmem:v4+s30+$0x0] =	vst.idx.msk $0xffff, v3  }
0x1f3: {  	v4 =	vor.u32 v31, v0;
	v3 =	vld.idx.msk [tilespmem:v5+s24+$0x0], $0xffff  }
0x1f4: {  	v5 =	vor.u32 v32, v1;
	_ =	sdelay $0x3  }
0x1f5: {  	[tilespmem:v4+s30+$0x0] =	vst.idx.msk $0xffff, v3  }
0x1f6: {  	v4 =	vor.u32 v33, v0;
	v3 =	vld.idx.msk [tilespmem:v5+s24+$0x0], $0xffff  }
0x1f7: {  	v5 =	vor.u32 v34, v1;
	_ =	sdelay $0x3  }
0x1f8: {  	[tilespmem:v4+s30+$0x0] =	vst.idx.msk $0xffff, v3  }
0x1f9: {  	v4 =	vor.u32 v35, v0;
	v3 =	vld.idx.msk [tilespmem:v5+s24+$0x0], $0xffff  }
0x1fa: {  	v5 =	vor.u32 v36, v1;
	_ =	sdelay $0x3  }
0x1fb: {  	[tilespmem:v4+s30+$0x0] =	vst.idx.msk $0xffff, v3  }
0x1fc: {  	v4 =	vor.u32 v37, v0;
	v3 =	vld.idx.msk [tilespmem:v5+s24+$0x0], $0xffff  }
0x1fd: {  	v5 =	vor.u32 v38, v1;
	_ =	sdelay $0x3  }
0x1fe: {  	[tilespmem:v4+s30+$0x0] =	vst.idx.msk $0xffff, v3  }
0x1ff: {  	v4 =	vor.u32 v39, v2;
	v3 =	vld.idx.msk [tilespmem:v5+s24+$0x0], $0xffff  }
0x200: {  	v5 =	vor.u32 v40, v1;
	_ =	sdelay $0x3  }
0x201: {  	[tilespmem:v4+s30+$0x0] =	vst.idx.msk $0xffff, v3  }
0x202: {  	v4 =	vor.u32 v41, v2;
	v3 =	vld.idx.msk [tilespmem:v5+s24+$0x0], $0xffff  }
0x203: {  	v5 =	vor.u32 v42, v1;
	_ =	sdelay $0x3  }
0x204: {  	[tilespmem:v4+s30+$0x0] =	vst.idx.msk $0xffff, v3  }
0x205: {  	v4 =	vor.u32 v43, v2;
	v3 =	vld.idx.msk [tilespmem:v5+s24+$0x0], $0xffff  }
0x206: {  	v5 =	vor.u32 v44, v1;
	_ =	sdelay $0x3  }
0x207: {  	[tilespmem:v4+s30+$0x0] =	vst.idx.msk $0xffff, v3  }
0x208: {  	v4 =	vor.u32 v45, v2;
	v3 =	vld.idx.msk [tilespmem:v5+s24+$0x0], $0xffff  }
0x209: {  	v5 =	vor.u32 v46, v1;
	_ =	sdelay $0x3  }
0x20a: {  	[tilespmem:v4+s30+$0x0] =	vst.idx.msk $0xffff, v3  }
0x20b: {  	v4 =	vor.u32 v47, v2;
	v3 =	vld.idx.msk [tilespmem:v5+s24+$0x0], $0xffff  }
0x20c: {  	v5 =	vor.u32 v48, v1;
	_ =	sdelay $0x3  }
0x20d: {  	[tilespmem:v4+s30+$0x0] =	vst.idx.msk $0xffff, v3  }
0x20e: {  	v4 =	vor.u32 v49, v2;
	v3 =	vld.idx.msk [tilespmem:v5+s24+$0x0], $0xffff  }
0x20f: {  	v5 =	vor.u32 v50, v1;
	_ =	sdelay $0x3  }
0x210: {  	[tilespmem:v4+s30+$0x0] =	vst.idx.msk $0xffff, v3  }
0x211: {  	v4 =	vor.u32 v51, v2;
	v3 =	vld.idx.msk [tilespmem:v5+s24+$0x0], $0xffff  }
0x212: {  	v5 =	vor.u32 v52, v1;
	_ =	sdelay $0x3  }
0x213: {  	[tilespmem:v4+s30+$0x0] =	vst.idx.msk $0xffff, v3  }
0x214: {  	v2 =	vor.u32 v53, v2;
	v3 =	vld.idx.msk [tilespmem:v5+s24+$0x0], $0xffff  }
0x215: {  	v4 =	vor.u32 v54, v1;
	_ =	sdelay $0x3  }
0x216: {  	[tilespmem:v2+s30+$0x0] =	vst.idx.msk $0xffff, v3  }
0x217: {  	v3 =	vor.u32 v55, v0;
	v2 =	vld.idx.msk [tilespmem:v4+s24+$0x0], $0xffff  }
0x218: {  	v4 =	vor.u32 v56, v1;
	_ =	sdelay $0x3  }
0x219: {  	[tilespmem:v3+s30+$0x0] =	vst.idx.msk $0xffff, v2  }
0x21a: {  	v3 =	vor.u32 v57, v0;
	v2 =	vld.idx.msk [tilespmem:v4+s24+$0x0], $0xffff  }
0x21b: {  	v4 =	vor.u32 v58, v1;
	_ =	sdelay $0x3  }
0x21c: {  	[tilespmem:v3+s30+$0x0] =	vst.idx.msk $0xffff, v2  }
0x21d: {  	v3 =	vor.u32 v63, v0;
	v2 =	vld.idx.msk [tilespmem:v4+s24+$0x0], $0xffff  }
0x21e: {  	v4 =	vor.u32 v60, v1;
	_ =	sdelay $0x3  }
0x21f: {  	[tilespmem:v3+s30+$0x0] =	vst.idx.msk $0xffff, v2  }
0x220: {  	v3 =	vor.u32 v61, v0;
	v2 =	vld.idx.msk [tilespmem:v4+s24+$0x0], $0xffff;
	_ =	sdelay $0x2  }
0x221: {  	v4 =	vor.u32 v62, v1;
	_ =	sdelay $0x1  }
0x222: {  	[tilespmem:v3+s30+$0x0] =	vst.idx.msk $0xffff, v2;
	v3 =	vld [tilespmem:$0x1FCC0];
	_ =	sdelay $0x2  }
0x223: {  	v2 =	vld.idx.msk [tilespmem:v4+s24+$0x0], $0xffff  }
0x224: {  	v4 =	vld [tilespmem:$0x1FCD0]  }
0x225: {  	v3 =	vor.u32 v3, v0;
	_ =	sdelay $0x3  }
0x226: {  	v4 =	vor.u32 v4, v1  }
0x227: {  	[tilespmem:v3+s30+$0x0] =	vst.idx.msk $0xffff, v2;
	v3 =	vld [tilespmem:$0x1FCE0];
	_ =	sdelay $0x3  }
0x228: {  	v2 =	vld.idx.msk [tilespmem:v4+s24+$0x0], $0xffff  }
0x229: {  	v4 =	vld [tilespmem:$0x1FCF0];
	v3 =	vor.u32 v3, v0;
	_ =	sdelay $0x4  }
0x22a: {  	v4 =	vor.u32 v4, v1;
	[tilespmem:v3+s30+$0x0] =	vst.idx.msk $0xffff, v2;
	v3 =	vld [tilespmem:$0x1FD00];
	_ =	sdelay $0x4  }
0x22b: {  	v2 =	vld.idx.msk [tilespmem:v4+s24+$0x0], $0xffff;
	v3 =	vor.u32 v3, v0;
	_ =	sdelay $0x4  }
0x22c: {  	[tilespmem:v3+s30+$0x0] =	vst.idx.msk $0xffff, v2;
	v2 =	vld [tilespmem:$0x1FD10];
	_ =	sdelay $0x3  }
0x22d: {  	v6 =	vlaneseq.u32;
	s15 =	simm.s32 $0x1  }
0x22e: {  	s5 =	simm.s32 $0x2;
	v3 =	vadd.s32 s15, v6;
	v1 =	vor.u32 v2, v1  }
.LBB2_5:
0x22f: {  	_ =	sdelay $0x2  }
0x230: {  	v2 =	vand.u32 $0xF, v3  }
0x231: {  	v4 =	vld.idx.msk [tilespmem:v1+s24+$0x0], $0xffff;
	v5 =	vor.u32 v59, v0;
	v6 =	vlaneseq.u32;
	v1 =	vshll.u32 v2, $0x7  }
0x232: {  	v0 =	vmov v3;
	v3 =	vor.u32 v6, v1;
	_ =	sdelay $0x3  }
0x233: {  	[tilespmem:v5+s30+$0x0] =	vst.idx.msk $0xffff, v4  }
0x234: {  	v4 =	vor.u32 v7, v2;
	v3 =	vld.idx.msk [tilespmem:v3+s24+$0x0], $0xffff  }
0x235: {  	v5 =	vor.u32 v8, v1;
	_ =	sdelay $0x3  }
0x236: {  	[tilespmem:v4+s30+$0x0] =	vst.idx.msk $0xffff, v3  }
0x237: {  	v4 =	vor.u32 v9, v2;
	v3 =	vld.idx.msk [tilespmem:v5+s24+$0x0], $0xffff  }
0x238: {  	v5 =	vor.u32 v10, v1;
	_ =	sdelay $0x3  }
0x239: {  	[tilespmem:v4+s30+$0x0] =	vst.idx.msk $0xffff, v3  }
0x23a: {  	v4 =	vor.u32 v11, v2;
	v3 =	vld.idx.msk [tilespmem:v5+s24+$0x0], $0xffff  }
0x23b: {  	v5 =	vor.u32 v12, v1;
	_ =	sdelay $0x3  }
0x23c: {  	[tilespmem:v4+s30+$0x0] =	vst.idx.msk $0xffff, v3  }
0x23d: {  	v4 =	vor.u32 v13, v2;
	v3 =	vld.idx.msk [tilespmem:v5+s24+$0x0], $0xffff  }
0x23e: {  	v5 =	vor.u32 v14, v1;
	_ =	sdelay $0x3  }
0x23f: {  	[tilespmem:v4+s30+$0x0] =	vst.idx.msk $0xffff, v3  }
0x240: {  	v4 =	vor.u32 v15, v2;
	v3 =	vld.idx.msk [tilespmem:v5+s24+$0x0], $0xffff  }
0x241: {  	v5 =	vor.u32 v16, v1;
	_ =	sdelay $0x3  }
0x242: {  	[tilespmem:v4+s30+$0x0] =	vst.idx.msk $0xffff, v3  }
0x243: {  	v4 =	vor.u32 v17, v2;
	v3 =	vld.idx.msk [tilespmem:v5+s24+$0x0], $0xffff  }
0x244: {  	v5 =	vor.u32 v18, v1;
	_ =	sdelay $0x3  }
0x245: {  	[tilespmem:v4+s30+$0x0] =	vst.idx.msk $0xffff, v3  }
0x246: {  	v4 =	vor.u32 v19, v2;
	v3 =	vld.idx.msk [tilespmem:v5+s24+$0x0], $0xffff  }
0x247: {  	v5 =	vor.u32 v20, v1;
	_ =	sdelay $0x3  }
0x248: {  	[tilespmem:v4+s30+$0x0] =	vst.idx.msk $0xffff, v3  }
0x249: {  	v4 =	vor.u32 v21, v2;
	v3 =	vld.idx.msk [tilespmem:v5+s24+$0x0], $0xffff  }
0x24a: {  	v5 =	vor.u32 v22, v1;
	_ =	sdelay $0x3  }
0x24b: {  	[tilespmem:v4+s30+$0x0] =	vst.idx.msk $0xffff, v3  }
0x24c: {  	v4 =	vor.u32 v23, v0;
	v3 =	vld.idx.msk [tilespmem:v5+s24+$0x0], $0xffff  }
0x24d: {  	v5 =	vor.u32 v24, v1;
	_ =	sdelay $0x3  }
0x24e: {  	[tilespmem:v4+s30+$0x0] =	vst.idx.msk $0xffff, v3  }
0x24f: {  	v4 =	vor.u32 v25, v0;
	v3 =	vld.idx.msk [tilespmem:v5+s24+$0x0], $0xffff  }
0x250: {  	v5 =	vor.u32 v26, v1;
	_ =	sdelay $0x3  }
0x251: {  	[tilespmem:v4+s30+$0x0] =	vst.idx.msk $0xffff, v3  }
0x252: {  	v4 =	vor.u32 v27, v0;
	v3 =	vld.idx.msk [tilespmem:v5+s24+$0x0], $0xffff  }
0x253: {  	v5 =	vor.u32 v28, v1;
	_ =	sdelay $0x3  }
0x254: {  	[tilespmem:v4+s30+$0x0] =	vst.idx.msk $0xffff, v3  }
0x255: {  	v4 =	vor.u32 v29, v0;
	v3 =	vld.idx.msk [tilespmem:v5+s24+$0x0], $0xffff  }
0x256: {  	v5 =	vor.u32 v30, v1;
	_ =	sdelay $0x3  }
0x257: {  	[tilespmem:v4+s30+$0x0] =	vst.idx.msk $0xffff, v3  }
0x258: {  	v4 =	vor.u32 v31, v0;
	v3 =	vld.idx.msk [tilespmem:v5+s24+$0x0], $0xffff  }
0x259: {  	v5 =	vor.u32 v32, v1;
	_ =	sdelay $0x3  }
0x25a: {  	[tilespmem:v4+s30+$0x0] =	vst.idx.msk $0xffff, v3  }
0x25b: {  	v4 =	vor.u32 v33, v0;
	v3 =	vld.idx.msk [tilespmem:v5+s24+$0x0], $0xffff  }
0x25c: {  	v5 =	vor.u32 v34, v1;
	_ =	sdelay $0x3  }
0x25d: {  	[tilespmem:v4+s30+$0x0] =	vst.idx.msk $0xffff, v3  }
0x25e: {  	v4 =	vor.u32 v35, v0;
	v3 =	vld.idx.msk [tilespmem:v5+s24+$0x0], $0xffff  }
0x25f: {  	v5 =	vor.u32 v36, v1;
	_ =	sdelay $0x3  }
0x260: {  	[tilespmem:v4+s30+$0x0] =	vst.idx.msk $0xffff, v3  }
0x261: {  	v4 =	vor.u32 v37, v0;
	v3 =	vld.idx.msk [tilespmem:v5+s24+$0x0], $0xffff  }
0x262: {  	v5 =	vor.u32 v38, v1;
	_ =	sdelay $0x3  }
0x263: {  	[tilespmem:v4+s30+$0x0] =	vst.idx.msk $0xffff, v3  }
0x264: {  	v4 =	vor.u32 v39, v2;
	v3 =	vld.idx.msk [tilespmem:v5+s24+$0x0], $0xffff  }
0x265: {  	v5 =	vor.u32 v40, v1;
	_ =	sdelay $0x3  }
0x266: {  	[tilespmem:v4+s30+$0x0] =	vst.idx.msk $0xffff, v3  }
0x267: {  	v4 =	vor.u32 v41, v2;
	v3 =	vld.idx.msk [tilespmem:v5+s24+$0x0], $0xffff  }
0x268: {  	v5 =	vor.u32 v42, v1;
	_ =	sdelay $0x3  }
0x269: {  	[tilespmem:v4+s30+$0x0] =	vst.idx.msk $0xffff, v3  }
0x26a: {  	v4 =	vor.u32 v43, v2;
	v3 =	vld.idx.msk [tilespmem:v5+s24+$0x0], $0xffff  }
0x26b: {  	v5 =	vor.u32 v44, v1;
	_ =	sdelay $0x3  }
0x26c: {  	[tilespmem:v4+s30+$0x0] =	vst.idx.msk $0xffff, v3  }
0x26d: {  	v4 =	vor.u32 v45, v2;
	v3 =	vld.idx.msk [tilespmem:v5+s24+$0x0], $0xffff  }
0x26e: {  	v5 =	vor.u32 v46, v1;
	_ =	sdelay $0x3  }
0x26f: {  	[tilespmem:v4+s30+$0x0] =	vst.idx.msk $0xffff, v3  }
0x270: {  	v4 =	vor.u32 v47, v2;
	v3 =	vld.idx.msk [tilespmem:v5+s24+$0x0], $0xffff  }
0x271: {  	v5 =	vor.u32 v48, v1;
	_ =	sdelay $0x3  }
0x272: {  	[tilespmem:v4+s30+$0x0] =	vst.idx.msk $0xffff, v3  }
0x273: {  	v4 =	vor.u32 v49, v2;
	v3 =	vld.idx.msk [tilespmem:v5+s24+$0x0], $0xffff  }
0x274: {  	v5 =	vor.u32 v50, v1;
	_ =	sdelay $0x3  }
0x275: {  	[tilespmem:v4+s30+$0x0] =	vst.idx.msk $0xffff, v3  }
0x276: {  	v4 =	vor.u32 v51, v2;
	v3 =	vld.idx.msk [tilespmem:v5+s24+$0x0], $0xffff  }
0x277: {  	v5 =	vor.u32 v52, v1;
	_ =	sdelay $0x3  }
0x278: {  	[tilespmem:v4+s30+$0x0] =	vst.idx.msk $0xffff, v3  }
0x279: {  	v2 =	vor.u32 v53, v2;
	v3 =	vld.idx.msk [tilespmem:v5+s24+$0x0], $0xffff  }
0x27a: {  	v4 =	vor.u32 v54, v1;
	_ =	sdelay $0x3  }
0x27b: {  	[tilespmem:v2+s30+$0x0] =	vst.idx.msk $0xffff, v3  }
0x27c: {  	v3 =	vor.u32 v55, v0;
	v2 =	vld.idx.msk [tilespmem:v4+s24+$0x0], $0xffff  }
0x27d: {  	v4 =	vor.u32 v56, v1;
	_ =	sdelay $0x3  }
0x27e: {  	[tilespmem:v3+s30+$0x0] =	vst.idx.msk $0xffff, v2  }
0x27f: {  	v3 =	vor.u32 v57, v0;
	v2 =	vld.idx.msk [tilespmem:v4+s24+$0x0], $0xffff  }
0x280: {  	v4 =	vor.u32 v58, v1;
	_ =	sdelay $0x3  }
0x281: {  	[tilespmem:v3+s30+$0x0] =	vst.idx.msk $0xffff, v2  }
0x282: {  	v3 =	vor.u32 v63, v0;
	v2 =	vld.idx.msk [tilespmem:v4+s24+$0x0], $0xffff  }
0x283: {  	v4 =	vor.u32 v60, v1;
	_ =	sdelay $0x3  }
0x284: {  	[tilespmem:v3+s30+$0x0] =	vst.idx.msk $0xffff, v2  }
0x285: {  	v3 =	vor.u32 v61, v0;
	v2 =	vld.idx.msk [tilespmem:v4+s24+$0x0], $0xffff;
	_ =	sdelay $0x1  }
0x286: {  	v4 =	vor.u32 v62, v1;
	_ =	sdelay $0x2  }
0x287: {  	[tilespmem:v3+s30+$0x0] =	vst.idx.msk $0xffff, v2;
	v3 =	vld [tilespmem:$0x1FCC0];
	_ =	sdelay $0x1  }
0x288: {  	v2 =	vld.idx.msk [tilespmem:v4+s24+$0x0], $0xffff  }
0x289: {  	v4 =	vld [tilespmem:$0x1FCD0];
	_ =	sdelay $0x1  }
0x28a: {  	v3 =	vor.u32 v3, v0;
	_ =	sdelay $0x2  }
0x28b: {  	v4 =	vor.u32 v4, v1;
	_ =	sdelay $0x1  }
0x28c: {  	[tilespmem:v3+s30+$0x0] =	vst.idx.msk $0xffff, v2;
	v3 =	vld [tilespmem:$0x1FCE0];
	_ =	sdelay $0x2  }
0x28d: {  	v2 =	vld.idx.msk [tilespmem:v4+s24+$0x0], $0xffff  }
0x28e: {  	v4 =	vld [tilespmem:$0x1FCF0]  }
0x28f: {  	v3 =	vor.u32 v3, v0;
	_ =	sdelay $0x3  }
0x290: {  	v4 =	vor.u32 v4, v1  }
0x291: {  	[tilespmem:v3+s30+$0x0] =	vst.idx.msk $0xffff, v2;
	v3 =	vld [tilespmem:$0x1FD00];
	_ =	sdelay $0x3  }
0x292: {  	v2 =	vld.idx.msk [tilespmem:v4+s24+$0x0], $0xffff  }
0x293: {  	p3 =	sne.s32 s5, $0xF;
	v4 =	vor.u32 v3, v0;
	v3 =	vld [tilespmem:$0x1FD10]  }
.Ltmp3:
0x294: {  	_ = 	snop;
	(pc) =	sbr.rel @p3 .LBB2_5-.Ltmp3, $2  }
0x295: {  	_ =	sdelay $0x2  }
0x296: {  	v5 =	vlaneseq.u32;
	v1 =	vor.u32 v3, v1;
	v3 =	vadd.s32 s5, v6;
	s5 =	sadd.s32 $0x1, s5;
	[tilespmem:v4+s30+$0x0] =	vst.idx.msk $0xffff, v2  }
0x297: {  	_ =	sdelay $0x2  }
0x298: {  	v2 =	vand.u32 $0xF, v3  }
0x299: {  	v1 =	vld.idx.msk [tilespmem:v1+s24+$0x0], $0xffff;
	v0 =	vor.u32 v59, v0;
	v4 =	vshll.u32 v2, $0x7  }
0x29a: {  	v5 =	vor.u32 v5, v4;
	_ =	sdelay $0x3  }
0x29b: {  	[tilespmem:v0+s30+$0x0] =	vst.idx.msk $0xffff, v1  }
0x29c: {  	v1 =	vor.u32 v7, v2;
	v0 =	vld.idx.msk [tilespmem:v5+s24+$0x0], $0xffff  }
0x29d: {  	v8 =	vor.u32 v8, v4;
	_ =	sdelay $0x3  }
0x29e: {  	[tilespmem:v1+s30+$0x0] =	vst.idx.msk $0xffff, v0  }
0x29f: {  	v9 =	vor.u32 v9, v2;
	v0 =	vld.idx.msk [tilespmem:v8+s24+$0x0], $0xffff  }
0x2a0: {  	v10 =	vor.u32 v10, v4;
	_ =	sdelay $0x3  }
0x2a1: {  	[tilespmem:v9+s30+$0x0] =	vst.idx.msk $0xffff, v0  }
0x2a2: {  	v11 =	vor.u32 v11, v2;
	v0 =	vld.idx.msk [tilespmem:v10+s24+$0x0], $0xffff  }
0x2a3: {  	v12 =	vor.u32 v12, v4;
	_ =	sdelay $0x3  }
0x2a4: {  	[tilespmem:v11+s30+$0x0] =	vst.idx.msk $0xffff, v0  }
0x2a5: {  	v13 =	vor.u32 v13, v2;
	v0 =	vld.idx.msk [tilespmem:v12+s24+$0x0], $0xffff  }
0x2a6: {  	v14 =	vor.u32 v14, v4;
	_ =	sdelay $0x3  }
0x2a7: {  	[tilespmem:v13+s30+$0x0] =	vst.idx.msk $0xffff, v0  }
0x2a8: {  	v8 =	vor.u32 v15, v2;
	v0 =	vld.idx.msk [tilespmem:v14+s24+$0x0], $0xffff  }
0x2a9: {  	v9 =	vor.u32 v16, v4;
	_ =	sdelay $0x3  }
0x2aa: {  	[tilespmem:v8+s30+$0x0] =	vst.idx.msk $0xffff, v0  }
0x2ab: {  	v10 =	vor.u32 v17, v2;
	v0 =	vld.idx.msk [tilespmem:v9+s24+$0x0], $0xffff  }
0x2ac: {  	v11 =	vor.u32 v18, v4;
	_ =	sdelay $0x3  }
0x2ad: {  	[tilespmem:v10+s30+$0x0] =	vst.idx.msk $0xffff, v0  }
0x2ae: {  	v12 =	vor.u32 v19, v2;
	v0 =	vld.idx.msk [tilespmem:v11+s24+$0x0], $0xffff  }
0x2af: {  	v13 =	vor.u32 v20, v4;
	_ =	sdelay $0x3  }
0x2b0: {  	[tilespmem:v12+s30+$0x0] =	vst.idx.msk $0xffff, v0  }
0x2b1: {  	v14 =	vor.u32 v21, v2;
	v0 =	vld.idx.msk [tilespmem:v13+s24+$0x0], $0xffff  }
0x2b2: {  	v15 =	vor.u32 v22, v4;
	_ =	sdelay $0x3  }
0x2b3: {  	[tilespmem:v14+s30+$0x0] =	vst.idx.msk $0xffff, v0  }
0x2b4: {  	v16 =	vor.u32 v23, v3;
	v0 =	vld.idx.msk [tilespmem:v15+s24+$0x0], $0xffff  }
0x2b5: {  	v17 =	vor.u32 v24, v4;
	_ =	sdelay $0x3  }
0x2b6: {  	[tilespmem:v16+s30+$0x0] =	vst.idx.msk $0xffff, v0  }
0x2b7: {  	v18 =	vor.u32 v25, v3;
	v0 =	vld.idx.msk [tilespmem:v17+s24+$0x0], $0xffff  }
0x2b8: {  	v19 =	vor.u32 v26, v4;
	_ =	sdelay $0x3  }
0x2b9: {  	[tilespmem:v18+s30+$0x0] =	vst.idx.msk $0xffff, v0  }
0x2ba: {  	v20 =	vor.u32 v27, v3;
	v0 =	vld.idx.msk [tilespmem:v19+s24+$0x0], $0xffff  }
0x2bb: {  	v21 =	vor.u32 v28, v4;
	_ =	sdelay $0x3  }
0x2bc: {  	[tilespmem:v20+s30+$0x0] =	vst.idx.msk $0xffff, v0  }
0x2bd: {  	v22 =	vor.u32 v29, v3;
	v0 =	vld.idx.msk [tilespmem:v21+s24+$0x0], $0xffff  }
0x2be: {  	v23 =	vor.u32 v30, v4;
	_ =	sdelay $0x3  }
0x2bf: {  	[tilespmem:v22+s30+$0x0] =	vst.idx.msk $0xffff, v0  }
0x2c0: {  	v24 =	vor.u32 v31, v3;
	v0 =	vld.idx.msk [tilespmem:v23+s24+$0x0], $0xffff  }
0x2c1: {  	v25 =	vor.u32 v32, v4;
	_ =	sdelay $0x3  }
0x2c2: {  	[tilespmem:v24+s30+$0x0] =	vst.idx.msk $0xffff, v0  }
0x2c3: {  	v26 =	vor.u32 v33, v3;
	v0 =	vld.idx.msk [tilespmem:v25+s24+$0x0], $0xffff  }
0x2c4: {  	v27 =	vor.u32 v34, v4;
	_ =	sdelay $0x3  }
0x2c5: {  	[tilespmem:v26+s30+$0x0] =	vst.idx.msk $0xffff, v0  }
0x2c6: {  	v28 =	vor.u32 v35, v3;
	v0 =	vld.idx.msk [tilespmem:v27+s24+$0x0], $0xffff  }
0x2c7: {  	v29 =	vor.u32 v36, v4;
	_ =	sdelay $0x3  }
0x2c8: {  	[tilespmem:v28+s30+$0x0] =	vst.idx.msk $0xffff, v0  }
0x2c9: {  	v30 =	vor.u32 v37, v3;
	v0 =	vld.idx.msk [tilespmem:v29+s24+$0x0], $0xffff  }
0x2ca: {  	v31 =	vor.u32 v38, v4;
	_ =	sdelay $0x3  }
0x2cb: {  	[tilespmem:v30+s30+$0x0] =	vst.idx.msk $0xffff, v0  }
0x2cc: {  	v32 =	vor.u32 v39, v2;
	v0 =	vld.idx.msk [tilespmem:v31+s24+$0x0], $0xffff  }
0x2cd: {  	v33 =	vor.u32 v40, v4;
	_ =	sdelay $0x3  }
0x2ce: {  	[tilespmem:v32+s30+$0x0] =	vst.idx.msk $0xffff, v0  }
0x2cf: {  	v34 =	vor.u32 v41, v2;
	v0 =	vld.idx.msk [tilespmem:v33+s24+$0x0], $0xffff  }
0x2d0: {  	v35 =	vor.u32 v42, v4;
	_ =	sdelay $0x3  }
0x2d1: {  	[tilespmem:v34+s30+$0x0] =	vst.idx.msk $0xffff, v0  }
0x2d2: {  	v36 =	vor.u32 v43, v2;
	v0 =	vld.idx.msk [tilespmem:v35+s24+$0x0], $0xffff  }
0x2d3: {  	v37 =	vor.u32 v44, v4;
	_ =	sdelay $0x3  }
0x2d4: {  	[tilespmem:v36+s30+$0x0] =	vst.idx.msk $0xffff, v0  }
0x2d5: {  	v38 =	vor.u32 v45, v2;
	v0 =	vld.idx.msk [tilespmem:v37+s24+$0x0], $0xffff  }
0x2d6: {  	v39 =	vor.u32 v46, v4;
	_ =	sdelay $0x3  }
0x2d7: {  	[tilespmem:v38+s30+$0x0] =	vst.idx.msk $0xffff, v0  }
0x2d8: {  	v40 =	vor.u32 v47, v2;
	v0 =	vld.idx.msk [tilespmem:v39+s24+$0x0], $0xffff  }
0x2d9: {  	v41 =	vor.u32 v48, v4;
	_ =	sdelay $0x3  }
0x2da: {  	[tilespmem:v40+s30+$0x0] =	vst.idx.msk $0xffff, v0  }
0x2db: {  	v42 =	vor.u32 v49, v2;
	v0 =	vld.idx.msk [tilespmem:v41+s24+$0x0], $0xffff  }
0x2dc: {  	v43 =	vor.u32 v50, v4;
	_ =	sdelay $0x3  }
0x2dd: {  	[tilespmem:v42+s30+$0x0] =	vst.idx.msk $0xffff, v0  }
0x2de: {  	v44 =	vor.u32 v51, v2;
	v0 =	vld.idx.msk [tilespmem:v43+s24+$0x0], $0xffff  }
0x2df: {  	v45 =	vor.u32 v52, v4;
	_ =	sdelay $0x3  }
0x2e0: {  	[tilespmem:v44+s30+$0x0] =	vst.idx.msk $0xffff, v0  }
0x2e1: {  	v46 =	vor.u32 v53, v2;
	v0 =	vld.idx.msk [tilespmem:v45+s24+$0x0], $0xffff  }
0x2e2: {  	v47 =	vor.u32 v54, v4;
	_ =	sdelay $0x3  }
0x2e3: {  	[tilespmem:v46+s30+$0x0] =	vst.idx.msk $0xffff, v0  }
0x2e4: {  	v48 =	vor.u32 v55, v3;
	v0 =	vld.idx.msk [tilespmem:v47+s24+$0x0], $0xffff  }
0x2e5: {  	v49 =	vor.u32 v56, v4;
	_ =	sdelay $0x3  }
0x2e6: {  	[tilespmem:v48+s30+$0x0] =	vst.idx.msk $0xffff, v0  }
0x2e7: {  	v50 =	vor.u32 v57, v3;
	v0 =	vld.idx.msk [tilespmem:v49+s24+$0x0], $0xffff  }
0x2e8: {  	v51 =	vor.u32 v58, v4;
	_ =	sdelay $0x3  }
0x2e9: {  	[tilespmem:v50+s30+$0x0] =	vst.idx.msk $0xffff, v0  }
0x2ea: {  	v52 =	vor.u32 v63, v3;
	v0 =	vld.idx.msk [tilespmem:v51+s24+$0x0], $0xffff  }
0x2eb: {  	v53 =	vor.u32 v60, v4;
	_ =	sdelay $0x3  }
0x2ec: {  	[tilespmem:v52+s30+$0x0] =	vst.idx.msk $0xffff, v0  }
0x2ed: {  	v54 =	vor.u32 v61, v3;
	v0 =	vld.idx.msk [tilespmem:v53+s24+$0x0], $0xffff  }
0x2ee: {  	v55 =	vor.u32 v62, v4;
	v56 =	vld [tilespmem:$0x1FCC0]  }
0x2ef: {  	v57 =	vld [tilespmem:$0x1FCD0];
	_ =	sdelay $0x2  }
0x2f0: {  	[tilespmem:v54+s30+$0x0] =	vst.idx.msk $0xffff, v0  }
0x2f1: {  	v1 =	vor.u32 v56, v3;
	v0 =	vld.idx.msk [tilespmem:v55+s24+$0x0], $0xffff  }
0x2f2: {  	v58 =	vld [tilespmem:$0x1FCE0];
	v2 =	vor.u32 v57, v4  }
0x2f3: {  	v60 =	vld [tilespmem:$0x1FCF0];
	_ =	sdelay $0x2  }
0x2f4: {  	[tilespmem:v1+s30+$0x0] =	vst.idx.msk $0xffff, v0  }
0x2f5: {  	v1 =	vor.u32 v58, v3;
	v0 =	vld.idx.msk [tilespmem:v2+s24+$0x0], $0xffff  }
0x2f6: {  	v61 =	vld [tilespmem:$0x1FD00];
	v2 =	vor.u32 v60, v4  }
0x2f7: {  	v62 =	vld [tilespmem:$0x1FD10];
	_ =	sdelay $0x2  }
0x2f8: {  	[tilespmem:v1+s30+$0x0] =	vst.idx.msk $0xffff, v0  }
0x2f9: {  	v1 =	vor.u32 v61, v3;
	v0 =	vld.idx.msk [tilespmem:v2+s24+$0x0], $0xffff  }
0x2fa: {  	v2 =	vor.u32 v62, v4;
	_ =	sdelay $0x3  }
0x2fb: {  	[tilespmem:v1+s30+$0x0] =	vst.idx.msk $0xffff, v0  }
0x2fc: {  	v63 =	vor.u32 v59, v3;
	v0 =	vld.idx.msk [tilespmem:v2+s24+$0x0], $0xffff  }
0x2fd: {  	p3 =	sne.s32 s17, $0x3C  }
.Ltmp4:
0x2fe: {  	_ = 	snop;
	(pc) =	sbr.rel @p3 .LBB2_8-.Ltmp4, $4  }
0x2ff: {  	s6 =	sshll.u32 s17, $0x12  }
0x300: {  	s5 =	sor.u32 s10, s6  }
0x301: {  	s7 =	sadd.s32 s4, s5;
	[tilespmem:v63+s30+$0x0] =	vst.idx.msk $0xffff, v0  }
0x302: {  	[hbm4b:s7+s2] =	stream.linear.scatter [tilespmem:s29], [sflag:$0x5], $0x4000, $0x38;
	[tilespmem:$0x18000] =	vst v63  }
.Ltmp5:
0x303: {  	(pc) =	sbr.rel .LBB2_9-.Ltmp5, $4  }
0x304: {  	_ = 	snop  }
0x305: {  	_ =	swait.ge [sflag:s31], $0x2000  }
0x306: {  	[sflag:s31] =	ssyncset.done $0x0  }
0x307: {  	[sflag:s31] =	ssyncadd.s32 $0xFFFFE000  }
.LBB2_8:
.Ltmp6:
0x308: {  	s7 =	sadd.s32 s21, s11;
	(pc) =	sbr.rel @p2 .LBB2_10-.Ltmp6, $4  }
0x309: {  	[tilespmem:s24], [sflag:$0x2] =	stream.strided.gather [hbm4b:s7+s22], $0x2000, s23, s22, $0x38;
	[tilespmem:$0x18000] =	vst v63  }
0x30a: {  	_ =	swait.ge [sflag:s31], $0x2000  }
0x30b: {  	[sflag:s31] =	ssyncset.done $0x0  }
0x30c: {  	[sflag:s31] =	ssyncadd.s32 $0xFFFFE000  }
.LBB2_9:
0x30d: {  	_ =	swait.ge [sflag:s0], $0x4000  }
0x30e: {  	[sflag:s0] =	ssyncset.done $0x0  }
0x30f: {  	[sflag:s0] =	ssyncadd.s32 $0xFFFFC000  }
.LBB2_10:
0x310: {  	s7 =	simm.s32 $0x0;
	v7 =	vlaneseq.u32  }
0x311: {  	v0 =	vadd.s32 s7, v7  }
0x312: {  	v1 =	vand.u32 $0xF, v0  }
0x313: {  	v2 =	vshll.u32 v1, $0x7  }
0x314: {  	v4 =	vld [tilespmem:$0x1FD20];
	v3 =	vor.u32 v7, v2  }
0x315: {  	v5 =	vld [tilespmem:$0x1FD30];
	_ =	sdelay $0x3  }
0x316: {  	v9 =	vmov v4;
	v4 =	vor.u32 v4, v1;
	v3 =	vld.idx.msk [tilespmem:v3+s25+$0x0], $0xffff  }
0x317: {  	v28 =	vmov v5;
	v5 =	vor.u32 v5, v2;
	_ =	sdelay $0x3  }
0x318: {  	[tilespmem:v4+s1+$0x0] =	vst.idx.msk $0xffff, v3;
	v4 =	vld [tilespmem:$0x1FD40]  }
0x319: {  	v3 =	vld.idx.msk [tilespmem:v5+s25+$0x0], $0xffff  }
0x31a: {  	v5 =	vld [tilespmem:$0x1FD50];
	_ =	sdelay $0x3  }
0x31b: {  	v10 =	vmov v4;
	v4 =	vor.u32 v4, v1  }
0x31c: {  	v11 =	vmov v5;
	v5 =	vor.u32 v5, v2;
	_ =	sdelay $0x3  }
0x31d: {  	[tilespmem:v4+s1+$0x0] =	vst.idx.msk $0xffff, v3;
	v4 =	vld [tilespmem:$0x1FD60]  }
0x31e: {  	v3 =	vld.idx.msk [tilespmem:v5+s25+$0x0], $0xffff  }
0x31f: {  	v5 =	vld [tilespmem:$0x1FD70];
	_ =	sdelay $0x3  }
0x320: {  	v12 =	vmov v4;
	v4 =	vor.u32 v4, v1  }
0x321: {  	v13 =	vmov v5;
	v5 =	vor.u32 v5, v2;
	_ =	sdelay $0x3  }
0x322: {  	[tilespmem:v4+s1+$0x0] =	vst.idx.msk $0xffff, v3;
	v4 =	vld [tilespmem:$0x1FD80]  }
0x323: {  	v3 =	vld.idx.msk [tilespmem:v5+s25+$0x0], $0xffff  }
0x324: {  	v5 =	vld [tilespmem:$0x1FD90];
	_ =	sdelay $0x3  }
0x325: {  	v14 =	vmov v4;
	v4 =	vor.u32 v4, v1  }
0x326: {  	v15 =	vmov v5;
	v5 =	vor.u32 v5, v2;
	_ =	sdelay $0x3  }
0x327: {  	[tilespmem:v4+s1+$0x0] =	vst.idx.msk $0xffff, v3;
	v4 =	vld [tilespmem:$0x1FDA0]  }
0x328: {  	v3 =	vld.idx.msk [tilespmem:v5+s25+$0x0], $0xffff  }
0x329: {  	v5 =	vld [tilespmem:$0x1FDB0];
	_ =	sdelay $0x3  }
0x32a: {  	v16 =	vmov v4;
	v4 =	vor.u32 v4, v1  }
0x32b: {  	v17 =	vmov v5;
	v5 =	vor.u32 v5, v2;
	_ =	sdelay $0x3  }
0x32c: {  	[tilespmem:v4+s1+$0x0] =	vst.idx.msk $0xffff, v3;
	v4 =	vld [tilespmem:$0x1FDC0]  }
0x32d: {  	v3 =	vld.idx.msk [tilespmem:v5+s25+$0x0], $0xffff  }
0x32e: {  	v5 =	vld [tilespmem:$0x1FDD0];
	_ =	sdelay $0x3  }
0x32f: {  	v18 =	vmov v4;
	v4 =	vor.u32 v4, v1  }
0x330: {  	v19 =	vmov v5;
	v5 =	vor.u32 v5, v2;
	_ =	sdelay $0x3  }
0x331: {  	[tilespmem:v4+s1+$0x0] =	vst.idx.msk $0xffff, v3;
	v4 =	vld [tilespmem:$0x1FDE0]  }
0x332: {  	v3 =	vld.idx.msk [tilespmem:v5+s25+$0x0], $0xffff  }
0x333: {  	v5 =	vld [tilespmem:$0x1FDF0];
	_ =	sdelay $0x3  }
0x334: {  	v20 =	vmov v4;
	v4 =	vor.u32 v4, v1  }
0x335: {  	v21 =	vmov v5;
	v5 =	vor.u32 v5, v2;
	_ =	sdelay $0x3  }
0x336: {  	[tilespmem:v4+s1+$0x0] =	vst.idx.msk $0xffff, v3;
	v4 =	vld [tilespmem:$0x1FE00]  }
0x337: {  	v3 =	vld.idx.msk [tilespmem:v5+s25+$0x0], $0xffff  }
0x338: {  	v5 =	vld [tilespmem:$0x1FE10];
	_ =	sdelay $0x3  }
0x339: {  	v22 =	vmov v4;
	v4 =	vor.u32 v4, v1  }
0x33a: {  	v23 =	vmov v5;
	v5 =	vor.u32 v5, v2;
	_ =	sdelay $0x3  }
0x33b: {  	[tilespmem:v4+s1+$0x0] =	vst.idx.msk $0xffff, v3;
	v4 =	vld [tilespmem:$0x1FE20]  }
0x33c: {  	v3 =	vld.idx.msk [tilespmem:v5+s25+$0x0], $0xffff  }
0x33d: {  	v5 =	vld [tilespmem:$0x1FE30];
	_ =	sdelay $0x3  }
0x33e: {  	v24 =	vmov v4;
	v4 =	vor.u32 v4, v0  }
0x33f: {  	v25 =	vmov v5;
	v5 =	vor.u32 v5, v2;
	_ =	sdelay $0x3  }
0x340: {  	[tilespmem:v4+s1+$0x0] =	vst.idx.msk $0xffff, v3;
	v4 =	vld [tilespmem:$0x1FE40]  }
0x341: {  	v3 =	vld.idx.msk [tilespmem:v5+s25+$0x0], $0xffff  }
0x342: {  	v5 =	vld [tilespmem:$0x1FE50];
	_ =	sdelay $0x3  }
0x343: {  	v26 =	vmov v4;
	v4 =	vor.u32 v4, v0  }
0x344: {  	v27 =	vmov v5;
	v5 =	vor.u32 v5, v2;
	_ =	sdelay $0x3  }
0x345: {  	[tilespmem:v4+s1+$0x0] =	vst.idx.msk $0xffff, v3;
	v4 =	vld [tilespmem:$0x1FE60]  }
0x346: {  	v3 =	vld.idx.msk [tilespmem:v5+s25+$0x0], $0xffff  }
0x347: {  	v5 =	vld [tilespmem:$0x1FE70];
	_ =	sdelay $0x3  }
0x348: {  	v4 =	vor.u32 v4, v0  }
0x349: {  	v29 =	vld [tilespmem:$0x1FE80];
	v5 =	vor.u32 v5, v2  }
0x34a: {  	v30 =	vld [tilespmem:$0x1FE90];
	_ =	sdelay $0x2  }
0x34b: {  	[tilespmem:v4+s1+$0x0] =	vst.idx.msk $0xffff, v3  }
0x34c: {  	v4 =	vor.u32 v29, v0;
	v3 =	vld.idx.msk [tilespmem:v5+s25+$0x0], $0xffff  }
0x34d: {  	v31 =	vld [tilespmem:$0x1FEA0];
	v5 =	vor.u32 v30, v2  }
0x34e: {  	v32 =	vld [tilespmem:$0x1FEB0];
	_ =	sdelay $0x2  }
0x34f: {  	[tilespmem:v4+s1+$0x0] =	vst.idx.msk $0xffff, v3  }
0x350: {  	v4 =	vor.u32 v31, v0;
	v3 =	vld.idx.msk [tilespmem:v5+s25+$0x0], $0xffff  }
0x351: {  	v33 =	vld [tilespmem:$0x1FEC0];
	v5 =	vor.u32 v32, v2  }
0x352: {  	v34 =	vld [tilespmem:$0x1FED0];
	_ =	sdelay $0x2  }
0x353: {  	[tilespmem:v4+s1+$0x0] =	vst.idx.msk $0xffff, v3  }
0x354: {  	v4 =	vor.u32 v33, v0;
	v3 =	vld.idx.msk [tilespmem:v5+s25+$0x0], $0xffff  }
0x355: {  	v35 =	vld [tilespmem:$0x1FEE0];
	v5 =	vor.u32 v34, v2  }
0x356: {  	v36 =	vld [tilespmem:$0x1FEF0];
	_ =	sdelay $0x2  }
0x357: {  	[tilespmem:v4+s1+$0x0] =	vst.idx.msk $0xffff, v3  }
0x358: {  	v4 =	vor.u32 v35, v0;
	v3 =	vld.idx.msk [tilespmem:v5+s25+$0x0], $0xffff  }
0x359: {  	v37 =	vld [tilespmem:$0x1FF00];
	v5 =	vor.u32 v36, v2  }
0x35a: {  	v38 =	vld [tilespmem:$0x1FF10];
	_ =	sdelay $0x2  }
0x35b: {  	[tilespmem:v4+s1+$0x0] =	vst.idx.msk $0xffff, v3  }
0x35c: {  	v4 =	vor.u32 v37, v0;
	v3 =	vld.idx.msk [tilespmem:v5+s25+$0x0], $0xffff  }
0x35d: {  	v39 =	vld [tilespmem:$0x1FF20];
	v5 =	vor.u32 v38, v2  }
0x35e: {  	v40 =	vld [tilespmem:$0x1FF30];
	_ =	sdelay $0x2  }
0x35f: {  	[tilespmem:v4+s1+$0x0] =	vst.idx.msk $0xffff, v3  }
0x360: {  	v4 =	vor.u32 v39, v1;
	v3 =	vld.idx.msk [tilespmem:v5+s25+$0x0], $0xffff  }
0x361: {  	v41 =	vld [tilespmem:$0x1FF40];
	v5 =	vor.u32 v40, v2  }
0x362: {  	v42 =	vld [tilespmem:$0x1FF50];
	_ =	sdelay $0x2  }
0x363: {  	[tilespmem:v4+s1+$0x0] =	vst.idx.msk $0xffff, v3  }
0x364: {  	v4 =	vor.u32 v41, v1;
	v3 =	vld.idx.msk [tilespmem:v5+s25+$0x0], $0xffff  }
0x365: {  	v43 =	vld [tilespmem:$0x1FF60];
	v5 =	vor.u32 v42, v2  }
0x366: {  	v44 =	vld [tilespmem:$0x1FF70];
	_ =	sdelay $0x2  }
0x367: {  	[tilespmem:v4+s1+$0x0] =	vst.idx.msk $0xffff, v3  }
0x368: {  	v4 =	vor.u32 v43, v1;
	v3 =	vld.idx.msk [tilespmem:v5+s25+$0x0], $0xffff  }
0x369: {  	v45 =	vld [tilespmem:$0x1FF80];
	v5 =	vor.u32 v44, v2  }
0x36a: {  	v46 =	vld [tilespmem:$0x1FF90];
	_ =	sdelay $0x2  }
0x36b: {  	[tilespmem:v4+s1+$0x0] =	vst.idx.msk $0xffff, v3  }
0x36c: {  	v4 =	vor.u32 v45, v1;
	v3 =	vld.idx.msk [tilespmem:v5+s25+$0x0], $0xffff  }
0x36d: {  	v47 =	vld [tilespmem:$0x1FFA0];
	v5 =	vor.u32 v46, v2  }
0x36e: {  	v48 =	vld [tilespmem:$0x1FFB0];
	_ =	sdelay $0x2  }
0x36f: {  	[tilespmem:v4+s1+$0x0] =	vst.idx.msk $0xffff, v3  }
0x370: {  	v4 =	vor.u32 v47, v1;
	v3 =	vld.idx.msk [tilespmem:v5+s25+$0x0], $0xffff  }
0x371: {  	v49 =	vld [tilespmem:$0x1FFC0];
	v5 =	vor.u32 v48, v2  }
0x372: {  	v50 =	vld [tilespmem:$0x1FFD0];
	_ =	sdelay $0x2  }
0x373: {  	[tilespmem:v4+s1+$0x0] =	vst.idx.msk $0xffff, v3  }
0x374: {  	v4 =	vor.u32 v49, v1;
	v3 =	vld.idx.msk [tilespmem:v5+s25+$0x0], $0xffff  }
0x375: {  	v51 =	vld [tilespmem:$0x1FFE0];
	v5 =	vor.u32 v50, v2  }
0x376: {  	v52 =	vld [tilespmem:$0x1FFF0];
	_ =	sdelay $0x2  }
0x377: {  	[tilespmem:v4+s1+$0x0] =	vst.idx.msk $0xffff, v3  }
0x378: {  	v4 =	vor.u32 v51, v1;
	v3 =	vld.idx.msk [tilespmem:v5+s25+$0x0], $0xffff  }
0x379: {  	v53 =	vld [tilespmem:$0x1FC20];
	v5 =	vor.u32 v52, v2  }
0x37a: {  	v54 =	vld [tilespmem:$0x1FC30];
	_ =	sdelay $0x2  }
0x37b: {  	[tilespmem:v4+s1+$0x0] =	vst.idx.msk $0xffff, v3  }
0x37c: {  	v1 =	vor.u32 v53, v1;
	v3 =	vld.idx.msk [tilespmem:v5+s25+$0x0], $0xffff  }
0x37d: {  	v55 =	vld [tilespmem:$0x1FC40];
	v4 =	vor.u32 v54, v2  }
0x37e: {  	v56 =	vld [tilespmem:$0x1FC50];
	_ =	sdelay $0x2  }
0x37f: {  	[tilespmem:v1+s1+$0x0] =	vst.idx.msk $0xffff, v3  }
0x380: {  	v3 =	vor.u32 v55, v0;
	v1 =	vld.idx.msk [tilespmem:v4+s25+$0x0], $0xffff  }
0x381: {  	v57 =	vld [tilespmem:$0x1FC60];
	v4 =	vor.u32 v56, v2  }
0x382: {  	v58 =	vld [tilespmem:$0x1FC70];
	_ =	sdelay $0x2  }
0x383: {  	[tilespmem:v3+s1+$0x0] =	vst.idx.msk $0xffff, v1  }
0x384: {  	v3 =	vor.u32 v57, v0;
	v1 =	vld.idx.msk [tilespmem:v4+s25+$0x0], $0xffff  }
0x385: {  	v59 =	vld [tilespmem:$0x1FC80];
	v4 =	vor.u32 v58, v2  }
0x386: {  	v60 =	vld [tilespmem:$0x1FC90];
	_ =	sdelay $0x2  }
0x387: {  	[tilespmem:v3+s1+$0x0] =	vst.idx.msk $0xffff, v1  }
0x388: {  	v3 =	vor.u32 v59, v0;
	v1 =	vld.idx.msk [tilespmem:v4+s25+$0x0], $0xffff  }
0x389: {  	v61 =	vld [tilespmem:$0x1FCA0];
	v4 =	vor.u32 v60, v2  }
0x38a: {  	v62 =	vld [tilespmem:$0x1FCB0];
	_ =	sdelay $0x2  }
0x38b: {  	[tilespmem:v3+s1+$0x0] =	vst.idx.msk $0xffff, v1  }
0x38c: {  	v3 =	vor.u32 v61, v0;
	v1 =	vld.idx.msk [tilespmem:v4+s25+$0x0], $0xffff  }
0x38d: {  	v4 =	vor.u32 v62, v2;
	_ =	sdelay $0x1  }
0x38e: {  	v63 =	vld [tilespmem:$0x1FCC0];
	_ =	sdelay $0x1  }
0x38f: {  	[tilespmem:v3+s1+$0x0] =	vst.idx.msk $0xffff, v1  }
0x390: {  	v1 =	vld.idx.msk [tilespmem:v4+s25+$0x0], $0xffff  }
0x391: {  	v4 =	vld [tilespmem:$0x1FCD0]  }
0x392: {  	v3 =	vor.u32 v63, v0;
	_ =	sdelay $0x3  }
0x393: {  	v4 =	vor.u32 v4, v2  }
0x394: {  	[tilespmem:v3+s1+$0x0] =	vst.idx.msk $0xffff, v1;
	v3 =	vld [tilespmem:$0x1FCE0];
	_ =	sdelay $0x3  }
0x395: {  	v1 =	vld.idx.msk [tilespmem:v4+s25+$0x0], $0xffff  }
0x396: {  	v3 =	vor.u32 v3, v0;
	v4 =	vld [tilespmem:$0x1FCF0];
	_ =	sdelay $0x4  }
0x397: {  	v4 =	vor.u32 v4, v2;
	[tilespmem:v3+s1+$0x0] =	vst.idx.msk $0xffff, v1;
	v3 =	vld [tilespmem:$0x1FD00];
	_ =	sdelay $0x3  }
0x398: {  	v6 =	vld [tilespmem:$0x1FD10]  }
0x399: {  	v1 =	vld.idx.msk [tilespmem:v4+s25+$0x0], $0xffff;
	v3 =	vor.u32 v3, v0;
	_ =	sdelay $0x3  }
0x39a: {  	s15 =	simm.s32 $0x1  }
0x39b: {  	s7 =	simm.s32 $0x2;
	[tilespmem:v3+s1+$0x0] =	vst.idx.msk $0xffff, v1;
	v1 =	vor.u32 v6, v2;
	v3 =	vadd.s32 s15, v7;
	v7 =	vld [tilespmem:$0x1FC10]  }
.LBB2_11:
0x39c: {  	_ =	sdelay $0x2  }
0x39d: {  	v2 =	vand.u32 $0xF, v3  }
0x39e: {  	v4 =	vld.idx.msk [tilespmem:v1+s25+$0x0], $0xffff;
	v5 =	vor.u32 v7, v0;
	v8 =	vlaneseq.u32;
	v1 =	vshll.u32 v2, $0x7  }
0x39f: {  	v0 =	vmov v3;
	v3 =	vor.u32 v8, v1;
	_ =	sdelay $0x3  }
0x3a0: {  	[tilespmem:v5+s1+$0x0] =	vst.idx.msk $0xffff, v4  }
0x3a1: {  	v4 =	vor.u32 v9, v2;
	v3 =	vld.idx.msk [tilespmem:v3+s25+$0x0], $0xffff  }
0x3a2: {  	v5 =	vor.u32 v28, v1;
	_ =	sdelay $0x3  }
0x3a3: {  	[tilespmem:v4+s1+$0x0] =	vst.idx.msk $0xffff, v3  }
0x3a4: {  	v4 =	vor.u32 v10, v2;
	v3 =	vld.idx.msk [tilespmem:v5+s25+$0x0], $0xffff  }
0x3a5: {  	v5 =	vor.u32 v11, v1;
	_ =	sdelay $0x3  }
0x3a6: {  	[tilespmem:v4+s1+$0x0] =	vst.idx.msk $0xffff, v3  }
0x3a7: {  	v4 =	vor.u32 v12, v2;
	v3 =	vld.idx.msk [tilespmem:v5+s25+$0x0], $0xffff  }
0x3a8: {  	v5 =	vor.u32 v13, v1;
	_ =	sdelay $0x3  }
0x3a9: {  	[tilespmem:v4+s1+$0x0] =	vst.idx.msk $0xffff, v3  }
0x3aa: {  	v4 =	vor.u32 v14, v2;
	v3 =	vld.idx.msk [tilespmem:v5+s25+$0x0], $0xffff  }
0x3ab: {  	v5 =	vor.u32 v15, v1;
	_ =	sdelay $0x3  }
0x3ac: {  	[tilespmem:v4+s1+$0x0] =	vst.idx.msk $0xffff, v3  }
0x3ad: {  	v4 =	vor.u32 v16, v2;
	v3 =	vld.idx.msk [tilespmem:v5+s25+$0x0], $0xffff  }
0x3ae: {  	v5 =	vor.u32 v17, v1;
	_ =	sdelay $0x3  }
0x3af: {  	[tilespmem:v4+s1+$0x0] =	vst.idx.msk $0xffff, v3  }
0x3b0: {  	v4 =	vor.u32 v18, v2;
	v3 =	vld.idx.msk [tilespmem:v5+s25+$0x0], $0xffff  }
0x3b1: {  	v5 =	vor.u32 v19, v1;
	_ =	sdelay $0x3  }
0x3b2: {  	[tilespmem:v4+s1+$0x0] =	vst.idx.msk $0xffff, v3  }
0x3b3: {  	v4 =	vor.u32 v20, v2;
	v3 =	vld.idx.msk [tilespmem:v5+s25+$0x0], $0xffff  }
0x3b4: {  	v5 =	vor.u32 v21, v1;
	_ =	sdelay $0x3  }
0x3b5: {  	[tilespmem:v4+s1+$0x0] =	vst.idx.msk $0xffff, v3  }
0x3b6: {  	v4 =	vor.u32 v22, v2;
	v3 =	vld.idx.msk [tilespmem:v5+s25+$0x0], $0xffff  }
0x3b7: {  	v5 =	vor.u32 v23, v1;
	_ =	sdelay $0x3  }
0x3b8: {  	[tilespmem:v4+s1+$0x0] =	vst.idx.msk $0xffff, v3  }
0x3b9: {  	v4 =	vor.u32 v24, v0;
	v3 =	vld.idx.msk [tilespmem:v5+s25+$0x0], $0xffff  }
0x3ba: {  	v5 =	vor.u32 v25, v1;
	_ =	sdelay $0x3  }
0x3bb: {  	[tilespmem:v4+s1+$0x0] =	vst.idx.msk $0xffff, v3  }
0x3bc: {  	v4 =	vor.u32 v26, v0;
	v3 =	vld.idx.msk [tilespmem:v5+s25+$0x0], $0xffff  }
0x3bd: {  	v5 =	vor.u32 v27, v1;
	_ =	sdelay $0x3  }
0x3be: {  	[tilespmem:v4+s1+$0x0] =	vst.idx.msk $0xffff, v3;
	v4 =	vld [tilespmem:$0x1FE60]  }
0x3bf: {  	v3 =	vld.idx.msk [tilespmem:v5+s25+$0x0], $0xffff  }
0x3c0: {  	v5 =	vld [tilespmem:$0x1FE70];
	_ =	sdelay $0x3  }
0x3c1: {  	v4 =	vor.u32 v4, v0  }
0x3c2: {  	v5 =	vor.u32 v5, v1;
	_ =	sdelay $0x3  }
0x3c3: {  	[tilespmem:v4+s1+$0x0] =	vst.idx.msk $0xffff, v3  }
0x3c4: {  	v4 =	vor.u32 v29, v0;
	v3 =	vld.idx.msk [tilespmem:v5+s25+$0x0], $0xffff  }
0x3c5: {  	v5 =	vor.u32 v30, v1;
	_ =	sdelay $0x3  }
0x3c6: {  	[tilespmem:v4+s1+$0x0] =	vst.idx.msk $0xffff, v3  }
0x3c7: {  	v4 =	vor.u32 v31, v0;
	v3 =	vld.idx.msk [tilespmem:v5+s25+$0x0], $0xffff  }
0x3c8: {  	v5 =	vor.u32 v32, v1;
	_ =	sdelay $0x3  }
0x3c9: {  	[tilespmem:v4+s1+$0x0] =	vst.idx.msk $0xffff, v3  }
0x3ca: {  	v4 =	vor.u32 v33, v0;
	v3 =	vld.idx.msk [tilespmem:v5+s25+$0x0], $0xffff  }
0x3cb: {  	v5 =	vor.u32 v34, v1;
	_ =	sdelay $0x3  }
0x3cc: {  	[tilespmem:v4+s1+$0x0] =	vst.idx.msk $0xffff, v3  }
0x3cd: {  	v4 =	vor.u32 v35, v0;
	v3 =	vld.idx.msk [tilespmem:v5+s25+$0x0], $0xffff  }
0x3ce: {  	v5 =	vor.u32 v36, v1;
	_ =	sdelay $0x3  }
0x3cf: {  	[tilespmem:v4+s1+$0x0] =	vst.idx.msk $0xffff, v3  }
0x3d0: {  	v4 =	vor.u32 v37, v0;
	v3 =	vld.idx.msk [tilespmem:v5+s25+$0x0], $0xffff  }
0x3d1: {  	v5 =	vor.u32 v38, v1;
	_ =	sdelay $0x3  }
0x3d2: {  	[tilespmem:v4+s1+$0x0] =	vst.idx.msk $0xffff, v3  }
0x3d3: {  	v4 =	vor.u32 v39, v2;
	v3 =	vld.idx.msk [tilespmem:v5+s25+$0x0], $0xffff  }
0x3d4: {  	v5 =	vor.u32 v40, v1;
	_ =	sdelay $0x3  }
0x3d5: {  	[tilespmem:v4+s1+$0x0] =	vst.idx.msk $0xffff, v3  }
0x3d6: {  	v4 =	vor.u32 v41, v2;
	v3 =	vld.idx.msk [tilespmem:v5+s25+$0x0], $0xffff  }
0x3d7: {  	v5 =	vor.u32 v42, v1;
	_ =	sdelay $0x3  }
0x3d8: {  	[tilespmem:v4+s1+$0x0] =	vst.idx.msk $0xffff, v3  }
0x3d9: {  	v4 =	vor.u32 v43, v2;
	v3 =	vld.idx.msk [tilespmem:v5+s25+$0x0], $0xffff  }
0x3da: {  	v5 =	vor.u32 v44, v1;
	_ =	sdelay $0x3  }
0x3db: {  	[tilespmem:v4+s1+$0x0] =	vst.idx.msk $0xffff, v3  }
0x3dc: {  	v4 =	vor.u32 v45, v2;
	v3 =	vld.idx.msk [tilespmem:v5+s25+$0x0], $0xffff  }
0x3dd: {  	v5 =	vor.u32 v46, v1;
	_ =	sdelay $0x3  }
0x3de: {  	[tilespmem:v4+s1+$0x0] =	vst.idx.msk $0xffff, v3  }
0x3df: {  	v4 =	vor.u32 v47, v2;
	v3 =	vld.idx.msk [tilespmem:v5+s25+$0x0], $0xffff  }
0x3e0: {  	v5 =	vor.u32 v48, v1;
	_ =	sdelay $0x3  }
0x3e1: {  	[tilespmem:v4+s1+$0x0] =	vst.idx.msk $0xffff, v3  }
0x3e2: {  	v4 =	vor.u32 v49, v2;
	v3 =	vld.idx.msk [tilespmem:v5+s25+$0x0], $0xffff  }
0x3e3: {  	v5 =	vor.u32 v50, v1;
	_ =	sdelay $0x3  }
0x3e4: {  	[tilespmem:v4+s1+$0x0] =	vst.idx.msk $0xffff, v3  }
0x3e5: {  	v4 =	vor.u32 v51, v2;
	v3 =	vld.idx.msk [tilespmem:v5+s25+$0x0], $0xffff  }
0x3e6: {  	v5 =	vor.u32 v52, v1;
	_ =	sdelay $0x3  }
0x3e7: {  	[tilespmem:v4+s1+$0x0] =	vst.idx.msk $0xffff, v3  }
0x3e8: {  	v2 =	vor.u32 v53, v2;
	v3 =	vld.idx.msk [tilespmem:v5+s25+$0x0], $0xffff  }
0x3e9: {  	v4 =	vor.u32 v54, v1;
	_ =	sdelay $0x3  }
0x3ea: {  	[tilespmem:v2+s1+$0x0] =	vst.idx.msk $0xffff, v3  }
0x3eb: {  	v3 =	vor.u32 v55, v0;
	v2 =	vld.idx.msk [tilespmem:v4+s25+$0x0], $0xffff  }
0x3ec: {  	v4 =	vor.u32 v56, v1;
	_ =	sdelay $0x3  }
0x3ed: {  	[tilespmem:v3+s1+$0x0] =	vst.idx.msk $0xffff, v2  }
0x3ee: {  	v3 =	vor.u32 v57, v0;
	v2 =	vld.idx.msk [tilespmem:v4+s25+$0x0], $0xffff  }
0x3ef: {  	v4 =	vor.u32 v58, v1;
	_ =	sdelay $0x3  }
0x3f0: {  	[tilespmem:v3+s1+$0x0] =	vst.idx.msk $0xffff, v2  }
0x3f1: {  	v3 =	vor.u32 v59, v0;
	v2 =	vld.idx.msk [tilespmem:v4+s25+$0x0], $0xffff  }
0x3f2: {  	v4 =	vor.u32 v60, v1;
	_ =	sdelay $0x3  }
0x3f3: {  	[tilespmem:v3+s1+$0x0] =	vst.idx.msk $0xffff, v2  }
0x3f4: {  	v3 =	vor.u32 v61, v0;
	v2 =	vld.idx.msk [tilespmem:v4+s25+$0x0], $0xffff  }
0x3f5: {  	v4 =	vor.u32 v62, v1;
	_ =	sdelay $0x3  }
0x3f6: {  	[tilespmem:v3+s1+$0x0] =	vst.idx.msk $0xffff, v2  }
0x3f7: {  	v2 =	vld.idx.msk [tilespmem:v4+s25+$0x0], $0xffff  }
0x3f8: {  	v4 =	vld [tilespmem:$0x1FCD0]  }
0x3f9: {  	v3 =	vor.u32 v63, v0;
	_ =	sdelay $0x3  }
0x3fa: {  	v4 =	vor.u32 v4, v1  }
0x3fb: {  	[tilespmem:v3+s1+$0x0] =	vst.idx.msk $0xffff, v2;
	v3 =	vld [tilespmem:$0x1FCE0];
	_ =	sdelay $0x3  }
0x3fc: {  	v2 =	vld.idx.msk [tilespmem:v4+s25+$0x0], $0xffff  }
0x3fd: {  	v3 =	vor.u32 v3, v0;
	v4 =	vld [tilespmem:$0x1FCF0];
	_ =	sdelay $0x4  }
0x3fe: {  	v4 =	vor.u32 v4, v1;
	[tilespmem:v3+s1+$0x0] =	vst.idx.msk $0xffff, v2;
	v3 =	vld [tilespmem:$0x1FD00];
	_ =	sdelay $0x4  }
0x3ff: {  	p4 =	sne.s32 s7, $0xF;
	v2 =	vld.idx.msk [tilespmem:v4+s25+$0x0], $0xffff;
	v4 =	vor.u32 v3, v0  }
.Ltmp7:
0x400: {  	_ = 	snop;
	(pc) =	sbr.rel @p4 .LBB2_11-.Ltmp7, $2  }
0x401: {  	_ =	sdelay $0x2  }
0x402: {  	v5 =	vlaneseq.u32;
	v1 =	vor.u32 v6, v1;
	v3 =	vadd.s32 s7, v8;
	s7 =	sadd.s32 $0x1, s7;
	[tilespmem:v4+s1+$0x0] =	vst.idx.msk $0xffff, v2  }
0x403: {  	_ =	sdelay $0x2  }
0x404: {  	v2 =	vand.u32 $0xF, v3  }
0x405: {  	v1 =	vld.idx.msk [tilespmem:v1+s25+$0x0], $0xffff;
	v0 =	vor.u32 v7, v0;
	v4 =	vshll.u32 v2, $0x7  }
0x406: {  	v5 =	vor.u32 v5, v4;
	_ =	sdelay $0x3  }
0x407: {  	[tilespmem:v0+s1+$0x0] =	vst.idx.msk $0xffff, v1  }
0x408: {  	v8 =	vor.u32 v9, v2;
	v0 =	vld.idx.msk [tilespmem:v5+s25+$0x0], $0xffff  }
0x409: {  	v9 =	vor.u32 v28, v4;
	_ =	sdelay $0x3  }
0x40a: {  	[tilespmem:v8+s1+$0x0] =	vst.idx.msk $0xffff, v0  }
0x40b: {  	v10 =	vor.u32 v10, v2;
	v0 =	vld.idx.msk [tilespmem:v9+s25+$0x0], $0xffff  }
0x40c: {  	v11 =	vor.u32 v11, v4;
	_ =	sdelay $0x3  }
0x40d: {  	[tilespmem:v10+s1+$0x0] =	vst.idx.msk $0xffff, v0  }
0x40e: {  	v12 =	vor.u32 v12, v2;
	v0 =	vld.idx.msk [tilespmem:v11+s25+$0x0], $0xffff  }
0x40f: {  	v13 =	vor.u32 v13, v4;
	_ =	sdelay $0x3  }
0x410: {  	[tilespmem:v12+s1+$0x0] =	vst.idx.msk $0xffff, v0  }
0x411: {  	v28 =	vor.u32 v14, v2;
	v0 =	vld.idx.msk [tilespmem:v13+s25+$0x0], $0xffff  }
0x412: {  	v8 =	vor.u32 v15, v4;
	_ =	sdelay $0x3  }
0x413: {  	[tilespmem:v28+s1+$0x0] =	vst.idx.msk $0xffff, v0  }
0x414: {  	v9 =	vor.u32 v16, v2;
	v0 =	vld.idx.msk [tilespmem:v8+s25+$0x0], $0xffff  }
0x415: {  	v10 =	vor.u32 v17, v4;
	_ =	sdelay $0x3  }
0x416: {  	[tilespmem:v9+s1+$0x0] =	vst.idx.msk $0xffff, v0  }
0x417: {  	v11 =	vor.u32 v18, v2;
	v0 =	vld.idx.msk [tilespmem:v10+s25+$0x0], $0xffff  }
0x418: {  	v12 =	vor.u32 v19, v4;
	_ =	sdelay $0x3  }
0x419: {  	[tilespmem:v11+s1+$0x0] =	vst.idx.msk $0xffff, v0  }
0x41a: {  	v13 =	vor.u32 v20, v2;
	v0 =	vld.idx.msk [tilespmem:v12+s25+$0x0], $0xffff  }
0x41b: {  	v14 =	vor.u32 v21, v4;
	_ =	sdelay $0x3  }
0x41c: {  	[tilespmem:v13+s1+$0x0] =	vst.idx.msk $0xffff, v0  }
0x41d: {  	v15 =	vor.u32 v22, v2;
	v0 =	vld.idx.msk [tilespmem:v14+s25+$0x0], $0xffff  }
0x41e: {  	v16 =	vor.u32 v23, v4;
	_ =	sdelay $0x3  }
0x41f: {  	[tilespmem:v15+s1+$0x0] =	vst.idx.msk $0xffff, v0  }
0x420: {  	v17 =	vor.u32 v24, v3;
	v0 =	vld.idx.msk [tilespmem:v16+s25+$0x0], $0xffff  }
0x421: {  	v18 =	vor.u32 v25, v4;
	_ =	sdelay $0x3  }
0x422: {  	[tilespmem:v17+s1+$0x0] =	vst.idx.msk $0xffff, v0  }
0x423: {  	v19 =	vor.u32 v26, v3;
	v0 =	vld.idx.msk [tilespmem:v18+s25+$0x0], $0xffff  }
0x424: {  	v21 =	vld [tilespmem:$0x1FE60];
	v20 =	vor.u32 v27, v4  }
0x425: {  	v22 =	vld [tilespmem:$0x1FE70];
	_ =	sdelay $0x2  }
0x426: {  	[tilespmem:v19+s1+$0x0] =	vst.idx.msk $0xffff, v0  }
0x427: {  	v1 =	vor.u32 v21, v3;
	v0 =	vld.idx.msk [tilespmem:v20+s25+$0x0], $0xffff  }
0x428: {  	v5 =	vor.u32 v22, v4;
	_ =	sdelay $0x3  }
0x429: {  	[tilespmem:v1+s1+$0x0] =	vst.idx.msk $0xffff, v0  }
0x42a: {  	v23 =	vor.u32 v29, v3;
	v0 =	vld.idx.msk [tilespmem:v5+s25+$0x0], $0xffff  }
0x42b: {  	v24 =	vor.u32 v30, v4;
	_ =	sdelay $0x3  }
0x42c: {  	[tilespmem:v23+s1+$0x0] =	vst.idx.msk $0xffff, v0  }
0x42d: {  	v25 =	vor.u32 v31, v3;
	v0 =	vld.idx.msk [tilespmem:v24+s25+$0x0], $0xffff  }
0x42e: {  	v26 =	vor.u32 v32, v4;
	_ =	sdelay $0x3  }
0x42f: {  	[tilespmem:v25+s1+$0x0] =	vst.idx.msk $0xffff, v0  }
0x430: {  	v27 =	vor.u32 v33, v3;
	v0 =	vld.idx.msk [tilespmem:v26+s25+$0x0], $0xffff  }
0x431: {  	v28 =	vor.u32 v34, v4;
	_ =	sdelay $0x3  }
0x432: {  	[tilespmem:v27+s1+$0x0] =	vst.idx.msk $0xffff, v0  }
0x433: {  	v29 =	vor.u32 v35, v3;
	v0 =	vld.idx.msk [tilespmem:v28+s25+$0x0], $0xffff  }
0x434: {  	v30 =	vor.u32 v36, v4;
	_ =	sdelay $0x3  }
0x435: {  	[tilespmem:v29+s1+$0x0] =	vst.idx.msk $0xffff, v0  }
0x436: {  	v31 =	vor.u32 v37, v3;
	v0 =	vld.idx.msk [tilespmem:v30+s25+$0x0], $0xffff  }
0x437: {  	v32 =	vor.u32 v38, v4;
	_ =	sdelay $0x3  }
0x438: {  	[tilespmem:v31+s1+$0x0] =	vst.idx.msk $0xffff, v0  }
0x439: {  	v33 =	vor.u32 v39, v2;
	v0 =	vld.idx.msk [tilespmem:v32+s25+$0x0], $0xffff  }
0x43a: {  	v34 =	vor.u32 v40, v4;
	_ =	sdelay $0x3  }
0x43b: {  	[tilespmem:v33+s1+$0x0] =	vst.idx.msk $0xffff, v0  }
0x43c: {  	v35 =	vor.u32 v41, v2;
	v0 =	vld.idx.msk [tilespmem:v34+s25+$0x0], $0xffff  }
0x43d: {  	v36 =	vor.u32 v42, v4;
	_ =	sdelay $0x3  }
0x43e: {  	[tilespmem:v35+s1+$0x0] =	vst.idx.msk $0xffff, v0  }
0x43f: {  	v37 =	vor.u32 v43, v2;
	v0 =	vld.idx.msk [tilespmem:v36+s25+$0x0], $0xffff  }
0x440: {  	v38 =	vor.u32 v44, v4;
	_ =	sdelay $0x3  }
0x441: {  	[tilespmem:v37+s1+$0x0] =	vst.idx.msk $0xffff, v0  }
0x442: {  	v39 =	vor.u32 v45, v2;
	v0 =	vld.idx.msk [tilespmem:v38+s25+$0x0], $0xffff  }
0x443: {  	v40 =	vor.u32 v46, v4;
	_ =	sdelay $0x3  }
0x444: {  	[tilespmem:v39+s1+$0x0] =	vst.idx.msk $0xffff, v0  }
0x445: {  	v41 =	vor.u32 v47, v2;
	v0 =	vld.idx.msk [tilespmem:v40+s25+$0x0], $0xffff  }
0x446: {  	v42 =	vor.u32 v48, v4;
	_ =	sdelay $0x3  }
0x447: {  	[tilespmem:v41+s1+$0x0] =	vst.idx.msk $0xffff, v0  }
0x448: {  	v43 =	vor.u32 v49, v2;
	v0 =	vld.idx.msk [tilespmem:v42+s25+$0x0], $0xffff  }
0x449: {  	v44 =	vor.u32 v50, v4;
	_ =	sdelay $0x3  }
0x44a: {  	[tilespmem:v43+s1+$0x0] =	vst.idx.msk $0xffff, v0  }
0x44b: {  	v45 =	vor.u32 v51, v2;
	v0 =	vld.idx.msk [tilespmem:v44+s25+$0x0], $0xffff  }
0x44c: {  	v46 =	vor.u32 v52, v4;
	_ =	sdelay $0x3  }
0x44d: {  	[tilespmem:v45+s1+$0x0] =	vst.idx.msk $0xffff, v0  }
0x44e: {  	v47 =	vor.u32 v53, v2;
	v0 =	vld.idx.msk [tilespmem:v46+s25+$0x0], $0xffff  }
0x44f: {  	v48 =	vor.u32 v54, v4;
	_ =	sdelay $0x3  }
0x450: {  	[tilespmem:v47+s1+$0x0] =	vst.idx.msk $0xffff, v0  }
0x451: {  	v49 =	vor.u32 v55, v3;
	v0 =	vld.idx.msk [tilespmem:v48+s25+$0x0], $0xffff  }
0x452: {  	v50 =	vor.u32 v56, v4;
	_ =	sdelay $0x3  }
0x453: {  	[tilespmem:v49+s1+$0x0] =	vst.idx.msk $0xffff, v0  }
0x454: {  	v51 =	vor.u32 v57, v3;
	v0 =	vld.idx.msk [tilespmem:v50+s25+$0x0], $0xffff  }
0x455: {  	v52 =	vor.u32 v58, v4;
	_ =	sdelay $0x3  }
0x456: {  	[tilespmem:v51+s1+$0x0] =	vst.idx.msk $0xffff, v0  }
0x457: {  	v53 =	vor.u32 v59, v3;
	v0 =	vld.idx.msk [tilespmem:v52+s25+$0x0], $0xffff  }
0x458: {  	v54 =	vor.u32 v60, v4;
	_ =	sdelay $0x3  }
0x459: {  	[tilespmem:v53+s1+$0x0] =	vst.idx.msk $0xffff, v0  }
0x45a: {  	v55 =	vor.u32 v61, v3;
	v0 =	vld.idx.msk [tilespmem:v54+s25+$0x0], $0xffff  }
0x45b: {  	v56 =	vor.u32 v62, v4  }
0x45c: {  	v58 =	vld [tilespmem:$0x1FCD0];
	_ =	sdelay $0x2  }
0x45d: {  	[tilespmem:v55+s1+$0x0] =	vst.idx.msk $0xffff, v0  }
0x45e: {  	v57 =	vor.u32 v63, v3;
	v0 =	vld.idx.msk [tilespmem:v56+s25+$0x0], $0xffff  }
0x45f: {  	v59 =	vld [tilespmem:$0x1FCE0];
	v2 =	vor.u32 v58, v4  }
0x460: {  	v60 =	vld [tilespmem:$0x1FCF0];
	_ =	sdelay $0x2  }
0x461: {  	[tilespmem:v57+s1+$0x0] =	vst.idx.msk $0xffff, v0  }
0x462: {  	v1 =	vor.u32 v59, v3;
	v0 =	vld.idx.msk [tilespmem:v2+s25+$0x0], $0xffff  }
0x463: {  	v61 =	vld [tilespmem:$0x1FD00];
	v2 =	vor.u32 v60, v4;
	_ =	sdelay $0x3  }
0x464: {  	[tilespmem:v1+s1+$0x0] =	vst.idx.msk $0xffff, v0  }
0x465: {  	v1 =	vor.u32 v61, v3;
	v0 =	vld.idx.msk [tilespmem:v2+s25+$0x0], $0xffff  }
0x466: {  	v62 =	vor.u32 v6, v4;
	_ =	sdelay $0x3  }
0x467: {  	[tilespmem:v1+s1+$0x0] =	vst.idx.msk $0xffff, v0  }
0x468: {  	v63 =	vor.u32 v7, v3;
	v0 =	vld.idx.msk [tilespmem:v62+s25+$0x0], $0xffff;
	_ =	sdelay $0x1  }
.Ltmp8:
0x469: {  	_ = 	snop;
	(pc) =	sbr.rel @p3 .LBB2_14-.Ltmp8, $4  }
0x46a: {  	_ = 	snop  }
0x46b: {  	s6 =	sor.u32 s20, s6  }
0x46c: {  	s6 =	sadd.s32 s4, s6;
	[tilespmem:v63+s1+$0x0] =	vst.idx.msk $0xffff, v0  }
0x46d: {  	[hbm4b:s6+s2] =	stream.linear.scatter [tilespmem:s30], [sflag:$0x6], $0x4000, $0x38;
	[tilespmem:$0x18000] =	vst v63  }
.Ltmp9:
0x46e: {  	(pc) =	sbr.rel .LBB2_15-.Ltmp9, $4  }
0x46f: {  	_ = 	snop  }
0x470: {  	_ =	swait.ge [sflag:s16], $0x2000  }
0x471: {  	[sflag:s16] =	ssyncset.done $0x0  }
0x472: {  	[sflag:s16] =	ssyncadd.s32 $0xFFFFE000  }
.LBB2_14:
.Ltmp10:
0x473: {  	s6 =	sadd.s32 s21, s12;
	(pc) =	sbr.rel @p2 .LBB2_16-.Ltmp10, $4  }
0x474: {  	[tilespmem:s25], [sflag:$0x3] =	stream.strided.gather [hbm4b:s6+s22], $0x2000, s23, s22, $0x38;
	[tilespmem:$0x18000] =	vst v63  }
0x475: {  	_ =	swait.ge [sflag:s16], $0x2000  }
0x476: {  	[sflag:s16] =	ssyncset.done $0x0  }
0x477: {  	[sflag:s16] =	ssyncadd.s32 $0xFFFFE000  }
.LBB2_15:
0x478: {  	_ =	swait.ge [sflag:s18], $0x4000  }
0x479: {  	[sflag:s18] =	ssyncset.done $0x0  }
0x47a: {  	[sflag:s18] =	ssyncadd.s32 $0xFFFFC000  }
.LBB2_16:
0x47b: {  	s6 =	simm.s32 $0x0;
	v30 =	vlaneseq.u32  }
0x47c: {  	v0 =	vadd.s32 s6, v30  }
0x47d: {  	v1 =	vand.u32 $0xF, v0  }
0x47e: {  	v2 =	vshll.u32 v1, $0x7  }
0x47f: {  	v4 =	vld [tilespmem:$0x1FD20];
	v3 =	vor.u32 v30, v2  }
0x480: {  	v5 =	vld [tilespmem:$0x1FD30];
	_ =	sdelay $0x3  }
0x481: {  	v31 =	vmov v4;
	v4 =	vor.u32 v4, v1;
	v3 =	vld.idx.msk [tilespmem:v3+s26+$0x0], $0xffff  }
0x482: {  	v32 =	vmov v5;
	v5 =	vor.u32 v5, v2;
	_ =	sdelay $0x3  }
0x483: {  	[tilespmem:v4+s3+$0x0] =	vst.idx.msk $0xffff, v3;
	v4 =	vld [tilespmem:$0x1FD40]  }
0x484: {  	v3 =	vld.idx.msk [tilespmem:v5+s26+$0x0], $0xffff  }
0x485: {  	v5 =	vld [tilespmem:$0x1FD50];
	_ =	sdelay $0x3  }
0x486: {  	v28 =	vmov v4;
	v4 =	vor.u32 v4, v1  }
0x487: {  	v29 =	vmov v5;
	v5 =	vor.u32 v5, v2;
	_ =	sdelay $0x3  }
0x488: {  	[tilespmem:v4+s3+$0x0] =	vst.idx.msk $0xffff, v3;
	v4 =	vld [tilespmem:$0x1FD60]  }
0x489: {  	v3 =	vld.idx.msk [tilespmem:v5+s26+$0x0], $0xffff  }
0x48a: {  	v5 =	vld [tilespmem:$0x1FD70];
	_ =	sdelay $0x3  }
0x48b: {  	v12 =	vmov v4;
	v4 =	vor.u32 v4, v1  }
0x48c: {  	v13 =	vmov v5;
	v5 =	vor.u32 v5, v2;
	_ =	sdelay $0x3  }
0x48d: {  	[tilespmem:v4+s3+$0x0] =	vst.idx.msk $0xffff, v3;
	v4 =	vld [tilespmem:$0x1FD80]  }
0x48e: {  	v3 =	vld.idx.msk [tilespmem:v5+s26+$0x0], $0xffff  }
0x48f: {  	v5 =	vld [tilespmem:$0x1FD90];
	_ =	sdelay $0x3  }
0x490: {  	v14 =	vmov v4;
	v4 =	vor.u32 v4, v1  }
0x491: {  	v15 =	vmov v5;
	v5 =	vor.u32 v5, v2;
	_ =	sdelay $0x3  }
0x492: {  	[tilespmem:v4+s3+$0x0] =	vst.idx.msk $0xffff, v3;
	v4 =	vld [tilespmem:$0x1FDA0]  }
0x493: {  	v3 =	vld.idx.msk [tilespmem:v5+s26+$0x0], $0xffff  }
0x494: {  	v5 =	vld [tilespmem:$0x1FDB0];
	_ =	sdelay $0x3  }
0x495: {  	v16 =	vmov v4;
	v4 =	vor.u32 v4, v1  }
0x496: {  	v17 =	vmov v5;
	v5 =	vor.u32 v5, v2;
	_ =	sdelay $0x3  }
0x497: {  	[tilespmem:v4+s3+$0x0] =	vst.idx.msk $0xffff, v3;
	v4 =	vld [tilespmem:$0x1FDC0]  }
0x498: {  	v3 =	vld.idx.msk [tilespmem:v5+s26+$0x0], $0xffff  }
0x499: {  	v5 =	vld [tilespmem:$0x1FDD0];
	_ =	sdelay $0x3  }
0x49a: {  	v18 =	vmov v4;
	v4 =	vor.u32 v4, v1  }
0x49b: {  	v19 =	vmov v5;
	v5 =	vor.u32 v5, v2;
	_ =	sdelay $0x3  }
0x49c: {  	[tilespmem:v4+s3+$0x0] =	vst.idx.msk $0xffff, v3;
	v4 =	vld [tilespmem:$0x1FDE0]  }
0x49d: {  	v3 =	vld.idx.msk [tilespmem:v5+s26+$0x0], $0xffff  }
0x49e: {  	v5 =	vld [tilespmem:$0x1FDF0];
	_ =	sdelay $0x3  }
0x49f: {  	v20 =	vmov v4;
	v4 =	vor.u32 v4, v1  }
0x4a0: {  	v21 =	vmov v5;
	v5 =	vor.u32 v5, v2;
	_ =	sdelay $0x3  }
0x4a1: {  	[tilespmem:v4+s3+$0x0] =	vst.idx.msk $0xffff, v3;
	v4 =	vld [tilespmem:$0x1FE00]  }
0x4a2: {  	v3 =	vld.idx.msk [tilespmem:v5+s26+$0x0], $0xffff  }
0x4a3: {  	v5 =	vld [tilespmem:$0x1FE10];
	_ =	sdelay $0x3  }
0x4a4: {  	v22 =	vmov v4;
	v4 =	vor.u32 v4, v1  }
0x4a5: {  	v23 =	vmov v5;
	v5 =	vor.u32 v5, v2;
	_ =	sdelay $0x3  }
0x4a6: {  	[tilespmem:v4+s3+$0x0] =	vst.idx.msk $0xffff, v3;
	v4 =	vld [tilespmem:$0x1FE20]  }
0x4a7: {  	v3 =	vld.idx.msk [tilespmem:v5+s26+$0x0], $0xffff  }
0x4a8: {  	v5 =	vld [tilespmem:$0x1FE30];
	_ =	sdelay $0x3  }
0x4a9: {  	v24 =	vmov v4;
	v4 =	vor.u32 v4, v0  }
0x4aa: {  	v25 =	vmov v5;
	v5 =	vor.u32 v5, v2;
	_ =	sdelay $0x3  }
0x4ab: {  	[tilespmem:v4+s3+$0x0] =	vst.idx.msk $0xffff, v3;
	v4 =	vld [tilespmem:$0x1FE40]  }
0x4ac: {  	v3 =	vld.idx.msk [tilespmem:v5+s26+$0x0], $0xffff  }
0x4ad: {  	v5 =	vld [tilespmem:$0x1FE50];
	_ =	sdelay $0x3  }
0x4ae: {  	v26 =	vmov v4;
	v4 =	vor.u32 v4, v0  }
0x4af: {  	v27 =	vmov v5;
	v5 =	vor.u32 v5, v2;
	_ =	sdelay $0x3  }
0x4b0: {  	[tilespmem:v4+s3+$0x0] =	vst.idx.msk $0xffff, v3;
	v4 =	vld [tilespmem:$0x1FE60]  }
0x4b1: {  	v3 =	vld.idx.msk [tilespmem:v5+s26+$0x0], $0xffff  }
0x4b2: {  	v5 =	vld [tilespmem:$0x1FE70];
	_ =	sdelay $0x3  }
0x4b3: {  	v4 =	vor.u32 v4, v0  }
0x4b4: {  	v5 =	vor.u32 v5, v2;
	_ =	sdelay $0x3  }
0x4b5: {  	[tilespmem:v4+s3+$0x0] =	vst.idx.msk $0xffff, v3;
	v4 =	vld [tilespmem:$0x1FE80]  }
0x4b6: {  	v3 =	vld.idx.msk [tilespmem:v5+s26+$0x0], $0xffff  }
0x4b7: {  	v5 =	vld [tilespmem:$0x1FE90];
	_ =	sdelay $0x3  }
0x4b8: {  	v4 =	vor.u32 v4, v0  }
0x4b9: {  	v5 =	vor.u32 v5, v2;
	_ =	sdelay $0x3  }
0x4ba: {  	[tilespmem:v4+s3+$0x0] =	vst.idx.msk $0xffff, v3;
	v4 =	vld [tilespmem:$0x1FEA0]  }
0x4bb: {  	v3 =	vld.idx.msk [tilespmem:v5+s26+$0x0], $0xffff  }
0x4bc: {  	v5 =	vld [tilespmem:$0x1FEB0];
	_ =	sdelay $0x3  }
0x4bd: {  	v4 =	vor.u32 v4, v0  }
0x4be: {  	v33 =	vld [tilespmem:$0x1FEC0];
	v5 =	vor.u32 v5, v2  }
0x4bf: {  	v34 =	vld [tilespmem:$0x1FED0];
	_ =	sdelay $0x2  }
0x4c0: {  	[tilespmem:v4+s3+$0x0] =	vst.idx.msk $0xffff, v3  }
0x4c1: {  	v4 =	vor.u32 v33, v0;
	v3 =	vld.idx.msk [tilespmem:v5+s26+$0x0], $0xffff  }
0x4c2: {  	v35 =	vld [tilespmem:$0x1FEE0];
	v5 =	vor.u32 v34, v2  }
0x4c3: {  	v36 =	vld [tilespmem:$0x1FEF0];
	_ =	sdelay $0x2  }
0x4c4: {  	[tilespmem:v4+s3+$0x0] =	vst.idx.msk $0xffff, v3  }
0x4c5: {  	v4 =	vor.u32 v35, v0;
	v3 =	vld.idx.msk [tilespmem:v5+s26+$0x0], $0xffff  }
0x4c6: {  	v37 =	vld [tilespmem:$0x1FF00];
	v5 =	vor.u32 v36, v2  }
0x4c7: {  	v38 =	vld [tilespmem:$0x1FF10];
	_ =	sdelay $0x2  }
0x4c8: {  	[tilespmem:v4+s3+$0x0] =	vst.idx.msk $0xffff, v3  }
0x4c9: {  	v4 =	vor.u32 v37, v0;
	v3 =	vld.idx.msk [tilespmem:v5+s26+$0x0], $0xffff  }
0x4ca: {  	v39 =	vld [tilespmem:$0x1FF20];
	v5 =	vor.u32 v38, v2  }
0x4cb: {  	v40 =	vld [tilespmem:$0x1FF30];
	_ =	sdelay $0x2  }
0x4cc: {  	[tilespmem:v4+s3+$0x0] =	vst.idx.msk $0xffff, v3  }
0x4cd: {  	v4 =	vor.u32 v39, v1;
	v3 =	vld.idx.msk [tilespmem:v5+s26+$0x0], $0xffff  }
0x4ce: {  	v41 =	vld [tilespmem:$0x1FF40];
	v5 =	vor.u32 v40, v2  }
0x4cf: {  	v42 =	vld [tilespmem:$0x1FF50];
	_ =	sdelay $0x2  }
0x4d0: {  	[tilespmem:v4+s3+$0x0] =	vst.idx.msk $0xffff, v3  }
0x4d1: {  	v4 =	vor.u32 v41, v1;
	v3 =	vld.idx.msk [tilespmem:v5+s26+$0x0], $0xffff  }
0x4d2: {  	v43 =	vld [tilespmem:$0x1FF60];
	v5 =	vor.u32 v42, v2  }
0x4d3: {  	v44 =	vld [tilespmem:$0x1FF70];
	_ =	sdelay $0x2  }
0x4d4: {  	[tilespmem:v4+s3+$0x0] =	vst.idx.msk $0xffff, v3  }
0x4d5: {  	v4 =	vor.u32 v43, v1;
	v3 =	vld.idx.msk [tilespmem:v5+s26+$0x0], $0xffff  }
0x4d6: {  	v45 =	vld [tilespmem:$0x1FF80];
	v5 =	vor.u32 v44, v2  }
0x4d7: {  	v46 =	vld [tilespmem:$0x1FF90];
	_ =	sdelay $0x2  }
0x4d8: {  	[tilespmem:v4+s3+$0x0] =	vst.idx.msk $0xffff, v3  }
0x4d9: {  	v4 =	vor.u32 v45, v1;
	v3 =	vld.idx.msk [tilespmem:v5+s26+$0x0], $0xffff  }
0x4da: {  	v47 =	vld [tilespmem:$0x1FFA0];
	v5 =	vor.u32 v46, v2  }
0x4db: {  	v48 =	vld [tilespmem:$0x1FFB0];
	_ =	sdelay $0x2  }
0x4dc: {  	[tilespmem:v4+s3+$0x0] =	vst.idx.msk $0xffff, v3  }
0x4dd: {  	v4 =	vor.u32 v47, v1;
	v3 =	vld.idx.msk [tilespmem:v5+s26+$0x0], $0xffff  }
0x4de: {  	v49 =	vld [tilespmem:$0x1FFC0];
	v5 =	vor.u32 v48, v2  }
0x4df: {  	v50 =	vld [tilespmem:$0x1FFD0];
	_ =	sdelay $0x2  }
0x4e0: {  	[tilespmem:v4+s3+$0x0] =	vst.idx.msk $0xffff, v3  }
0x4e1: {  	v4 =	vor.u32 v49, v1;
	v3 =	vld.idx.msk [tilespmem:v5+s26+$0x0], $0xffff  }
0x4e2: {  	v51 =	vld [tilespmem:$0x1FFE0];
	v5 =	vor.u32 v50, v2;
	_ =	sdelay $0x3  }
0x4e3: {  	[tilespmem:v4+s3+$0x0] =	vst.idx.msk $0xffff, v3  }
0x4e4: {  	v4 =	vor.u32 v51, v1;
	v3 =	vld.idx.msk [tilespmem:v5+s26+$0x0], $0xffff;
	_ =	sdelay $0x3  }
0x4e5: {  	v52 =	vld [tilespmem:$0x1FFF0]  }
0x4e6: {  	[tilespmem:v4+s3+$0x0] =	vst.idx.msk $0xffff, v3;
	v4 =	vld [tilespmem:$0x1FC20];
	_ =	sdelay $0x3  }
0x4e7: {  	v5 =	vor.u32 v52, v2  }
0x4e8: {  	v59 =	vmov v4;
	v1 =	vor.u32 v4, v1;
	v4 =	vld [tilespmem:$0x1FC30];
	_ =	sdelay $0x3  }
0x4e9: {  	v3 =	vld.idx.msk [tilespmem:v5+s26+$0x0], $0xffff  }
0x4ea: {  	v60 =	vmov v4;
	v4 =	vor.u32 v4, v2;
	_ =	sdelay $0x3  }
0x4eb: {  	[tilespmem:v1+s3+$0x0] =	vst.idx.msk $0xffff, v3;
	v3 =	vld [tilespmem:$0x1FC40]  }
0x4ec: {  	v1 =	vld.idx.msk [tilespmem:v4+s26+$0x0], $0xffff  }
0x4ed: {  	v4 =	vld [tilespmem:$0x1FC50];
	_ =	sdelay $0x3  }
0x4ee: {  	v61 =	vmov v3;
	v3 =	vor.u32 v3, v0  }
0x4ef: {  	v62 =	vmov v4;
	v4 =	vor.u32 v4, v2;
	_ =	sdelay $0x3  }
0x4f0: {  	[tilespmem:v3+s3+$0x0] =	vst.idx.msk $0xffff, v1;
	v3 =	vld [tilespmem:$0x1FC60]  }
0x4f1: {  	v1 =	vld.idx.msk [tilespmem:v4+s26+$0x0], $0xffff  }
0x4f2: {  	v4 =	vld [tilespmem:$0x1FC70];
	_ =	sdelay $0x2  }
0x4f3: {  	v63 =	vmov v3;
	v3 =	vor.u32 v3, v0;
	_ =	sdelay $0x1  }
0x4f4: {  	v54 =	vmov v4;
	v4 =	vor.u32 v4, v2;
	_ =	sdelay $0x2  }
0x4f5: {  	[tilespmem:v3+s3+$0x0] =	vst.idx.msk $0xffff, v1;
	v3 =	vld [tilespmem:$0x1FC80];
	_ =	sdelay $0x1  }
0x4f6: {  	v1 =	vld.idx.msk [tilespmem:v4+s26+$0x0], $0xffff  }
0x4f7: {  	v4 =	vld [tilespmem:$0x1FC90];
	_ =	sdelay $0x1  }
0x4f8: {  	v53 =	vmov v3;
	v3 =	vor.u32 v3, v0;
	_ =	sdelay $0x2  }
0x4f9: {  	v6 =	vmov v4;
	v4 =	vor.u32 v4, v2;
	_ =	sdelay $0x1  }
0x4fa: {  	[tilespmem:v3+s3+$0x0] =	vst.idx.msk $0xffff, v1;
	v3 =	vld [tilespmem:$0x1FCA0];
	_ =	sdelay $0x2  }
0x4fb: {  	v1 =	vld.idx.msk [tilespmem:v4+s26+$0x0], $0xffff  }
0x4fc: {  	v4 =	vld [tilespmem:$0x1FCB0]  }
0x4fd: {  	v57 =	vmov v3;
	v3 =	vor.u32 v3, v0;
	_ =	sdelay $0x3  }
0x4fe: {  	v7 =	vmov v4;
	v4 =	vor.u32 v4, v2  }
0x4ff: {  	[tilespmem:v3+s3+$0x0] =	vst.idx.msk $0xffff, v1;
	v3 =	vld [tilespmem:$0x1FCC0];
	_ =	sdelay $0x3  }
0x500: {  	v1 =	vld.idx.msk [tilespmem:v4+s26+$0x0], $0xffff  }
0x501: {  	v8 =	vmov v3;
	v3 =	vor.u32 v3, v0;
	v4 =	vld [tilespmem:$0x1FCD0];
	_ =	sdelay $0x4  }
0x502: {  	v9 =	vmov v4;
	v4 =	vor.u32 v4, v2;
	[tilespmem:v3+s3+$0x0] =	vst.idx.msk $0xffff, v1;
	v3 =	vld [tilespmem:$0x1FCE0]  }
0x503: {  	v55 =	vld [tilespmem:$0x1FCF0];
	_ =	sdelay $0x3  }
0x504: {  	v1 =	vld.idx.msk [tilespmem:v4+s26+$0x0], $0xffff;
	v10 =	vmov v3;
	v3 =	vor.u32 v3, v0  }
0x505: {  	v56 =	vld [tilespmem:$0x1FD00];
	v4 =	vor.u32 v55, v2;
	_ =	sdelay $0x3  }
0x506: {  	[tilespmem:v3+s3+$0x0] =	vst.idx.msk $0xffff, v1  }
0x507: {  	v3 =	vor.u32 v56, v0;
	v1 =	vld.idx.msk [tilespmem:v4+s26+$0x0], $0xffff;
	_ =	sdelay $0x4  }
0x508: {  	[tilespmem:v3+s3+$0x0] =	vst.idx.msk $0xffff, v1;
	v1 =	vld [tilespmem:$0x1FD10];
	_ =	sdelay $0x3  }
0x509: {  	s15 =	simm.s32 $0x1  }
0x50a: {  	v58 =	vld [tilespmem:$0x1FC10];
	s6 =	simm.s32 $0x2;
	v3 =	vadd.s32 s15, v30;
	v11 =	vmov v1;
	v1 =	vor.u32 v1, v2  }
.LBB2_17:
0x50b: {  	_ =	sdelay $0x2  }
0x50c: {  	v2 =	vand.u32 $0xF, v3  }
0x50d: {  	v4 =	vld.idx.msk [tilespmem:v1+s26+$0x0], $0xffff;
	v5 =	vor.u32 v58, v0;
	v30 =	vlaneseq.u32;
	v1 =	vshll.u32 v2, $0x7  }
0x50e: {  	v0 =	vmov v3;
	v3 =	vor.u32 v30, v1;
	_ =	sdelay $0x3  }
0x50f: {  	[tilespmem:v5+s3+$0x0] =	vst.idx.msk $0xffff, v4  }
0x510: {  	v4 =	vor.u32 v31, v2;
	v3 =	vld.idx.msk [tilespmem:v3+s26+$0x0], $0xffff  }
0x511: {  	v5 =	vor.u32 v32, v1;
	_ =	sdelay $0x3  }
0x512: {  	[tilespmem:v4+s3+$0x0] =	vst.idx.msk $0xffff, v3  }
0x513: {  	v4 =	vor.u32 v28, v2;
	v3 =	vld.idx.msk [tilespmem:v5+s26+$0x0], $0xffff  }
0x514: {  	v5 =	vor.u32 v29, v1;
	_ =	sdelay $0x3  }
0x515: {  	[tilespmem:v4+s3+$0x0] =	vst.idx.msk $0xffff, v3  }
0x516: {  	v4 =	vor.u32 v12, v2;
	v3 =	vld.idx.msk [tilespmem:v5+s26+$0x0], $0xffff  }
0x517: {  	v5 =	vor.u32 v13, v1;
	_ =	sdelay $0x3  }
0x518: {  	[tilespmem:v4+s3+$0x0] =	vst.idx.msk $0xffff, v3  }
0x519: {  	v4 =	vor.u32 v14, v2;
	v3 =	vld.idx.msk [tilespmem:v5+s26+$0x0], $0xffff  }
0x51a: {  	v5 =	vor.u32 v15, v1;
	_ =	sdelay $0x3  }
0x51b: {  	[tilespmem:v4+s3+$0x0] =	vst.idx.msk $0xffff, v3  }
0x51c: {  	v4 =	vor.u32 v16, v2;
	v3 =	vld.idx.msk [tilespmem:v5+s26+$0x0], $0xffff  }
0x51d: {  	v5 =	vor.u32 v17, v1;
	_ =	sdelay $0x3  }
0x51e: {  	[tilespmem:v4+s3+$0x0] =	vst.idx.msk $0xffff, v3  }
0x51f: {  	v4 =	vor.u32 v18, v2;
	v3 =	vld.idx.msk [tilespmem:v5+s26+$0x0], $0xffff  }
0x520: {  	v5 =	vor.u32 v19, v1;
	_ =	sdelay $0x3  }
0x521: {  	[tilespmem:v4+s3+$0x0] =	vst.idx.msk $0xffff, v3  }
0x522: {  	v4 =	vor.u32 v20, v2;
	v3 =	vld.idx.msk [tilespmem:v5+s26+$0x0], $0xffff  }
0x523: {  	v5 =	vor.u32 v21, v1;
	_ =	sdelay $0x3  }
0x524: {  	[tilespmem:v4+s3+$0x0] =	vst.idx.msk $0xffff, v3  }
0x525: {  	v4 =	vor.u32 v22, v2;
	v3 =	vld.idx.msk [tilespmem:v5+s26+$0x0], $0xffff  }
0x526: {  	v5 =	vor.u32 v23, v1;
	_ =	sdelay $0x3  }
0x527: {  	[tilespmem:v4+s3+$0x0] =	vst.idx.msk $0xffff, v3  }
0x528: {  	v4 =	vor.u32 v24, v0;
	v3 =	vld.idx.msk [tilespmem:v5+s26+$0x0], $0xffff  }
0x529: {  	v5 =	vor.u32 v25, v1;
	_ =	sdelay $0x3  }
0x52a: {  	[tilespmem:v4+s3+$0x0] =	vst.idx.msk $0xffff, v3  }
0x52b: {  	v4 =	vor.u32 v26, v0;
	v3 =	vld.idx.msk [tilespmem:v5+s26+$0x0], $0xffff  }
0x52c: {  	v5 =	vor.u32 v27, v1;
	_ =	sdelay $0x3  }
0x52d: {  	[tilespmem:v4+s3+$0x0] =	vst.idx.msk $0xffff, v3;
	v4 =	vld [tilespmem:$0x1FE60]  }
0x52e: {  	v3 =	vld.idx.msk [tilespmem:v5+s26+$0x0], $0xffff  }
0x52f: {  	v5 =	vld [tilespmem:$0x1FE70];
	_ =	sdelay $0x3  }
0x530: {  	v4 =	vor.u32 v4, v0  }
0x531: {  	v5 =	vor.u32 v5, v1;
	_ =	sdelay $0x3  }
0x532: {  	[tilespmem:v4+s3+$0x0] =	vst.idx.msk $0xffff, v3;
	v4 =	vld [tilespmem:$0x1FE80]  }
0x533: {  	v3 =	vld.idx.msk [tilespmem:v5+s26+$0x0], $0xffff  }
0x534: {  	v5 =	vld [tilespmem:$0x1FE90];
	_ =	sdelay $0x3  }
0x535: {  	v4 =	vor.u32 v4, v0  }
0x536: {  	v5 =	vor.u32 v5, v1;
	_ =	sdelay $0x3  }
0x537: {  	[tilespmem:v4+s3+$0x0] =	vst.idx.msk $0xffff, v3;
	v4 =	vld [tilespmem:$0x1FEA0]  }
0x538: {  	v3 =	vld.idx.msk [tilespmem:v5+s26+$0x0], $0xffff  }
0x539: {  	v5 =	vld [tilespmem:$0x1FEB0];
	_ =	sdelay $0x3  }
0x53a: {  	v4 =	vor.u32 v4, v0  }
0x53b: {  	v5 =	vor.u32 v5, v1;
	_ =	sdelay $0x3  }
0x53c: {  	[tilespmem:v4+s3+$0x0] =	vst.idx.msk $0xffff, v3  }
0x53d: {  	v4 =	vor.u32 v33, v0;
	v3 =	vld.idx.msk [tilespmem:v5+s26+$0x0], $0xffff  }
0x53e: {  	v5 =	vor.u32 v34, v1;
	_ =	sdelay $0x3  }
0x53f: {  	[tilespmem:v4+s3+$0x0] =	vst.idx.msk $0xffff, v3  }
0x540: {  	v4 =	vor.u32 v35, v0;
	v3 =	vld.idx.msk [tilespmem:v5+s26+$0x0], $0xffff  }
0x541: {  	v5 =	vor.u32 v36, v1;
	_ =	sdelay $0x3  }
0x542: {  	[tilespmem:v4+s3+$0x0] =	vst.idx.msk $0xffff, v3  }
0x543: {  	v4 =	vor.u32 v37, v0;
	v3 =	vld.idx.msk [tilespmem:v5+s26+$0x0], $0xffff  }
0x544: {  	v5 =	vor.u32 v38, v1;
	_ =	sdelay $0x3  }
0x545: {  	[tilespmem:v4+s3+$0x0] =	vst.idx.msk $0xffff, v3  }
0x546: {  	v4 =	vor.u32 v39, v2;
	v3 =	vld.idx.msk [tilespmem:v5+s26+$0x0], $0xffff  }
0x547: {  	v5 =	vor.u32 v40, v1;
	_ =	sdelay $0x3  }
0x548: {  	[tilespmem:v4+s3+$0x0] =	vst.idx.msk $0xffff, v3  }
0x549: {  	v4 =	vor.u32 v41, v2;
	v3 =	vld.idx.msk [tilespmem:v5+s26+$0x0], $0xffff  }
0x54a: {  	v5 =	vor.u32 v42, v1;
	_ =	sdelay $0x3  }
0x54b: {  	[tilespmem:v4+s3+$0x0] =	vst.idx.msk $0xffff, v3  }
0x54c: {  	v4 =	vor.u32 v43, v2;
	v3 =	vld.idx.msk [tilespmem:v5+s26+$0x0], $0xffff  }
0x54d: {  	v5 =	vor.u32 v44, v1;
	_ =	sdelay $0x3  }
0x54e: {  	[tilespmem:v4+s3+$0x0] =	vst.idx.msk $0xffff, v3  }
0x54f: {  	v4 =	vor.u32 v45, v2;
	v3 =	vld.idx.msk [tilespmem:v5+s26+$0x0], $0xffff  }
0x550: {  	v5 =	vor.u32 v46, v1;
	_ =	sdelay $0x3  }
0x551: {  	[tilespmem:v4+s3+$0x0] =	vst.idx.msk $0xffff, v3  }
0x552: {  	v4 =	vor.u32 v47, v2;
	v3 =	vld.idx.msk [tilespmem:v5+s26+$0x0], $0xffff  }
0x553: {  	v5 =	vor.u32 v48, v1;
	_ =	sdelay $0x3  }
0x554: {  	[tilespmem:v4+s3+$0x0] =	vst.idx.msk $0xffff, v3  }
0x555: {  	v4 =	vor.u32 v49, v2;
	v3 =	vld.idx.msk [tilespmem:v5+s26+$0x0], $0xffff  }
0x556: {  	v5 =	vor.u32 v50, v1;
	_ =	sdelay $0x3  }
0x557: {  	[tilespmem:v4+s3+$0x0] =	vst.idx.msk $0xffff, v3  }
0x558: {  	v4 =	vor.u32 v51, v2;
	v3 =	vld.idx.msk [tilespmem:v5+s26+$0x0], $0xffff  }
0x559: {  	v5 =	vor.u32 v52, v1;
	_ =	sdelay $0x3  }
0x55a: {  	[tilespmem:v4+s3+$0x0] =	vst.idx.msk $0xffff, v3  }
0x55b: {  	v2 =	vor.u32 v59, v2;
	v3 =	vld.idx.msk [tilespmem:v5+s26+$0x0], $0xffff  }
0x55c: {  	v4 =	vor.u32 v60, v1;
	_ =	sdelay $0x3  }
0x55d: {  	[tilespmem:v2+s3+$0x0] =	vst.idx.msk $0xffff, v3  }
0x55e: {  	v3 =	vor.u32 v61, v0;
	v2 =	vld.idx.msk [tilespmem:v4+s26+$0x0], $0xffff  }
0x55f: {  	v4 =	vor.u32 v62, v1;
	_ =	sdelay $0x3  }
0x560: {  	[tilespmem:v3+s3+$0x0] =	vst.idx.msk $0xffff, v2  }
0x561: {  	v3 =	vor.u32 v63, v0;
	v2 =	vld.idx.msk [tilespmem:v4+s26+$0x0], $0xffff  }
0x562: {  	v4 =	vor.u32 v54, v1;
	_ =	sdelay $0x3  }
0x563: {  	[tilespmem:v3+s3+$0x0] =	vst.idx.msk $0xffff, v2  }
0x564: {  	v3 =	vor.u32 v53, v0;
	v2 =	vld.idx.msk [tilespmem:v4+s26+$0x0], $0xffff  }
0x565: {  	v4 =	vor.u32 v6, v1;
	_ =	sdelay $0x3  }
0x566: {  	[tilespmem:v3+s3+$0x0] =	vst.idx.msk $0xffff, v2  }
0x567: {  	v3 =	vor.u32 v57, v0;
	v2 =	vld.idx.msk [tilespmem:v4+s26+$0x0], $0xffff  }
0x568: {  	v4 =	vor.u32 v7, v1;
	_ =	sdelay $0x3  }
0x569: {  	[tilespmem:v3+s3+$0x0] =	vst.idx.msk $0xffff, v2  }
0x56a: {  	v3 =	vor.u32 v8, v0;
	v2 =	vld.idx.msk [tilespmem:v4+s26+$0x0], $0xffff  }
0x56b: {  	v4 =	vor.u32 v9, v1;
	_ =	sdelay $0x3  }
0x56c: {  	[tilespmem:v3+s3+$0x0] =	vst.idx.msk $0xffff, v2  }
0x56d: {  	v3 =	vor.u32 v10, v0;
	v2 =	vld.idx.msk [tilespmem:v4+s26+$0x0], $0xffff  }
0x56e: {  	v4 =	vor.u32 v55, v1;
	_ =	sdelay $0x3  }
0x56f: {  	[tilespmem:v3+s3+$0x0] =	vst.idx.msk $0xffff, v2  }
0x570: {  	p2 =	sne.s32 s6, $0xF;
	v2 =	vld.idx.msk [tilespmem:v4+s26+$0x0], $0xffff;
	v4 =	vor.u32 v56, v0  }
.Ltmp11:
0x571: {  	_ = 	snop;
	(pc) =	sbr.rel @p2 .LBB2_17-.Ltmp11, $2  }
0x572: {  	_ =	sdelay $0x2  }
0x573: {  	v5 =	vlaneseq.u32;
	v1 =	vor.u32 v11, v1;
	v3 =	vadd.s32 s6, v30;
	s6 =	sadd.s32 $0x1, s6;
	[tilespmem:v4+s3+$0x0] =	vst.idx.msk $0xffff, v2  }
0x574: {  	_ =	sdelay $0x2  }
0x575: {  	v2 =	vand.u32 $0xF, v3  }
0x576: {  	v1 =	vld.idx.msk [tilespmem:v1+s26+$0x0], $0xffff;
	v0 =	vor.u32 v58, v0;
	v4 =	vshll.u32 v2, $0x7  }
0x577: {  	v5 =	vor.u32 v5, v4;
	_ =	sdelay $0x3  }
0x578: {  	[tilespmem:v0+s3+$0x0] =	vst.idx.msk $0xffff, v1  }
0x579: {  	v31 =	vor.u32 v31, v2;
	v0 =	vld.idx.msk [tilespmem:v5+s26+$0x0], $0xffff  }
0x57a: {  	v5 =	vor.u32 v32, v4;
	_ =	sdelay $0x3  }
0x57b: {  	[tilespmem:v31+s3+$0x0] =	vst.idx.msk $0xffff, v0  }
0x57c: {  	v32 =	vor.u32 v28, v2;
	v0 =	vld.idx.msk [tilespmem:v5+s26+$0x0], $0xffff  }
0x57d: {  	v5 =	vor.u32 v29, v4;
	_ =	sdelay $0x3  }
0x57e: {  	[tilespmem:v32+s3+$0x0] =	vst.idx.msk $0xffff, v0  }
0x57f: {  	v12 =	vor.u32 v12, v2;
	v0 =	vld.idx.msk [tilespmem:v5+s26+$0x0], $0xffff  }
0x580: {  	v5 =	vor.u32 v13, v4;
	_ =	sdelay $0x3  }
0x581: {  	[tilespmem:v12+s3+$0x0] =	vst.idx.msk $0xffff, v0  }
0x582: {  	v14 =	vor.u32 v14, v2;
	v0 =	vld.idx.msk [tilespmem:v5+s26+$0x0], $0xffff  }
0x583: {  	v5 =	vor.u32 v15, v4;
	_ =	sdelay $0x3  }
0x584: {  	[tilespmem:v14+s3+$0x0] =	vst.idx.msk $0xffff, v0  }
0x585: {  	v16 =	vor.u32 v16, v2;
	v0 =	vld.idx.msk [tilespmem:v5+s26+$0x0], $0xffff  }
0x586: {  	v5 =	vor.u32 v17, v4;
	_ =	sdelay $0x3  }
0x587: {  	[tilespmem:v16+s3+$0x0] =	vst.idx.msk $0xffff, v0  }
0x588: {  	v18 =	vor.u32 v18, v2;
	v0 =	vld.idx.msk [tilespmem:v5+s26+$0x0], $0xffff  }
0x589: {  	v5 =	vor.u32 v19, v4;
	_ =	sdelay $0x3  }
0x58a: {  	[tilespmem:v18+s3+$0x0] =	vst.idx.msk $0xffff, v0  }
0x58b: {  	v20 =	vor.u32 v20, v2;
	v0 =	vld.idx.msk [tilespmem:v5+s26+$0x0], $0xffff  }
0x58c: {  	v5 =	vor.u32 v21, v4;
	_ =	sdelay $0x3  }
0x58d: {  	[tilespmem:v20+s3+$0x0] =	vst.idx.msk $0xffff, v0  }
0x58e: {  	v22 =	vor.u32 v22, v2;
	v0 =	vld.idx.msk [tilespmem:v5+s26+$0x0], $0xffff  }
0x58f: {  	v5 =	vor.u32 v23, v4;
	_ =	sdelay $0x3  }
0x590: {  	[tilespmem:v22+s3+$0x0] =	vst.idx.msk $0xffff, v0  }
0x591: {  	v24 =	vor.u32 v24, v3;
	v0 =	vld.idx.msk [tilespmem:v5+s26+$0x0], $0xffff  }
0x592: {  	v5 =	vor.u32 v25, v4;
	_ =	sdelay $0x3  }
0x593: {  	[tilespmem:v24+s3+$0x0] =	vst.idx.msk $0xffff, v0  }
0x594: {  	v26 =	vor.u32 v26, v3;
	v0 =	vld.idx.msk [tilespmem:v5+s26+$0x0], $0xffff  }
0x595: {  	v5 =	vor.u32 v27, v4;
	_ =	sdelay $0x3  }
0x596: {  	v27 =	vld [tilespmem:$0x1FE60];
	[tilespmem:v26+s3+$0x0] =	vst.idx.msk $0xffff, v0  }
0x597: {  	v0 =	vld.idx.msk [tilespmem:v5+s26+$0x0], $0xffff  }
0x598: {  	v5 =	vld [tilespmem:$0x1FE70];
	_ =	sdelay $0x3  }
0x599: {  	v1 =	vor.u32 v27, v3  }
0x59a: {  	v5 =	vor.u32 v5, v4;
	_ =	sdelay $0x3  }
0x59b: {  	v28 =	vld [tilespmem:$0x1FE80];
	[tilespmem:v1+s3+$0x0] =	vst.idx.msk $0xffff, v0  }
0x59c: {  	v0 =	vld.idx.msk [tilespmem:v5+s26+$0x0], $0xffff  }
0x59d: {  	v5 =	vld [tilespmem:$0x1FE90];
	_ =	sdelay $0x3  }
0x59e: {  	v1 =	vor.u32 v28, v3  }
0x59f: {  	v5 =	vor.u32 v5, v4;
	_ =	sdelay $0x3  }
0x5a0: {  	v29 =	vld [tilespmem:$0x1FEA0];
	[tilespmem:v1+s3+$0x0] =	vst.idx.msk $0xffff, v0  }
0x5a1: {  	v0 =	vld.idx.msk [tilespmem:v5+s26+$0x0], $0xffff  }
0x5a2: {  	v5 =	vld [tilespmem:$0x1FEB0];
	_ =	sdelay $0x3  }
0x5a3: {  	v1 =	vor.u32 v29, v3  }
0x5a4: {  	v5 =	vor.u32 v5, v4;
	_ =	sdelay $0x3  }
0x5a5: {  	[tilespmem:v1+s3+$0x0] =	vst.idx.msk $0xffff, v0  }
0x5a6: {  	v30 =	vor.u32 v33, v3;
	v0 =	vld.idx.msk [tilespmem:v5+s26+$0x0], $0xffff  }
0x5a7: {  	v5 =	vor.u32 v34, v4;
	_ =	sdelay $0x3  }
0x5a8: {  	[tilespmem:v30+s3+$0x0] =	vst.idx.msk $0xffff, v0  }
0x5a9: {  	v31 =	vor.u32 v35, v3;
	v0 =	vld.idx.msk [tilespmem:v5+s26+$0x0], $0xffff  }
0x5aa: {  	v5 =	vor.u32 v36, v4;
	_ =	sdelay $0x3  }
0x5ab: {  	[tilespmem:v31+s3+$0x0] =	vst.idx.msk $0xffff, v0  }
0x5ac: {  	v32 =	vor.u32 v37, v3;
	v0 =	vld.idx.msk [tilespmem:v5+s26+$0x0], $0xffff  }
0x5ad: {  	v5 =	vor.u32 v38, v4;
	_ =	sdelay $0x3  }
0x5ae: {  	[tilespmem:v32+s3+$0x0] =	vst.idx.msk $0xffff, v0  }
0x5af: {  	v33 =	vor.u32 v39, v2;
	v0 =	vld.idx.msk [tilespmem:v5+s26+$0x0], $0xffff  }
0x5b0: {  	v5 =	vor.u32 v40, v4;
	_ =	sdelay $0x3  }
0x5b1: {  	[tilespmem:v33+s3+$0x0] =	vst.idx.msk $0xffff, v0  }
0x5b2: {  	v34 =	vor.u32 v41, v2;
	v0 =	vld.idx.msk [tilespmem:v5+s26+$0x0], $0xffff  }
0x5b3: {  	v5 =	vor.u32 v42, v4;
	_ =	sdelay $0x3  }
0x5b4: {  	[tilespmem:v34+s3+$0x0] =	vst.idx.msk $0xffff, v0  }
0x5b5: {  	v35 =	vor.u32 v43, v2;
	v0 =	vld.idx.msk [tilespmem:v5+s26+$0x0], $0xffff  }
0x5b6: {  	v5 =	vor.u32 v44, v4;
	_ =	sdelay $0x3  }
0x5b7: {  	[tilespmem:v35+s3+$0x0] =	vst.idx.msk $0xffff, v0  }
0x5b8: {  	v36 =	vor.u32 v45, v2;
	v0 =	vld.idx.msk [tilespmem:v5+s26+$0x0], $0xffff  }
0x5b9: {  	v5 =	vor.u32 v46, v4;
	_ =	sdelay $0x3  }
0x5ba: {  	[tilespmem:v36+s3+$0x0] =	vst.idx.msk $0xffff, v0  }
0x5bb: {  	v37 =	vor.u32 v47, v2;
	v0 =	vld.idx.msk [tilespmem:v5+s26+$0x0], $0xffff  }
0x5bc: {  	v5 =	vor.u32 v48, v4;
	_ =	sdelay $0x3  }
0x5bd: {  	[tilespmem:v37+s3+$0x0] =	vst.idx.msk $0xffff, v0  }
0x5be: {  	v38 =	vor.u32 v49, v2;
	v0 =	vld.idx.msk [tilespmem:v5+s26+$0x0], $0xffff  }
0x5bf: {  	v5 =	vor.u32 v50, v4;
	_ =	sdelay $0x3  }
0x5c0: {  	[tilespmem:v38+s3+$0x0] =	vst.idx.msk $0xffff, v0  }
0x5c1: {  	v39 =	vor.u32 v51, v2;
	v0 =	vld.idx.msk [tilespmem:v5+s26+$0x0], $0xffff  }
0x5c2: {  	v5 =	vor.u32 v52, v4;
	_ =	sdelay $0x3  }
0x5c3: {  	[tilespmem:v39+s3+$0x0] =	vst.idx.msk $0xffff, v0  }
0x5c4: {  	v40 =	vor.u32 v59, v2;
	v0 =	vld.idx.msk [tilespmem:v5+s26+$0x0], $0xffff  }
0x5c5: {  	v41 =	vor.u32 v60, v4;
	_ =	sdelay $0x3  }
0x5c6: {  	[tilespmem:v40+s3+$0x0] =	vst.idx.msk $0xffff, v0  }
0x5c7: {  	v42 =	vor.u32 v61, v3;
	v0 =	vld.idx.msk [tilespmem:v41+s26+$0x0], $0xffff  }
0x5c8: {  	v43 =	vor.u32 v62, v4;
	_ =	sdelay $0x3  }
0x5c9: {  	[tilespmem:v42+s3+$0x0] =	vst.idx.msk $0xffff, v0  }
0x5ca: {  	v44 =	vor.u32 v63, v3;
	v0 =	vld.idx.msk [tilespmem:v43+s26+$0x0], $0xffff  }
0x5cb: {  	v45 =	vor.u32 v54, v4;
	_ =	sdelay $0x3  }
0x5cc: {  	[tilespmem:v44+s3+$0x0] =	vst.idx.msk $0xffff, v0  }
0x5cd: {  	v46 =	vor.u32 v53, v3;
	v0 =	vld.idx.msk [tilespmem:v45+s26+$0x0], $0xffff  }
0x5ce: {  	v47 =	vor.u32 v6, v4;
	_ =	sdelay $0x3  }
0x5cf: {  	[tilespmem:v46+s3+$0x0] =	vst.idx.msk $0xffff, v0  }
0x5d0: {  	v48 =	vor.u32 v57, v3;
	v0 =	vld.idx.msk [tilespmem:v47+s26+$0x0], $0xffff  }
0x5d1: {  	v49 =	vor.u32 v7, v4;
	_ =	sdelay $0x3  }
0x5d2: {  	[tilespmem:v48+s3+$0x0] =	vst.idx.msk $0xffff, v0  }
0x5d3: {  	v50 =	vor.u32 v8, v3;
	v0 =	vld.idx.msk [tilespmem:v49+s26+$0x0], $0xffff  }
0x5d4: {  	v51 =	vor.u32 v9, v4;
	_ =	sdelay $0x3  }
0x5d5: {  	[tilespmem:v50+s3+$0x0] =	vst.idx.msk $0xffff, v0  }
0x5d6: {  	v52 =	vor.u32 v10, v3;
	v0 =	vld.idx.msk [tilespmem:v51+s26+$0x0], $0xffff  }
0x5d7: {  	v5 =	vmov v53;
	v53 =	vor.u32 v55, v4;
	_ =	sdelay $0x3  }
0x5d8: {  	[tilespmem:v52+s3+$0x0] =	vst.idx.msk $0xffff, v0  }
0x5d9: {  	v55 =	vor.u32 v56, v3;
	v0 =	vld.idx.msk [tilespmem:v53+s26+$0x0], $0xffff  }
0x5da: {  	v56 =	vor.u32 v11, v4;
	_ =	sdelay $0x3  }
0x5db: {  	[tilespmem:v55+s3+$0x0] =	vst.idx.msk $0xffff, v0  }
0x5dc: {  	v58 =	vor.u32 v58, v3;
	v0 =	vld.idx.msk [tilespmem:v56+s26+$0x0], $0xffff  }
0x5dd: {  	p2 =	seq.s32 s17, $0x3C  }
.Ltmp12:
0x5de: {  	_ = 	snop;
	(pc) =	sbr.rel @p2 .LBB2_20-.Ltmp12, $3  }
0x5df: {  	_ =	sdelay $0x1  }
0x5e0: {  	s5 =	sadd.s32 s5, s13;
	v4 =	vmov v11;
	v53 =	vmov v63;
	[tilespmem:v58+s3+$0x0] =	vst.idx.msk $0xffff, v0  }
0x5e1: {  	v55 =	vmovc v59;
	v59 =	vmovc v6;
	v6 =	vmov v10;
	v56 =	vmov v8;
	v58 =	vmov v60;
	[hbm4b:s5+s2] =	stream.linear.scatter [tilespmem:s1], [sflag:$0x7], $0x4000, $0x38;
	[tilespmem:$0x18000] =	vst v63  }
0x5e2: {  	v7 =	vld [tilespmem:$0x1FD20]  }
0x5e3: {  	v8 =	vld [tilespmem:$0x1FD30]  }
0x5e4: {  	v9 =	vld [tilespmem:$0x1FD40]  }
0x5e5: {  	v10 =	vld [tilespmem:$0x1FD50]  }
0x5e6: {  	v11 =	vld [tilespmem:$0x1FD60]  }
0x5e7: {  	v12 =	vld [tilespmem:$0x1FD70]  }
0x5e8: {  	v13 =	vld [tilespmem:$0x1FD80]  }
0x5e9: {  	v14 =	vld [tilespmem:$0x1FD90]  }
0x5ea: {  	v15 =	vld [tilespmem:$0x1FDA0]  }
0x5eb: {  	v16 =	vld [tilespmem:$0x1FDB0]  }
0x5ec: {  	v17 =	vld [tilespmem:$0x1FDC0]  }
0x5ed: {  	v18 =	vld [tilespmem:$0x1FDD0]  }
0x5ee: {  	v19 =	vld [tilespmem:$0x1FDE0]  }
0x5ef: {  	v20 =	vld [tilespmem:$0x1FDF0]  }
0x5f0: {  	v21 =	vld [tilespmem:$0x1FE00]  }
0x5f1: {  	v22 =	vld [tilespmem:$0x1FE10]  }
0x5f2: {  	v23 =	vld [tilespmem:$0x1FE20]  }
0x5f3: {  	v24 =	vld [tilespmem:$0x1FE30]  }
0x5f4: {  	v25 =	vld [tilespmem:$0x1FE40]  }
0x5f5: {  	v26 =	vld [tilespmem:$0x1FE50]  }
0x5f6: {  	v27 =	vld [tilespmem:$0x1FE60]  }
0x5f7: {  	v28 =	vld [tilespmem:$0x1FE70]  }
0x5f8: {  	v54 =	vld [tilespmem:$0x1FE80]  }
0x5f9: {  	v30 =	vld [tilespmem:$0x1FE90]  }
0x5fa: {  	v31 =	vld [tilespmem:$0x1FEA0]  }
0x5fb: {  	v32 =	vld [tilespmem:$0x1FEB0]  }
0x5fc: {  	v33 =	vld [tilespmem:$0x1FEC0]  }
0x5fd: {  	v34 =	vld [tilespmem:$0x1FED0]  }
0x5fe: {  	v35 =	vld [tilespmem:$0x1FEE0]  }
0x5ff: {  	v36 =	vld [tilespmem:$0x1FEF0]  }
0x600: {  	v37 =	vld [tilespmem:$0x1FF00]  }
0x601: {  	v38 =	vld [tilespmem:$0x1FF10]  }
0x602: {  	v39 =	vld [tilespmem:$0x1FF20]  }
0x603: {  	v40 =	vld [tilespmem:$0x1FF30]  }
0x604: {  	v41 =	vld [tilespmem:$0x1FF40]  }
0x605: {  	v42 =	vld [tilespmem:$0x1FF50]  }
0x606: {  	v43 =	vld [tilespmem:$0x1FF60]  }
0x607: {  	v44 =	vld [tilespmem:$0x1FF70]  }
0x608: {  	v45 =	vld [tilespmem:$0x1FF80]  }
0x609: {  	v46 =	vld [tilespmem:$0x1FF90]  }
0x60a: {  	v47 =	vld [tilespmem:$0x1FFA0]  }
.Ltmp13:
0x60b: {  	v48 =	vld [tilespmem:$0x1FFB0];
	(pc) =	sbr.rel .LBB2_2-.Ltmp13, $4  }
0x60c: {  	v49 =	vld [tilespmem:$0x1FFC0]  }
0x60d: {  	v50 =	vld [tilespmem:$0x1FFD0]  }
0x60e: {  	s5 =	sadd.s32 s21, s14;
	s17 =	sadd.s32 $0x1, s17;
	v51 =	vld [tilespmem:$0x1FFE0]  }
0x60f: {  	v60 =	vmov v59;
	v63 =	vmov v5;
	v59 =	vmov v55;
	v52 =	vld [tilespmem:$0x1FFF0];
	[tilespmem:s26], [sflag:$0x4] =	stream.strided.gather [hbm4b:s5+s22], $0x2000, s23, s22, $0x38  }
.LBB2_20:
0x610: {  	s5 =	rddreg [dreg:$0x8];
	s17 =	simm.s32 $0x5  }
0x611: {  	[hbm4b:s5+s2] =	stream.linear.scatter [tilespmem:s3], [sflag:$0x8], $0x4000, $0x38;
	[tilespmem:$0x18000] =	vst v63  }
0x612: {  	_ =	swait.ge [sflag:s17], $0x4000  }
0x613: {  	[sflag:s17] =	ssyncset.done $0x0  }
0x614: {  	s21 =	simm.s32 $0x6;
	[sflag:s17] =	ssyncadd.s32 $0xFFFFC000  }
0x615: {  	_ =	swait.ge [sflag:s21], $0x4000  }
0x616: {  	[sflag:s21] =	ssyncset.done $0x0  }
0x617: {  	[sflag:s21] =	ssyncadd.s32 $0xFFFFC000  }
0x618: {  	_ =	swait.ge [sflag:s0], $0x4000  }
.Ltmp14:
0x619: {  	[sflag:s0] =	ssyncset.done $0x0;
	(pc) =	sbr.rel @p1 .LBB2_24-.Ltmp14, $4  }
0x61a: {  	[sflag:s0] =	ssyncadd.s32 $0xFFFFC000  }
0x61b: {  	_ =	swait.ge [sflag:s18], $0x4000  }
0x61c: {  	[sflag:s18] =	ssyncset.done $0x0  }
0x61d: {  	s15 =	rddreg [dreg:$0xd];
	[sflag:s18] =	ssyncadd.s32 $0xFFFFC000  }
0x61e: {  	s5 =	simm.s32 $0x0;
	v3 =	vlaneseq.u32  }
0x61f: {  	s6 =	rddreg [dreg:$0x9];
	s17 =	simm.s32 $0x9;
	v0 =	vadd.s32 s5, v3  }
0x620: {  	[tilespmem:s5], [sflag:$0x9] =	stream.strided.gather [hbm4b:s6+s22], $0x2000, s23, s22, $0x38;
	v2 =	vand.u32 $0xF, v0;
	[tilespmem:$0x18000] =	vst v63  }
0x621: {  	_ =	swait.ge [sflag:s17], $0x2000;
	v1 =	vshll.u32 v2, $0x7  }
0x622: {  	v14 =	vmov v57;
	v57 =	vld [tilespmem:$0x1FD20];
	v3 =	vor.u32 v3, v1;
	_ =	sdelay $0x2  }
0x623: {  	[sflag:s17] =	ssyncset.done $0x0  }
0x624: {  	v8 =	vld [tilespmem:$0x1FD30];
	[sflag:s17] =	ssyncadd.s32 $0xFFFFE000  }
0x625: {  	v10 =	vmov v9;
	v9 =	vor.u32 v57, v2;
	v3 =	vld.idx.msk [tilespmem:v3+s2+$0x0], $0xffff;
	_ =	sdelay $0x4  }
0x626: {  	v5 =	vor.u32 v8, v1;
	[tilespmem:v9+s29+$0x0] =	vst.idx.msk $0xffff, v3;
	v9 =	vld [tilespmem:$0x1FD40]  }
0x627: {  	v6 =	vmovc v55;
	v55 =	vmov v62;
	v62 =	vmov v53;
	v53 =	vmov v10;
	v10 =	vld [tilespmem:$0x1FD50];
	_ =	sdelay $0x3  }
0x628: {  	v3 =	vld.idx.msk [tilespmem:v5+s2+$0x0], $0xffff;
	v4 =	vor.u32 v9, v2  }
0x629: {  	v11 =	vld [tilespmem:$0x1FD60];
	v5 =	vor.u32 v10, v1  }
0x62a: {  	v12 =	vld [tilespmem:$0x1FD70];
	_ =	sdelay $0x2  }
0x62b: {  	[tilespmem:v4+s29+$0x0] =	vst.idx.msk $0xffff, v3  }
0x62c: {  	v4 =	vor.u32 v11, v2;
	v3 =	vld.idx.msk [tilespmem:v5+s2+$0x0], $0xffff  }
0x62d: {  	v13 =	vld [tilespmem:$0x1FD80];
	v5 =	vor.u32 v12, v1  }
0x62e: {  	v7 =	vmov v59;
	v59 =	vmov v14;
	v14 =	vld [tilespmem:$0x1FD90];
	_ =	sdelay $0x2  }
0x62f: {  	[tilespmem:v4+s29+$0x0] =	vst.idx.msk $0xffff, v3  }
0x630: {  	v4 =	vor.u32 v13, v2;
	v3 =	vld.idx.msk [tilespmem:v5+s2+$0x0], $0xffff  }
0x631: {  	v15 =	vld [tilespmem:$0x1FDA0];
	v5 =	vor.u32 v14, v1  }
0x632: {  	v16 =	vld [tilespmem:$0x1FDB0];
	_ =	sdelay $0x2  }
0x633: {  	[tilespmem:v4+s29+$0x0] =	vst.idx.msk $0xffff, v3  }
0x634: {  	v4 =	vor.u32 v15, v2;
	v3 =	vld.idx.msk [tilespmem:v5+s2+$0x0], $0xffff  }
0x635: {  	v17 =	vld [tilespmem:$0x1FDC0];
	v5 =	vor.u32 v16, v1  }
0x636: {  	v18 =	vld [tilespmem:$0x1FDD0];
	_ =	sdelay $0x2  }
0x637: {  	[tilespmem:v4+s29+$0x0] =	vst.idx.msk $0xffff, v3  }
0x638: {  	v4 =	vor.u32 v17, v2;
	v3 =	vld.idx.msk [tilespmem:v5+s2+$0x0], $0xffff  }
0x639: {  	v19 =	vld [tilespmem:$0x1FDE0];
	v5 =	vor.u32 v18, v1  }
0x63a: {  	v20 =	vld [tilespmem:$0x1FDF0];
	_ =	sdelay $0x2  }
0x63b: {  	[tilespmem:v4+s29+$0x0] =	vst.idx.msk $0xffff, v3  }
0x63c: {  	v4 =	vor.u32 v19, v2;
	v3 =	vld.idx.msk [tilespmem:v5+s2+$0x0], $0xffff  }
0x63d: {  	v21 =	vld [tilespmem:$0x1FE00];
	v5 =	vor.u32 v20, v1  }
0x63e: {  	v22 =	vld [tilespmem:$0x1FE10];
	_ =	sdelay $0x2  }
0x63f: {  	[tilespmem:v4+s29+$0x0] =	vst.idx.msk $0xffff, v3  }
0x640: {  	v4 =	vor.u32 v21, v2;
	v3 =	vld.idx.msk [tilespmem:v5+s2+$0x0], $0xffff  }
0x641: {  	v23 =	vld [tilespmem:$0x1FE20];
	v5 =	vor.u32 v22, v1  }
0x642: {  	v24 =	vld [tilespmem:$0x1FE30];
	_ =	sdelay $0x2  }
0x643: {  	[tilespmem:v4+s29+$0x0] =	vst.idx.msk $0xffff, v3  }
0x644: {  	v4 =	vor.u32 v23, v0;
	v3 =	vld.idx.msk [tilespmem:v5+s2+$0x0], $0xffff  }
0x645: {  	v25 =	vld [tilespmem:$0x1FE40];
	v5 =	vor.u32 v24, v1  }
0x646: {  	v26 =	vld [tilespmem:$0x1FE50];
	_ =	sdelay $0x2  }
0x647: {  	[tilespmem:v4+s29+$0x0] =	vst.idx.msk $0xffff, v3  }
0x648: {  	v4 =	vor.u32 v25, v0;
	v3 =	vld.idx.msk [tilespmem:v5+s2+$0x0], $0xffff  }
0x649: {  	v27 =	vld [tilespmem:$0x1FE60];
	v5 =	vor.u32 v26, v1  }
0x64a: {  	v28 =	vld [tilespmem:$0x1FE70];
	_ =	sdelay $0x2  }
0x64b: {  	[tilespmem:v4+s29+$0x0] =	vst.idx.msk $0xffff, v3  }
0x64c: {  	v4 =	vor.u32 v27, v0;
	v3 =	vld.idx.msk [tilespmem:v5+s2+$0x0], $0xffff  }
0x64d: {  	v29 =	vld [tilespmem:$0x1FE80];
	v5 =	vor.u32 v28, v1  }
0x64e: {  	v30 =	vld [tilespmem:$0x1FE90];
	_ =	sdelay $0x2  }
0x64f: {  	[tilespmem:v4+s29+$0x0] =	vst.idx.msk $0xffff, v3  }
0x650: {  	v4 =	vor.u32 v29, v0;
	v3 =	vld.idx.msk [tilespmem:v5+s2+$0x0], $0xffff  }
0x651: {  	v31 =	vld [tilespmem:$0x1FEA0];
	v5 =	vor.u32 v30, v1  }
0x652: {  	v32 =	vld [tilespmem:$0x1FEB0];
	_ =	sdelay $0x2  }
0x653: {  	[tilespmem:v4+s29+$0x0] =	vst.idx.msk $0xffff, v3  }
0x654: {  	v4 =	vor.u32 v31, v0;
	v3 =	vld.idx.msk [tilespmem:v5+s2+$0x0], $0xffff  }
0x655: {  	v33 =	vld [tilespmem:$0x1FEC0];
	v5 =	vor.u32 v32, v1  }
0x656: {  	v34 =	vld [tilespmem:$0x1FED0];
	_ =	sdelay $0x2  }
0x657: {  	[tilespmem:v4+s29+$0x0] =	vst.idx.msk $0xffff, v3  }
0x658: {  	v4 =	vor.u32 v33, v0;
	v3 =	vld.idx.msk [tilespmem:v5+s2+$0x0], $0xffff  }
0x659: {  	v35 =	vld [tilespmem:$0x1FEE0];
	v5 =	vor.u32 v34, v1  }
0x65a: {  	v36 =	vld [tilespmem:$0x1FEF0];
	_ =	sdelay $0x2  }
0x65b: {  	[tilespmem:v4+s29+$0x0] =	vst.idx.msk $0xffff, v3  }
0x65c: {  	v4 =	vor.u32 v35, v0;
	v3 =	vld.idx.msk [tilespmem:v5+s2+$0x0], $0xffff  }
0x65d: {  	v37 =	vld [tilespmem:$0x1FF00];
	v5 =	vor.u32 v36, v1  }
0x65e: {  	v38 =	vld [tilespmem:$0x1FF10];
	_ =	sdelay $0x2  }
0x65f: {  	[tilespmem:v4+s29+$0x0] =	vst.idx.msk $0xffff, v3  }
0x660: {  	v4 =	vor.u32 v37, v0;
	v3 =	vld.idx.msk [tilespmem:v5+s2+$0x0], $0xffff  }
0x661: {  	v39 =	vld [tilespmem:$0x1FF20];
	v5 =	vor.u32 v38, v1  }
0x662: {  	v40 =	vld [tilespmem:$0x1FF30];
	_ =	sdelay $0x2  }
0x663: {  	[tilespmem:v4+s29+$0x0] =	vst.idx.msk $0xffff, v3  }
0x664: {  	v4 =	vor.u32 v39, v2;
	v3 =	vld.idx.msk [tilespmem:v5+s2+$0x0], $0xffff  }
0x665: {  	v41 =	vld [tilespmem:$0x1FF40];
	v5 =	vor.u32 v40, v1  }
0x666: {  	v42 =	vld [tilespmem:$0x1FF50];
	_ =	sdelay $0x2  }
0x667: {  	[tilespmem:v4+s29+$0x0] =	vst.idx.msk $0xffff, v3  }
0x668: {  	v4 =	vor.u32 v41, v2;
	v3 =	vld.idx.msk [tilespmem:v5+s2+$0x0], $0xffff  }
0x669: {  	v43 =	vld [tilespmem:$0x1FF60];
	v5 =	vor.u32 v42, v1  }
0x66a: {  	v44 =	vld [tilespmem:$0x1FF70];
	_ =	sdelay $0x2  }
0x66b: {  	[tilespmem:v4+s29+$0x0] =	vst.idx.msk $0xffff, v3  }
0x66c: {  	v4 =	vor.u32 v43, v2;
	v3 =	vld.idx.msk [tilespmem:v5+s2+$0x0], $0xffff  }
0x66d: {  	v45 =	vld [tilespmem:$0x1FF80];
	v5 =	vor.u32 v44, v1  }
0x66e: {  	v46 =	vld [tilespmem:$0x1FF90];
	_ =	sdelay $0x2  }
0x66f: {  	[tilespmem:v4+s29+$0x0] =	vst.idx.msk $0xffff, v3  }
0x670: {  	v4 =	vor.u32 v45, v2;
	v3 =	vld.idx.msk [tilespmem:v5+s2+$0x0], $0xffff  }
0x671: {  	v47 =	vld [tilespmem:$0x1FFA0];
	v5 =	vor.u32 v46, v1  }
0x672: {  	v48 =	vld [tilespmem:$0x1FFB0];
	_ =	sdelay $0x2  }
0x673: {  	[tilespmem:v4+s29+$0x0] =	vst.idx.msk $0xffff, v3  }
0x674: {  	v4 =	vor.u32 v47, v2;
	v3 =	vld.idx.msk [tilespmem:v5+s2+$0x0], $0xffff  }
0x675: {  	v49 =	vld [tilespmem:$0x1FFC0];
	v5 =	vor.u32 v48, v1  }
0x676: {  	v50 =	vld [tilespmem:$0x1FFD0];
	_ =	sdelay $0x2  }
0x677: {  	[tilespmem:v4+s29+$0x0] =	vst.idx.msk $0xffff, v3  }
0x678: {  	v4 =	vor.u32 v49, v2;
	v3 =	vld.idx.msk [tilespmem:v5+s2+$0x0], $0xffff  }
0x679: {  	v51 =	vld [tilespmem:$0x1FFE0];
	v5 =	vor.u32 v50, v1  }
0x67a: {  	v52 =	vld [tilespmem:$0x1FFF0];
	_ =	sdelay $0x2  }
0x67b: {  	[tilespmem:v4+s29+$0x0] =	vst.idx.msk $0xffff, v3  }
0x67c: {  	v4 =	vor.u32 v51, v2;
	v3 =	vld.idx.msk [tilespmem:v5+s2+$0x0], $0xffff  }
0x67d: {  	v5 =	vor.u32 v52, v1;
	_ =	sdelay $0x3  }
0x67e: {  	[tilespmem:v4+s29+$0x0] =	vst.idx.msk $0xffff, v3  }
0x67f: {  	v2 =	vor.u32 v6, v2;
	v3 =	vld.idx.msk [tilespmem:v5+s2+$0x0], $0xffff  }
0x680: {  	v4 =	vor.u32 v58, v1;
	_ =	sdelay $0x3  }
0x681: {  	[tilespmem:v2+s29+$0x0] =	vst.idx.msk $0xffff, v3  }
0x682: {  	v3 =	vor.u32 v61, v0;
	v2 =	vld.idx.msk [tilespmem:v4+s2+$0x0], $0xffff  }
0x683: {  	v4 =	vor.u32 v55, v1;
	_ =	sdelay $0x3  }
0x684: {  	[tilespmem:v3+s29+$0x0] =	vst.idx.msk $0xffff, v2  }
0x685: {  	v3 =	vor.u32 v62, v0;
	v2 =	vld.idx.msk [tilespmem:v4+s2+$0x0], $0xffff;
	_ =	sdelay $0x4  }
0x686: {  	v4 =	vor.u32 v54, v1;
	[tilespmem:v3+s29+$0x0] =	vst.idx.msk $0xffff, v2;
	v3 =	vld [tilespmem:$0x1FC80];
	_ =	sdelay $0x4  }
0x687: {  	v60 =	vmovc v58;
	v58 =	vmovc v61;
	v61 =	vmov v55;
	v2 =	vld.idx.msk [tilespmem:v4+s2+$0x0], $0xffff;
	v55 =	vmov v3;
	v3 =	vor.u32 v3, v0  }
0x688: {  	v4 =	vor.u32 v7, v1;
	_ =	sdelay $0x3  }
0x689: {  	[tilespmem:v3+s29+$0x0] =	vst.idx.msk $0xffff, v2  }
0x68a: {  	v2 =	vld.idx.msk [tilespmem:v4+s2+$0x0], $0xffff  }
0x68b: {  	v3 =	vor.u32 v59, v0;
	v4 =	vld [tilespmem:$0x1FCB0];
	_ =	sdelay $0x4  }
0x68c: {  	v4 =	vor.u32 v4, v1;
	[tilespmem:v3+s29+$0x0] =	vst.idx.msk $0xffff, v2;
	v3 =	vld [tilespmem:$0x1FCC0];
	_ =	sdelay $0x4  }
0x68d: {  	v2 =	vld.idx.msk [tilespmem:v4+s2+$0x0], $0xffff;
	v3 =	vor.u32 v3, v0;
	_ =	sdelay $0x4  }
0x68e: {  	v4 =	vor.u32 v53, v1;
	[tilespmem:v3+s29+$0x0] =	vst.idx.msk $0xffff, v2;
	v3 =	vld [tilespmem:$0x1FCE0]  }
0x68f: {  	v63 =	vmov v54;
	v54 =	vld [tilespmem:$0x1FCF0];
	_ =	sdelay $0x3  }
0x690: {  	v2 =	vld.idx.msk [tilespmem:v4+s2+$0x0], $0xffff;
	v3 =	vor.u32 v3, v0  }
0x691: {  	v53 =	vld [tilespmem:$0x1FD00];
	v4 =	vor.u32 v54, v1;
	_ =	sdelay $0x3  }
0x692: {  	[tilespmem:v3+s29+$0x0] =	vst.idx.msk $0xffff, v2  }
0x693: {  	v3 =	vor.u32 v53, v0;
	v2 =	vld.idx.msk [tilespmem:v4+s2+$0x0], $0xffff;
	_ =	sdelay $0x4  }
0x694: {  	[tilespmem:v3+s29+$0x0] =	vst.idx.msk $0xffff, v2;
	v2 =	vld [tilespmem:$0x1FD10];
	_ =	sdelay $0x4  }
0x695: {  	s21 =	simm.s32 $0x1;
	v7 =	vmov v2;
	v1 =	vor.u32 v2, v1;
	v2 =	vlaneseq.u32  }
0x696: {  	v56 =	vmov v6;
	s5 =	simm.s32 $0x2;
	v59 =	vld [tilespmem:$0x1FC10];
	v3 =	vadd.s32 s21, v2  }
.LBB2_22:
0x697: {  	_ =	sdelay $0x2  }
0x698: {  	v2 =	vand.u32 $0xF, v3  }
0x699: {  	v4 =	vld.idx.msk [tilespmem:v1+s2+$0x0], $0xffff;
	v5 =	vor.u32 v59, v0;
	v6 =	vlaneseq.u32;
	v1 =	vshll.u32 v2, $0x7  }
0x69a: {  	v0 =	vmov v3;
	v3 =	vor.u32 v6, v1;
	_ =	sdelay $0x3  }
0x69b: {  	[tilespmem:v5+s29+$0x0] =	vst.idx.msk $0xffff, v4  }
0x69c: {  	v4 =	vor.u32 v57, v2;
	v3 =	vld.idx.msk [tilespmem:v3+s2+$0x0], $0xffff  }
0x69d: {  	v5 =	vor.u32 v8, v1;
	_ =	sdelay $0x3  }
0x69e: {  	[tilespmem:v4+s29+$0x0] =	vst.idx.msk $0xffff, v3  }
0x69f: {  	v4 =	vor.u32 v9, v2;
	v3 =	vld.idx.msk [tilespmem:v5+s2+$0x0], $0xffff  }
0x6a0: {  	v5 =	vor.u32 v10, v1;
	_ =	sdelay $0x3  }
0x6a1: {  	[tilespmem:v4+s29+$0x0] =	vst.idx.msk $0xffff, v3  }
0x6a2: {  	v4 =	vor.u32 v11, v2;
	v3 =	vld.idx.msk [tilespmem:v5+s2+$0x0], $0xffff  }
0x6a3: {  	v5 =	vor.u32 v12, v1;
	_ =	sdelay $0x3  }
0x6a4: {  	[tilespmem:v4+s29+$0x0] =	vst.idx.msk $0xffff, v3  }
0x6a5: {  	v4 =	vor.u32 v13, v2;
	v3 =	vld.idx.msk [tilespmem:v5+s2+$0x0], $0xffff  }
0x6a6: {  	v5 =	vor.u32 v14, v1;
	_ =	sdelay $0x3  }
0x6a7: {  	[tilespmem:v4+s29+$0x0] =	vst.idx.msk $0xffff, v3  }
0x6a8: {  	v4 =	vor.u32 v15, v2;
	v3 =	vld.idx.msk [tilespmem:v5+s2+$0x0], $0xffff  }
0x6a9: {  	v5 =	vor.u32 v16, v1;
	_ =	sdelay $0x3  }
0x6aa: {  	[tilespmem:v4+s29+$0x0] =	vst.idx.msk $0xffff, v3  }
0x6ab: {  	v4 =	vor.u32 v17, v2;
	v3 =	vld.idx.msk [tilespmem:v5+s2+$0x0], $0xffff  }
0x6ac: {  	v5 =	vor.u32 v18, v1;
	_ =	sdelay $0x3  }
0x6ad: {  	[tilespmem:v4+s29+$0x0] =	vst.idx.msk $0xffff, v3  }
0x6ae: {  	v4 =	vor.u32 v19, v2;
	v3 =	vld.idx.msk [tilespmem:v5+s2+$0x0], $0xffff  }
0x6af: {  	v5 =	vor.u32 v20, v1;
	_ =	sdelay $0x3  }
0x6b0: {  	[tilespmem:v4+s29+$0x0] =	vst.idx.msk $0xffff, v3  }
0x6b1: {  	v4 =	vor.u32 v21, v2;
	v3 =	vld.idx.msk [tilespmem:v5+s2+$0x0], $0xffff  }
0x6b2: {  	v5 =	vor.u32 v22, v1;
	_ =	sdelay $0x3  }
0x6b3: {  	[tilespmem:v4+s29+$0x0] =	vst.idx.msk $0xffff, v3  }
0x6b4: {  	v4 =	vor.u32 v23, v0;
	v3 =	vld.idx.msk [tilespmem:v5+s2+$0x0], $0xffff  }
0x6b5: {  	v5 =	vor.u32 v24, v1;
	_ =	sdelay $0x3  }
0x6b6: {  	[tilespmem:v4+s29+$0x0] =	vst.idx.msk $0xffff, v3  }
0x6b7: {  	v4 =	vor.u32 v25, v0;
	v3 =	vld.idx.msk [tilespmem:v5+s2+$0x0], $0xffff  }
0x6b8: {  	v5 =	vor.u32 v26, v1;
	_ =	sdelay $0x3  }
0x6b9: {  	[tilespmem:v4+s29+$0x0] =	vst.idx.msk $0xffff, v3  }
0x6ba: {  	v4 =	vor.u32 v27, v0;
	v3 =	vld.idx.msk [tilespmem:v5+s2+$0x0], $0xffff  }
0x6bb: {  	v5 =	vor.u32 v28, v1;
	_ =	sdelay $0x3  }
0x6bc: {  	[tilespmem:v4+s29+$0x0] =	vst.idx.msk $0xffff, v3  }
0x6bd: {  	v4 =	vor.u32 v29, v0;
	v3 =	vld.idx.msk [tilespmem:v5+s2+$0x0], $0xffff  }
0x6be: {  	v5 =	vor.u32 v30, v1;
	_ =	sdelay $0x3  }
0x6bf: {  	[tilespmem:v4+s29+$0x0] =	vst.idx.msk $0xffff, v3  }
0x6c0: {  	v4 =	vor.u32 v31, v0;
	v3 =	vld.idx.msk [tilespmem:v5+s2+$0x0], $0xffff  }
0x6c1: {  	v5 =	vor.u32 v32, v1;
	_ =	sdelay $0x3  }
0x6c2: {  	[tilespmem:v4+s29+$0x0] =	vst.idx.msk $0xffff, v3  }
0x6c3: {  	v4 =	vor.u32 v33, v0;
	v3 =	vld.idx.msk [tilespmem:v5+s2+$0x0], $0xffff  }
0x6c4: {  	v5 =	vor.u32 v34, v1;
	_ =	sdelay $0x3  }
0x6c5: {  	[tilespmem:v4+s29+$0x0] =	vst.idx.msk $0xffff, v3  }
0x6c6: {  	v4 =	vor.u32 v35, v0;
	v3 =	vld.idx.msk [tilespmem:v5+s2+$0x0], $0xffff  }
0x6c7: {  	v5 =	vor.u32 v36, v1;
	_ =	sdelay $0x3  }
0x6c8: {  	[tilespmem:v4+s29+$0x0] =	vst.idx.msk $0xffff, v3  }
0x6c9: {  	v4 =	vor.u32 v37, v0;
	v3 =	vld.idx.msk [tilespmem:v5+s2+$0x0], $0xffff  }
0x6ca: {  	v5 =	vor.u32 v38, v1;
	_ =	sdelay $0x3  }
0x6cb: {  	[tilespmem:v4+s29+$0x0] =	vst.idx.msk $0xffff, v3  }
0x6cc: {  	v4 =	vor.u32 v39, v2;
	v3 =	vld.idx.msk [tilespmem:v5+s2+$0x0], $0xffff  }
0x6cd: {  	v5 =	vor.u32 v40, v1;
	_ =	sdelay $0x3  }
0x6ce: {  	[tilespmem:v4+s29+$0x0] =	vst.idx.msk $0xffff, v3  }
0x6cf: {  	v4 =	vor.u32 v41, v2;
	v3 =	vld.idx.msk [tilespmem:v5+s2+$0x0], $0xffff  }
0x6d0: {  	v5 =	vor.u32 v42, v1;
	_ =	sdelay $0x3  }
0x6d1: {  	[tilespmem:v4+s29+$0x0] =	vst.idx.msk $0xffff, v3  }
0x6d2: {  	v4 =	vor.u32 v43, v2;
	v3 =	vld.idx.msk [tilespmem:v5+s2+$0x0], $0xffff  }
0x6d3: {  	v5 =	vor.u32 v44, v1;
	_ =	sdelay $0x3  }
0x6d4: {  	[tilespmem:v4+s29+$0x0] =	vst.idx.msk $0xffff, v3  }
0x6d5: {  	v4 =	vor.u32 v45, v2;
	v3 =	vld.idx.msk [tilespmem:v5+s2+$0x0], $0xffff  }
0x6d6: {  	v5 =	vor.u32 v46, v1;
	_ =	sdelay $0x3  }
0x6d7: {  	[tilespmem:v4+s29+$0x0] =	vst.idx.msk $0xffff, v3  }
0x6d8: {  	v4 =	vor.u32 v47, v2;
	v3 =	vld.idx.msk [tilespmem:v5+s2+$0x0], $0xffff  }
0x6d9: {  	v5 =	vor.u32 v48, v1;
	_ =	sdelay $0x3  }
0x6da: {  	[tilespmem:v4+s29+$0x0] =	vst.idx.msk $0xffff, v3  }
0x6db: {  	v4 =	vor.u32 v49, v2;
	v3 =	vld.idx.msk [tilespmem:v5+s2+$0x0], $0xffff  }
0x6dc: {  	v5 =	vor.u32 v50, v1;
	_ =	sdelay $0x3  }
0x6dd: {  	[tilespmem:v4+s29+$0x0] =	vst.idx.msk $0xffff, v3  }
0x6de: {  	v4 =	vor.u32 v51, v2;
	v3 =	vld.idx.msk [tilespmem:v5+s2+$0x0], $0xffff  }
0x6df: {  	v5 =	vor.u32 v52, v1;
	_ =	sdelay $0x3  }
0x6e0: {  	[tilespmem:v4+s29+$0x0] =	vst.idx.msk $0xffff, v3  }
0x6e1: {  	v2 =	vor.u32 v56, v2;
	v3 =	vld.idx.msk [tilespmem:v5+s2+$0x0], $0xffff  }
0x6e2: {  	v4 =	vor.u32 v60, v1;
	_ =	sdelay $0x3  }
0x6e3: {  	[tilespmem:v2+s29+$0x0] =	vst.idx.msk $0xffff, v3  }
0x6e4: {  	v3 =	vor.u32 v58, v0;
	v2 =	vld.idx.msk [tilespmem:v4+s2+$0x0], $0xffff  }
0x6e5: {  	v4 =	vor.u32 v61, v1;
	_ =	sdelay $0x3  }
0x6e6: {  	[tilespmem:v3+s29+$0x0] =	vst.idx.msk $0xffff, v2  }
0x6e7: {  	v3 =	vor.u32 v62, v0;
	v2 =	vld.idx.msk [tilespmem:v4+s2+$0x0], $0xffff  }
0x6e8: {  	v4 =	vor.u32 v63, v1;
	_ =	sdelay $0x3  }
0x6e9: {  	[tilespmem:v3+s29+$0x0] =	vst.idx.msk $0xffff, v2  }
0x6ea: {  	v2 =	vld.idx.msk [tilespmem:v4+s2+$0x0], $0xffff  }
0x6eb: {  	v4 =	vld [tilespmem:$0x1FC90];
	_ =	sdelay $0x1  }
0x6ec: {  	v3 =	vor.u32 v55, v0;
	_ =	sdelay $0x2  }
0x6ed: {  	v4 =	vor.u32 v4, v1;
	_ =	sdelay $0x1  }
0x6ee: {  	[tilespmem:v3+s29+$0x0] =	vst.idx.msk $0xffff, v2;
	v3 =	vld [tilespmem:$0x1FCA0];
	_ =	sdelay $0x2  }
0x6ef: {  	v2 =	vld.idx.msk [tilespmem:v4+s2+$0x0], $0xffff  }
0x6f0: {  	v4 =	vld [tilespmem:$0x1FCB0]  }
0x6f1: {  	v3 =	vor.u32 v3, v0;
	_ =	sdelay $0x3  }
0x6f2: {  	v4 =	vor.u32 v4, v1  }
0x6f3: {  	[tilespmem:v3+s29+$0x0] =	vst.idx.msk $0xffff, v2;
	v3 =	vld [tilespmem:$0x1FCC0];
	_ =	sdelay $0x3  }
0x6f4: {  	v2 =	vld.idx.msk [tilespmem:v4+s2+$0x0], $0xffff  }
0x6f5: {  	v3 =	vor.u32 v3, v0;
	v4 =	vld [tilespmem:$0x1FCD0];
	_ =	sdelay $0x4  }
0x6f6: {  	v4 =	vor.u32 v4, v1;
	[tilespmem:v3+s29+$0x0] =	vst.idx.msk $0xffff, v2;
	v3 =	vld [tilespmem:$0x1FCE0];
	_ =	sdelay $0x4  }
0x6f7: {  	v2 =	vld.idx.msk [tilespmem:v4+s2+$0x0], $0xffff;
	v3 =	vor.u32 v3, v0  }
0x6f8: {  	v4 =	vor.u32 v54, v1;
	_ =	sdelay $0x3  }
0x6f9: {  	[tilespmem:v3+s29+$0x0] =	vst.idx.msk $0xffff, v2  }
0x6fa: {  	p2 =	sne.s32 s5, $0xF;
	v2 =	vld.idx.msk [tilespmem:v4+s2+$0x0], $0xffff;
	v4 =	vor.u32 v53, v0  }
.Ltmp15:
0x6fb: {  	_ = 	snop;
	(pc) =	sbr.rel @p2 .LBB2_22-.Ltmp15, $2  }
0x6fc: {  	_ =	sdelay $0x2  }
0x6fd: {  	v5 =	vlaneseq.u32;
	v1 =	vor.u32 v7, v1;
	v3 =	vadd.s32 s5, v6;
	s5 =	sadd.s32 $0x1, s5;
	[tilespmem:v4+s29+$0x0] =	vst.idx.msk $0xffff, v2  }
0x6fe: {  	_ =	sdelay $0x2  }
0x6ff: {  	v2 =	vand.u32 $0xF, v3  }
0x700: {  	v1 =	vld.idx.msk [tilespmem:v1+s2+$0x0], $0xffff;
	v0 =	vor.u32 v59, v0;
	v4 =	vshll.u32 v2, $0x7  }
0x701: {  	v5 =	vor.u32 v5, v4;
	_ =	sdelay $0x3  }
0x702: {  	[tilespmem:v0+s29+$0x0] =	vst.idx.msk $0xffff, v1  }
0x703: {  	v57 =	vor.u32 v57, v2;
	v0 =	vld.idx.msk [tilespmem:v5+s2+$0x0], $0xffff  }
0x704: {  	v5 =	vor.u32 v8, v4;
	_ =	sdelay $0x3  }
0x705: {  	[tilespmem:v57+s29+$0x0] =	vst.idx.msk $0xffff, v0  }
0x706: {  	v9 =	vor.u32 v9, v2;
	v0 =	vld.idx.msk [tilespmem:v5+s2+$0x0], $0xffff  }
0x707: {  	v5 =	vor.u32 v10, v4;
	_ =	sdelay $0x3  }
0x708: {  	[tilespmem:v9+s29+$0x0] =	vst.idx.msk $0xffff, v0  }
0x709: {  	v11 =	vor.u32 v11, v2;
	v0 =	vld.idx.msk [tilespmem:v5+s2+$0x0], $0xffff  }
0x70a: {  	v5 =	vor.u32 v12, v4;
	_ =	sdelay $0x3  }
0x70b: {  	[tilespmem:v11+s29+$0x0] =	vst.idx.msk $0xffff, v0  }
0x70c: {  	v13 =	vor.u32 v13, v2;
	v0 =	vld.idx.msk [tilespmem:v5+s2+$0x0], $0xffff  }
0x70d: {  	v5 =	vor.u32 v14, v4;
	_ =	sdelay $0x3  }
0x70e: {  	[tilespmem:v13+s29+$0x0] =	vst.idx.msk $0xffff, v0  }
0x70f: {  	v14 =	vor.u32 v15, v2;
	v0 =	vld.idx.msk [tilespmem:v5+s2+$0x0], $0xffff  }
0x710: {  	v5 =	vor.u32 v16, v4;
	_ =	sdelay $0x3  }
0x711: {  	[tilespmem:v14+s29+$0x0] =	vst.idx.msk $0xffff, v0  }
0x712: {  	v15 =	vor.u32 v17, v2;
	v0 =	vld.idx.msk [tilespmem:v5+s2+$0x0], $0xffff  }
0x713: {  	v5 =	vor.u32 v18, v4;
	_ =	sdelay $0x3  }
0x714: {  	[tilespmem:v15+s29+$0x0] =	vst.idx.msk $0xffff, v0  }
0x715: {  	v16 =	vor.u32 v19, v2;
	v0 =	vld.idx.msk [tilespmem:v5+s2+$0x0], $0xffff  }
0x716: {  	v5 =	vor.u32 v20, v4;
	_ =	sdelay $0x3  }
0x717: {  	[tilespmem:v16+s29+$0x0] =	vst.idx.msk $0xffff, v0  }
0x718: {  	v17 =	vor.u32 v21, v2;
	v0 =	vld.idx.msk [tilespmem:v5+s2+$0x0], $0xffff  }
0x719: {  	v5 =	vor.u32 v22, v4;
	_ =	sdelay $0x3  }
0x71a: {  	[tilespmem:v17+s29+$0x0] =	vst.idx.msk $0xffff, v0  }
0x71b: {  	v18 =	vor.u32 v23, v3;
	v0 =	vld.idx.msk [tilespmem:v5+s2+$0x0], $0xffff  }
0x71c: {  	v5 =	vor.u32 v24, v4;
	_ =	sdelay $0x3  }
0x71d: {  	[tilespmem:v18+s29+$0x0] =	vst.idx.msk $0xffff, v0  }
0x71e: {  	v19 =	vor.u32 v25, v3;
	v0 =	vld.idx.msk [tilespmem:v5+s2+$0x0], $0xffff  }
0x71f: {  	v5 =	vor.u32 v26, v4;
	_ =	sdelay $0x3  }
0x720: {  	[tilespmem:v19+s29+$0x0] =	vst.idx.msk $0xffff, v0  }
0x721: {  	v20 =	vor.u32 v27, v3;
	v0 =	vld.idx.msk [tilespmem:v5+s2+$0x0], $0xffff  }
0x722: {  	v5 =	vor.u32 v28, v4;
	_ =	sdelay $0x3  }
0x723: {  	[tilespmem:v20+s29+$0x0] =	vst.idx.msk $0xffff, v0  }
0x724: {  	v21 =	vor.u32 v29, v3;
	v0 =	vld.idx.msk [tilespmem:v5+s2+$0x0], $0xffff  }
0x725: {  	v5 =	vor.u32 v30, v4;
	_ =	sdelay $0x3  }
0x726: {  	[tilespmem:v21+s29+$0x0] =	vst.idx.msk $0xffff, v0  }
0x727: {  	v22 =	vor.u32 v31, v3;
	v0 =	vld.idx.msk [tilespmem:v5+s2+$0x0], $0xffff  }
0x728: {  	v5 =	vor.u32 v32, v4;
	_ =	sdelay $0x3  }
0x729: {  	[tilespmem:v22+s29+$0x0] =	vst.idx.msk $0xffff, v0  }
0x72a: {  	v23 =	vor.u32 v33, v3;
	v0 =	vld.idx.msk [tilespmem:v5+s2+$0x0], $0xffff  }
0x72b: {  	v5 =	vor.u32 v34, v4;
	_ =	sdelay $0x3  }
0x72c: {  	[tilespmem:v23+s29+$0x0] =	vst.idx.msk $0xffff, v0  }
0x72d: {  	v24 =	vor.u32 v35, v3;
	v0 =	vld.idx.msk [tilespmem:v5+s2+$0x0], $0xffff  }
0x72e: {  	v5 =	vor.u32 v36, v4;
	_ =	sdelay $0x3  }
0x72f: {  	[tilespmem:v24+s29+$0x0] =	vst.idx.msk $0xffff, v0  }
0x730: {  	v25 =	vor.u32 v37, v3;
	v0 =	vld.idx.msk [tilespmem:v5+s2+$0x0], $0xffff  }
0x731: {  	v5 =	vor.u32 v38, v4;
	_ =	sdelay $0x3  }
0x732: {  	[tilespmem:v25+s29+$0x0] =	vst.idx.msk $0xffff, v0  }
0x733: {  	v26 =	vor.u32 v39, v2;
	v0 =	vld.idx.msk [tilespmem:v5+s2+$0x0], $0xffff  }
0x734: {  	v5 =	vor.u32 v40, v4;
	_ =	sdelay $0x3  }
0x735: {  	[tilespmem:v26+s29+$0x0] =	vst.idx.msk $0xffff, v0  }
0x736: {  	v27 =	vor.u32 v41, v2;
	v0 =	vld.idx.msk [tilespmem:v5+s2+$0x0], $0xffff  }
0x737: {  	v5 =	vor.u32 v42, v4;
	_ =	sdelay $0x3  }
0x738: {  	[tilespmem:v27+s29+$0x0] =	vst.idx.msk $0xffff, v0  }
0x739: {  	v28 =	vor.u32 v43, v2;
	v0 =	vld.idx.msk [tilespmem:v5+s2+$0x0], $0xffff  }
0x73a: {  	v5 =	vor.u32 v44, v4;
	_ =	sdelay $0x3  }
0x73b: {  	[tilespmem:v28+s29+$0x0] =	vst.idx.msk $0xffff, v0  }
0x73c: {  	v29 =	vor.u32 v45, v2;
	v0 =	vld.idx.msk [tilespmem:v5+s2+$0x0], $0xffff  }
0x73d: {  	v5 =	vor.u32 v46, v4;
	_ =	sdelay $0x3  }
0x73e: {  	[tilespmem:v29+s29+$0x0] =	vst.idx.msk $0xffff, v0  }
0x73f: {  	v30 =	vor.u32 v47, v2;
	v0 =	vld.idx.msk [tilespmem:v5+s2+$0x0], $0xffff  }
0x740: {  	v5 =	vor.u32 v48, v4;
	_ =	sdelay $0x3  }
0x741: {  	[tilespmem:v30+s29+$0x0] =	vst.idx.msk $0xffff, v0  }
0x742: {  	v31 =	vor.u32 v49, v2;
	v0 =	vld.idx.msk [tilespmem:v5+s2+$0x0], $0xffff  }
0x743: {  	v5 =	vor.u32 v50, v4;
	_ =	sdelay $0x3  }
0x744: {  	[tilespmem:v31+s29+$0x0] =	vst.idx.msk $0xffff, v0  }
0x745: {  	v32 =	vor.u32 v51, v2;
	v0 =	vld.idx.msk [tilespmem:v5+s2+$0x0], $0xffff  }
0x746: {  	v5 =	vor.u32 v52, v4;
	_ =	sdelay $0x3  }
0x747: {  	[tilespmem:v32+s29+$0x0] =	vst.idx.msk $0xffff, v0  }
0x748: {  	v33 =	vor.u32 v56, v2;
	v0 =	vld.idx.msk [tilespmem:v5+s2+$0x0], $0xffff  }
0x749: {  	v34 =	vor.u32 v60, v4;
	_ =	sdelay $0x3  }
0x74a: {  	[tilespmem:v33+s29+$0x0] =	vst.idx.msk $0xffff, v0  }
0x74b: {  	v35 =	vor.u32 v58, v3;
	v0 =	vld.idx.msk [tilespmem:v34+s2+$0x0], $0xffff  }
0x74c: {  	v36 =	vor.u32 v61, v4;
	_ =	sdelay $0x3  }
0x74d: {  	[tilespmem:v35+s29+$0x0] =	vst.idx.msk $0xffff, v0  }
0x74e: {  	v37 =	vor.u32 v62, v3;
	v0 =	vld.idx.msk [tilespmem:v36+s2+$0x0], $0xffff  }
0x74f: {  	v38 =	vor.u32 v63, v4  }
0x750: {  	v8 =	vld [tilespmem:$0x1FC90];
	_ =	sdelay $0x2  }
0x751: {  	[tilespmem:v37+s29+$0x0] =	vst.idx.msk $0xffff, v0  }
0x752: {  	v39 =	vor.u32 v55, v3;
	v0 =	vld.idx.msk [tilespmem:v38+s2+$0x0], $0xffff  }
0x753: {  	v41 =	vld [tilespmem:$0x1FCA0];
	v40 =	vor.u32 v8, v4  }
0x754: {  	v43 =	vld [tilespmem:$0x1FCB0];
	_ =	sdelay $0x2  }
0x755: {  	[tilespmem:v39+s29+$0x0] =	vst.idx.msk $0xffff, v0  }
0x756: {  	v42 =	vor.u32 v41, v3;
	v0 =	vld.idx.msk [tilespmem:v40+s2+$0x0], $0xffff  }
0x757: {  	v45 =	vld [tilespmem:$0x1FCC0];
	v44 =	vor.u32 v43, v4  }
0x758: {  	v47 =	vld [tilespmem:$0x1FCD0];
	_ =	sdelay $0x2  }
0x759: {  	[tilespmem:v42+s29+$0x0] =	vst.idx.msk $0xffff, v0  }
0x75a: {  	v46 =	vor.u32 v45, v3;
	v0 =	vld.idx.msk [tilespmem:v44+s2+$0x0], $0xffff  }
0x75b: {  	v6 =	vld [tilespmem:$0x1FCE0];
	v48 =	vor.u32 v47, v4;
	_ =	sdelay $0x3  }
0x75c: {  	[tilespmem:v46+s29+$0x0] =	vst.idx.msk $0xffff, v0  }
0x75d: {  	v49 =	vor.u32 v6, v3;
	v0 =	vld.idx.msk [tilespmem:v48+s2+$0x0], $0xffff  }
0x75e: {  	v50 =	vor.u32 v54, v4;
	_ =	sdelay $0x3  }
0x75f: {  	[tilespmem:v49+s29+$0x0] =	vst.idx.msk $0xffff, v0  }
0x760: {  	v51 =	vor.u32 v53, v3;
	v0 =	vld.idx.msk [tilespmem:v50+s2+$0x0], $0xffff  }
0x761: {  	v52 =	vor.u32 v7, v4;
	_ =	sdelay $0x3  }
0x762: {  	[tilespmem:v51+s29+$0x0] =	vst.idx.msk $0xffff, v0  }
0x763: {  	v53 =	vor.u32 v59, v3;
	v0 =	vld.idx.msk [tilespmem:v52+s2+$0x0], $0xffff;
	_ =	sdelay $0x4  }
.Ltmp16:
0x764: {  	s5 =	rddreg [dreg:$0xb];
	s21 =	simm.s32 $0x9;
	[tilespmem:v53+s29+$0x0] =	vst.idx.msk $0xffff, v0;
	(pc) =	sbr.rel .LBB2_24-.Ltmp16, $4  }
0x765: {  	v59 =	vmov v62;
	[hbm4b:s5+s2] =	stream.linear.scatter [tilespmem:s29], [sflag:$0x9], $0x4000, $0x38;
	[tilespmem:$0x18000] =	vst v63  }
0x766: {  	v57 =	vmov v61;
	v54 =	vmov v58;
	_ =	swait.ge [sflag:s21], $0x4000  }
0x767: {  	v62 =	vmovc v57;
	v58 =	vmov v60;
	v61 =	vmov v54;
	v4 =	vmov v7;
	[sflag:s21] =	ssyncset.done $0x0  }
0x768: {  	v5 =	vmovc v55;
	v55 =	vmovc v56;
	v56 =	vmov v45;
	v53 =	vmov v59;
	v59 =	vmov v8;
	s15 =	rddreg [dreg:$0xd];
	[sflag:s21] =	ssyncadd.s32 $0xFFFFC000  }
.LBB2_25:
0x769: {  	_ =	sfence.sel $0x180000  }
0x76a: {  	[bflag:$0x0] =	sbarrier.arrive $0xFFFF  }
0x76b: {  	_ =	strace $0x90000047  }
0x76c: {  	s0 =	stileid.u32;
	[bflag:$0x2] =	sbarrier.arrive $0xFFFF  }
0x76d: {  	p0 =	sne.s32 s0, $0x0;
	s0 =	rddreg [dreg:$0x2]  }
0x76e: {  	s0 =	sadd.s32 @!p0 $0x100000, s0  }
0x76f: {  	[sflag:s0] =	ssyncadd.tile.s32 @!p0 $0x1;
	_ =	shalt  }
.Lfunc_end2:
_tile_overlayer_lowered:
.L_overlay_start_2:
0x770: {  	(tag) =	ssettag $0x2  }
0x771: {  	s0 =	rddreg [dreg:$0x0];
	s2 =	stileid.u32  }
0x772: {  	s1 =	rddreg [dreg:$0x1];
	p0 =	sne.s32 s2, $0x0  }
0x773: {  	s3 =	rddreg [dreg:$0x2];
	[bflag:$0x3] =	sbarrier.arrive $0xFFFF;
	s2 =	simm.s32 @!p0 $0x1C09  }
0x774: {  	[timem:s3], [sflag:s2] =	dma.local @!p0 [hbm:s0], s1  }
0x775: {  	s0 =	simm.s32 @!p0 $0x9  }
0x776: {  	_ =	swait.ge @!p0 [sflag:s0], s1  }
0x777: {  	s1 =	ssub.s32 @!p0 $0x0, s1;
	[sflag:s0] =	ssyncset.done @!p0 $0x0  }
0x778: {  	[sflag:s0] =	ssyncadd.s32 @!p0 s1  }
0x779: {  	[bflag:$0x3] =	sbarrier.arrive $0xFFFF  }
0x77a: {  	_ =	shalt  }

// kernel: kernel.7.cloned.1.call-start
scs
__scs_entry_jumppad:
0x0: {  	(pc) =	sbr.rel $0x88, $3  }
0x1: {  	(tag) =	ssettag $0x0;
	lr =	simm.s32 $0x1  }
0x2: {  	[smem:$0x3F9F] =	sst lr;
	_ =	strace $0xD0000000  }
0x3: {  	_ = 	snop  }
0x4: {  	_ = 	snop  }
0x5: {  	_ = 	snop  }
0x6: {  	_ = 	snop  }
0x7: {  	_ = 	snop  }
__scs_overlays_trampoline_lowered:
0x8: {  	[smem:$0x3FAE] =	sst s0  }
0x9: {  	[smem:$0x3FAF] =	sst s1  }
0xa: {  	[smem:$0x3FB0] =	sst s2  }
0xb: {  	[smem:$0x3FB1] =	sst s3  }
0xc: {  	[smem:$0x3FB2] =	sst s4  }
0xd: {  	[smem:$0x3FB3] =	sst s5  }
0xe: {  	[smem:$0x3FB4] =	sst s6  }
0xf: {  	[smem:$0x3FB5] =	sst s7  }
0x10: {  	[smem:$0x3FB6] =	sst s8  }
0x11: {  	[smem:$0x3FB7] =	sst s9;
	s0 =	simm.s32 @!p0 $0x0  }
0x12: {  	s1 =	sld [smem:$0x3F9D];
	s0 =	simm.s32 @p0 $0x1  }
0x13: {  	[smem:$0x3FB8] =	sst s0;
	s0 =	simm.s32 @!p1 $0x0  }
0x14: {  	s2 =	sld [smem:$0x3F9C];
	s0 =	simm.s32 @p1 $0x1  }
0x15: {  	[smem:$0x3FB9] =	sst s0;
	s0 =	simm.s32 @!p2 $0x0  }
0x16: {  	s3 =	sld [smem:$0x3FDB];
	s0 =	simm.s32 @p2 $0x1  }
0x17: {  	s4 =	simm.s32 $0x1BF5;
	[smem:$0x3FBB] =	sst s0  }
0x18: {  	s0 =	sld [smem:$0x3F9E];
	_ =	swait.ge [sflag:s4], $0x0  }
0x19: {  	s7 =	sld [smem:$0x3F9F]  }
0x1a: {  	s8 =	sadd.s32 $0xFFFFE003, lr  }
0x1b: {  	s9 =	sadd.s32 $0xFFFFFEF7, lr;
	s5 =	simm.s32 $0xFFFFFFFF;
	p2 =	slt.u32 s8, $0xFFFFF086  }
0x1c: {  	p1 =	slt.u32 s9, $0xF7A;
	s5 =	simm.s32 @!p2 $0x0  }
0x1d: {  	s5 =	simm.s32 @p1 $0x1;
	p0 =	seq.s32 s7, s2  }
0x1e: {  	s7 =	smul.u32 @!p0 $0xF7A, s2;
	p2 =	seq.s32 @!p0 s5, $0x0  }
0x1f: {  	s9 =	smul.u32 $0xF7A, s1;
	s8 =	simm.s32 @!p0 $0x1BF5;
	p2 =	por !p2, p0  }
0x20: {  	[sflag:s8] =	ssyncset.s32 @!p0 $0xFFFFF086;
	s6 =	sadd.s32 @!p0 s3, s7;
	s7 =	simm.s32 @!p0 $0x108  }
0x21: {  	s3 =	sadd.s32 s3, s9;
	s6 =	sadd.s32 @!p0 $0x88, s6;
	s7 =	simm.s32 @p2 $0x1082  }
0x22: {  	[simem:s7], [sflag:s8] =	dma.local @!p0 [hbm:s6], $0xF7A  }
0x23: {  	s9 =	sor.u32 $0xD0000000, s2;
	s6 =	simm.s32 $0x108;
	_ =	swait.ge @!p0 [sflag:s8], $0x0  }
0x24: {  	s3 =	sadd.s32 $0x88, s3;
	s6 =	simm.s32 @!p1 $0x1082;
	[sflag:s4] =	ssyncset.s32 $0xFFFFF086  }
0x25: {  	[simem:s6], [sflag:s4] =	dma.local [hbm:s3], $0xF7A  }
0x26: {  	[smem:$0x3F9F] =	sst s1;
	(tag) =	ssettag s2;
	_ =	strace s9  }
0x27: {  	s1 =	sld [smem:$0x3FAF]  }
0x28: {  	s2 =	sld [smem:$0x3FB0]  }
0x29: {  	s4 =	sld [smem:$0x3FB2]  }
0x2a: {  	p0 =	seq.s32 s5, $0x0;
	s5 =	sld [smem:$0x3FB3]  }
0x2b: {  	s6 =	sld [smem:$0x3FB4]  }
0x2c: {  	s7 =	sld [smem:$0x3FB5]  }
0x2d: {  	s3 =	simm.s32 $0x108;
	s8 =	sld [smem:$0x3FB6]  }
0x2e: {  	s3 =	simm.s32 @!p0 $0x1082;
	s9 =	sld [smem:$0x3FB7]  }
0x2f: {  	lr =	sadd.s32 s0, s3;
	s0 =	sld [smem:$0x3FAE]  }
0x30: {  	s3 =	sld [smem:$0x3FB1]  }
0x31: {  	[smem:$0x3FBA] =	sst s10  }
0x32: {  	s10 =	sld [smem:$0x3FB8];
	_ =	sdelay $0x3  }
0x33: {  	p0 =	seq.s32 s10, $0x1;
	s10 =	sld [smem:$0x3FBA];
	_ =	sdelay $0x3  }
0x34: {  	[smem:$0x3FBA] =	sst s10  }
0x35: {  	s10 =	sld [smem:$0x3FB9];
	_ =	sdelay $0x3  }
0x36: {  	p1 =	seq.s32 s10, $0x1;
	s10 =	sld [smem:$0x3FBA];
	_ =	sdelay $0x3  }
0x37: {  	[smem:$0x3FBA] =	sst s10  }
0x38: {  	s10 =	sld [smem:$0x3FBB]  }
0x39: {  	_ = 	snop;
	(pc) =	sbr.ind lr, $3  }
0x3a: {  	_ = 	snop  }
0x3b: {  	_ = 	snop  }
0x3c: {  	p2 =	seq.s32 s10, $0x1;
	s10 =	sld [smem:$0x3FBA]  }
0x3d: {  	_ =	shalt  }
0x3e: {  	_ =	shalt  }
0x3f: {  	_ =	shalt  }
0x40: {  	_ =	shalt  }
0x41: {  	_ =	shalt  }
0x42: {  	_ =	shalt  }
0x43: {  	_ =	shalt  }
0x44: {  	_ =	shalt  }
0x45: {  	_ =	shalt  }
0x46: {  	_ =	shalt  }
0x47: {  	_ =	shalt  }
0x48: {  	_ =	shalt  }
0x49: {  	_ =	shalt  }
0x4a: {  	_ =	shalt  }
0x4b: {  	_ =	shalt  }
0x4c: {  	_ =	shalt  }
0x4d: {  	_ =	shalt  }
0x4e: {  	_ =	shalt  }
0x4f: {  	_ =	shalt  }
0x50: {  	_ =	shalt  }
0x51: {  	_ =	shalt  }
0x52: {  	_ =	shalt  }
0x53: {  	_ =	shalt  }
0x54: {  	_ =	shalt  }
0x55: {  	_ =	shalt  }
0x56: {  	_ =	shalt  }
0x57: {  	_ =	shalt  }
0x58: {  	_ =	shalt  }
0x59: {  	_ =	shalt  }
0x5a: {  	_ =	shalt  }
0x5b: {  	_ =	shalt  }
0x5c: {  	_ =	shalt  }
0x5d: {  	_ =	shalt  }
0x5e: {  	_ =	shalt  }
0x5f: {  	_ =	shalt  }
0x60: {  	_ =	shalt  }
0x61: {  	_ =	shalt  }
0x62: {  	_ =	shalt  }
0x63: {  	_ =	shalt  }
0x64: {  	_ =	shalt  }
0x65: {  	_ =	shalt  }
0x66: {  	_ =	shalt  }
0x67: {  	_ =	shalt  }
0x68: {  	_ =	shalt  }
0x69: {  	_ =	shalt  }
0x6a: {  	_ =	shalt  }
0x6b: {  	_ =	shalt  }
0x6c: {  	_ =	shalt  }
0x6d: {  	_ =	shalt  }
0x6e: {  	_ =	shalt  }
0x6f: {  	_ =	shalt  }
0x70: {  	_ =	shalt  }
0x71: {  	_ =	shalt  }
0x72: {  	_ =	shalt  }
0x73: {  	_ =	shalt  }
0x74: {  	_ =	shalt  }
0x75: {  	_ =	shalt  }
0x76: {  	_ =	shalt  }
0x77: {  	_ =	shalt  }
0x78: {  	_ =	shalt  }
0x79: {  	_ =	shalt  }
0x7a: {  	_ =	shalt  }
0x7b: {  	_ =	shalt  }
0x7c: {  	_ =	shalt  }
0x7d: {  	_ =	shalt  }
0x7e: {  	_ =	shalt  }
0x7f: {  	_ =	shalt  }
0x80: {  	_ =	shalt  }
0x81: {  	_ =	shalt  }
0x82: {  	_ =	shalt  }
0x83: {  	_ =	shalt  }
0x84: {  	_ =	shalt  }
0x85: {  	_ =	shalt  }
0x86: {  	_ =	shalt  }
0x87: {  	_ =	shalt  }
.Lfunc_end0:
.L_simem_size_0:
called_computation.2_lowered:
.L_overlay_start_0:
0x88: {  	s2 =	sld [smem:$0x3FD9]  }
0x89: {  	s3 =	sld [smem:$0x3FFE];
	_ =	sdelay $0x1  }
0x8a: {  	s1 =	srdreg.scid  }
0x8b: {  	s0 =	sand.u32 $0x1, s1  }
0x8c: {  	s17 =	sshll.u32 s0, $0xA;
	s2 =	sadd.s32 s3, s2  }
0x8d: {  	s2 =	sadd.s32 s2, s17  }
0x8e: {  	[smem:$0x3FC6] =	sst s2  }
0x8f: {  	_ = 	snop  }
0x90: {  	s2 =	sld [smem:$0x3FD0];
	(tm) =	ssettm $0x1  }
0x91: {  	s18 =	sld [smem:$0x3FFB];
	_ =	sdelay $0x3  }
0x92: {  	_ =	strace s18  }
0x93: {  	s3 =	sld [smem:$0x3FFC];
	_ =	sdelay $0x3  }
0x94: {  	_ =	strace s3  }
0x95: {  	s3 =	sld [smem:$0x3FFD];
	_ =	sdelay $0x3  }
0x96: {  	_ =	strace s3  }
0x97: {  	_ =	strace $0x8FFFFFFF  }
0x98: {  	s19 =	sld [smem:$0x3FDB];
	_ =	sdelay $0x1  }
0x99: {  	s4 =	simm.s32 $_scs_section_size  }
0x9a: {  	s5 =	simm.s32 $_size__tile_overlayer_lowered;
	s6 =	simm.s32 $_tile_overlayer_lowered  }
0x9b: {  	s22 =	simm.s32 $0x1BFF;
	s21 =	sshll.u32 s6, $0x1;
	s3 =	sadd.s32 s4, s19  }
0x9c: {  	s7 =	simm.s32 $0x0;
	s20 =	sshll.u32 s5, $0x1;
	s5 =	sadd.s32 s21, s3  }
0x9d: {  	[timem:s7], [sflag:s22] =	dma.local [hbm:s5], s20  }
0x9e: {  	_ =	swait.ge [sflag:s22], s20  }
0x9f: {  	s4 =	ssub.s32 $0x0, s20;
	[sflag:s22] =	ssyncset.done $0x0  }
0xa0: {  	[sflag:s22] =	ssyncadd.s32 s4;
	_ =	sdelay $0x1  }
0xa1: {  	s23 =	simm.s32 $0x1B8B  }
0xa2: {  	_ =	swait.ge [sflag:s23], $0x1  }
0xa3: {  	[sflag:s23] =	ssyncset.done $0x0  }
0xa4: {  	s25 =	simm.s32 $0x1B8E;
	s24 =	sld [smem:$0x3FFE];
	[sflag:s23] =	ssyncadd.s32 $0xFFFFFFFF  }
0xa5: {  	s26 =	simm.s32 $execute0_lowered;
	[smem:$0x3FD2] =	sst s25  }
0xa6: {  	s5 =	sshll.u32 s26, $0x1;
	_ =	strace $0x80000049;
	[dreg:$0x1] =	wrdreg $0xFFFFFFFF  }
0xa7: {  	s28 =	simm.s32 $_size_execute0_lowered;
	s3 =	sadd.s32 s3, s5;
	[dreg:$0x0] =	wrdreg $0x0  }
0xa8: {  	s5 =	sshll.u32 s28, $0x1;
	[dreg:$0x2] =	wrdreg s3  }
0xa9: {  	[dreg:$0x3] =	wrdreg s5  }
0xaa: {  	[dreg:$0x4] =	wrdreg $0xC0  }
0xab: {  	_ =	task [dreg:s7], $0x5FFFF  }
0xac: {  	[dreg:$0x1] =	wrdreg $0xFFFFFFFF  }
0xad: {  	[dreg:$0x0] =	wrdreg $0x60  }
0xae: {  	[dreg:$0x2] =	wrdreg s2  }
0xaf: {  	[dreg:$0x3] =	wrdreg s24  }
0xb0: {  	[dreg:$0x4] =	wrdreg $0x9  }
0xb1: {  	_ =	task.clear_ibuf [dreg:s7], $0x5FFFF;
	_ =	strace $0x90000049  }
0xb2: {  	s29 =	simm.s32 $0x9;
	_ =	strace $0x8000004B  }
0xb3: {  	_ =	swait.ge [sflag:s29], $0x1  }
0xb4: {  	[sflag:s29] =	ssyncadd.s32 $0xFFFFFFFF  }
0xb5: {  	_ =	strace $0x9000004B  }
0xb6: {  	_ =	sfence  }
0xb7: {  	s30 =	sld [smem:$0x0];
	_ =	sdelay $0x2  }
0xb8: {  	s31 =	sshll.u32 s1, $0xD;
	s1 =	sshrl.u32 s1, $0x2  }
0xb9: {  	s3 =	sand.u32 $0x4000, s31;
	s1 =	sadd.s32 s1, s30  }
0xba: {  	s0 =	sor.u32 s3, s0;
	s1 =	sshll.u32 s1, $0x11  }
0xbb: {  	s0 =	sor.u32 s1, s0  }
0xbc: {  	s0 =	sadd.s32 $0x8F2B, s0  }
0xbd: {  	[sflag:s0] =	ssyncadd.remote.s32 $0x1  }
0xbe: {  	_ =	sfence.sel $0xFFFF  }
0xbf: {  	[dreg:$0x0] =	wrdreg $0xFFFFFFFF;
	(pc) =	sbr.abs _section_cstart, $3  }
0xc0: {  	[dreg:$0x1] =	wrdreg $0xFFFFFFFF  }
0xc1: {  	_ =	task.clear_ibuf [dreg:s7], $0x2FFFF;
	_ =	strace $0x9FFFFFFF  }
0xc2: {  	(tm) =	ssettm $0x7FFFFFFF  }
0xc3: {  	_ =	shalt  }
tec
execute0_lowered:
.L_overlay_start_1:
0x0: {  	(tag) =	ssettag $0x1  }
0x1: {  	s0 =	srdreg.scid;
	s1 =	rddreg [dreg:$0x0]  }
0x2: {  	s8 =	stileid.u32;
	s4 =	rddreg [dreg:$0x1]  }
0x3: {  	s13 =	simm.s32 $0xB;
	s14 =	simm.s32 $0x80;
	s15 =	simm.s32 $0x6400  }
0x4: {  	s16 =	simm.s32 $0xA400;
	s18 =	simm.s32 $0xE400;
	s20 =	simm.s32 $0x12400  }
0x5: {  	s21 =	simm.s32 $0x1;
	s28 =	simm.s32 $0x7;
	s29 =	simm.s32 $0x4  }
0x6: {  	s30 =	simm.s32 $0x8;
	s31 =	simm.s32 $0x5;
	s17 =	simm.s32 $0x0  }
0x7: {  	s0 =	sand.u32 $0x1, s0;
	s2 =	sshll.u32 s8, $0x1;
	s8 =	smul.u32 $0xC800, s8  }
0x8: {  	s5 =	sor.u32 s0, s2;
	s9 =	ssub.s32 $0x2, s0;
	s0 =	smul.u32 $0x6400, s0  }
0x9: {  	s3 =	sadd.s32 $0x1200, s4;
	s2 =	simm.s32 $0x0;
	s6 =	smul.u32 $0x6400, s5  }
0xa: {  	s4 =	sadd.s32 $0xF43A00, s4;
	[smem:$0x7FF] =	sst s2;
	s7 =	smul.u32 $0x64000, s5  }
0xb: {  	s10 =	sshrl.u32 s9, $0x1;
	s11 =	smul.u32 $0x320000, s5;
	_ =	strace $0x8000004A  }
0xc: {  	s10 =	ssub.s32 s9, s10;
	s0 =	sadd.s32 s0, s8;
	s6 =	sshrl.u32 s6, $0x3  }
0xd: {  	s5 =	sadd.s32 s4, s7;
	s23 =	sshrl.u32 s11, $0x3;
	s1 =	sadd.s32 s1, s6  }
0xe: {  	s0 =	sshll.u32 s0, $0x4;
	s24 =	sadd.s32 $0x800, s5;
	[dreg:$0x6] =	wrdreg s1  }
0xf: {  	s10 =	smax.u32 s10, $0x1;
	s0 =	sadd.s32 s0, s4;
	[dreg:$0x7] =	wrdreg s24  }
0x10: {  	s1 =	sadd.s32 s4, s23;
	s4 =	sadd.s32 $0x2000, s0;
	s25 =	sadd.s32 $0x1800, s0  }
0x11: {  	s26 =	sadd.s32 $0x1000, s0;
	s11 =	sadd.s32 $0x2800, s0;
	s12 =	sadd.s32 $0x3000, s0  }
0x12: {  	s23 =	simm.s32 $0x16400;
	s24 =	simm.s32 $0x2;
	[dreg:$0x3] =	wrdreg s4  }
0x13: {  	s0 =	simm.s32 $0xA;
	s7 =	sadd.s32 $0x62800, s1;
	[dreg:$0x4] =	wrdreg s25  }
0x14: {  	s8 =	sadd.s32 $0x63000, s1;
	s9 =	sadd.s32 $0x63800, s1;
	[dreg:$0x5] =	wrdreg s26  }
0x15: {  	s25 =	simm.s32 $0x6;
	s26 =	simm.s32 $0x3;
	s1 =	simm.s32 $0x9  }
.LBB2_1:
0x16: {  	s4 =	rddreg [dreg:$0x6]  }
0x17: {  	[tilespmem:s2], [sflag:$0xB] =	stream.linear.gather [hbm4b:s4+s2], $0x6400, $0x38;
	[tilespmem:$0x1A400] =	vst v63  }
0x18: {  	_ =	swait.ge [sflag:s13], $0x6400  }
0x19: {  	[sflag:s13] =	ssyncset.done $0x0  }
0x1a: {  	[sflag:s13] =	ssyncadd.s32 $0xFFFF9C00  }
0x1b: {  	[tilespmem:s15], [sflag:$0x1] =	stream.indirect.gather [hbm4b:s3+s14], $0x80, s2, s14, $0xb8;
	[tilespmem:$0x1A400] =	vst v63  }
0x1c: {  	_ = 	snop  }
0x1d: {  	[tilespmem:s16], [sflag:$0x2] =	stream.indirect.gather [hbm4b:s3+s14], $0x80, s14, s14, $0xb8;
	[tilespmem:$0x1A400] =	vst v63  }
0x1e: {  	s22 =	simm.s32 $0x100  }
0x1f: {  	[tilespmem:s18], [sflag:$0x3] =	stream.indirect.gather [hbm4b:s3+s14], $0x80, s22, s14, $0xb8;
	[tilespmem:$0x1A400] =	vst v63  }
0x20: {  	s6 =	simm.s32 $0x180  }
0x21: {  	[tilespmem:s20], [sflag:$0x4] =	stream.indirect.gather [hbm4b:s3+s14], $0x80, s6, s14, $0xb8;
	[tilespmem:$0x1A400] =	vst v63  }
0x22: {  	_ =	swait.ge [sflag:s21], $0x4000  }
0x23: {  	[sflag:s21] =	ssyncset.done $0x0  }
0x24: {  	[sflag:s21] =	ssyncadd.s32 $0xFFFFC000  }
0x25: {  	[hbm4b:s5+s2] =	stream.linear.scatter [tilespmem:s15], [sflag:$0x6], $0x4000, $0x38;
	[tilespmem:$0x1A400] =	vst v63  }
0x26: {  	s19 =	simm.s32 $0x200  }
0x27: {  	[tilespmem:s23], [sflag:$0x5] =	stream.indirect.gather [hbm4b:s3+s14], $0x80, s19, s14, $0xb8;
	[tilespmem:$0x1A400] =	vst v63  }
0x28: {  	_ =	swait.ge [sflag:s24], $0x4000  }
0x29: {  	[sflag:s24] =	ssyncset.done $0x0  }
0x2a: {  	s22 =	rddreg [dreg:$0x7];
	[sflag:s24] =	ssyncadd.s32 $0xFFFFC000  }
0x2b: {  	[hbm4b:s22+s2] =	stream.linear.scatter [tilespmem:s16], [sflag:$0x7], $0x4000, $0x38;
	[tilespmem:$0x1A400] =	vst v63  }
0x2c: {  	_ =	swait.ge [sflag:s25], $0x4000  }
0x2d: {  	[sflag:s25] =	ssyncset.done $0x0  }
0x2e: {  	s6 =	simm.s32 $0x280;
	[sflag:s25] =	ssyncadd.s32 $0xFFFFC000  }
0x2f: {  	[tilespmem:s15], [sflag:$0x1] =	stream.indirect.gather [hbm4b:s3+s14], $0x80, s6, s14, $0xb8;
	[tilespmem:$0x1A400] =	vst v63  }
0x30: {  	_ =	swait.ge [sflag:s26], $0x4000  }
0x31: {  	s19 =	rddreg [dreg:$0x5];
	[sflag:s26] =	ssyncset.done $0x0  }
0x32: {  	[sflag:s26] =	ssyncadd.s32 $0xFFFFC000;
	s4 =	sadd.s32 $0x0, s19  }
0x33: {  	[hbm4b:s4+s2] =	stream.linear.scatter [tilespmem:s18], [sflag:$0x8], $0x4000, $0x38;
	[tilespmem:$0x1A400] =	vst v63  }
0x34: {  	_ =	swait.ge [sflag:s28], $0x4000  }
0x35: {  	[sflag:s28] =	ssyncset.done $0x0  }
0x36: {  	s22 =	simm.s32 $0x300;
	[sflag:s28] =	ssyncadd.s32 $0xFFFFC000  }
0x37: {  	[tilespmem:s16], [sflag:$0x2] =	stream.indirect.gather [hbm4b:s3+s14], $0x80, s22, s14, $0xb8;
	[tilespmem:$0x1A400] =	vst v63  }
0x38: {  	_ =	swait.ge [sflag:s29], $0x4000  }
0x39: {  	s6 =	rddreg [dreg:$0x4];
	[sflag:s29] =	ssyncset.done $0x0  }
0x3a: {  	[sflag:s29] =	ssyncadd.s32 $0xFFFFC000;
	s4 =	sadd.s32 $0x0, s6  }
0x3b: {  	[hbm4b:s4+s2] =	stream.linear.scatter [tilespmem:s20], [sflag:$0x9], $0x4000, $0x38;
	[tilespmem:$0x1A400] =	vst v63  }
0x3c: {  	_ =	swait.ge [sflag:s30], $0x4000  }
0x3d: {  	[sflag:s30] =	ssyncset.done $0x0  }
0x3e: {  	s19 =	simm.s32 $0x380;
	[sflag:s30] =	ssyncadd.s32 $0xFFFFC000  }
0x3f: {  	[tilespmem:s18], [sflag:$0x3] =	stream.indirect.gather [hbm4b:s3+s14], $0x80, s19, s14, $0xb8;
	[tilespmem:$0x1A400] =	vst v63  }
0x40: {  	_ =	swait.ge [sflag:s31], $0x4000  }
0x41: {  	s22 =	rddreg [dreg:$0x3];
	[sflag:s31] =	ssyncset.done $0x0  }
0x42: {  	[sflag:s31] =	ssyncadd.s32 $0xFFFFC000;
	s4 =	sadd.s32 $0x0, s22  }
0x43: {  	[hbm4b:s4+s2] =	stream.linear.scatter [tilespmem:s23], [sflag:$0xA], $0x4000, $0x38;
	[tilespmem:$0x1A400] =	vst v63  }
0x44: {  	_ =	swait.ge [sflag:s1], $0x4000  }
0x45: {  	[sflag:s1] =	ssyncset.done $0x0  }
0x46: {  	s6 =	simm.s32 $0x400;
	[sflag:s1] =	ssyncadd.s32 $0xFFFFC000  }
0x47: {  	[tilespmem:s20], [sflag:$0x4] =	stream.indirect.gather [hbm4b:s3+s14], $0x80, s6, s14, $0xb8;
	[tilespmem:$0x1A400] =	vst v63  }
0x48: {  	_ =	swait.ge [sflag:s21], $0x4000  }
0x49: {  	[sflag:s21] =	ssyncset.done $0x0  }
0x4a: {  	s19 =	sadd.s32 $0x0, s11;
	[sflag:s21] =	ssyncadd.s32 $0xFFFFC000  }
0x4b: {  	[hbm4b:s19+s2] =	stream.linear.scatter [tilespmem:s15], [sflag:$0x6], $0x4000, $0x38;
	[tilespmem:$0x1A400] =	vst v63  }
0x4c: {  	_ =	swait.ge [sflag:s0], $0x4000  }
0x4d: {  	[sflag:s0] =	ssyncset.done $0x0  }
0x4e: {  	s22 =	simm.s32 $0x480;
	[sflag:s0] =	ssyncadd.s32 $0xFFFFC000  }
0x4f: {  	[tilespmem:s23], [sflag:$0x5] =	stream.indirect.gather [hbm4b:s3+s14], $0x80, s22, s14, $0xb8;
	[tilespmem:$0x1A400] =	vst v63  }
0x50: {  	_ =	swait.ge [sflag:s24], $0x4000  }
0x51: {  	s4 =	sadd.s32 $0x0, s12;
	[sflag:s24] =	ssyncset.done $0x0  }
0x52: {  	s19 =	simm.s32 $0x2800;
	s22 =	simm.s32 $0x700;
	[sflag:s24] =	ssyncadd.s32 $0xFFFFC000  }
.LBB2_2:
0x53: {  	[hbm4b:s4+s2] =	stream.linear.scatter [tilespmem:s16], [sflag:$0x7], $0x4000, $0x38;
	[tilespmem:$0x1A400] =	vst v63  }
0x54: {  	_ =	swait.ge [sflag:s25], $0x4000  }
0x55: {  	[sflag:s25] =	ssyncset.done $0x0  }
0x56: {  	s6 =	sadd.s32 $0xFFFFFE00, s22;
	[sflag:s25] =	ssyncadd.s32 $0xFFFFC000  }
0x57: {  	[tilespmem:s15], [sflag:$0x1] =	stream.indirect.gather [hbm4b:s3+s14], $0x80, s6, s14, $0xb8;
	[tilespmem:$0x1A400] =	vst v63  }
0x58: {  	_ =	swait.ge [sflag:s26], $0x4000  }
0x59: {  	s4 =	smov.u32 s19;
	s6 =	rddreg [dreg:$0x5];
	[sflag:s26] =	ssyncset.done $0x0  }
0x5a: {  	[sflag:s26] =	ssyncadd.s32 $0xFFFFC000;
	s6 =	sadd.s32 s4, s6  }
0x5b: {  	[hbm4b:s6+s2] =	stream.linear.scatter [tilespmem:s18], [sflag:$0x8], $0x4000, $0x38;
	[tilespmem:$0x1A400] =	vst v63  }
0x5c: {  	_ =	swait.ge [sflag:s28], $0x4000  }
0x5d: {  	[sflag:s28] =	ssyncset.done $0x0  }
0x5e: {  	s6 =	sadd.s32 $0xFFFFFE80, s22;
	[sflag:s28] =	ssyncadd.s32 $0xFFFFC000  }
0x5f: {  	[tilespmem:s16], [sflag:$0x2] =	stream.indirect.gather [hbm4b:s3+s14], $0x80, s6, s14, $0xb8;
	[tilespmem:$0x1A400] =	vst v63  }
0x60: {  	_ =	swait.ge [sflag:s29], $0x4000  }
0x61: {  	s6 =	rddreg [dreg:$0x4];
	[sflag:s29] =	ssyncset.done $0x0  }
0x62: {  	[sflag:s29] =	ssyncadd.s32 $0xFFFFC000;
	s6 =	sadd.s32 s4, s6  }
0x63: {  	[hbm4b:s6+s2] =	stream.linear.scatter [tilespmem:s20], [sflag:$0x9], $0x4000, $0x38;
	[tilespmem:$0x1A400] =	vst v63  }
0x64: {  	_ =	swait.ge [sflag:s30], $0x4000  }
0x65: {  	[sflag:s30] =	ssyncset.done $0x0  }
0x66: {  	s6 =	sadd.s32 $0xFFFFFF00, s22;
	[sflag:s30] =	ssyncadd.s32 $0xFFFFC000  }
0x67: {  	[tilespmem:s18], [sflag:$0x3] =	stream.indirect.gather [hbm4b:s3+s14], $0x80, s6, s14, $0xb8;
	[tilespmem:$0x1A400] =	vst v63  }
0x68: {  	_ =	swait.ge [sflag:s31], $0x4000  }
0x69: {  	s6 =	rddreg [dreg:$0x3];
	[sflag:s31] =	ssyncset.done $0x0  }
0x6a: {  	[sflag:s31] =	ssyncadd.s32 $0xFFFFC000;
	s6 =	sadd.s32 s4, s6  }
0x6b: {  	[hbm4b:s6+s2] =	stream.linear.scatter [tilespmem:s23], [sflag:$0xA], $0x4000, $0x38;
	[tilespmem:$0x1A400] =	vst v63  }
0x6c: {  	_ =	swait.ge [sflag:s1], $0x4000  }
0x6d: {  	[sflag:s1] =	ssyncset.done $0x0  }
0x6e: {  	s6 =	sadd.s32 $0xFFFFFF80, s22;
	[sflag:s1] =	ssyncadd.s32 $0xFFFFC000  }
0x6f: {  	[tilespmem:s20], [sflag:$0x4] =	stream.indirect.gather [hbm4b:s3+s14], $0x80, s6, s14, $0xb8;
	[tilespmem:$0x1A400] =	vst v63  }
0x70: {  	_ =	swait.ge [sflag:s21], $0x4000  }
0x71: {  	[sflag:s21] =	ssyncset.done $0x0  }
0x72: {  	s6 =	sadd.s32 s4, s11;
	[sflag:s21] =	ssyncadd.s32 $0xFFFFC000  }
0x73: {  	[hbm4b:s6+s2] =	stream.linear.scatter [tilespmem:s15], [sflag:$0x6], $0x4000, $0x38;
	[tilespmem:$0x1A400] =	vst v63  }
0x74: {  	_ =	swait.ge [sflag:s0], $0x4000  }
0x75: {  	p0 =	sne.s32 s19, $0x5F000;
	[sflag:s0] =	ssyncset.done $0x0  }
.Ltmp0:
0x76: {  	[sflag:s0] =	ssyncadd.s32 $0xFFFFC000;
	(pc) =	sbr.rel @p0 .LBB2_2-.Ltmp0, $4  }
0x77: {  	[tilespmem:s23], [sflag:$0x5] =	stream.indirect.gather [hbm4b:s3+s14], $0x80, s22, s14, $0xb8;
	[tilespmem:$0x1A400] =	vst v63  }
0x78: {  	_ =	swait.ge [sflag:s24], $0x4000  }
0x79: {  	s19 =	sadd.s32 $0x2800, s19;
	[sflag:s24] =	ssyncset.done $0x0  }
0x7a: {  	s4 =	sadd.s32 s4, s12;
	s22 =	sadd.s32 $0x280, s22;
	[sflag:s24] =	ssyncadd.s32 $0xFFFFC000  }
0x7b: {  	[hbm4b:s4+s2] =	stream.linear.scatter [tilespmem:s16], [sflag:$0x7], $0x4000, $0x38;
	[tilespmem:$0x1A400] =	vst v63  }
0x7c: {  	_ =	swait.ge [sflag:s26], $0x4000  }
0x7d: {  	[sflag:s26] =	ssyncset.done $0x0  }
0x7e: {  	[sflag:s26] =	ssyncadd.s32 $0xFFFFC000  }
0x7f: {  	[hbm4b:s7+s2] =	stream.linear.scatter [tilespmem:s18], [sflag:$0x8], $0x4000, $0x38;
	[tilespmem:$0x1A400] =	vst v63  }
0x80: {  	_ =	swait.ge [sflag:s29], $0x4000  }
0x81: {  	[sflag:s29] =	ssyncset.done $0x0  }
0x82: {  	[sflag:s29] =	ssyncadd.s32 $0xFFFFC000  }
0x83: {  	[hbm4b:s8+s2] =	stream.linear.scatter [tilespmem:s20], [sflag:$0x9], $0x4000, $0x38;
	[tilespmem:$0x1A400] =	vst v63  }
0x84: {  	_ =	swait.ge [sflag:s31], $0x4000  }
0x85: {  	[sflag:s31] =	ssyncset.done $0x0  }
0x86: {  	[sflag:s31] =	ssyncadd.s32 $0xFFFFC000  }
0x87: {  	[hbm4b:s9+s2] =	stream.linear.scatter [tilespmem:s23], [sflag:$0xA], $0x4000, $0x38;
	[tilespmem:$0x1A400] =	vst v63  }
0x88: {  	_ =	swait.ge [sflag:s25], $0x4000  }
0x89: {  	[sflag:s25] =	ssyncset.done $0x0  }
0x8a: {  	[sflag:s25] =	ssyncadd.s32 $0xFFFFC000  }
0x8b: {  	_ =	swait.ge [sflag:s28], $0x4000  }
0x8c: {  	[sflag:s28] =	ssyncset.done $0x0  }
0x8d: {  	[sflag:s28] =	ssyncadd.s32 $0xFFFFC000  }
0x8e: {  	_ =	swait.ge [sflag:s30], $0x4000  }
0x8f: {  	[sflag:s30] =	ssyncset.done $0x0  }
0x90: {  	s17 =	sadd.s32 $0x1, s17;
	[sflag:s30] =	ssyncadd.s32 $0xFFFFC000  }
0x91: {  	p0 =	sne.s32 s17, s10;
	_ =	swait.ge [sflag:s1], $0x4000  }
.Ltmp1:
0x92: {  	[sflag:s1] =	ssyncset.done $0x0;
	(pc) =	sbr.rel @p0 .LBB2_1-.Ltmp1, $4  }
0x93: {  	[sflag:s1] =	ssyncadd.s32 $0xFFFFC000  }
0x94: {  	_ =	swait.ge [sflag:s0], $0x4000  }
0x95: {  	[sflag:s0] =	ssyncset.done $0x0  }
0x96: {  	[sflag:s0] =	ssyncadd.s32 $0xFFFFC000  }
0x97: {  	_ =	sfence.sel $0x180000  }
0x98: {  	[bflag:$0x0] =	sbarrier.arrive $0xFFFF  }
0x99: {  	_ =	strace $0x9000004A  }
0x9a: {  	s0 =	stileid.u32;
	[bflag:$0x2] =	sbarrier.arrive $0xFFFF  }
0x9b: {  	p0 =	sne.s32 s0, $0x0;
	s0 =	rddreg [dreg:$0x2]  }
0x9c: {  	s0 =	sadd.s32 @!p0 $0x100000, s0  }
0x9d: {  	[sflag:s0] =	ssyncadd.tile.s32 @!p0 $0x1;
	_ =	shalt  }
.Lfunc_end2:
_tile_overlayer_lowered:
.L_overlay_start_2:
0x9e: {  	(tag) =	ssettag $0x2  }
0x9f: {  	s0 =	rddreg [dreg:$0x0];
	s2 =	stileid.u32  }
0xa0: {  	s1 =	rddreg [dreg:$0x1];
	p0 =	sne.s32 s2, $0x0  }
0xa1: {  	s3 =	rddreg [dreg:$0x2];
	[bflag:$0x3] =	sbarrier.arrive $0xFFFF;
	s2 =	simm.s32 @!p0 $0x1C0B  }
0xa2: {  	[timem:s3], [sflag:s2] =	dma.local @!p0 [hbm:s0], s1  }
0xa3: {  	s0 =	simm.s32 @!p0 $0xB  }
0xa4: {  	_ =	swait.ge @!p0 [sflag:s0], s1  }
0xa5: {  	s1 =	ssub.s32 @!p0 $0x0, s1;
	[sflag:s0] =	ssyncset.done @!p0 $0x0  }
0xa6: {  	[sflag:s0] =	ssyncadd.s32 @!p0 s1  }
0xa7: {  	[bflag:$0x3] =	sbarrier.arrive $0xFFFF  }
0xa8: {  	_ =	shalt  }

// kernel: sparse-core-data-format-call.cloned.1.call-start
scs
called_computation_lowered:
.L_overlay_start_0:
0x0: {  	s2 =	sld [smem:$0x3FD9]  }
0x1: {  	s3 =	sld [smem:$0x3FFE];
	_ =	sdelay $0x1  }
0x2: {  	s1 =	srdreg.scid  }
0x3: {  	s0 =	sand.u32 $0x1, s1  }
0x4: {  	s18 =	sshll.u32 s0, $0xA;
	s2 =	sadd.s32 s3, s2  }
0x5: {  	s2 =	sadd.s32 s2, s18  }
0x6: {  	[smem:$0x3FC6] =	sst s2  }
0x7: {  	_ = 	snop  }
0x8: {  	s2 =	sld [smem:$0x3FD0];
	(tm) =	ssettm $0x1  }
0x9: {  	s19 =	sld [smem:$0x3FFB];
	_ =	sdelay $0x3  }
0xa: {  	_ =	strace s19  }
0xb: {  	s3 =	sld [smem:$0x3FFC];
	_ =	sdelay $0x3  }
0xc: {  	_ =	strace s3  }
0xd: {  	s3 =	sld [smem:$0x3FFD];
	_ =	sdelay $0x3  }
0xe: {  	_ =	strace s3  }
0xf: {  	_ =	strace $0x8FFFFFFF  }
0x10: {  	s20 =	sld [smem:$0x3FDB];
	_ =	sdelay $0x1  }
0x11: {  	s4 =	simm.s32 $_scs_section_size  }
0x12: {  	s5 =	simm.s32 $_size__tile_overlayer_lowered;
	s6 =	simm.s32 $_tile_overlayer_lowered  }
0x13: {  	s23 =	simm.s32 $0x1BFF;
	s22 =	sshll.u32 s6, $0x1;
	s3 =	sadd.s32 s4, s20  }
0x14: {  	s7 =	simm.s32 $0x0;
	s21 =	sshll.u32 s5, $0x1;
	s5 =	sadd.s32 s22, s3  }
0x15: {  	[timem:s7], [sflag:s23] =	dma.local [hbm:s5], s21  }
0x16: {  	_ =	swait.ge [sflag:s23], s21  }
0x17: {  	s4 =	ssub.s32 $0x0, s21;
	[sflag:s23] =	ssyncset.done $0x0  }
0x18: {  	[sflag:s23] =	ssyncadd.s32 s4;
	_ =	sdelay $0x1  }
0x19: {  	s24 =	simm.s32 $0x1B8B  }
0x1a: {  	_ =	swait.ge [sflag:s24], $0x1  }
0x1b: {  	[sflag:s24] =	ssyncset.done $0x0  }
0x1c: {  	s26 =	simm.s32 $0x1B8E;
	s25 =	sld [smem:$0x3FFE];
	[sflag:s24] =	ssyncadd.s32 $0xFFFFFFFF  }
0x1d: {  	s27 =	simm.s32 $execute0_lowered;
	[smem:$0x3FD2] =	sst s26  }
0x1e: {  	s5 =	sshll.u32 s27, $0x1;
	_ =	strace $0x8000004C;
	[dreg:$0x1] =	wrdreg $0xFFFFFFFF  }
0x1f: {  	s28 =	simm.s32 $_size_execute0_lowered;
	s3 =	sadd.s32 s3, s5;
	[dreg:$0x0] =	wrdreg $0x0  }
0x20: {  	s5 =	sshll.u32 s28, $0x1;
	[dreg:$0x2] =	wrdreg s3  }
0x21: {  	[dreg:$0x3] =	wrdreg s5  }
0x22: {  	[dreg:$0x4] =	wrdreg $0xC0  }
0x23: {  	_ =	task [dreg:s7], $0x5FFFF  }
0x24: {  	[dreg:$0x1] =	wrdreg $0xFFFFFFFF  }
0x25: {  	[dreg:$0x0] =	wrdreg $0x60  }
0x26: {  	[dreg:$0x2] =	wrdreg s25  }
0x27: {  	[dreg:$0x3] =	wrdreg s2  }
0x28: {  	[dreg:$0x4] =	wrdreg $0x9  }
0x29: {  	_ =	task.clear_ibuf [dreg:s7], $0x5FFFF;
	_ =	strace $0x9000004C  }
0x2a: {  	s29 =	simm.s32 $0x9;
	_ =	strace $0x8000004E  }
0x2b: {  	_ =	swait.ge [sflag:s29], $0x1  }
0x2c: {  	[sflag:s29] =	ssyncadd.s32 $0xFFFFFFFF  }
0x2d: {  	_ =	strace $0x9000004E  }
0x2e: {  	_ =	sfence  }
0x2f: {  	s30 =	sld [smem:$0x0];
	_ =	sdelay $0x2  }
0x30: {  	s31 =	sshll.u32 s1, $0xD;
	s1 =	sshrl.u32 s1, $0x2  }
0x31: {  	s3 =	sand.u32 $0x4000, s31;
	s1 =	sadd.s32 s1, s30  }
0x32: {  	s0 =	sor.u32 s3, s0;
	s1 =	sshll.u32 s1, $0x11  }
0x33: {  	s0 =	sor.u32 s1, s0  }
0x34: {  	s0 =	sadd.s32 $0x8F2B, s0  }
0x35: {  	[sflag:s0] =	ssyncadd.remote.s32 $0x1  }
0x36: {  	_ =	sfence.sel $0xFFFF  }
0x37: {  	[dreg:$0x0] =	wrdreg $0xFFFFFFFF;
	(pc) =	sbr.abs _section_cstart, $3  }
0x38: {  	[dreg:$0x1] =	wrdreg $0xFFFFFFFF  }
0x39: {  	_ =	task.clear_ibuf [dreg:s7], $0x2FFFF;
	_ =	strace $0x9FFFFFFF  }
0x3a: {  	(tm) =	ssettm $0x7FFFFFFF  }
0x3b: {  	_ =	shalt  }
tec
execute0_lowered:
.L_overlay_start_1:
0x0: {  	(tag) =	ssettag $0x1  }
0x1: {  	s0 =	srdreg.scid  }
0x2: {  	s1 =	sshll.u32 s0, $0x4  }
0x3: {  	s0 =	stileid.u32;
	s1 =	sand.u32 $0x10, s1  }
0x4: {  	s1 =	sor.u32 s0, s1  }
0x5: {  	s6 =	rddreg [dreg:$0x0];
	s4 =	simm.s32 $0x1;
	s2 =	sshll.u32 s1, $0x7  }
0x6: {  	s7 =	simm.s32 $0x2;
	s12 =	simm.s32 $0x0;
	s1 =	ssub.s32 $0x1000, s2  }
0x7: {  	s8 =	simm.s32 $0x8000;
	s13 =	simm.s32 $0x0;
	s3 =	sand.u32 $0xF80, s1  }
0x8: {  	s9 =	simm.s32 $0x0;
	s5 =	sshrl.u32 s1, $0xC;
	p0 =	sne.s32 s3, $0x0  }
.Ltmp0:
0x9: {  	s1 =	rddreg [dreg:$0x2];
	s4 =	simm.s32 @!p0 $0x0;
	(pc) =	sbr.rel .LBB1_1-.Ltmp0, $4  }
0xa: {  	s11 =	simm.s32 $0x0;
	s3 =	rddreg [dreg:$0x1];
	s5 =	sadd.s32 s4, s5  }
0xb: {  	_ =	strace $0x8000004D;
	s4 =	simm.s32 $0x1;
	s5 =	smul.u32 $0xC8, s5  }
0xc: {  	s6 =	sadd.s32 $0xF43A00, s6;
	s10 =	smov.u32 s2;
	[sflag:s4] =	ssyncpa.u1 $0x0  }
0xd: {  	p0 =	por $0x0, $0x0;
	[sflag:s7] =	ssyncpa.u1 $0x0;
	s7 =	sor.u32 $0x1, s5  }
.LBB1_4:
0xe: {  	s16 =	sshll.u32 s13, $0x3;
	s17 =	sand.u32 $0x78, s13  }
0xf: {  	s30 =	sand.u32 $0x7E00, s13;
	s12 =	sshll.u32 s12, $0xF;
	s16 =	sand.u32 $0xC00, s16  }
0x10: {  	[tilespmem:s15+$0x810 ss:$0x81] =	vst.msk $0xffff, v2;
	s31 =	sand.u32 $0x7, s13;
	s16 =	sor.u32 s17, s16;
	s17 =	sadd.s32 s3, s30  }
0x11: {  	[tilespmem:s15+$0x1020 ss:$0x81] =	vst.msk $0xffff, v0;
	s13 =	sshll.u32 s31, $0x12;
	s12 =	sadd.s32 s12, s17;
	s16 =	sshrl.u32 s16, $0x3  }
0x12: {  	[tilespmem:s15+$0x0 ss:$0x81] =	vst.msk $0xffff, v1;
	s13 =	sor.u32 $0x400, s13;
	s12 =	sadd.s32 s16, s12  }
0x13: {  	[hbm4b:s12+s13] =	stream.strided.scatter [tilespmem:s14], [sflag:$0x2], $0x2000, s8, s13, $0x20;
	[tilespmem:$0x8080] =	vst v63  }
.LBB1_5:
0x14: {  	s14 =	sadd.s32 $0x1, s9  }
0x15: {  	s12 =	sadd.s32 $0x1000, s10;
	s16 =	smov.u32 s10;
	p2 =	sgt.s32 s14, $0xC7  }
0x16: {  	s16 =	smov.u32 @p2 s12  }
0x17: {  	s14 =	simm.s32 @p2 $0x0;
	p2 =	sgt.s32 s16, $0xFFF  }
0x18: {  	s16 =	smov.u32 @p2 s2;
	p2 =	sne.s32 s11, s7  }
.Ltmp1:
0x19: {  	p1 =	slt.u32 s11, $0x2;
	(pc) =	sbr.rel @!p2 .LBB1_6-.Ltmp1, $4  }
0x1a: {  	s15 =	simm.s32 @!p1 $0x2  }
0x1b: {  	s13 =	smov.u32 s10;
	p0 =	por !p0, !p0;
	_ =	swait.ge @!p1 [sflag:s15], $0x2000  }
0x1c: {  	s12 =	smov.u32 s9;
	[sflag:s15] =	ssyncset.done @!p1 $0x0;
	s9 =	smov.u32 s14  }
0x1d: {  	s11 =	sadd.s32 $0x1, s11;
	[sflag:s15] =	ssyncadd.s32 @!p1 $0xFFFFE000;
	s10 =	smov.u32 s16  }
.LBB1_1:
0x1e: {  	p1 =	sge.u32 s11, s5  }
0x1f: {  	s14 =	sand.u32 @!p1 $0x1FFFFFF, s9  }
0x20: {  	s15 =	smulhi.u32 @!p1 $0x147AE15, s14;
	_ =	sdelay $0x1  }
0x21: {  	s15 =	smul.u32 @!p1 $0xC8, s15  }
0x22: {  	s16 =	sxor.u32 @!p1 $0xFFFFFFFF, s11;
	s17 =	smul.u32 @!p1 $0xC80, s10  }
0x23: {  	s31 =	sadd.s32 $0xFFFFFFFF, s11;
	s16 =	sshll.u32 @!p1 s16, $0xD;
	s14 =	ssub.s32 @!p1 s14, s15  }
0x24: {  	s15 =	sand.u32 @!p1 $0x2000, s16;
	s16 =	sadd.s32 @!p1 s6, s17;
	s14 =	sshll.u32 @!p1 s14, $0x4  }
0x25: {  	s17 =	simm.s32 @!p1 $0x6400;
	s14 =	sadd.s32 @!p1 s14, s16;
	s16 =	simm.s32 @!p1 $0x40  }
0x26: {  	[tilespmem:s15], [sflag:$0x1] =	stream.strided.gather @!p1 [hbm4b:s14+s16], $0x2000, s17, s16, $0x38;
	[tilespmem:$0x8080] =	vst v63  }
0x27: {  	p1 =	sge.u32 s31, s5  }
.Ltmp2:
0x28: {  	_ = 	snop;
	(pc) =	sbr.rel @p1 .LBB1_5-.Ltmp2, $1  }
0x29: {  	_ =	sdelay $0x3  }
0x2a: {  	s14 =	simm.s32 $0x1  }
0x2b: {  	_ =	swait.ge [sflag:s4], $0x2000;
	s14 =	simm.s32 @!p0 $0x0  }
0x2c: {  	[sflag:s4] =	ssyncset.done $0x0;
	s15 =	sshll.u32 s14, $0xD  }
0x2d: {  	[sflag:s4] =	ssyncadd.s32 $0xFFFFE000;
	s18 =	sor.u32 $0x20, s15  }
0x2e: {  	s14 =	smul.u32 $0x8100, s14;
	v3 =	vld [tilespmem:s18+$0x10]  }
0x2f: {  	s30 =	sand.u32 $0x1, s11;
	v2 =	vld [tilespmem:s18+$0xFFFFFFF0]  }
0x30: {  	s15 =	smul.u32 $0x8100, s30;
	s14 =	sshrl.u32 s14, $0x2;
	v0 =	vld [tilespmem:s18+$0x0]  }
0x31: {  	v1 =	vld [tilespmem:s18+$0xFFFFFFE0];
	s16 =	sor.u32 $0x4000, s14  }
0x32: {  	s31 =	sshrl.u32 s15, $0x2;
	s15 =	sadd.s32 $0x0, s16  }
0x33: {  	s17 =	simm.s32 $0x4;
	s18 =	sadd.s32 $0x40, s18;
	s14 =	sor.u32 $0x4000, s31;
	[tilespmem:s15+$0x1830 ss:$0x81] =	vst.msk $0xffff, v3  }
.LBB1_3:
0x34: {  	v3 =	vld [tilespmem:s18+$0x10];
	p1 =	sne.s32 s17, $0x1FC;
	[tilespmem:s15+$0x810 ss:$0x81] =	vst.msk $0xffff, v2;
	s19 =	smov.u32 s17;
	s17 =	sadd.s32 $0x4, s17  }
.Ltmp3:
0x35: {  	v2 =	vld [tilespmem:s18+$0xFFFFFFF0];
	[tilespmem:s15+$0x1020 ss:$0x81] =	vst.msk $0xffff, v0;
	(pc) =	sbr.rel @p1 .LBB1_3-.Ltmp3, $4  }
0x36: {  	v0 =	vld [tilespmem:s18+$0x0];
	[tilespmem:s15+$0x0 ss:$0x81] =	vst.msk $0xffff, v1  }
0x37: {  	s15 =	sshra.s32 s19, $0x2;
	v1 =	vld [tilespmem:s18+$0xFFFFFFE0]  }
0x38: {  	s15 =	sadd.s32 s15, s16  }
0x39: {  	s18 =	sadd.s32 $0x40, s18;
	[tilespmem:s15+$0x1830 ss:$0x81] =	vst.msk $0xffff, v3  }
.Ltmp4:
0x3a: {  	_ = 	snop;
	(pc) =	sbr.rel .LBB1_4-.Ltmp4, $1  }
0x3b: {  	_ =	sdelay $0x3  }
.LBB1_6:
0x3c: {  	_ =	sfence.sel $0x180000  }
0x3d: {  	s2 =	simm.s32 $0x1;
	[bflag:$0x0] =	sbarrier.arrive $0xFFFF  }
0x3e: {  	s31 =	simm.s32 $0x2;
	[sflag:s2] =	ssyncpa.u1 $0x1  }
0x3f: {  	[sflag:s31] =	ssyncpa.u1 $0x1  }
0x40: {  	p0 =	sne.s32 s0, $0x0;
	_ =	strace $0x9000004D  }
0x41: {  	s0 =	sadd.s32 @!p0 $0x100000, s1;
	[bflag:$0x2] =	sbarrier.arrive $0xFFFF  }
0x42: {  	[sflag:s0] =	ssyncadd.tile.s32 @!p0 $0x1;
	_ =	shalt  }
.Lfunc_end1:
_tile_overlayer_lowered:
.L_overlay_start_2:
0x43: {  	(tag) =	ssettag $0x2  }
0x44: {  	s0 =	rddreg [dreg:$0x0];
	s2 =	stileid.u32  }
0x45: {  	s1 =	rddreg [dreg:$0x1];
	p0 =	sne.s32 s2, $0x0  }
0x46: {  	s3 =	rddreg [dreg:$0x2];
	[bflag:$0x3] =	sbarrier.arrive $0xFFFF;
	s2 =	simm.s32 @!p0 $0x1C01  }
0x47: {  	[timem:s3], [sflag:s2] =	dma.local @!p0 [hbm:s0], s1  }
0x48: {  	s0 =	simm.s32 @!p0 $0x1  }
0x49: {  	_ =	swait.ge @!p0 [sflag:s0], s1  }
0x4a: {  	s1 =	ssub.s32 @!p0 $0x0, s1;
	[sflag:s0] =	ssyncset.done @!p0 $0x0  }
0x4b: {  	[sflag:s0] =	ssyncadd.s32 @!p0 s1  }
0x4c: {  	[bflag:$0x3] =	sbarrier.arrive $0xFFFF  }
0x4d: {  	_ =	shalt  }

</sc_bundles>
